<compile_context>
chip_gen: v7x
topology: tpu7x:2x2x1
jax: 0.10.2.dev20260603
libtpu: 0.0.44.dev20260713+nightly
codegen_flags: <defaults>
</compile_context>

<pallas_src>
import dataclasses
import functools

import jax
import jax.numpy as jnp
from jax import lax
from jax.experimental import pallas as pl
from jax.experimental.pallas import tpu as pltpu
from jax.experimental.pallas import tpu_sc as plsc

N = 10000
NP = 10240
D = 128
E = 320000
EP = 327680
G = 64
K = 20
H = 4
DH = D // H
C2 = 2
NC = 2
NS = 16
NW = NC * NS
EPT = EP // NW
ECH = 128
NECH = EPT // ECH
RPT = NP // NW
RCH = 80
ZR = 8
CAP = EPT + 16
EB = 1024
STG = 16
ARS = RPT + 8

_PREC = jax.lax.Precision.DEFAULT


def _dot(a, b, dims):
    return lax.dot_general(a, b, (dims, ((), ())), precision=_PREC,
                           preferred_element_type=jnp.float32)


def _sc_mesh():
    return plsc.VectorSubcoreMesh(core_axis_name="c", subcore_axis_name="s")


def _sc_params():
    cp = pltpu.CompilerParams()
    if "needs_layout_passes" in pltpu.CompilerParams.__dataclass_fields__:
        cp = dataclasses.replace(cp, needs_layout_passes=False)
    return cp



def _edge_accum_sorted_sc(x_ext, src_s, dst_s, bounds, zrows):
    @functools.partial(
        pl.kernel,
        out_type=jax.ShapeDtypeStruct((NP, D), jnp.float32),
        mesh=_sc_mesh(),
        compiler_params=_sc_params(),
        scratch_types=[
            pltpu.VMEM((80,), jnp.int32),
            pltpu.VMEM((ECH,), jnp.int32),
            pltpu.VMEM((ECH,), jnp.int32),
            pltpu.VMEM((ECH,), jnp.int32),
            pltpu.VMEM((ECH,), jnp.int32),
            pltpu.VMEM((ECH, D), jnp.float32),
            pltpu.VMEM((ECH, D), jnp.float32),
            pltpu.VMEM_SHARED((NS * ARS, D), jnp.float32),
            pltpu.SemaphoreType.DMA,
            pltpu.SemaphoreType.DMA,
        ],
    )
    def k(x_hbm, src_hbm, dst_hbm, bnd_hbm, z_hbm, out_hbm, bnd, sidx0,
          didx0, sidx1, didx1, rows0, rows1, acc, g0, g1):
        c = lax.axis_index("c")
        s = lax.axis_index("s")
        o = c * NS + s
        lo = o * RPT
        sbase = s * ARS

        pltpu.sync_copy(z_hbm, acc.at[pl.ds(sbase, ARS)])
        pltpu.sync_copy(bnd_hbm, bnd)

        st = bnd[pl.ds(o, 16)][0]
        en = bnd[pl.ds(o + 32, 16)][0]
        st0 = pl.multiple_of(st & ~(ECH - 1), ECH)
        nblk = (en - st0 + ECH - 1) // ECH

        def load_sani(b, sidx, didx):
            off = st0 + b * ECH
            pltpu.sync_copy(src_hbm.at[pl.ds(off, ECH)], sidx)
            pltpu.sync_copy(dst_hbm.at[pl.ds(off, ECH)], didx)
            for j in range(ECH // 16):
                gpos = off + lax.iota(jnp.int32, 16) + j * 16
                ok = (gpos >= st) & (gpos < en)
                dv = didx[pl.ds(j * 16, 16)]
                sv = sidx[pl.ds(j * 16, 16)]
                didx[pl.ds(j * 16, 16)] = jnp.where(
                    ok, dv - lo + sbase, sbase + RPT)
                sidx[pl.ds(j * 16, 16)] = jnp.where(ok, sv, 0)

        def body(b, carry):
            load_sani(b, sidx0, didx0)
            pltpu.async_copy(x_hbm.at[sidx0], rows0, g0).wait()
            pltpu.sync_copy(rows0, acc.at[didx0], add=True)
            return carry

        lax.fori_loop(0, nblk, body, 0)

        pltpu.sync_copy(acc.at[pl.ds(sbase, RPT)], out_hbm.at[pl.ds(lo, RPT)])

    return k(x_ext, src_s, dst_s, bounds, zrows)


def _sorted_edges(srcp, dstp):
    order = jnp.argsort(dstp, stable=True)
    src_s = jnp.concatenate([srcp[order], jnp.zeros((ECH,), jnp.int32)])
    dst_s = jnp.concatenate([dstp[order],
                             jnp.full((ECH,), NP - 1, jnp.int32)])
    edges = jnp.arange(0, NP + 1, RPT, dtype=jnp.int32)
    b_all = jnp.searchsorted(dst_s[:EP], edges).astype(jnp.int32)
    bounds = jnp.concatenate([b_all[:NW], b_all[1:NW + 1],
                              jnp.zeros((16,), jnp.int32)])
    return src_s, dst_s, bounds




def _scatter_rows_sc(vals, idx):

    @functools.partial(
        pl.kernel,
        out_type=jax.ShapeDtypeStruct((NP, D), jnp.float32),
        mesh=_sc_mesh(),
        scratch_types=[
            pltpu.VMEM((4, RCH), jnp.int32),
            pltpu.VMEM((RPT, D), jnp.float32),
            pltpu.SemaphoreType.DMA,
        ],
    )
    def k(v_hbm, i_hbm, out_hbm, ib, rows, sem):
        c = lax.axis_index("c")
        s = lax.axis_index("s")
        wid = c * NS + s
        base = wid * RPT
        pltpu.sync_copy(i_hbm.at[wid], ib)
        pltpu.sync_copy(v_hbm.at[pl.ds(base, RPT)], rows)
        hs = []
        for j in range(RPT // RCH):
            hs.append(pltpu.async_copy(rows.at[pl.ds(j * RCH, RCH)],
                                       out_hbm.at[ib.at[j]], sem))
        for h_ in hs:
            h_.wait()

    return k(vals, idx.reshape(NW, RPT // RCH, RCH))


def _gather_rows_sc(vals, idx):

    @functools.partial(
        pl.kernel,
        out_type=jax.ShapeDtypeStruct((NP, D), jnp.float32),
        mesh=_sc_mesh(),
        scratch_types=[
            pltpu.VMEM((4, RCH), jnp.int32),
            pltpu.VMEM((RPT, D), jnp.float32),
            pltpu.SemaphoreType.DMA,
        ],
    )
    def k(v_hbm, i_hbm, out_hbm, ib, rows, sem):
        c = lax.axis_index("c")
        s = lax.axis_index("s")
        wid = c * NS + s
        base = wid * RPT
        pltpu.sync_copy(i_hbm.at[wid], ib)
        hs = []
        for j in range(RPT // RCH):
            hs.append(pltpu.async_copy(v_hbm.at[ib.at[j]],
                                       rows.at[pl.ds(j * RCH, RCH)], sem))
        for h_ in hs:
            h_.wait()
        pltpu.sync_copy(rows, out_hbm.at[pl.ds(base, RPT)])

    return k(vals, idx.reshape(NW, RPT // RCH, RCH))



def _h_body(xs_ref, w_ref, b_ref, o_ref):
    o_ref[...] = jnp.maximum(
        _dot(xs_ref[...], w_ref[...], ((1,), (0,))) + b_ref[...], 0.0)


def _h_tc(xs, W1, b1r):
    return pl.pallas_call(
        _h_body, out_shape=jax.ShapeDtypeStruct((N, D), jnp.float32))(
            xs, W1, b1r)


IB = 256
NJ = NP // 128


def _rank_body(col_ref, row_ref, rank_ref):
    ib = pl.program_id(0)
    si = col_ref[...]
    iglob = ib * IB + lax.broadcasted_iota(jnp.int32, (IB, 128), 0)

    def body(jc, acc):
        sj = row_ref[:, pl.ds(jc * 128, 128)]
        jglob = jc * 128 + lax.broadcasted_iota(jnp.int32, (IB, 128), 1)
        lt = sj < si
        tie = (sj == si) & (jglob < iglob)
        return acc + jnp.where(lt | tie, 1.0, 0.0)

    acc = lax.fori_loop(0, NJ, body, jnp.zeros((IB, 128), jnp.float32))
    rank_ref[...] = jnp.sum(acc, axis=1, keepdims=True).astype(jnp.int32)


def _rank_tc(score_col, score_row):
    return pl.pallas_call(
        _rank_body,
        grid=(NP // IB,),
        in_specs=[
            pl.BlockSpec((IB, 1), lambda i: (i, 0)),
            pl.BlockSpec((1, NP), lambda i: (0, 0)),
        ],
        out_specs=pl.BlockSpec((IB, 1), lambda i: (i, 0)),
        out_shape=jax.ShapeDtypeStruct((NP, 1), jnp.int32),
    )(score_col, score_row)


def _conv_body(sh_ref, w0_ref, w1_ref, w2_ref, b_ref, out_ref):
    sh = sh_ref[...]
    c0 = _dot(sh, w0_ref[...], ((1,), (0,)))
    c1 = _dot(sh, w1_ref[...], ((1,), (0,)))
    c2 = _dot(sh, w2_ref[...], ((1,), (0,)))
    zero = jnp.zeros((1, D), jnp.float32)
    sd = jnp.concatenate([zero, c0[:-1]], axis=0)
    su = jnp.concatenate([c2[1:], zero], axis=0)
    out_ref[...] = c1 + sd + su + b_ref[...]


def _conv_tc(SH, W0, W1c, W2c, cb):
    return pl.pallas_call(
        _conv_body,
        out_shape=jax.ShapeDtypeStruct((NP, D), jnp.float32),
    )(SH, W0, W1c, W2c, cb)


def _phase2_body(r_ref, agg2_ref, w2_ref, b2_ref, seg_ref, feats_ref,
                 wcls_ref, bcls_ref, y_ref, loss_ref, logits_ref):
    rs = r_ref[...] + agg2_ref[...]
    out = jnp.maximum(_dot(rs, w2_ref[...], ((1,), (0,))) + b2_ref[...], 0.0)

    seg = seg_ref[...]
    gi = lax.broadcasted_iota(jnp.int32, (NP, G), 1)
    onehot = (seg == gi).astype(jnp.float32)
    pooled_sum = _dot(onehot, out, ((0,), (0,)))
    counts = jnp.sum(onehot, axis=0, keepdims=True)
    inv = 1.0 / jnp.maximum(counts, 1.0)
    out_g = pooled_sum * inv.reshape(G, 1)

    lp = _dot(out_g + feats_ref[...], wcls_ref[...], ((1,), (0,))) \
        + bcls_ref[...]
    m = jnp.max(lp, axis=1, keepdims=True)
    ex = jnp.exp(lp - m)
    logits = lp - m - jnp.log(jnp.sum(ex, axis=1, keepdims=True))
    logits_ref[...] = logits

    y = y_ref[...]
    yf = y.astype(jnp.float32)
    n_pos = jnp.maximum(jnp.sum(yf), 1.0)
    n_neg = jnp.maximum(jnp.sum(1.0 - yf), 1.0)
    sw = jnp.where(y == 1, 1.0 / n_pos, 1.0 / n_neg)
    picked = jnp.where(y == 1, logits[:, 1:2], logits[:, 0:1])
    loss_ref[...] = (-jnp.sum(sw * picked) / jnp.sum(sw)).reshape(1, 1)


def _phase2_tc(recnn, agg2, W2, b2r, seg2, feats, Wcls, bclsr, y2):
    return pl.pallas_call(
        _phase2_body,
        out_shape=[
            jax.ShapeDtypeStruct((1, 1), jnp.float32),
            jax.ShapeDtypeStruct((G, C2), jnp.float32),
        ],
    )(recnn, agg2, W2, b2r, seg2, feats, Wcls, bclsr, y2)



def kernel(x, edge_index, segment_ids, y, W1, b1, W2, b2, down_k, Wq, Wk, Wv,
           Wo, Wfc, bfc, Wrc, brc, conv_w, conv_b, Wcls, bcls):
    x_ext = jnp.concatenate([x, jnp.zeros((NP - N, D), jnp.float32)], axis=0)
    src = edge_index[0]
    dst = edge_index[1]
    srcp = jnp.concatenate([src, jnp.zeros((EP - E,), jnp.int32)])
    dstp = jnp.concatenate([dst, jnp.full((EP - E,), NP - 1, jnp.int32)])
    seg2 = jnp.concatenate([segment_ids,
                            jnp.full((NP - N,), G, jnp.int32)]).reshape(NP, 1)
    b1r = b1.reshape(1, D)
    b2r = b2.reshape(1, D)
    cbr = conv_b.reshape(1, D)
    bclsr = bcls.reshape(1, C2)
    W0c = conv_w[:, :, 0].T
    W1c = conv_w[:, :, 1].T
    W2c = conv_w[:, :, 2].T
    y2 = y.reshape(G, 1)

    src_s, dst_s, bounds = _sorted_edges(srcp, dstp)
    zrows = jnp.zeros((ARS, D), jnp.float32)
    agg = _edge_accum_sorted_sc(x_ext, src_s, dst_s, bounds, zrows)

    h = _h_tc(x + agg[:N], W1, b1r)

    counts0 = jax.ops.segment_sum(jnp.ones((N, 1), jnp.float32),
                                  segment_ids, num_segments=G)
    pooled = jax.ops.segment_sum(h, segment_ids, num_segments=G) \
        / jnp.maximum(counts0, 1.0)
    q = (pooled @ Wq).reshape(G, H, DH)
    kq = (down_k @ Wk).reshape(K, H, DH)
    vq = (down_k @ Wv).reshape(K, H, DH)
    attn = jax.nn.softmax(jnp.einsum('ghd,khd->ghk', q, kq)
                          / jnp.sqrt(float(DH)), axis=-1)
    feats = jnp.einsum('ghk,khd->ghd', attn, vq).reshape(G, D) @ Wo
    z = jnp.tanh(jnp.mean(feats, axis=0))
    feats = feats + ((feats + z) @ Wfc + bfc)
    tail = z @ Wrc + brc
    sc_ = h @ tail
    h_ext = jnp.concatenate([h, jnp.zeros((NP - N, D), jnp.float32)])
    score = jnp.concatenate([sc_, jnp.full((NP - N,), jnp.inf)]).reshape(NP, 1)

    rank = _rank_tc(score, score.reshape(1, NP)).reshape(NP)
    SH = _scatter_rows_sc(h_ext, rank)
    rs2 = _conv_tc(SH, W0c, W1c, W2c, cbr)
    recnn = _gather_rows_sc(rs2, rank)

    agg2 = _edge_accum_sorted_sc(recnn, src_s, dst_s, bounds, zrows)
    loss2, logits = _phase2_tc(recnn, agg2, W2, b2r, seg2, feats, Wcls,
                               bclsr, y2)
    return (loss2.reshape(()), logits)

# --- scband reference (transcript-rebuilt; emitter-appended) ---
"""Pipeline reference for scband-learner-50483045597673 (READ-ONLY COPY).

The authoritative reference and input builder live on the scoring server;
editing this copy changes nothing except your own understanding.
"""

import jax, jax.numpy as jnp
import numpy as np
from jax import lax

N = 10000   # nodes
E = 320000  # edges
D = 128     # n_hidden
G = 64      # graphs in batch
C = 2       # n_class
K = 20      # down_param_k rows
H = 4       # attn heads


def setup_inputs(seed: int = 0):
    key = jax.random.key(seed)
    ks = jax.random.split(key, 24)
    inp = {}
    inp['x'] = jax.random.normal(ks[0], (N, D), dtype=jnp.float32)
    inp['edge_index'] = jax.random.randint(ks[1], (2, E), 0, N, dtype=jnp.int32)
    inp['segment_ids'] = jnp.sort(jax.random.randint(ks[2], (N,), 0, G, dtype=jnp.int32))
    inp['y'] = jax.random.randint(ks[3], (G,), 0, C, dtype=jnp.int32)
    s = 0.05
    inp['W1'] = jax.random.normal(ks[4], (D, D), jnp.float32) * s
    inp['b1'] = jnp.zeros((D,), jnp.float32)
    inp['W2'] = jax.random.normal(ks[5], (D, D), jnp.float32) * s
    inp['b2'] = jnp.zeros((D,), jnp.float32)
    inp['down_k'] = jax.random.normal(ks[6], (K, D), jnp.float32)
    inp['Wq'] = jax.random.normal(ks[7], (D, D), jnp.float32) * s
    inp['Wk'] = jax.random.normal(ks[8], (D, D), jnp.float32) * s
    inp['Wv'] = jax.random.normal(ks[9], (D, D), jnp.float32) * s
    inp['Wo'] = jax.random.normal(ks[10], (D, D), jnp.float32) * s
    inp['Wfc'] = jax.random.normal(ks[11], (D, D), jnp.float32) * s
    inp['bfc'] = jnp.zeros((D,), jnp.float32)
    inp['Wrc'] = jax.random.normal(ks[12], (D, D), jnp.float32) * s
    inp['brc'] = jnp.zeros((D,), jnp.float32)
    inp['conv_w'] = jax.random.normal(ks[13], (D, D, 3), jnp.float32) * s
    inp['conv_b'] = jnp.zeros((D,), jnp.float32)
    inp['Wcls'] = jax.random.normal(ks[14], (D, C), jnp.float32) * s
    inp['bcls'] = jnp.zeros((C,), jnp.float32)
    return inp


def reference(x, edge_index, segment_ids, y, W1, b1, W2, b2, down_k, Wq, Wk, Wv, Wo,
              Wfc, bfc, Wrc, brc, conv_w, conv_b, Wcls, bcls):
    src, dst = edge_index[0], edge_index[1]
    # GIN_WOP down layer: neighbor aggregate (scatter-add over edges) + MLP
    agg = jax.ops.segment_sum(x[src], dst, num_segments=N)
    h = jax.nn.relu((x + agg) @ W1 + b1)                 # x_down_wop [N, D]
    # graph pooling by ptr/batch -> per-graph features
    counts = jax.ops.segment_sum(jnp.ones((N, 1), jnp.float32), segment_ids, num_segments=G)
    pooled = jax.ops.segment_sum(h, segment_ids, num_segments=G) / jnp.maximum(counts, 1.0)  # x_down_1 [G, D]
    # cross multi-head attention against learned down_param_k (keys=values)
    dh = D // H
    q = (pooled @ Wq).reshape(G, H, dh)
    k = (down_k @ Wk).reshape(K, H, dh)
    v = (down_k @ Wv).reshape(K, H, dh)
    attn = jax.nn.softmax(jnp.einsum('ghd,khd->ghk', q, k) / jnp.sqrt(float(dh)), axis=-1)
    feats = jnp.einsum('ghk,khd->ghd', attn, v).reshape(G, D) @ Wo   # [G, D]
    # neural-process style latent z + feature calibration
    z = jnp.tanh(jnp.mean(feats, axis=0))                # [D]
    feats = feats + ((feats + z) @ Wfc + bfc)
    # reconstruction scoring over all nodes: sort + gather + conv1d + scatter-add
    tail_proto = z @ Wrc + brc                           # [D]
    recon_score = h @ tail_proto                         # [N]
    indi = jnp.argsort(recon_score)                      # [N]
    rec_pre = h[indi]                                    # gather [N, D]
    conv_in = rec_pre.T[None, :, :]                      # [1, D, N]
    conv_out = lax.conv_general_dilated(conv_in, conv_w, window_strides=(1,),
                                        padding=((1, 1),),
                                        dimension_numbers=('NCH', 'OIH', 'NCH'))
    conv_out = conv_out + conv_b[None, :, None]
    rs2 = conv_out[0].T                                  # [N, D]
    recnn = jnp.zeros((N, D), jnp.float32).at[indi].add(rs2)   # scatter-add back
    # post GIN over the full graph
    agg2 = jax.ops.segment_sum(recnn[src], dst, num_segments=N)
    out = jax.nn.relu((recnn + agg2) @ W2 + b2)
    out_g = jax.ops.segment_sum(out, segment_ids, num_segments=G) / jnp.maximum(counts, 1.0)
    logits = jax.nn.log_softmax((out_g + feats) @ Wcls + bcls, axis=1)   # [G, C]
    # class-balanced NLL loss
    yf = y.astype(jnp.float32)
    n_pos = jnp.maximum(jnp.sum(yf), 1.0)
    n_neg = jnp.maximum(jnp.sum(1.0 - yf), 1.0)
    w = jnp.stack([1.0 / n_neg, 1.0 / n_pos])
    sample_w = w[y]
    picked = jnp.take_along_axis(logits, y[:, None], axis=1)[:, 0]
    loss = -jnp.sum(sample_w * picked) / jnp.sum(sample_w)
    return (loss, logits)

if __name__ == "__main__":
    import jax
    _d = setup_inputs()
    print(jax.jit(kernel)(*tuple(_d.values())))

</pallas_src>

<mosaic_0001>
#map = affine_map<(d0, d1) -> (0, 0)>
#map1 = affine_map<(d0, d1) -> (0)>
module attributes {stable_mosaic.version = 14 : i64} {
  func.func @k(%arg0: i32, %arg1: i32, %arg2: memref<10240x128xf32, #tpu.memory_space<hbm>>, %arg3: memref<327808xi32, #tpu.memory_space<hbm>>, %arg4: memref<327808xi32, #tpu.memory_space<hbm>>, %arg5: memref<80xi32, #tpu.memory_space<hbm>>, %arg6: memref<328x128xf32, #tpu.memory_space<hbm>>, %arg7: memref<10240x128xf32, #tpu.memory_space<hbm>>, %arg8: memref<80xi32, #tpu.memory_space<vmem>>, %arg9: memref<128xi32, #tpu.memory_space<vmem>>, %arg10: memref<128xi32, #tpu.memory_space<vmem>>, %arg11: memref<128xi32, #tpu.memory_space<vmem>>, %arg12: memref<128xi32, #tpu.memory_space<vmem>>, %arg13: memref<128x128xf32, #tpu.memory_space<vmem>>, %arg14: memref<128x128xf32, #tpu.memory_space<vmem>>, %arg15: memref<5248x128xf32, #tpu.memory_space<vmem_shared>>, %arg16: memref<!tpu.dma_semaphore, #tpu.memory_space<semaphore_mem>>, %arg17: memref<!tpu.dma_semaphore, #tpu.memory_space<semaphore_mem>>) attributes {dimension_semantics = [#tpu.dimension_semantics<core_parallel>, #tpu.dimension_semantics<subcore_parallel>], iteration_bounds = array<i64: 2, 16>, scalar_prefetch = 0 : i64, scratch_operands = 10 : i64, tpu.core_type = #tpu.core_type<sc_vector_subcore>, window_params = [{transform_indices = #map}, {transform_indices = #map1}, {transform_indices = #map1}, {transform_indices = #map1}, {transform_indices = #map}, {transform_indices = #map}]} {
    %mul3A = arith.constant 16 : i32
    %mul3A_0 = arith.muli %arg0, %mul3A : i32
    %add3A = arith.addi %mul3A_0, %arg1 : i32
    %mul3A_1 = arith.constant 320 : i32
    %mul3A_2 = arith.muli %add3A, %mul3A_1 : i32
    %mul3A_3 = arith.constant 328 : i32
    %mul3A_4 = arith.muli %arg1, %mul3A_3 : i32
    "tpu.region"() ({
      %run_scoped3A = tpu.sem_alloc : memref<!tpu.dma_semaphore, #tpu.memory_space<semaphore_mem>>
      %dma_start3A = arith.constant 0 : i32
      %dma_start3A_44 = tpu.memref_slice %arg15[%mul3A_4, %dma_start3A] : memref<5248x128xf32, #tpu.memory_space<vmem_shared>> -> memref<328x128xf32, #tpu.memory_space<vmem_shared>>
      tpu.enqueue_dma source(%arg6 : memref<328x128xf32, #tpu.memory_space<hbm>>) target(%dma_start3A_44 : memref<328x128xf32, #tpu.memory_space<vmem_shared>>) target_semaphore(%run_scoped3A : memref<!tpu.dma_semaphore, #tpu.memory_space<semaphore_mem>>)
      %dma_wait3A = arith.constant 0 : i32
      %dma_wait3A_45 = tpu.memref_slice %arg15[%mul3A_4, %dma_wait3A] : memref<5248x128xf32, #tpu.memory_space<vmem_shared>> -> memref<328x128xf32, #tpu.memory_space<vmem_shared>>
      tpu.wait_dma2 semaphore(%run_scoped3A : memref<!tpu.dma_semaphore, #tpu.memory_space<semaphore_mem>>) src(%arg6 : memref<328x128xf32, #tpu.memory_space<hbm>>) dst(%dma_wait3A_45 : memref<328x128xf32, #tpu.memory_space<vmem_shared>>)
      tpu.yield
    }) : () -> ()
    "tpu.region"() ({
      %run_scoped3A = tpu.sem_alloc : memref<!tpu.dma_semaphore, #tpu.memory_space<semaphore_mem>>
      tpu.enqueue_dma source(%arg5 : memref<80xi32, #tpu.memory_space<hbm>>) target(%arg8 : memref<80xi32, #tpu.memory_space<vmem>>) target_semaphore(%run_scoped3A : memref<!tpu.dma_semaphore, #tpu.memory_space<semaphore_mem>>)
      tpu.wait_dma2 semaphore(%run_scoped3A : memref<!tpu.dma_semaphore, #tpu.memory_space<semaphore_mem>>) src(%arg5 : memref<80xi32, #tpu.memory_space<hbm>>) dst(%arg8 : memref<80xi32, #tpu.memory_space<vmem>>)
      tpu.yield
    }) : () -> ()
    %get3A = arith.index_cast %add3A : i32 to index
    %get3A_5 = tpu.vector_load %arg8[%get3A] {strides = array<i32>} : memref<80xi32, #tpu.memory_space<vmem>>, vector<16xi32>,
    %slice3A = vector.extract_strided_slice %get3A_5 {offsets = [0], sizes = [1], strides = [1]} : vector<16xi32> to vector<1xi32>
    %squeeze3A = vector.extract %slice3A[0] : i32 from vector<1xi32>
    %add3A_6 = arith.constant 32 : i32
    %add3A_7 = arith.addi %add3A, %add3A_6 : i32
    %get3A_8 = arith.index_cast %add3A_7 : i32 to index
    %get3A_9 = tpu.vector_load %arg8[%get3A_8] {strides = array<i32>} : memref<80xi32, #tpu.memory_space<vmem>>, vector<16xi32>,
    %slice3A_10 = vector.extract_strided_slice %get3A_9 {offsets = [0], sizes = [1], strides = [1]} : vector<16xi32> to vector<1xi32>
    %squeeze3A_11 = vector.extract %slice3A_10[0] : i32 from vector<1xi32>
    %and3A = arith.constant -128 : i32
    %and3A_12 = arith.andi %squeeze3A, %and3A : i32
    %multiple_of3A = tpu.assume_multiple %and3A_12, 128 : i32
    %sub3A = arith.subi %squeeze3A_11, %multiple_of3A : i32
    %add3A_13 = arith.constant 128 : i32
    %add3A_14 = arith.addi %sub3A, %add3A_13 : i32
    %sub3A_15 = arith.constant 1 : i32
    %sub3A_16 = arith.subi %add3A_14, %sub3A_15 : i32
    %jit3A = arith.constant 128 : i32
    %div3A = arith.divsi %sub3A_16, %jit3A : i32
    %sign3A = arith.constant 0 : i32
    %sign3A_17 = arith.cmpi sgt, %sub3A_16, %sign3A : i32
    %sign3A_18 = arith.extui %sign3A_17 : i1 to i32
    %sign3A_19 = arith.constant 0 : i32
    %sign3A_20 = arith.cmpi slt, %sub3A_16, %sign3A_19 : i32
    %sign3A_21 = arith.extui %sign3A_20 : i1 to i32
    %sign3A_22 = arith.subi %sign3A_18, %sign3A_21 : i32
    %sign3A_23 = arith.constant 0 : i32
    %sign3A_24 = arith.cmpi sgt, %jit3A, %sign3A_23 : i32
    %sign3A_25 = arith.extui %sign3A_24 : i1 to i32
    %sign3A_26 = arith.constant 0 : i32
    %sign3A_27 = arith.cmpi slt, %jit3A, %sign3A_26 : i32
    %sign3A_28 = arith.extui %sign3A_27 : i1 to i32
    %sign3A_29 = arith.subi %sign3A_25, %sign3A_28 : i32
    %ne3A = arith.cmpi ne, %sign3A_22, %sign3A_29 : i32
    %rem3A = arith.remsi %sub3A_16, %jit3A : i32
    %ne3A_30 = arith.constant 0 : i32
    %ne3A_31 = arith.cmpi ne, %rem3A, %ne3A_30 : i32
    %and3A_32 = arith.andi %ne3A, %ne3A_31 : i1
    %sub3A_33 = arith.constant 1 : i32
    %sub3A_34 = arith.subi %div3A, %sub3A_33 : i32
    %select_n3A = arith.select %and3A_32, %sub3A_34, %div3A : i32
    %while3A = arith.constant 0 : i32
    %while3A_35 = arith.constant 0 : i32
    %while3A_36 = arith.subi %select_n3A, %while3A_35 : i32
    %while3A_37 = arith.addi %while3A_35, %while3A_36 : i32
    %while3A_38 = arith.constant 1 : i32
    %while3A_39 = arith.divsi %while3A_36, %while3A_38 : i32
    %while3A_40 = arith.muli %while3A_39, %while3A_38 : i32
    %while3A_41 = arith.addi %while3A_35, %while3A_40 : i32
    %while3A_42 = arith.constant 1 : i32
    scf.for %while3A_44 = %while3A_35 to %while3A_41 step %while3A_42  : i32 {
      %mul3A_45 = arith.constant 128 : i32
      %mul3A_46 = arith.muli %while3A_44, %mul3A_45 : i32
      %add3A_47 = arith.addi %multiple_of3A, %mul3A_46 : i32
      "tpu.region"() ({
        %run_scoped3A = tpu.sem_alloc : memref<!tpu.dma_semaphore, #tpu.memory_space<semaphore_mem>>
        %dma_start3A_287 = tpu.memref_slice %arg3[%add3A_47] : memref<327808xi32, #tpu.memory_space<hbm>> -> memref<128xi32, #tpu.memory_space<hbm>>
        %dma_start3A_288 = tpu.memref_slice %arg3[%add3A_47] : memref<327808xi32, #tpu.memory_space<hbm>> -> memref<128xi32, #tpu.memory_space<hbm>>
        tpu.enqueue_dma source(%dma_start3A_288 : memref<128xi32, #tpu.memory_space<hbm>>) target(%arg9 : memref<128xi32, #tpu.memory_space<vmem>>) target_semaphore(%run_scoped3A : memref<!tpu.dma_semaphore, #tpu.memory_space<semaphore_mem>>)
        %dma_wait3A_289 = tpu.memref_slice %arg3[%add3A_47] : memref<327808xi32, #tpu.memory_space<hbm>> -> memref<128xi32, #tpu.memory_space<hbm>>
        %dma_wait3A_290 = tpu.memref_slice %arg3[%add3A_47] : memref<327808xi32, #tpu.memory_space<hbm>> -> memref<128xi32, #tpu.memory_space<hbm>>
        tpu.wait_dma2 semaphore(%run_scoped3A : memref<!tpu.dma_semaphore, #tpu.memory_space<semaphore_mem>>) src(%dma_wait3A_290 : memref<128xi32, #tpu.memory_space<hbm>>) dst(%arg9 : memref<128xi32, #tpu.memory_space<vmem>>)
        tpu.yield
      }) : () -> ()
      "tpu.region"() ({
        %run_scoped3A = tpu.sem_alloc : memref<!tpu.dma_semaphore, #tpu.memory_space<semaphore_mem>>
        %dma_start3A_287 = tpu.memref_slice %arg4[%add3A_47] : memref<327808xi32, #tpu.memory_space<hbm>> -> memref<128xi32, #tpu.memory_space<hbm>>
        %dma_start3A_288 = tpu.memref_slice %arg4[%add3A_47] : memref<327808xi32, #tpu.memory_space<hbm>> -> memref<128xi32, #tpu.memory_space<hbm>>
        tpu.enqueue_dma source(%dma_start3A_288 : memref<128xi32, #tpu.memory_space<hbm>>) target(%arg10 : memref<128xi32, #tpu.memory_space<vmem>>) target_semaphore(%run_scoped3A : memref<!tpu.dma_semaphore, #tpu.memory_space<semaphore_mem>>)
        %dma_wait3A_289 = tpu.memref_slice %arg4[%add3A_47] : memref<327808xi32, #tpu.memory_space<hbm>> -> memref<128xi32, #tpu.memory_space<hbm>>
        %dma_wait3A_290 = tpu.memref_slice %arg4[%add3A_47] : memref<327808xi32, #tpu.memory_space<hbm>> -> memref<128xi32, #tpu.memory_space<hbm>>
        tpu.wait_dma2 semaphore(%run_scoped3A : memref<!tpu.dma_semaphore, #tpu.memory_space<semaphore_mem>>) src(%dma_wait3A_290 : memref<128xi32, #tpu.memory_space<hbm>>) dst(%arg10 : memref<128xi32, #tpu.memory_space<vmem>>)
        tpu.yield
      }) : () -> ()
      %iota3A = tpu.iota {dimensions = array<i32: 0>} : vector<16xi32>
      %add3A_48 = vector.broadcast %add3A_47 : i32 to vector<16xi32>
      %add3A_49 = arith.addi %add3A_48, %iota3A : vector<16xi32>
      %add3A_50 = arith.constant 0 : i32
      %add3A_51 = vector.broadcast %add3A_50 : i32 to vector<16xi32>
      %add3A_52 = arith.addi %add3A_49, %add3A_51 : vector<16xi32>
      %ge3A = vector.broadcast %squeeze3A : i32 to vector<16xi32>
      %ge3A_53 = arith.cmpi sge, %add3A_52, %ge3A : vector<16xi32>
      %lt3A = vector.broadcast %squeeze3A_11 : i32 to vector<16xi32>
      %lt3A_54 = arith.cmpi slt, %add3A_52, %lt3A : vector<16xi32>
      %and3A_55 = arith.andi %ge3A_53, %lt3A_54 : vector<16xi1>
      %get3A_56 = arith.constant 0 : index
      %get3A_57 = tpu.vector_load %arg10[%get3A_56] {strides = array<i32>} : memref<128xi32, #tpu.memory_space<vmem>>, vector<16xi32>,
      %get3A_58 = arith.constant 0 : index
      %get3A_59 = tpu.vector_load %arg9[%get3A_58] {strides = array<i32>} : memref<128xi32, #tpu.memory_space<vmem>>, vector<16xi32>,
      %sub3A_60 = vector.broadcast %mul3A_2 : i32 to vector<16xi32>
      %sub3A_61 = arith.subi %get3A_57, %sub3A_60 : vector<16xi32>
      %add3A_62 = vector.broadcast %mul3A_4 : i32 to vector<16xi32>
      %add3A_63 = arith.addi %sub3A_61, %add3A_62 : vector<16xi32>
      %add3A_64 = arith.constant 320 : i32
      %add3A_65 = arith.addi %mul3A_4, %add3A_64 : i32
      %broadcast_in_dim3A = vector.broadcast %add3A_65 : i32 to vector<16xi32>
      %select_n3A_66 = arith.select %and3A_55, %add3A_63, %broadcast_in_dim3A : vector<16xi1>, vector<16xi32>
      %swap3A = arith.constant 0 : index
      %swap3A_67 = tpu.vector_load %arg10[%swap3A] {strides = array<i32>} : memref<128xi32, #tpu.memory_space<vmem>>, vector<16xi32>,
      tpu.vector_store %arg10[%swap3A], %select_n3A_66 {strides = array<i32>} : memref<128xi32, #tpu.memory_space<vmem>>, vector<16xi32>,
      %jit3A_68 = arith.constant 0 : i32
      %broadcast_in_dim3A_69 = vector.broadcast %jit3A_68 : i32 to vector<16xi32>
      %select_n3A_70 = arith.select %and3A_55, %get3A_59, %broadcast_in_dim3A_69 : vector<16xi1>, vector<16xi32>
      %swap3A_71 = arith.constant 0 : index
      %swap3A_72 = tpu.vector_load %arg9[%swap3A_71] {strides = array<i32>} : memref<128xi32, #tpu.memory_space<vmem>>, vector<16xi32>,
      tpu.vector_store %arg9[%swap3A_71], %select_n3A_70 {strides = array<i32>} : memref<128xi32, #tpu.memory_space<vmem>>, vector<16xi32>,
      %iota3A_73 = tpu.iota {dimensions = array<i32: 0>} : vector<16xi32>
      %add3A_74 = vector.broadcast %add3A_47 : i32 to vector<16xi32>
      %add3A_75 = arith.addi %add3A_74, %iota3A_73 : vector<16xi32>
      %add3A_76 = arith.constant 16 : i32
      %add3A_77 = vector.broadcast %add3A_76 : i32 to vector<16xi32>
      %add3A_78 = arith.addi %add3A_75, %add3A_77 : vector<16xi32>
      %ge3A_79 = vector.broadcast %squeeze3A : i32 to vector<16xi32>
      %ge3A_80 = arith.cmpi sge, %add3A_78, %ge3A_79 : vector<16xi32>
      %lt3A_81 = vector.broadcast %squeeze3A_11 : i32 to vector<16xi32>
      %lt3A_82 = arith.cmpi slt, %add3A_78, %lt3A_81 : vector<16xi32>
      %and3A_83 = arith.andi %ge3A_80, %lt3A_82 : vector<16xi1>
      %get3A_84 = arith.constant 16 : index
      %get3A_85 = tpu.vector_load %arg10[%get3A_84] {strides = array<i32>} : memref<128xi32, #tpu.memory_space<vmem>>, vector<16xi32>,
      %get3A_86 = arith.constant 16 : index
      %get3A_87 = tpu.vector_load %arg9[%get3A_86] {strides = array<i32>} : memref<128xi32, #tpu.memory_space<vmem>>, vector<16xi32>,
      %sub3A_88 = vector.broadcast %mul3A_2 : i32 to vector<16xi32>
      %sub3A_89 = arith.subi %get3A_85, %sub3A_88 : vector<16xi32>
      %add3A_90 = vector.broadcast %mul3A_4 : i32 to vector<16xi32>
      %add3A_91 = arith.addi %sub3A_89, %add3A_90 : vector<16xi32>
      %add3A_92 = arith.constant 320 : i32
      %add3A_93 = arith.addi %mul3A_4, %add3A_92 : i32
      %broadcast_in_dim3A_94 = vector.broadcast %add3A_93 : i32 to vector<16xi32>
      %select_n3A_95 = arith.select %and3A_83, %add3A_91, %broadcast_in_dim3A_94 : vector<16xi1>, vector<16xi32>
      %swap3A_96 = arith.constant 16 : index
      %swap3A_97 = tpu.vector_load %arg10[%swap3A_96] {strides = array<i32>} : memref<128xi32, #tpu.memory_space<vmem>>, vector<16xi32>,
      tpu.vector_store %arg10[%swap3A_96], %select_n3A_95 {strides = array<i32>} : memref<128xi32, #tpu.memory_space<vmem>>, vector<16xi32>,
      %jit3A_98 = arith.constant 0 : i32
      %broadcast_in_dim3A_99 = vector.broadcast %jit3A_98 : i32 to vector<16xi32>
      %select_n3A_100 = arith.select %and3A_83, %get3A_87, %broadcast_in_dim3A_99 : vector<16xi1>, vector<16xi32>
      %swap3A_101 = arith.constant 16 : index
      %swap3A_102 = tpu.vector_load %arg9[%swap3A_101] {strides = array<i32>} : memref<128xi32, #tpu.memory_space<vmem>>, vector<16xi32>,
      tpu.vector_store %arg9[%swap3A_101], %select_n3A_100 {strides = array<i32>} : memref<128xi32, #tpu.memory_space<vmem>>, vector<16xi32>,
      %iota3A_103 = tpu.iota {dimensions = array<i32: 0>} : vector<16xi32>
      %add3A_104 = vector.broadcast %add3A_47 : i32 to vector<16xi32>
      %add3A_105 = arith.addi %add3A_104, %iota3A_103 : vector<16xi32>
      %add3A_106 = arith.constant 32 : i32
      %add3A_107 = vector.broadcast %add3A_106 : i32 to vector<16xi32>
      %add3A_108 = arith.addi %add3A_105, %add3A_107 : vector<16xi32>
      %ge3A_109 = vector.broadcast %squeeze3A : i32 to vector<16xi32>
      %ge3A_110 = arith.cmpi sge, %add3A_108, %ge3A_109 : vector<16xi32>
      %lt3A_111 = vector.broadcast %squeeze3A_11 : i32 to vector<16xi32>
      %lt3A_112 = arith.cmpi slt, %add3A_108, %lt3A_111 : vector<16xi32>
      %and3A_113 = arith.andi %ge3A_110, %lt3A_112 : vector<16xi1>
      %get3A_114 = arith.constant 32 : index
      %get3A_115 = tpu.vector_load %arg10[%get3A_114] {strides = array<i32>} : memref<128xi32, #tpu.memory_space<vmem>>, vector<16xi32>,
      %get3A_116 = arith.constant 32 : index
      %get3A_117 = tpu.vector_load %arg9[%get3A_116] {strides = array<i32>} : memref<128xi32, #tpu.memory_space<vmem>>, vector<16xi32>,
      %sub3A_118 = vector.broadcast %mul3A_2 : i32 to vector<16xi32>
      %sub3A_119 = arith.subi %get3A_115, %sub3A_118 : vector<16xi32>
      %add3A_120 = vector.broadcast %mul3A_4 : i32 to vector<16xi32>
      %add3A_121 = arith.addi %sub3A_119, %add3A_120 : vector<16xi32>
      %add3A_122 = arith.constant 320 : i32
      %add3A_123 = arith.addi %mul3A_4, %add3A_122 : i32
      %broadcast_in_dim3A_124 = vector.broadcast %add3A_123 : i32 to vector<16xi32>
      %select_n3A_125 = arith.select %and3A_113, %add3A_121, %broadcast_in_dim3A_124 : vector<16xi1>, vector<16xi32>
      %swap3A_126 = arith.constant 32 : index
      %swap3A_127 = tpu.vector_load %arg10[%swap3A_126] {strides = array<i32>} : memref<128xi32, #tpu.memory_space<vmem>>, vector<16xi32>,
      tpu.vector_store %arg10[%swap3A_126], %select_n3A_125 {strides = array<i32>} : memref<128xi32, #tpu.memory_space<vmem>>, vector<16xi32>,
      %jit3A_128 = arith.constant 0 : i32
      %broadcast_in_dim3A_129 = vector.broadcast %jit3A_128 : i32 to vector<16xi32>
      %select_n3A_130 = arith.select %and3A_113, %get3A_117, %broadcast_in_dim3A_129 : vector<16xi1>, vector<16xi32>
      %swap3A_131 = arith.constant 32 : index
      %swap3A_132 = tpu.vector_load %arg9[%swap3A_131] {strides = array<i32>} : memref<128xi32, #tpu.memory_space<vmem>>, vector<16xi32>,
      tpu.vector_store %arg9[%swap3A_131], %select_n3A_130 {strides = array<i32>} : memref<128xi32, #tpu.memory_space<vmem>>, vector<16xi32>,
      %iota3A_133 = tpu.iota {dimensions = array<i32: 0>} : vector<16xi32>
      %add3A_134 = vector.broadcast %add3A_47 : i32 to vector<16xi32>
      %add3A_135 = arith.addi %add3A_134, %iota3A_133 : vector<16xi32>
      %add3A_136 = arith.constant 48 : i32
      %add3A_137 = vector.broadcast %add3A_136 : i32 to vector<16xi32>
      %add3A_138 = arith.addi %add3A_135, %add3A_137 : vector<16xi32>
      %ge3A_139 = vector.broadcast %squeeze3A : i32 to vector<16xi32>
      %ge3A_140 = arith.cmpi sge, %add3A_138, %ge3A_139 : vector<16xi32>
      %lt3A_141 = vector.broadcast %squeeze3A_11 : i32 to vector<16xi32>
      %lt3A_142 = arith.cmpi slt, %add3A_138, %lt3A_141 : vector<16xi32>
      %and3A_143 = arith.andi %ge3A_140, %lt3A_142 : vector<16xi1>
      %get3A_144 = arith.constant 48 : index
      %get3A_145 = tpu.vector_load %arg10[%get3A_144] {strides = array<i32>} : memref<128xi32, #tpu.memory_space<vmem>>, vector<16xi32>,
      %get3A_146 = arith.constant 48 : index
      %get3A_147 = tpu.vector_load %arg9[%get3A_146] {strides = array<i32>} : memref<128xi32, #tpu.memory_space<vmem>>, vector<16xi32>,
      %sub3A_148 = vector.broadcast %mul3A_2 : i32 to vector<16xi32>
      %sub3A_149 = arith.subi %get3A_145, %sub3A_148 : vector<16xi32>
      %add3A_150 = vector.broadcast %mul3A_4 : i32 to vector<16xi32>
      %add3A_151 = arith.addi %sub3A_149, %add3A_150 : vector<16xi32>
      %add3A_152 = arith.constant 320 : i32
      %add3A_153 = arith.addi %mul3A_4, %add3A_152 : i32
      %broadcast_in_dim3A_154 = vector.broadcast %add3A_153 : i32 to vector<16xi32>
      %select_n3A_155 = arith.select %and3A_143, %add3A_151, %broadcast_in_dim3A_154 : vector<16xi1>, vector<16xi32>
      %swap3A_156 = arith.constant 48 : index
      %swap3A_157 = tpu.vector_load %arg10[%swap3A_156] {strides = array<i32>} : memref<128xi32, #tpu.memory_space<vmem>>, vector<16xi32>,
      tpu.vector_store %arg10[%swap3A_156], %select_n3A_155 {strides = array<i32>} : memref<128xi32, #tpu.memory_space<vmem>>, vector<16xi32>,
      %jit3A_158 = arith.constant 0 : i32
      %broadcast_in_dim3A_159 = vector.broadcast %jit3A_158 : i32 to vector<16xi32>
      %select_n3A_160 = arith.select %and3A_143, %get3A_147, %broadcast_in_dim3A_159 : vector<16xi1>, vector<16xi32>
      %swap3A_161 = arith.constant 48 : index
      %swap3A_162 = tpu.vector_load %arg9[%swap3A_161] {strides = array<i32>} : memref<128xi32, #tpu.memory_space<vmem>>, vector<16xi32>,
      tpu.vector_store %arg9[%swap3A_161], %select_n3A_160 {strides = array<i32>} : memref<128xi32, #tpu.memory_space<vmem>>, vector<16xi32>,
      %iota3A_163 = tpu.iota {dimensions = array<i32: 0>} : vector<16xi32>
      %add3A_164 = vector.broadcast %add3A_47 : i32 to vector<16xi32>
      %add3A_165 = arith.addi %add3A_164, %iota3A_163 : vector<16xi32>
      %add3A_166 = arith.constant 64 : i32
      %add3A_167 = vector.broadcast %add3A_166 : i32 to vector<16xi32>
      %add3A_168 = arith.addi %add3A_165, %add3A_167 : vector<16xi32>
      %ge3A_169 = vector.broadcast %squeeze3A : i32 to vector<16xi32>
      %ge3A_170 = arith.cmpi sge, %add3A_168, %ge3A_169 : vector<16xi32>
      %lt3A_171 = vector.broadcast %squeeze3A_11 : i32 to vector<16xi32>
      %lt3A_172 = arith.cmpi slt, %add3A_168, %lt3A_171 : vector<16xi32>
      %and3A_173 = arith.andi %ge3A_170, %lt3A_172 : vector<16xi1>
      %get3A_174 = arith.constant 64 : index
      %get3A_175 = tpu.vector_load %arg10[%get3A_174] {strides = array<i32>} : memref<128xi32, #tpu.memory_space<vmem>>, vector<16xi32>,
      %get3A_176 = arith.constant 64 : index
      %get3A_177 = tpu.vector_load %arg9[%get3A_176] {strides = array<i32>} : memref<128xi32, #tpu.memory_space<vmem>>, vector<16xi32>,
      %sub3A_178 = vector.broadcast %mul3A_2 : i32 to vector<16xi32>
      %sub3A_179 = arith.subi %get3A_175, %sub3A_178 : vector<16xi32>
      %add3A_180 = vector.broadcast %mul3A_4 : i32 to vector<16xi32>
      %add3A_181 = arith.addi %sub3A_179, %add3A_180 : vector<16xi32>
      %add3A_182 = arith.constant 320 : i32
      %add3A_183 = arith.addi %mul3A_4, %add3A_182 : i32
      %broadcast_in_dim3A_184 = vector.broadcast %add3A_183 : i32 to vector<16xi32>
      %select_n3A_185 = arith.select %and3A_173, %add3A_181, %broadcast_in_dim3A_184 : vector<16xi1>, vector<16xi32>
      %swap3A_186 = arith.constant 64 : index
      %swap3A_187 = tpu.vector_load %arg10[%swap3A_186] {strides = array<i32>} : memref<128xi32, #tpu.memory_space<vmem>>, vector<16xi32>,
      tpu.vector_store %arg10[%swap3A_186], %select_n3A_185 {strides = array<i32>} : memref<128xi32, #tpu.memory_space<vmem>>, vector<16xi32>,
      %jit3A_188 = arith.constant 0 : i32
      %broadcast_in_dim3A_189 = vector.broadcast %jit3A_188 : i32 to vector<16xi32>
      %select_n3A_190 = arith.select %and3A_173, %get3A_177, %broadcast_in_dim3A_189 : vector<16xi1>, vector<16xi32>
      %swap3A_191 = arith.constant 64 : index
      %swap3A_192 = tpu.vector_load %arg9[%swap3A_191] {strides = array<i32>} : memref<128xi32, #tpu.memory_space<vmem>>, vector<16xi32>,
      tpu.vector_store %arg9[%swap3A_191], %select_n3A_190 {strides = array<i32>} : memref<128xi32, #tpu.memory_space<vmem>>, vector<16xi32>,
      %iota3A_193 = tpu.iota {dimensions = array<i32: 0>} : vector<16xi32>
      %add3A_194 = vector.broadcast %add3A_47 : i32 to vector<16xi32>
      %add3A_195 = arith.addi %add3A_194, %iota3A_193 : vector<16xi32>
      %add3A_196 = arith.constant 80 : i32
      %add3A_197 = vector.broadcast %add3A_196 : i32 to vector<16xi32>
      %add3A_198 = arith.addi %add3A_195, %add3A_197 : vector<16xi32>
      %ge3A_199 = vector.broadcast %squeeze3A : i32 to vector<16xi32>
      %ge3A_200 = arith.cmpi sge, %add3A_198, %ge3A_199 : vector<16xi32>
      %lt3A_201 = vector.broadcast %squeeze3A_11 : i32 to vector<16xi32>
      %lt3A_202 = arith.cmpi slt, %add3A_198, %lt3A_201 : vector<16xi32>
      %and3A_203 = arith.andi %ge3A_200, %lt3A_202 : vector<16xi1>
      %get3A_204 = arith.constant 80 : index
      %get3A_205 = tpu.vector_load %arg10[%get3A_204] {strides = array<i32>} : memref<128xi32, #tpu.memory_space<vmem>>, vector<16xi32>,
      %get3A_206 = arith.constant 80 : index
      %get3A_207 = tpu.vector_load %arg9[%get3A_206] {strides = array<i32>} : memref<128xi32, #tpu.memory_space<vmem>>, vector<16xi32>,
      %sub3A_208 = vector.broadcast %mul3A_2 : i32 to vector<16xi32>
      %sub3A_209 = arith.subi %get3A_205, %sub3A_208 : vector<16xi32>
      %add3A_210 = vector.broadcast %mul3A_4 : i32 to vector<16xi32>
      %add3A_211 = arith.addi %sub3A_209, %add3A_210 : vector<16xi32>
      %add3A_212 = arith.constant 320 : i32
      %add3A_213 = arith.addi %mul3A_4, %add3A_212 : i32
      %broadcast_in_dim3A_214 = vector.broadcast %add3A_213 : i32 to vector<16xi32>
      %select_n3A_215 = arith.select %and3A_203, %add3A_211, %broadcast_in_dim3A_214 : vector<16xi1>, vector<16xi32>
      %swap3A_216 = arith.constant 80 : index
      %swap3A_217 = tpu.vector_load %arg10[%swap3A_216] {strides = array<i32>} : memref<128xi32, #tpu.memory_space<vmem>>, vector<16xi32>,
      tpu.vector_store %arg10[%swap3A_216], %select_n3A_215 {strides = array<i32>} : memref<128xi32, #tpu.memory_space<vmem>>, vector<16xi32>,
      %jit3A_218 = arith.constant 0 : i32
      %broadcast_in_dim3A_219 = vector.broadcast %jit3A_218 : i32 to vector<16xi32>
      %select_n3A_220 = arith.select %and3A_203, %get3A_207, %broadcast_in_dim3A_219 : vector<16xi1>, vector<16xi32>
      %swap3A_221 = arith.constant 80 : index
      %swap3A_222 = tpu.vector_load %arg9[%swap3A_221] {strides = array<i32>} : memref<128xi32, #tpu.memory_space<vmem>>, vector<16xi32>,
      tpu.vector_store %arg9[%swap3A_221], %select_n3A_220 {strides = array<i32>} : memref<128xi32, #tpu.memory_space<vmem>>, vector<16xi32>,
      %iota3A_223 = tpu.iota {dimensions = array<i32: 0>} : vector<16xi32>
      %add3A_224 = vector.broadcast %add3A_47 : i32 to vector<16xi32>
      %add3A_225 = arith.addi %add3A_224, %iota3A_223 : vector<16xi32>
      %add3A_226 = arith.constant 96 : i32
      %add3A_227 = vector.broadcast %add3A_226 : i32 to vector<16xi32>
      %add3A_228 = arith.addi %add3A_225, %add3A_227 : vector<16xi32>
      %ge3A_229 = vector.broadcast %squeeze3A : i32 to vector<16xi32>
      %ge3A_230 = arith.cmpi sge, %add3A_228, %ge3A_229 : vector<16xi32>
      %lt3A_231 = vector.broadcast %squeeze3A_11 : i32 to vector<16xi32>
      %lt3A_232 = arith.cmpi slt, %add3A_228, %lt3A_231 : vector<16xi32>
      %and3A_233 = arith.andi %ge3A_230, %lt3A_232 : vector<16xi1>
      %get3A_234 = arith.constant 96 : index
      %get3A_235 = tpu.vector_load %arg10[%get3A_234] {strides = array<i32>} : memref<128xi32, #tpu.memory_space<vmem>>, vector<16xi32>,
      %get3A_236 = arith.constant 96 : index
      %get3A_237 = tpu.vector_load %arg9[%get3A_236] {strides = array<i32>} : memref<128xi32, #tpu.memory_space<vmem>>, vector<16xi32>,
      %sub3A_238 = vector.broadcast %mul3A_2 : i32 to vector<16xi32>
      %sub3A_239 = arith.subi %get3A_235, %sub3A_238 : vector<16xi32>
      %add3A_240 = vector.broadcast %mul3A_4 : i32 to vector<16xi32>
      %add3A_241 = arith.addi %sub3A_239, %add3A_240 : vector<16xi32>
      %add3A_242 = arith.constant 320 : i32
      %add3A_243 = arith.addi %mul3A_4, %add3A_242 : i32
      %broadcast_in_dim3A_244 = vector.broadcast %add3A_243 : i32 to vector<16xi32>
      %select_n3A_245 = arith.select %and3A_233, %add3A_241, %broadcast_in_dim3A_244 : vector<16xi1>, vector<16xi32>
      %swap3A_246 = arith.constant 96 : index
      %swap3A_247 = tpu.vector_load %arg10[%swap3A_246] {strides = array<i32>} : memref<128xi32, #tpu.memory_space<vmem>>, vector<16xi32>,
      tpu.vector_store %arg10[%swap3A_246], %select_n3A_245 {strides = array<i32>} : memref<128xi32, #tpu.memory_space<vmem>>, vector<16xi32>,
      %jit3A_248 = arith.constant 0 : i32
      %broadcast_in_dim3A_249 = vector.broadcast %jit3A_248 : i32 to vector<16xi32>
      %select_n3A_250 = arith.select %and3A_233, %get3A_237, %broadcast_in_dim3A_249 : vector<16xi1>, vector<16xi32>
      %swap3A_251 = arith.constant 96 : index
      %swap3A_252 = tpu.vector_load %arg9[%swap3A_251] {strides = array<i32>} : memref<128xi32, #tpu.memory_space<vmem>>, vector<16xi32>,
      tpu.vector_store %arg9[%swap3A_251], %select_n3A_250 {strides = array<i32>} : memref<128xi32, #tpu.memory_space<vmem>>, vector<16xi32>,
      %iota3A_253 = tpu.iota {dimensions = array<i32: 0>} : vector<16xi32>
      %add3A_254 = vector.broadcast %add3A_47 : i32 to vector<16xi32>
      %add3A_255 = arith.addi %add3A_254, %iota3A_253 : vector<16xi32>
      %add3A_256 = arith.constant 112 : i32
      %add3A_257 = vector.broadcast %add3A_256 : i32 to vector<16xi32>
      %add3A_258 = arith.addi %add3A_255, %add3A_257 : vector<16xi32>
      %ge3A_259 = vector.broadcast %squeeze3A : i32 to vector<16xi32>
      %ge3A_260 = arith.cmpi sge, %add3A_258, %ge3A_259 : vector<16xi32>
      %lt3A_261 = vector.broadcast %squeeze3A_11 : i32 to vector<16xi32>
      %lt3A_262 = arith.cmpi slt, %add3A_258, %lt3A_261 : vector<16xi32>
      %and3A_263 = arith.andi %ge3A_260, %lt3A_262 : vector<16xi1>
      %get3A_264 = arith.constant 112 : index
      %get3A_265 = tpu.vector_load %arg10[%get3A_264] {strides = array<i32>} : memref<128xi32, #tpu.memory_space<vmem>>, vector<16xi32>,
      %get3A_266 = arith.constant 112 : index
      %get3A_267 = tpu.vector_load %arg9[%get3A_266] {strides = array<i32>} : memref<128xi32, #tpu.memory_space<vmem>>, vector<16xi32>,
      %sub3A_268 = vector.broadcast %mul3A_2 : i32 to vector<16xi32>
      %sub3A_269 = arith.subi %get3A_265, %sub3A_268 : vector<16xi32>
      %add3A_270 = vector.broadcast %mul3A_4 : i32 to vector<16xi32>
      %add3A_271 = arith.addi %sub3A_269, %add3A_270 : vector<16xi32>
      %add3A_272 = arith.constant 320 : i32
      %add3A_273 = arith.addi %mul3A_4, %add3A_272 : i32
      %broadcast_in_dim3A_274 = vector.broadcast %add3A_273 : i32 to vector<16xi32>
      %select_n3A_275 = arith.select %and3A_263, %add3A_271, %broadcast_in_dim3A_274 : vector<16xi1>, vector<16xi32>
      %swap3A_276 = arith.constant 112 : index
      %swap3A_277 = tpu.vector_load %arg10[%swap3A_276] {strides = array<i32>} : memref<128xi32, #tpu.memory_space<vmem>>, vector<16xi32>,
      tpu.vector_store %arg10[%swap3A_276], %select_n3A_275 {strides = array<i32>} : memref<128xi32, #tpu.memory_space<vmem>>, vector<16xi32>,
      %jit3A_278 = arith.constant 0 : i32
      %broadcast_in_dim3A_279 = vector.broadcast %jit3A_278 : i32 to vector<16xi32>
      %select_n3A_280 = arith.select %and3A_263, %get3A_267, %broadcast_in_dim3A_279 : vector<16xi1>, vector<16xi32>
      %swap3A_281 = arith.constant 112 : index
      %swap3A_282 = tpu.vector_load %arg9[%swap3A_281] {strides = array<i32>} : memref<128xi32, #tpu.memory_space<vmem>>, vector<16xi32>,
      tpu.vector_store %arg9[%swap3A_281], %select_n3A_280 {strides = array<i32>} : memref<128xi32, #tpu.memory_space<vmem>>, vector<16xi32>,
      %dma_start3A = arith.constant 0 : i32
      %dma_start3A_283 = arith.constant 0 : i32
      %dma_start3A_284 = tpu.memref_slice %arg2[%dma_start3A, %dma_start3A_283] : memref<10240x128xf32, #tpu.memory_space<hbm>> -> memref<10240x128xf32, #tpu.memory_space<hbm>>
      tpu.enqueue_indirect_dma source(%dma_start3A_284 : memref<10240x128xf32, #tpu.memory_space<hbm>>) target(%arg13 : memref<128x128xf32, #tpu.memory_space<vmem>>) offsets(%arg9 : memref<128xi32, #tpu.memory_space<vmem>>) semaphore(%arg16 : memref<!tpu.dma_semaphore, #tpu.memory_space<semaphore_mem>>)
      %dma_wait3A = arith.constant 0 : i32
      %dma_wait3A_285 = arith.constant 0 : i32
      %dma_wait3A_286 = tpu.memref_slice %arg2[%dma_wait3A, %dma_wait3A_285] : memref<10240x128xf32, #tpu.memory_space<hbm>> -> memref<10240x128xf32, #tpu.memory_space<hbm>>
      tpu.wait_indirect_dma semaphore(%arg16 : memref<!tpu.dma_semaphore, #tpu.memory_space<semaphore_mem>>) src(%dma_wait3A_286 : memref<10240x128xf32, #tpu.memory_space<hbm>>) dst(%arg13 : memref<128x128xf32, #tpu.memory_space<vmem>>)
      "tpu.region"() ({
        %run_scoped3A = tpu.sem_alloc : memref<!tpu.dma_semaphore, #tpu.memory_space<semaphore_mem>>
        %dma_start3A_287 = arith.constant 0 : i32
        %dma_start3A_288 = arith.constant 0 : i32
        %dma_start3A_289 = tpu.memref_slice %arg15[%dma_start3A_287, %dma_start3A_288] : memref<5248x128xf32, #tpu.memory_space<vmem_shared>> -> memref<5248x128xf32, #tpu.memory_space<vmem_shared>>
        tpu.enqueue_indirect_dma source(%arg13 : memref<128x128xf32, #tpu.memory_space<vmem>>) target(%dma_start3A_289 : memref<5248x128xf32, #tpu.memory_space<vmem_shared>>) offsets(%arg10 : memref<128xi32, #tpu.memory_space<vmem>>) semaphore(%run_scoped3A : memref<!tpu.dma_semaphore, #tpu.memory_space<semaphore_mem>>) {add = true}
        %dma_wait3A_290 = arith.constant 0 : i32
        %dma_wait3A_291 = arith.constant 0 : i32
        %dma_wait3A_292 = tpu.memref_slice %arg15[%dma_wait3A_290, %dma_wait3A_291] : memref<5248x128xf32, #tpu.memory_space<vmem_shared>> -> memref<5248x128xf32, #tpu.memory_space<vmem_shared>>
        tpu.wait_indirect_dma semaphore(%run_scoped3A : memref<!tpu.dma_semaphore, #tpu.memory_space<semaphore_mem>>) src(%arg13 : memref<128x128xf32, #tpu.memory_space<vmem>>) dst(%dma_wait3A_292 : memref<5248x128xf32, #tpu.memory_space<vmem_shared>>)
        tpu.yield
      }) : () -> ()
    }
    %while3A_43 = arith.constant 1 : i32
    scf.for %while3A_44 = %while3A_41 to %while3A_37 step %while3A_43  : i32 {
      %mul3A_45 = arith.constant 128 : i32
      %mul3A_46 = arith.muli %while3A_44, %mul3A_45 : i32
      %add3A_47 = arith.addi %multiple_of3A, %mul3A_46 : i32
      "tpu.region"() ({
        %run_scoped3A = tpu.sem_alloc : memref<!tpu.dma_semaphore, #tpu.memory_space<semaphore_mem>>
        %dma_start3A_287 = tpu.memref_slice %arg3[%add3A_47] : memref<327808xi32, #tpu.memory_space<hbm>> -> memref<128xi32, #tpu.memory_space<hbm>>
        %dma_start3A_288 = tpu.memref_slice %arg3[%add3A_47] : memref<327808xi32, #tpu.memory_space<hbm>> -> memref<128xi32, #tpu.memory_space<hbm>>
        tpu.enqueue_dma source(%dma_start3A_288 : memref<128xi32, #tpu.memory_space<hbm>>) target(%arg9 : memref<128xi32, #tpu.memory_space<vmem>>) target_semaphore(%run_scoped3A : memref<!tpu.dma_semaphore, #tpu.memory_space<semaphore_mem>>)
        %dma_wait3A_289 = tpu.memref_slice %arg3[%add3A_47] : memref<327808xi32, #tpu.memory_space<hbm>> -> memref<128xi32, #tpu.memory_space<hbm>>
        %dma_wait3A_290 = tpu.memref_slice %arg3[%add3A_47] : memref<327808xi32, #tpu.memory_space<hbm>> -> memref<128xi32, #tpu.memory_space<hbm>>
        tpu.wait_dma2 semaphore(%run_scoped3A : memref<!tpu.dma_semaphore, #tpu.memory_space<semaphore_mem>>) src(%dma_wait3A_290 : memref<128xi32, #tpu.memory_space<hbm>>) dst(%arg9 : memref<128xi32, #tpu.memory_space<vmem>>)
        tpu.yield
      }) : () -> ()
      "tpu.region"() ({
        %run_scoped3A = tpu.sem_alloc : memref<!tpu.dma_semaphore, #tpu.memory_space<semaphore_mem>>
        %dma_start3A_287 = tpu.memref_slice %arg4[%add3A_47] : memref<327808xi32, #tpu.memory_space<hbm>> -> memref<128xi32, #tpu.memory_space<hbm>>
        %dma_start3A_288 = tpu.memref_slice %arg4[%add3A_47] : memref<327808xi32, #tpu.memory_space<hbm>> -> memref<128xi32, #tpu.memory_space<hbm>>
        tpu.enqueue_dma source(%dma_start3A_288 : memref<128xi32, #tpu.memory_space<hbm>>) target(%arg10 : memref<128xi32, #tpu.memory_space<vmem>>) target_semaphore(%run_scoped3A : memref<!tpu.dma_semaphore, #tpu.memory_space<semaphore_mem>>)
        %dma_wait3A_289 = tpu.memref_slice %arg4[%add3A_47] : memref<327808xi32, #tpu.memory_space<hbm>> -> memref<128xi32, #tpu.memory_space<hbm>>
        %dma_wait3A_290 = tpu.memref_slice %arg4[%add3A_47] : memref<327808xi32, #tpu.memory_space<hbm>> -> memref<128xi32, #tpu.memory_space<hbm>>
        tpu.wait_dma2 semaphore(%run_scoped3A : memref<!tpu.dma_semaphore, #tpu.memory_space<semaphore_mem>>) src(%dma_wait3A_290 : memref<128xi32, #tpu.memory_space<hbm>>) dst(%arg10 : memref<128xi32, #tpu.memory_space<vmem>>)
        tpu.yield
      }) : () -> ()
      %iota3A = tpu.iota {dimensions = array<i32: 0>} : vector<16xi32>
      %add3A_48 = vector.broadcast %add3A_47 : i32 to vector<16xi32>
      %add3A_49 = arith.addi %add3A_48, %iota3A : vector<16xi32>
      %add3A_50 = arith.constant 0 : i32
      %add3A_51 = vector.broadcast %add3A_50 : i32 to vector<16xi32>
      %add3A_52 = arith.addi %add3A_49, %add3A_51 : vector<16xi32>
      %ge3A = vector.broadcast %squeeze3A : i32 to vector<16xi32>
      %ge3A_53 = arith.cmpi sge, %add3A_52, %ge3A : vector<16xi32>
      %lt3A = vector.broadcast %squeeze3A_11 : i32 to vector<16xi32>
      %lt3A_54 = arith.cmpi slt, %add3A_52, %lt3A : vector<16xi32>
      %and3A_55 = arith.andi %ge3A_53, %lt3A_54 : vector<16xi1>
      %get3A_56 = arith.constant 0 : index
      %get3A_57 = tpu.vector_load %arg10[%get3A_56] {strides = array<i32>} : memref<128xi32, #tpu.memory_space<vmem>>, vector<16xi32>,
      %get3A_58 = arith.constant 0 : index
      %get3A_59 = tpu.vector_load %arg9[%get3A_58] {strides = array<i32>} : memref<128xi32, #tpu.memory_space<vmem>>, vector<16xi32>,
      %sub3A_60 = vector.broadcast %mul3A_2 : i32 to vector<16xi32>
      %sub3A_61 = arith.subi %get3A_57, %sub3A_60 : vector<16xi32>
      %add3A_62 = vector.broadcast %mul3A_4 : i32 to vector<16xi32>
      %add3A_63 = arith.addi %sub3A_61, %add3A_62 : vector<16xi32>
      %add3A_64 = arith.constant 320 : i32
      %add3A_65 = arith.addi %mul3A_4, %add3A_64 : i32
      %broadcast_in_dim3A = vector.broadcast %add3A_65 : i32 to vector<16xi32>
      %select_n3A_66 = arith.select %and3A_55, %add3A_63, %broadcast_in_dim3A : vector<16xi1>, vector<16xi32>
      %swap3A = arith.constant 0 : index
      %swap3A_67 = tpu.vector_load %arg10[%swap3A] {strides = array<i32>} : memref<128xi32, #tpu.memory_space<vmem>>, vector<16xi32>,
      tpu.vector_store %arg10[%swap3A], %select_n3A_66 {strides = array<i32>} : memref<128xi32, #tpu.memory_space<vmem>>, vector<16xi32>,
      %jit3A_68 = arith.constant 0 : i32
      %broadcast_in_dim3A_69 = vector.broadcast %jit3A_68 : i32 to vector<16xi32>
      %select_n3A_70 = arith.select %and3A_55, %get3A_59, %broadcast_in_dim3A_69 : vector<16xi1>, vector<16xi32>
      %swap3A_71 = arith.constant 0 : index
      %swap3A_72 = tpu.vector_load %arg9[%swap3A_71] {strides = array<i32>} : memref<128xi32, #tpu.memory_space<vmem>>, vector<16xi32>,
      tpu.vector_store %arg9[%swap3A_71], %select_n3A_70 {strides = array<i32>} : memref<128xi32, #tpu.memory_space<vmem>>, vector<16xi32>,
      %iota3A_73 = tpu.iota {dimensions = array<i32: 0>} : vector<16xi32>
      %add3A_74 = vector.broadcast %add3A_47 : i32 to vector<16xi32>
      %add3A_75 = arith.addi %add3A_74, %iota3A_73 : vector<16xi32>
      %add3A_76 = arith.constant 16 : i32
      %add3A_77 = vector.broadcast %add3A_76 : i32 to vector<16xi32>
      %add3A_78 = arith.addi %add3A_75, %add3A_77 : vector<16xi32>
      %ge3A_79 = vector.broadcast %squeeze3A : i32 to vector<16xi32>
      %ge3A_80 = arith.cmpi sge, %add3A_78, %ge3A_79 : vector<16xi32>
      %lt3A_81 = vector.broadcast %squeeze3A_11 : i32 to vector<16xi32>
      %lt3A_82 = arith.cmpi slt, %add3A_78, %lt3A_81 : vector<16xi32>
      %and3A_83 = arith.andi %ge3A_80, %lt3A_82 : vector<16xi1>
      %get3A_84 = arith.constant 16 : index
      %get3A_85 = tpu.vector_load %arg10[%get3A_84] {strides = array<i32>} : memref<128xi32, #tpu.memory_space<vmem>>, vector<16xi32>,
      %get3A_86 = arith.constant 16 : index
      %get3A_87 = tpu.vector_load %arg9[%get3A_86] {strides = array<i32>} : memref<128xi32, #tpu.memory_space<vmem>>, vector<16xi32>,
      %sub3A_88 = vector.broadcast %mul3A_2 : i32 to vector<16xi32>
      %sub3A_89 = arith.subi %get3A_85, %sub3A_88 : vector<16xi32>
      %add3A_90 = vector.broadcast %mul3A_4 : i32 to vector<16xi32>
      %add3A_91 = arith.addi %sub3A_89, %add3A_90 : vector<16xi32>
      %add3A_92 = arith.constant 320 : i32
      %add3A_93 = arith.addi %mul3A_4, %add3A_92 : i32
      %broadcast_in_dim3A_94 = vector.broadcast %add3A_93 : i32 to vector<16xi32>
      %select_n3A_95 = arith.select %and3A_83, %add3A_91, %broadcast_in_dim3A_94 : vector<16xi1>, vector<16xi32>
      %swap3A_96 = arith.constant 16 : index
      %swap3A_97 = tpu.vector_load %arg10[%swap3A_96] {strides = array<i32>} : memref<128xi32, #tpu.memory_space<vmem>>, vector<16xi32>,
      tpu.vector_store %arg10[%swap3A_96], %select_n3A_95 {strides = array<i32>} : memref<128xi32, #tpu.memory_space<vmem>>, vector<16xi32>,
      %jit3A_98 = arith.constant 0 : i32
      %broadcast_in_dim3A_99 = vector.broadcast %jit3A_98 : i32 to vector<16xi32>
      %select_n3A_100 = arith.select %and3A_83, %get3A_87, %broadcast_in_dim3A_99 : vector<16xi1>, vector<16xi32>
      %swap3A_101 = arith.constant 16 : index
      %swap3A_102 = tpu.vector_load %arg9[%swap3A_101] {strides = array<i32>} : memref<128xi32, #tpu.memory_space<vmem>>, vector<16xi32>,
      tpu.vector_store %arg9[%swap3A_101], %select_n3A_100 {strides = array<i32>} : memref<128xi32, #tpu.memory_space<vmem>>, vector<16xi32>,
      %iota3A_103 = tpu.iota {dimensions = array<i32: 0>} : vector<16xi32>
      %add3A_104 = vector.broadcast %add3A_47 : i32 to vector<16xi32>
      %add3A_105 = arith.addi %add3A_104, %iota3A_103 : vector<16xi32>
      %add3A_106 = arith.constant 32 : i32
      %add3A_107 = vector.broadcast %add3A_106 : i32 to vector<16xi32>
      %add3A_108 = arith.addi %add3A_105, %add3A_107 : vector<16xi32>
      %ge3A_109 = vector.broadcast %squeeze3A : i32 to vector<16xi32>
      %ge3A_110 = arith.cmpi sge, %add3A_108, %ge3A_109 : vector<16xi32>
      %lt3A_111 = vector.broadcast %squeeze3A_11 : i32 to vector<16xi32>
      %lt3A_112 = arith.cmpi slt, %add3A_108, %lt3A_111 : vector<16xi32>
      %and3A_113 = arith.andi %ge3A_110, %lt3A_112 : vector<16xi1>
      %get3A_114 = arith.constant 32 : index
      %get3A_115 = tpu.vector_load %arg10[%get3A_114] {strides = array<i32>} : memref<128xi32, #tpu.memory_space<vmem>>, vector<16xi32>,
      %get3A_116 = arith.constant 32 : index
      %get3A_117 = tpu.vector_load %arg9[%get3A_116] {strides = array<i32>} : memref<128xi32, #tpu.memory_space<vmem>>, vector<16xi32>,
      %sub3A_118 = vector.broadcast %mul3A_2 : i32 to vector<16xi32>
      %sub3A_119 = arith.subi %get3A_115, %sub3A_118 : vector<16xi32>
      %add3A_120 = vector.broadcast %mul3A_4 : i32 to vector<16xi32>
      %add3A_121 = arith.addi %sub3A_119, %add3A_120 : vector<16xi32>
      %add3A_122 = arith.constant 320 : i32
      %add3A_123 = arith.addi %mul3A_4, %add3A_122 : i32
      %broadcast_in_dim3A_124 = vector.broadcast %add3A_123 : i32 to vector<16xi32>
      %select_n3A_125 = arith.select %and3A_113, %add3A_121, %broadcast_in_dim3A_124 : vector<16xi1>, vector<16xi32>
      %swap3A_126 = arith.constant 32 : index
      %swap3A_127 = tpu.vector_load %arg10[%swap3A_126] {strides = array<i32>} : memref<128xi32, #tpu.memory_space<vmem>>, vector<16xi32>,
      tpu.vector_store %arg10[%swap3A_126], %select_n3A_125 {strides = array<i32>} : memref<128xi32, #tpu.memory_space<vmem>>, vector<16xi32>,
      %jit3A_128 = arith.constant 0 : i32
      %broadcast_in_dim3A_129 = vector.broadcast %jit3A_128 : i32 to vector<16xi32>
      %select_n3A_130 = arith.select %and3A_113, %get3A_117, %broadcast_in_dim3A_129 : vector<16xi1>, vector<16xi32>
      %swap3A_131 = arith.constant 32 : index
      %swap3A_132 = tpu.vector_load %arg9[%swap3A_131] {strides = array<i32>} : memref<128xi32, #tpu.memory_space<vmem>>, vector<16xi32>,
      tpu.vector_store %arg9[%swap3A_131], %select_n3A_130 {strides = array<i32>} : memref<128xi32, #tpu.memory_space<vmem>>, vector<16xi32>,
      %iota3A_133 = tpu.iota {dimensions = array<i32: 0>} : vector<16xi32>
      %add3A_134 = vector.broadcast %add3A_47 : i32 to vector<16xi32>
      %add3A_135 = arith.addi %add3A_134, %iota3A_133 : vector<16xi32>
      %add3A_136 = arith.constant 48 : i32
      %add3A_137 = vector.broadcast %add3A_136 : i32 to vector<16xi32>
      %add3A_138 = arith.addi %add3A_135, %add3A_137 : vector<16xi32>
      %ge3A_139 = vector.broadcast %squeeze3A : i32 to vector<16xi32>
      %ge3A_140 = arith.cmpi sge, %add3A_138, %ge3A_139 : vector<16xi32>
      %lt3A_141 = vector.broadcast %squeeze3A_11 : i32 to vector<16xi32>
      %lt3A_142 = arith.cmpi slt, %add3A_138, %lt3A_141 : vector<16xi32>
      %and3A_143 = arith.andi %ge3A_140, %lt3A_142 : vector<16xi1>
      %get3A_144 = arith.constant 48 : index
      %get3A_145 = tpu.vector_load %arg10[%get3A_144] {strides = array<i32>} : memref<128xi32, #tpu.memory_space<vmem>>, vector<16xi32>,
      %get3A_146 = arith.constant 48 : index
      %get3A_147 = tpu.vector_load %arg9[%get3A_146] {strides = array<i32>} : memref<128xi32, #tpu.memory_space<vmem>>, vector<16xi32>,
      %sub3A_148 = vector.broadcast %mul3A_2 : i32 to vector<16xi32>
      %sub3A_149 = arith.subi %get3A_145, %sub3A_148 : vector<16xi32>
      %add3A_150 = vector.broadcast %mul3A_4 : i32 to vector<16xi32>
      %add3A_151 = arith.addi %sub3A_149, %add3A_150 : vector<16xi32>
      %add3A_152 = arith.constant 320 : i32
      %add3A_153 = arith.addi %mul3A_4, %add3A_152 : i32
      %broadcast_in_dim3A_154 = vector.broadcast %add3A_153 : i32 to vector<16xi32>
      %select_n3A_155 = arith.select %and3A_143, %add3A_151, %broadcast_in_dim3A_154 : vector<16xi1>, vector<16xi32>
      %swap3A_156 = arith.constant 48 : index
      %swap3A_157 = tpu.vector_load %arg10[%swap3A_156] {strides = array<i32>} : memref<128xi32, #tpu.memory_space<vmem>>, vector<16xi32>,
      tpu.vector_store %arg10[%swap3A_156], %select_n3A_155 {strides = array<i32>} : memref<128xi32, #tpu.memory_space<vmem>>, vector<16xi32>,
      %jit3A_158 = arith.constant 0 : i32
      %broadcast_in_dim3A_159 = vector.broadcast %jit3A_158 : i32 to vector<16xi32>
      %select_n3A_160 = arith.select %and3A_143, %get3A_147, %broadcast_in_dim3A_159 : vector<16xi1>, vector<16xi32>
      %swap3A_161 = arith.constant 48 : index
      %swap3A_162 = tpu.vector_load %arg9[%swap3A_161] {strides = array<i32>} : memref<128xi32, #tpu.memory_space<vmem>>, vector<16xi32>,
      tpu.vector_store %arg9[%swap3A_161], %select_n3A_160 {strides = array<i32>} : memref<128xi32, #tpu.memory_space<vmem>>, vector<16xi32>,
      %iota3A_163 = tpu.iota {dimensions = array<i32: 0>} : vector<16xi32>
      %add3A_164 = vector.broadcast %add3A_47 : i32 to vector<16xi32>
      %add3A_165 = arith.addi %add3A_164, %iota3A_163 : vector<16xi32>
      %add3A_166 = arith.constant 64 : i32
      %add3A_167 = vector.broadcast %add3A_166 : i32 to vector<16xi32>
      %add3A_168 = arith.addi %add3A_165, %add3A_167 : vector<16xi32>
      %ge3A_169 = vector.broadcast %squeeze3A : i32 to vector<16xi32>
      %ge3A_170 = arith.cmpi sge, %add3A_168, %ge3A_169 : vector<16xi32>
      %lt3A_171 = vector.broadcast %squeeze3A_11 : i32 to vector<16xi32>
      %lt3A_172 = arith.cmpi slt, %add3A_168, %lt3A_171 : vector<16xi32>
      %and3A_173 = arith.andi %ge3A_170, %lt3A_172 : vector<16xi1>
      %get3A_174 = arith.constant 64 : index
      %get3A_175 = tpu.vector_load %arg10[%get3A_174] {strides = array<i32>} : memref<128xi32, #tpu.memory_space<vmem>>, vector<16xi32>,
      %get3A_176 = arith.constant 64 : index
      %get3A_177 = tpu.vector_load %arg9[%get3A_176] {strides = array<i32>} : memref<128xi32, #tpu.memory_space<vmem>>, vector<16xi32>,
      %sub3A_178 = vector.broadcast %mul3A_2 : i32 to vector<16xi32>
      %sub3A_179 = arith.subi %get3A_175, %sub3A_178 : vector<16xi32>
      %add3A_180 = vector.broadcast %mul3A_4 : i32 to vector<16xi32>
      %add3A_181 = arith.addi %sub3A_179, %add3A_180 : vector<16xi32>
      %add3A_182 = arith.constant 320 : i32
      %add3A_183 = arith.addi %mul3A_4, %add3A_182 : i32
      %broadcast_in_dim3A_184 = vector.broadcast %add3A_183 : i32 to vector<16xi32>
      %select_n3A_185 = arith.select %and3A_173, %add3A_181, %broadcast_in_dim3A_184 : vector<16xi1>, vector<16xi32>
      %swap3A_186 = arith.constant 64 : index
      %swap3A_187 = tpu.vector_load %arg10[%swap3A_186] {strides = array<i32>} : memref<128xi32, #tpu.memory_space<vmem>>, vector<16xi32>,
      tpu.vector_store %arg10[%swap3A_186], %select_n3A_185 {strides = array<i32>} : memref<128xi32, #tpu.memory_space<vmem>>, vector<16xi32>,
      %jit3A_188 = arith.constant 0 : i32
      %broadcast_in_dim3A_189 = vector.broadcast %jit3A_188 : i32 to vector<16xi32>
      %select_n3A_190 = arith.select %and3A_173, %get3A_177, %broadcast_in_dim3A_189 : vector<16xi1>, vector<16xi32>
      %swap3A_191 = arith.constant 64 : index
      %swap3A_192 = tpu.vector_load %arg9[%swap3A_191] {strides = array<i32>} : memref<128xi32, #tpu.memory_space<vmem>>, vector<16xi32>,
      tpu.vector_store %arg9[%swap3A_191], %select_n3A_190 {strides = array<i32>} : memref<128xi32, #tpu.memory_space<vmem>>, vector<16xi32>,
      %iota3A_193 = tpu.iota {dimensions = array<i32: 0>} : vector<16xi32>
      %add3A_194 = vector.broadcast %add3A_47 : i32 to vector<16xi32>
      %add3A_195 = arith.addi %add3A_194, %iota3A_193 : vector<16xi32>
      %add3A_196 = arith.constant 80 : i32
      %add3A_197 = vector.broadcast %add3A_196 : i32 to vector<16xi32>
      %add3A_198 = arith.addi %add3A_195, %add3A_197 : vector<16xi32>
      %ge3A_199 = vector.broadcast %squeeze3A : i32 to vector<16xi32>
      %ge3A_200 = arith.cmpi sge, %add3A_198, %ge3A_199 : vector<16xi32>
      %lt3A_201 = vector.broadcast %squeeze3A_11 : i32 to vector<16xi32>
      %lt3A_202 = arith.cmpi slt, %add3A_198, %lt3A_201 : vector<16xi32>
      %and3A_203 = arith.andi %ge3A_200, %lt3A_202 : vector<16xi1>
      %get3A_204 = arith.constant 80 : index
      %get3A_205 = tpu.vector_load %arg10[%get3A_204] {strides = array<i32>} : memref<128xi32, #tpu.memory_space<vmem>>, vector<16xi32>,
      %get3A_206 = arith.constant 80 : index
      %get3A_207 = tpu.vector_load %arg9[%get3A_206] {strides = array<i32>} : memref<128xi32, #tpu.memory_space<vmem>>, vector<16xi32>,
      %sub3A_208 = vector.broadcast %mul3A_2 : i32 to vector<16xi32>
      %sub3A_209 = arith.subi %get3A_205, %sub3A_208 : vector<16xi32>
      %add3A_210 = vector.broadcast %mul3A_4 : i32 to vector<16xi32>
      %add3A_211 = arith.addi %sub3A_209, %add3A_210 : vector<16xi32>
      %add3A_212 = arith.constant 320 : i32
      %add3A_213 = arith.addi %mul3A_4, %add3A_212 : i32
      %broadcast_in_dim3A_214 = vector.broadcast %add3A_213 : i32 to vector<16xi32>
      %select_n3A_215 = arith.select %and3A_203, %add3A_211, %broadcast_in_dim3A_214 : vector<16xi1>, vector<16xi32>
      %swap3A_216 = arith.constant 80 : index
      %swap3A_217 = tpu.vector_load %arg10[%swap3A_216] {strides = array<i32>} : memref<128xi32, #tpu.memory_space<vmem>>, vector<16xi32>,
      tpu.vector_store %arg10[%swap3A_216], %select_n3A_215 {strides = array<i32>} : memref<128xi32, #tpu.memory_space<vmem>>, vector<16xi32>,
      %jit3A_218 = arith.constant 0 : i32
      %broadcast_in_dim3A_219 = vector.broadcast %jit3A_218 : i32 to vector<16xi32>
      %select_n3A_220 = arith.select %and3A_203, %get3A_207, %broadcast_in_dim3A_219 : vector<16xi1>, vector<16xi32>
      %swap3A_221 = arith.constant 80 : index
      %swap3A_222 = tpu.vector_load %arg9[%swap3A_221] {strides = array<i32>} : memref<128xi32, #tpu.memory_space<vmem>>, vector<16xi32>,
      tpu.vector_store %arg9[%swap3A_221], %select_n3A_220 {strides = array<i32>} : memref<128xi32, #tpu.memory_space<vmem>>, vector<16xi32>,
      %iota3A_223 = tpu.iota {dimensions = array<i32: 0>} : vector<16xi32>
      %add3A_224 = vector.broadcast %add3A_47 : i32 to vector<16xi32>
      %add3A_225 = arith.addi %add3A_224, %iota3A_223 : vector<16xi32>
      %add3A_226 = arith.constant 96 : i32
      %add3A_227 = vector.broadcast %add3A_226 : i32 to vector<16xi32>
      %add3A_228 = arith.addi %add3A_225, %add3A_227 : vector<16xi32>
      %ge3A_229 = vector.broadcast %squeeze3A : i32 to vector<16xi32>
      %ge3A_230 = arith.cmpi sge, %add3A_228, %ge3A_229 : vector<16xi32>
      %lt3A_231 = vector.broadcast %squeeze3A_11 : i32 to vector<16xi32>
      %lt3A_232 = arith.cmpi slt, %add3A_228, %lt3A_231 : vector<16xi32>
      %and3A_233 = arith.andi %ge3A_230, %lt3A_232 : vector<16xi1>
      %get3A_234 = arith.constant 96 : index
      %get3A_235 = tpu.vector_load %arg10[%get3A_234] {strides = array<i32>} : memref<128xi32, #tpu.memory_space<vmem>>, vector<16xi32>,
      %get3A_236 = arith.constant 96 : index
      %get3A_237 = tpu.vector_load %arg9[%get3A_236] {strides = array<i32>} : memref<128xi32, #tpu.memory_space<vmem>>, vector<16xi32>,
      %sub3A_238 = vector.broadcast %mul3A_2 : i32 to vector<16xi32>
      %sub3A_239 = arith.subi %get3A_235, %sub3A_238 : vector<16xi32>
      %add3A_240 = vector.broadcast %mul3A_4 : i32 to vector<16xi32>
      %add3A_241 = arith.addi %sub3A_239, %add3A_240 : vector<16xi32>
      %add3A_242 = arith.constant 320 : i32
      %add3A_243 = arith.addi %mul3A_4, %add3A_242 : i32
      %broadcast_in_dim3A_244 = vector.broadcast %add3A_243 : i32 to vector<16xi32>
      %select_n3A_245 = arith.select %and3A_233, %add3A_241, %broadcast_in_dim3A_244 : vector<16xi1>, vector<16xi32>
      %swap3A_246 = arith.constant 96 : index
      %swap3A_247 = tpu.vector_load %arg10[%swap3A_246] {strides = array<i32>} : memref<128xi32, #tpu.memory_space<vmem>>, vector<16xi32>,
      tpu.vector_store %arg10[%swap3A_246], %select_n3A_245 {strides = array<i32>} : memref<128xi32, #tpu.memory_space<vmem>>, vector<16xi32>,
      %jit3A_248 = arith.constant 0 : i32
      %broadcast_in_dim3A_249 = vector.broadcast %jit3A_248 : i32 to vector<16xi32>
      %select_n3A_250 = arith.select %and3A_233, %get3A_237, %broadcast_in_dim3A_249 : vector<16xi1>, vector<16xi32>
      %swap3A_251 = arith.constant 96 : index
      %swap3A_252 = tpu.vector_load %arg9[%swap3A_251] {strides = array<i32>} : memref<128xi32, #tpu.memory_space<vmem>>, vector<16xi32>,
      tpu.vector_store %arg9[%swap3A_251], %select_n3A_250 {strides = array<i32>} : memref<128xi32, #tpu.memory_space<vmem>>, vector<16xi32>,
      %iota3A_253 = tpu.iota {dimensions = array<i32: 0>} : vector<16xi32>
      %add3A_254 = vector.broadcast %add3A_47 : i32 to vector<16xi32>
      %add3A_255 = arith.addi %add3A_254, %iota3A_253 : vector<16xi32>
      %add3A_256 = arith.constant 112 : i32
      %add3A_257 = vector.broadcast %add3A_256 : i32 to vector<16xi32>
      %add3A_258 = arith.addi %add3A_255, %add3A_257 : vector<16xi32>
      %ge3A_259 = vector.broadcast %squeeze3A : i32 to vector<16xi32>
      %ge3A_260 = arith.cmpi sge, %add3A_258, %ge3A_259 : vector<16xi32>
      %lt3A_261 = vector.broadcast %squeeze3A_11 : i32 to vector<16xi32>
      %lt3A_262 = arith.cmpi slt, %add3A_258, %lt3A_261 : vector<16xi32>
      %and3A_263 = arith.andi %ge3A_260, %lt3A_262 : vector<16xi1>
      %get3A_264 = arith.constant 112 : index
      %get3A_265 = tpu.vector_load %arg10[%get3A_264] {strides = array<i32>} : memref<128xi32, #tpu.memory_space<vmem>>, vector<16xi32>,
      %get3A_266 = arith.constant 112 : index
      %get3A_267 = tpu.vector_load %arg9[%get3A_266] {strides = array<i32>} : memref<128xi32, #tpu.memory_space<vmem>>, vector<16xi32>,
      %sub3A_268 = vector.broadcast %mul3A_2 : i32 to vector<16xi32>
      %sub3A_269 = arith.subi %get3A_265, %sub3A_268 : vector<16xi32>
      %add3A_270 = vector.broadcast %mul3A_4 : i32 to vector<16xi32>
      %add3A_271 = arith.addi %sub3A_269, %add3A_270 : vector<16xi32>
      %add3A_272 = arith.constant 320 : i32
      %add3A_273 = arith.addi %mul3A_4, %add3A_272 : i32
      %broadcast_in_dim3A_274 = vector.broadcast %add3A_273 : i32 to vector<16xi32>
      %select_n3A_275 = arith.select %and3A_263, %add3A_271, %broadcast_in_dim3A_274 : vector<16xi1>, vector<16xi32>
      %swap3A_276 = arith.constant 112 : index
      %swap3A_277 = tpu.vector_load %arg10[%swap3A_276] {strides = array<i32>} : memref<128xi32, #tpu.memory_space<vmem>>, vector<16xi32>,
      tpu.vector_store %arg10[%swap3A_276], %select_n3A_275 {strides = array<i32>} : memref<128xi32, #tpu.memory_space<vmem>>, vector<16xi32>,
      %jit3A_278 = arith.constant 0 : i32
      %broadcast_in_dim3A_279 = vector.broadcast %jit3A_278 : i32 to vector<16xi32>
      %select_n3A_280 = arith.select %and3A_263, %get3A_267, %broadcast_in_dim3A_279 : vector<16xi1>, vector<16xi32>
      %swap3A_281 = arith.constant 112 : index
      %swap3A_282 = tpu.vector_load %arg9[%swap3A_281] {strides = array<i32>} : memref<128xi32, #tpu.memory_space<vmem>>, vector<16xi32>,
      tpu.vector_store %arg9[%swap3A_281], %select_n3A_280 {strides = array<i32>} : memref<128xi32, #tpu.memory_space<vmem>>, vector<16xi32>,
      %dma_start3A = arith.constant 0 : i32
      %dma_start3A_283 = arith.constant 0 : i32
      %dma_start3A_284 = tpu.memref_slice %arg2[%dma_start3A, %dma_start3A_283] : memref<10240x128xf32, #tpu.memory_space<hbm>> -> memref<10240x128xf32, #tpu.memory_space<hbm>>
      tpu.enqueue_indirect_dma source(%dma_start3A_284 : memref<10240x128xf32, #tpu.memory_space<hbm>>) target(%arg13 : memref<128x128xf32, #tpu.memory_space<vmem>>) offsets(%arg9 : memref<128xi32, #tpu.memory_space<vmem>>) semaphore(%arg16 : memref<!tpu.dma_semaphore, #tpu.memory_space<semaphore_mem>>)
      %dma_wait3A = arith.constant 0 : i32
      %dma_wait3A_285 = arith.constant 0 : i32
      %dma_wait3A_286 = tpu.memref_slice %arg2[%dma_wait3A, %dma_wait3A_285] : memref<10240x128xf32, #tpu.memory_space<hbm>> -> memref<10240x128xf32, #tpu.memory_space<hbm>>
      tpu.wait_indirect_dma semaphore(%arg16 : memref<!tpu.dma_semaphore, #tpu.memory_space<semaphore_mem>>) src(%dma_wait3A_286 : memref<10240x128xf32, #tpu.memory_space<hbm>>) dst(%arg13 : memref<128x128xf32, #tpu.memory_space<vmem>>)
      "tpu.region"() ({
        %run_scoped3A = tpu.sem_alloc : memref<!tpu.dma_semaphore, #tpu.memory_space<semaphore_mem>>
        %dma_start3A_287 = arith.constant 0 : i32
        %dma_start3A_288 = arith.constant 0 : i32
        %dma_start3A_289 = tpu.memref_slice %arg15[%dma_start3A_287, %dma_start3A_288] : memref<5248x128xf32, #tpu.memory_space<vmem_shared>> -> memref<5248x128xf32, #tpu.memory_space<vmem_shared>>
        tpu.enqueue_indirect_dma source(%arg13 : memref<128x128xf32, #tpu.memory_space<vmem>>) target(%dma_start3A_289 : memref<5248x128xf32, #tpu.memory_space<vmem_shared>>) offsets(%arg10 : memref<128xi32, #tpu.memory_space<vmem>>) semaphore(%run_scoped3A : memref<!tpu.dma_semaphore, #tpu.memory_space<semaphore_mem>>) {add = true}
        %dma_wait3A_290 = arith.constant 0 : i32
        %dma_wait3A_291 = arith.constant 0 : i32
        %dma_wait3A_292 = tpu.memref_slice %arg15[%dma_wait3A_290, %dma_wait3A_291] : memref<5248x128xf32, #tpu.memory_space<vmem_shared>> -> memref<5248x128xf32, #tpu.memory_space<vmem_shared>>
        tpu.wait_indirect_dma semaphore(%run_scoped3A : memref<!tpu.dma_semaphore, #tpu.memory_space<semaphore_mem>>) src(%arg13 : memref<128x128xf32, #tpu.memory_space<vmem>>) dst(%dma_wait3A_292 : memref<5248x128xf32, #tpu.memory_space<vmem_shared>>)
        tpu.yield
      }) : () -> ()
    }
    "tpu.region"() ({
      %run_scoped3A = tpu.sem_alloc : memref<!tpu.dma_semaphore, #tpu.memory_space<semaphore_mem>>
      %dma_start3A = arith.constant 0 : i32
      %dma_start3A_44 = tpu.memref_slice %arg7[%mul3A_2, %dma_start3A] : memref<10240x128xf32, #tpu.memory_space<hbm>> -> memref<320x128xf32, #tpu.memory_space<hbm>>
      %dma_start3A_45 = arith.constant 0 : i32
      %dma_start3A_46 = tpu.memref_slice %arg15[%mul3A_4, %dma_start3A_45] : memref<5248x128xf32, #tpu.memory_space<vmem_shared>> -> memref<320x128xf32, #tpu.memory_space<vmem_shared>>
      tpu.enqueue_dma source(%dma_start3A_46 : memref<320x128xf32, #tpu.memory_space<vmem_shared>>) target(%dma_start3A_44 : memref<320x128xf32, #tpu.memory_space<hbm>>) target_semaphore(%run_scoped3A : memref<!tpu.dma_semaphore, #tpu.memory_space<semaphore_mem>>)
      %dma_wait3A = arith.constant 0 : i32
      %dma_wait3A_47 = tpu.memref_slice %arg7[%mul3A_2, %dma_wait3A] : memref<10240x128xf32, #tpu.memory_space<hbm>> -> memref<320x128xf32, #tpu.memory_space<hbm>>
      %dma_wait3A_48 = arith.constant 0 : i32
      %dma_wait3A_49 = tpu.memref_slice %arg15[%mul3A_4, %dma_wait3A_48] : memref<5248x128xf32, #tpu.memory_space<vmem_shared>> -> memref<320x128xf32, #tpu.memory_space<vmem_shared>>
      tpu.wait_dma2 semaphore(%run_scoped3A : memref<!tpu.dma_semaphore, #tpu.memory_space<semaphore_mem>>) src(%dma_wait3A_49 : memref<320x128xf32, #tpu.memory_space<vmem_shared>>) dst(%dma_wait3A_47 : memref<320x128xf32, #tpu.memory_space<hbm>>)
      tpu.yield
    }) : () -> ()
    return
  }
}

#map = affine_map<(d0, d1) -> (0, 0)>
#map1 = affine_map<(d0, d1) -> (0, 0, 0)>
module attributes {stable_mosaic.version = 14 : i64} {
  func.func @k(%arg0: i32, %arg1: i32, %arg2: memref<10240x128xf32, #tpu.memory_space<hbm>>, %arg3: memref<32x4x80xi32, #tpu.memory_space<hbm>>, %arg4: memref<10240x128xf32, #tpu.memory_space<hbm>>, %arg5: memref<4x80xi32, #tpu.memory_space<vmem>>, %arg6: memref<320x128xf32, #tpu.memory_space<vmem>>, %arg7: memref<!tpu.dma_semaphore, #tpu.memory_space<semaphore_mem>>) attributes {dimension_semantics = [#tpu.dimension_semantics<core_parallel>, #tpu.dimension_semantics<subcore_parallel>], iteration_bounds = array<i64: 2, 16>, scalar_prefetch = 0 : i64, scratch_operands = 3 : i64, tpu.core_type = #tpu.core_type<sc_vector_subcore>, window_params = [{transform_indices = #map}, {transform_indices = #map1}, {transform_indices = #map}]} {
    %mul3A = arith.constant 16 : i32
    %mul3A_0 = arith.muli %arg0, %mul3A : i32
    %add3A = arith.addi %mul3A_0, %arg1 : i32
    %mul3A_1 = arith.constant 320 : i32
    %mul3A_2 = arith.muli %add3A, %mul3A_1 : i32
    "tpu.region"() ({
      %run_scoped3A = tpu.sem_alloc : memref<!tpu.dma_semaphore, #tpu.memory_space<semaphore_mem>>
      %dma_start3A_81 = arith.constant 0 : i32
      %dma_start3A_82 = arith.constant 0 : i32
      %dma_start3A_83 = tpu.memref_slice %arg3[%add3A, %dma_start3A_81, %dma_start3A_82] : memref<32x4x80xi32, #tpu.memory_space<hbm>> -> memref<1x4x80xi32, #tpu.memory_space<hbm>>
      %dma_start3A_84 = tpu.memref_squeeze %dma_start3A_83 : memref<1x4x80xi32, #tpu.memory_space<hbm>> -> memref<4x80xi32, #tpu.memory_space<hbm>>
      %dma_start3A_85 = arith.constant 0 : i32
      %dma_start3A_86 = arith.constant 0 : i32
      %dma_start3A_87 = tpu.memref_slice %arg3[%add3A, %dma_start3A_85, %dma_start3A_86] : memref<32x4x80xi32, #tpu.memory_space<hbm>> -> memref<1x4x80xi32, #tpu.memory_space<hbm>>
      %dma_start3A_88 = tpu.memref_squeeze %dma_start3A_87 : memref<1x4x80xi32, #tpu.memory_space<hbm>> -> memref<4x80xi32, #tpu.memory_space<hbm>>
      tpu.enqueue_dma source(%dma_start3A_88 : memref<4x80xi32, #tpu.memory_space<hbm>>) target(%arg5 : memref<4x80xi32, #tpu.memory_space<vmem>>) target_semaphore(%run_scoped3A : memref<!tpu.dma_semaphore, #tpu.memory_space<semaphore_mem>>)
      %dma_wait3A_89 = arith.constant 0 : i32
      %dma_wait3A_90 = arith.constant 0 : i32
      %dma_wait3A_91 = tpu.memref_slice %arg3[%add3A, %dma_wait3A_89, %dma_wait3A_90] : memref<32x4x80xi32, #tpu.memory_space<hbm>> -> memref<1x4x80xi32, #tpu.memory_space<hbm>>
      %dma_wait3A_92 = tpu.memref_squeeze %dma_wait3A_91 : memref<1x4x80xi32, #tpu.memory_space<hbm>> -> memref<4x80xi32, #tpu.memory_space<hbm>>
      %dma_wait3A_93 = arith.constant 0 : i32
      %dma_wait3A_94 = arith.constant 0 : i32
      %dma_wait3A_95 = tpu.memref_slice %arg3[%add3A, %dma_wait3A_93, %dma_wait3A_94] : memref<32x4x80xi32, #tpu.memory_space<hbm>> -> memref<1x4x80xi32, #tpu.memory_space<hbm>>
      %dma_wait3A_96 = tpu.memref_squeeze %dma_wait3A_95 : memref<1x4x80xi32, #tpu.memory_space<hbm>> -> memref<4x80xi32, #tpu.memory_space<hbm>>
      tpu.wait_dma2 semaphore(%run_scoped3A : memref<!tpu.dma_semaphore, #tpu.memory_space<semaphore_mem>>) src(%dma_wait3A_96 : memref<4x80xi32, #tpu.memory_space<hbm>>) dst(%arg5 : memref<4x80xi32, #tpu.memory_space<vmem>>)
      tpu.yield
    }) : () -> ()
    "tpu.region"() ({
      %run_scoped3A = tpu.sem_alloc : memref<!tpu.dma_semaphore, #tpu.memory_space<semaphore_mem>>
      %dma_start3A_81 = arith.constant 0 : i32
      %dma_start3A_82 = tpu.memref_slice %arg2[%mul3A_2, %dma_start3A_81] : memref<10240x128xf32, #tpu.memory_space<hbm>> -> memref<320x128xf32, #tpu.memory_space<hbm>>
      %dma_start3A_83 = arith.constant 0 : i32
      %dma_start3A_84 = tpu.memref_slice %arg2[%mul3A_2, %dma_start3A_83] : memref<10240x128xf32, #tpu.memory_space<hbm>> -> memref<320x128xf32, #tpu.memory_space<hbm>>
      tpu.enqueue_dma source(%dma_start3A_84 : memref<320x128xf32, #tpu.memory_space<hbm>>) target(%arg6 : memref<320x128xf32, #tpu.memory_space<vmem>>) target_semaphore(%run_scoped3A : memref<!tpu.dma_semaphore, #tpu.memory_space<semaphore_mem>>)
      %dma_wait3A_85 = arith.constant 0 : i32
      %dma_wait3A_86 = tpu.memref_slice %arg2[%mul3A_2, %dma_wait3A_85] : memref<10240x128xf32, #tpu.memory_space<hbm>> -> memref<320x128xf32, #tpu.memory_space<hbm>>
      %dma_wait3A_87 = arith.constant 0 : i32
      %dma_wait3A_88 = tpu.memref_slice %arg2[%mul3A_2, %dma_wait3A_87] : memref<10240x128xf32, #tpu.memory_space<hbm>> -> memref<320x128xf32, #tpu.memory_space<hbm>>
      tpu.wait_dma2 semaphore(%run_scoped3A : memref<!tpu.dma_semaphore, #tpu.memory_space<semaphore_mem>>) src(%dma_wait3A_88 : memref<320x128xf32, #tpu.memory_space<hbm>>) dst(%arg6 : memref<320x128xf32, #tpu.memory_space<vmem>>)
      tpu.yield
    }) : () -> ()
    %dma_start3A = arith.constant 0 : i32
    %dma_start3A_3 = arith.constant 0 : i32
    %dma_start3A_4 = arith.constant 0 : i32
    %dma_start3A_5 = tpu.memref_slice %arg6[%dma_start3A_3, %dma_start3A_4] : memref<320x128xf32, #tpu.memory_space<vmem>> -> memref<80x128xf32, #tpu.memory_space<vmem>>
    %dma_start3A_6 = arith.constant 0 : i32
    %dma_start3A_7 = tpu.memref_slice %arg5[%dma_start3A, %dma_start3A_6] : memref<4x80xi32, #tpu.memory_space<vmem>> -> memref<1x80xi32, #tpu.memory_space<vmem>>
    %dma_start3A_8 = tpu.memref_squeeze %dma_start3A_7 : memref<1x80xi32, #tpu.memory_space<vmem>> -> memref<80xi32, #tpu.memory_space<vmem>>
    %dma_start3A_9 = arith.constant 0 : i32
    %dma_start3A_10 = arith.constant 0 : i32
    %dma_start3A_11 = tpu.memref_slice %arg4[%dma_start3A_9, %dma_start3A_10] : memref<10240x128xf32, #tpu.memory_space<hbm>> -> memref<10240x128xf32, #tpu.memory_space<hbm>>
    tpu.enqueue_indirect_dma source(%dma_start3A_5 : memref<80x128xf32, #tpu.memory_space<vmem>>) target(%dma_start3A_11 : memref<10240x128xf32, #tpu.memory_space<hbm>>) offsets(%dma_start3A_8 : memref<80xi32, #tpu.memory_space<vmem>>) semaphore(%arg7 : memref<!tpu.dma_semaphore, #tpu.memory_space<semaphore_mem>>)
    %dma_start3A_12 = arith.constant 1 : i32
    %dma_start3A_13 = arith.constant 80 : i32
    %dma_start3A_14 = arith.constant 0 : i32
    %dma_start3A_15 = tpu.memref_slice %arg6[%dma_start3A_13, %dma_start3A_14] : memref<320x128xf32, #tpu.memory_space<vmem>> -> memref<80x128xf32, #tpu.memory_space<vmem>>
    %dma_start3A_16 = arith.constant 0 : i32
    %dma_start3A_17 = tpu.memref_slice %arg5[%dma_start3A_12, %dma_start3A_16] : memref<4x80xi32, #tpu.memory_space<vmem>> -> memref<1x80xi32, #tpu.memory_space<vmem>>
    %dma_start3A_18 = tpu.memref_squeeze %dma_start3A_17 : memref<1x80xi32, #tpu.memory_space<vmem>> -> memref<80xi32, #tpu.memory_space<vmem>>
    %dma_start3A_19 = arith.constant 0 : i32
    %dma_start3A_20 = arith.constant 0 : i32
    %dma_start3A_21 = tpu.memref_slice %arg4[%dma_start3A_19, %dma_start3A_20] : memref<10240x128xf32, #tpu.memory_space<hbm>> -> memref<10240x128xf32, #tpu.memory_space<hbm>>
    tpu.enqueue_indirect_dma source(%dma_start3A_15 : memref<80x128xf32, #tpu.memory_space<vmem>>) target(%dma_start3A_21 : memref<10240x128xf32, #tpu.memory_space<hbm>>) offsets(%dma_start3A_18 : memref<80xi32, #tpu.memory_space<vmem>>) semaphore(%arg7 : memref<!tpu.dma_semaphore, #tpu.memory_space<semaphore_mem>>)
    %dma_start3A_22 = arith.constant 2 : i32
    %dma_start3A_23 = arith.constant 160 : i32
    %dma_start3A_24 = arith.constant 0 : i32
    %dma_start3A_25 = tpu.memref_slice %arg6[%dma_start3A_23, %dma_start3A_24] : memref<320x128xf32, #tpu.memory_space<vmem>> -> memref<80x128xf32, #tpu.memory_space<vmem>>
    %dma_start3A_26 = arith.constant 0 : i32
    %dma_start3A_27 = tpu.memref_slice %arg5[%dma_start3A_22, %dma_start3A_26] : memref<4x80xi32, #tpu.memory_space<vmem>> -> memref<1x80xi32, #tpu.memory_space<vmem>>
    %dma_start3A_28 = tpu.memref_squeeze %dma_start3A_27 : memref<1x80xi32, #tpu.memory_space<vmem>> -> memref<80xi32, #tpu.memory_space<vmem>>
    %dma_start3A_29 = arith.constant 0 : i32
    %dma_start3A_30 = arith.constant 0 : i32
    %dma_start3A_31 = tpu.memref_slice %arg4[%dma_start3A_29, %dma_start3A_30] : memref<10240x128xf32, #tpu.memory_space<hbm>> -> memref<10240x128xf32, #tpu.memory_space<hbm>>
    tpu.enqueue_indirect_dma source(%dma_start3A_25 : memref<80x128xf32, #tpu.memory_space<vmem>>) target(%dma_start3A_31 : memref<10240x128xf32, #tpu.memory_space<hbm>>) offsets(%dma_start3A_28 : memref<80xi32, #tpu.memory_space<vmem>>) semaphore(%arg7 : memref<!tpu.dma_semaphore, #tpu.memory_space<semaphore_mem>>)
    %dma_start3A_32 = arith.constant 3 : i32
    %dma_start3A_33 = arith.constant 240 : i32
    %dma_start3A_34 = arith.constant 0 : i32
    %dma_start3A_35 = tpu.memref_slice %arg6[%dma_start3A_33, %dma_start3A_34] : memref<320x128xf32, #tpu.memory_space<vmem>> -> memref<80x128xf32, #tpu.memory_space<vmem>>
    %dma_start3A_36 = arith.constant 0 : i32
    %dma_start3A_37 = tpu.memref_slice %arg5[%dma_start3A_32, %dma_start3A_36] : memref<4x80xi32, #tpu.memory_space<vmem>> -> memref<1x80xi32, #tpu.memory_space<vmem>>
    %dma_start3A_38 = tpu.memref_squeeze %dma_start3A_37 : memref<1x80xi32, #tpu.memory_space<vmem>> -> memref<80xi32, #tpu.memory_space<vmem>>
    %dma_start3A_39 = arith.constant 0 : i32
    %dma_start3A_40 = arith.constant 0 : i32
    %dma_start3A_41 = tpu.memref_slice %arg4[%dma_start3A_39, %dma_start3A_40] : memref<10240x128xf32, #tpu.memory_space<hbm>> -> memref<10240x128xf32, #tpu.memory_space<hbm>>
    tpu.enqueue_indirect_dma source(%dma_start3A_35 : memref<80x128xf32, #tpu.memory_space<vmem>>) target(%dma_start3A_41 : memref<10240x128xf32, #tpu.memory_space<hbm>>) offsets(%dma_start3A_38 : memref<80xi32, #tpu.memory_space<vmem>>) semaphore(%arg7 : memref<!tpu.dma_semaphore, #tpu.memory_space<semaphore_mem>>)
    %dma_wait3A = arith.constant 0 : i32
    %dma_wait3A_42 = arith.constant 0 : i32
    %dma_wait3A_43 = arith.constant 0 : i32
    %dma_wait3A_44 = tpu.memref_slice %arg6[%dma_wait3A_42, %dma_wait3A_43] : memref<320x128xf32, #tpu.memory_space<vmem>> -> memref<80x128xf32, #tpu.memory_space<vmem>>
    %dma_wait3A_45 = arith.constant 0 : i32
    %dma_wait3A_46 = tpu.memref_slice %arg5[%dma_wait3A, %dma_wait3A_45] : memref<4x80xi32, #tpu.memory_space<vmem>> -> memref<1x80xi32, #tpu.memory_space<vmem>>
    %dma_wait3A_47 = tpu.memref_squeeze %dma_wait3A_46 : memref<1x80xi32, #tpu.memory_space<vmem>> -> memref<80xi32, #tpu.memory_space<vmem>>
    %dma_wait3A_48 = arith.constant 0 : i32
    %dma_wait3A_49 = arith.constant 0 : i32
    %dma_wait3A_50 = tpu.memref_slice %arg4[%dma_wait3A_48, %dma_wait3A_49] : memref<10240x128xf32, #tpu.memory_space<hbm>> -> memref<10240x128xf32, #tpu.memory_space<hbm>>
    tpu.wait_indirect_dma semaphore(%arg7 : memref<!tpu.dma_semaphore, #tpu.memory_space<semaphore_mem>>) src(%dma_wait3A_44 : memref<80x128xf32, #tpu.memory_space<vmem>>) dst(%dma_wait3A_50 : memref<10240x128xf32, #tpu.memory_space<hbm>>)
    %dma_wait3A_51 = arith.constant 1 : i32
    %dma_wait3A_52 = arith.constant 80 : i32
    %dma_wait3A_53 = arith.constant 0 : i32
    %dma_wait3A_54 = tpu.memref_slice %arg6[%dma_wait3A_52, %dma_wait3A_53] : memref<320x128xf32, #tpu.memory_space<vmem>> -> memref<80x128xf32, #tpu.memory_space<vmem>>
    %dma_wait3A_55 = arith.constant 0 : i32
    %dma_wait3A_56 = tpu.memref_slice %arg5[%dma_wait3A_51, %dma_wait3A_55] : memref<4x80xi32, #tpu.memory_space<vmem>> -> memref<1x80xi32, #tpu.memory_space<vmem>>
    %dma_wait3A_57 = tpu.memref_squeeze %dma_wait3A_56 : memref<1x80xi32, #tpu.memory_space<vmem>> -> memref<80xi32, #tpu.memory_space<vmem>>
    %dma_wait3A_58 = arith.constant 0 : i32
    %dma_wait3A_59 = arith.constant 0 : i32
    %dma_wait3A_60 = tpu.memref_slice %arg4[%dma_wait3A_58, %dma_wait3A_59] : memref<10240x128xf32, #tpu.memory_space<hbm>> -> memref<10240x128xf32, #tpu.memory_space<hbm>>
    tpu.wait_indirect_dma semaphore(%arg7 : memref<!tpu.dma_semaphore, #tpu.memory_space<semaphore_mem>>) src(%dma_wait3A_54 : memref<80x128xf32, #tpu.memory_space<vmem>>) dst(%dma_wait3A_60 : memref<10240x128xf32, #tpu.memory_space<hbm>>)
    %dma_wait3A_61 = arith.constant 2 : i32
    %dma_wait3A_62 = arith.constant 160 : i32
    %dma_wait3A_63 = arith.constant 0 : i32
    %dma_wait3A_64 = tpu.memref_slice %arg6[%dma_wait3A_62, %dma_wait3A_63] : memref<320x128xf32, #tpu.memory_space<vmem>> -> memref<80x128xf32, #tpu.memory_space<vmem>>
    %dma_wait3A_65 = arith.constant 0 : i32
    %dma_wait3A_66 = tpu.memref_slice %arg5[%dma_wait3A_61, %dma_wait3A_65] : memref<4x80xi32, #tpu.memory_space<vmem>> -> memref<1x80xi32, #tpu.memory_space<vmem>>
    %dma_wait3A_67 = tpu.memref_squeeze %dma_wait3A_66 : memref<1x80xi32, #tpu.memory_space<vmem>> -> memref<80xi32, #tpu.memory_space<vmem>>
    %dma_wait3A_68 = arith.constant 0 : i32
    %dma_wait3A_69 = arith.constant 0 : i32
    %dma_wait3A_70 = tpu.memref_slice %arg4[%dma_wait3A_68, %dma_wait3A_69] : memref<10240x128xf32, #tpu.memory_space<hbm>> -> memref<10240x128xf32, #tpu.memory_space<hbm>>
    tpu.wait_indirect_dma semaphore(%arg7 : memref<!tpu.dma_semaphore, #tpu.memory_space<semaphore_mem>>) src(%dma_wait3A_64 : memref<80x128xf32, #tpu.memory_space<vmem>>) dst(%dma_wait3A_70 : memref<10240x128xf32, #tpu.memory_space<hbm>>)
    %dma_wait3A_71 = arith.constant 3 : i32
    %dma_wait3A_72 = arith.constant 240 : i32
    %dma_wait3A_73 = arith.constant 0 : i32
    %dma_wait3A_74 = tpu.memref_slice %arg6[%dma_wait3A_72, %dma_wait3A_73] : memref<320x128xf32, #tpu.memory_space<vmem>> -> memref<80x128xf32, #tpu.memory_space<vmem>>
    %dma_wait3A_75 = arith.constant 0 : i32
    %dma_wait3A_76 = tpu.memref_slice %arg5[%dma_wait3A_71, %dma_wait3A_75] : memref<4x80xi32, #tpu.memory_space<vmem>> -> memref<1x80xi32, #tpu.memory_space<vmem>>
    %dma_wait3A_77 = tpu.memref_squeeze %dma_wait3A_76 : memref<1x80xi32, #tpu.memory_space<vmem>> -> memref<80xi32, #tpu.memory_space<vmem>>
    %dma_wait3A_78 = arith.constant 0 : i32
    %dma_wait3A_79 = arith.constant 0 : i32
    %dma_wait3A_80 = tpu.memref_slice %arg4[%dma_wait3A_78, %dma_wait3A_79] : memref<10240x128xf32, #tpu.memory_space<hbm>> -> memref<10240x128xf32, #tpu.memory_space<hbm>>
    tpu.wait_indirect_dma semaphore(%arg7 : memref<!tpu.dma_semaphore, #tpu.memory_space<semaphore_mem>>) src(%dma_wait3A_74 : memref<80x128xf32, #tpu.memory_space<vmem>>) dst(%dma_wait3A_80 : memref<10240x128xf32, #tpu.memory_space<hbm>>)
    return
  }
}

#map = affine_map<(d0, d1) -> (0, 0)>
#map1 = affine_map<(d0, d1) -> (0, 0, 0)>
module attributes {stable_mosaic.version = 14 : i64} {
  func.func @k(%arg0: i32, %arg1: i32, %arg2: memref<10240x128xf32, #tpu.memory_space<hbm>>, %arg3: memref<32x4x80xi32, #tpu.memory_space<hbm>>, %arg4: memref<10240x128xf32, #tpu.memory_space<hbm>>, %arg5: memref<4x80xi32, #tpu.memory_space<vmem>>, %arg6: memref<320x128xf32, #tpu.memory_space<vmem>>, %arg7: memref<!tpu.dma_semaphore, #tpu.memory_space<semaphore_mem>>) attributes {dimension_semantics = [#tpu.dimension_semantics<core_parallel>, #tpu.dimension_semantics<subcore_parallel>], iteration_bounds = array<i64: 2, 16>, scalar_prefetch = 0 : i64, scratch_operands = 3 : i64, tpu.core_type = #tpu.core_type<sc_vector_subcore>, window_params = [{transform_indices = #map}, {transform_indices = #map1}, {transform_indices = #map}]} {
    %mul3A = arith.constant 16 : i32
    %mul3A_0 = arith.muli %arg0, %mul3A : i32
    %add3A = arith.addi %mul3A_0, %arg1 : i32
    %mul3A_1 = arith.constant 320 : i32
    %mul3A_2 = arith.muli %add3A, %mul3A_1 : i32
    "tpu.region"() ({
      %run_scoped3A = tpu.sem_alloc : memref<!tpu.dma_semaphore, #tpu.memory_space<semaphore_mem>>
      %dma_start3A_81 = arith.constant 0 : i32
      %dma_start3A_82 = arith.constant 0 : i32
      %dma_start3A_83 = tpu.memref_slice %arg3[%add3A, %dma_start3A_81, %dma_start3A_82] : memref<32x4x80xi32, #tpu.memory_space<hbm>> -> memref<1x4x80xi32, #tpu.memory_space<hbm>>
      %dma_start3A_84 = tpu.memref_squeeze %dma_start3A_83 : memref<1x4x80xi32, #tpu.memory_space<hbm>> -> memref<4x80xi32, #tpu.memory_space<hbm>>
      %dma_start3A_85 = arith.constant 0 : i32
      %dma_start3A_86 = arith.constant 0 : i32
      %dma_start3A_87 = tpu.memref_slice %arg3[%add3A, %dma_start3A_85, %dma_start3A_86] : memref<32x4x80xi32, #tpu.memory_space<hbm>> -> memref<1x4x80xi32, #tpu.memory_space<hbm>>
      %dma_start3A_88 = tpu.memref_squeeze %dma_start3A_87 : memref<1x4x80xi32, #tpu.memory_space<hbm>> -> memref<4x80xi32, #tpu.memory_space<hbm>>
      tpu.enqueue_dma source(%dma_start3A_88 : memref<4x80xi32, #tpu.memory_space<hbm>>) target(%arg5 : memref<4x80xi32, #tpu.memory_space<vmem>>) target_semaphore(%run_scoped3A : memref<!tpu.dma_semaphore, #tpu.memory_space<semaphore_mem>>)
      %dma_wait3A_89 = arith.constant 0 : i32
      %dma_wait3A_90 = arith.constant 0 : i32
      %dma_wait3A_91 = tpu.memref_slice %arg3[%add3A, %dma_wait3A_89, %dma_wait3A_90] : memref<32x4x80xi32, #tpu.memory_space<hbm>> -> memref<1x4x80xi32, #tpu.memory_space<hbm>>
      %dma_wait3A_92 = tpu.memref_squeeze %dma_wait3A_91 : memref<1x4x80xi32, #tpu.memory_space<hbm>> -> memref<4x80xi32, #tpu.memory_space<hbm>>
      %dma_wait3A_93 = arith.constant 0 : i32
      %dma_wait3A_94 = arith.constant 0 : i32
      %dma_wait3A_95 = tpu.memref_slice %arg3[%add3A, %dma_wait3A_93, %dma_wait3A_94] : memref<32x4x80xi32, #tpu.memory_space<hbm>> -> memref<1x4x80xi32, #tpu.memory_space<hbm>>
      %dma_wait3A_96 = tpu.memref_squeeze %dma_wait3A_95 : memref<1x4x80xi32, #tpu.memory_space<hbm>> -> memref<4x80xi32, #tpu.memory_space<hbm>>
      tpu.wait_dma2 semaphore(%run_scoped3A : memref<!tpu.dma_semaphore, #tpu.memory_space<semaphore_mem>>) src(%dma_wait3A_96 : memref<4x80xi32, #tpu.memory_space<hbm>>) dst(%arg5 : memref<4x80xi32, #tpu.memory_space<vmem>>)
      tpu.yield
    }) : () -> ()
    %dma_start3A = arith.constant 0 : i32
    %dma_start3A_3 = arith.constant 0 : i32
    %dma_start3A_4 = arith.constant 0 : i32
    %dma_start3A_5 = tpu.memref_slice %arg6[%dma_start3A_3, %dma_start3A_4] : memref<320x128xf32, #tpu.memory_space<vmem>> -> memref<80x128xf32, #tpu.memory_space<vmem>>
    %dma_start3A_6 = arith.constant 0 : i32
    %dma_start3A_7 = tpu.memref_slice %arg5[%dma_start3A, %dma_start3A_6] : memref<4x80xi32, #tpu.memory_space<vmem>> -> memref<1x80xi32, #tpu.memory_space<vmem>>
    %dma_start3A_8 = tpu.memref_squeeze %dma_start3A_7 : memref<1x80xi32, #tpu.memory_space<vmem>> -> memref<80xi32, #tpu.memory_space<vmem>>
    %dma_start3A_9 = arith.constant 0 : i32
    %dma_start3A_10 = arith.constant 0 : i32
    %dma_start3A_11 = tpu.memref_slice %arg2[%dma_start3A_9, %dma_start3A_10] : memref<10240x128xf32, #tpu.memory_space<hbm>> -> memref<10240x128xf32, #tpu.memory_space<hbm>>
    tpu.enqueue_indirect_dma source(%dma_start3A_11 : memref<10240x128xf32, #tpu.memory_space<hbm>>) target(%dma_start3A_5 : memref<80x128xf32, #tpu.memory_space<vmem>>) offsets(%dma_start3A_8 : memref<80xi32, #tpu.memory_space<vmem>>) semaphore(%arg7 : memref<!tpu.dma_semaphore, #tpu.memory_space<semaphore_mem>>)
    %dma_start3A_12 = arith.constant 1 : i32
    %dma_start3A_13 = arith.constant 80 : i32
    %dma_start3A_14 = arith.constant 0 : i32
    %dma_start3A_15 = tpu.memref_slice %arg6[%dma_start3A_13, %dma_start3A_14] : memref<320x128xf32, #tpu.memory_space<vmem>> -> memref<80x128xf32, #tpu.memory_space<vmem>>
    %dma_start3A_16 = arith.constant 0 : i32
    %dma_start3A_17 = tpu.memref_slice %arg5[%dma_start3A_12, %dma_start3A_16] : memref<4x80xi32, #tpu.memory_space<vmem>> -> memref<1x80xi32, #tpu.memory_space<vmem>>
    %dma_start3A_18 = tpu.memref_squeeze %dma_start3A_17 : memref<1x80xi32, #tpu.memory_space<vmem>> -> memref<80xi32, #tpu.memory_space<vmem>>
    %dma_start3A_19 = arith.constant 0 : i32
    %dma_start3A_20 = arith.constant 0 : i32
    %dma_start3A_21 = tpu.memref_slice %arg2[%dma_start3A_19, %dma_start3A_20] : memref<10240x128xf32, #tpu.memory_space<hbm>> -> memref<10240x128xf32, #tpu.memory_space<hbm>>
    tpu.enqueue_indirect_dma source(%dma_start3A_21 : memref<10240x128xf32, #tpu.memory_space<hbm>>) target(%dma_start3A_15 : memref<80x128xf32, #tpu.memory_space<vmem>>) offsets(%dma_start3A_18 : memref<80xi32, #tpu.memory_space<vmem>>) semaphore(%arg7 : memref<!tpu.dma_semaphore, #tpu.memory_space<semaphore_mem>>)
    %dma_start3A_22 = arith.constant 2 : i32
    %dma_start3A_23 = arith.constant 160 : i32
    %dma_start3A_24 = arith.constant 0 : i32
    %dma_start3A_25 = tpu.memref_slice %arg6[%dma_start3A_23, %dma_start3A_24] : memref<320x128xf32, #tpu.memory_space<vmem>> -> memref<80x128xf32, #tpu.memory_space<vmem>>
    %dma_start3A_26 = arith.constant 0 : i32
    %dma_start3A_27 = tpu.memref_slice %arg5[%dma_start3A_22, %dma_start3A_26] : memref<4x80xi32, #tpu.memory_space<vmem>> -> memref<1x80xi32, #tpu.memory_space<vmem>>
    %dma_start3A_28 = tpu.memref_squeeze %dma_start3A_27 : memref<1x80xi32, #tpu.memory_space<vmem>> -> memref<80xi32, #tpu.memory_space<vmem>>
    %dma_start3A_29 = arith.constant 0 : i32
    %dma_start3A_30 = arith.constant 0 : i32
    %dma_start3A_31 = tpu.memref_slice %arg2[%dma_start3A_29, %dma_start3A_30] : memref<10240x128xf32, #tpu.memory_space<hbm>> -> memref<10240x128xf32, #tpu.memory_space<hbm>>
    tpu.enqueue_indirect_dma source(%dma_start3A_31 : memref<10240x128xf32, #tpu.memory_space<hbm>>) target(%dma_start3A_25 : memref<80x128xf32, #tpu.memory_space<vmem>>) offsets(%dma_start3A_28 : memref<80xi32, #tpu.memory_space<vmem>>) semaphore(%arg7 : memref<!tpu.dma_semaphore, #tpu.memory_space<semaphore_mem>>)
    %dma_start3A_32 = arith.constant 3 : i32
    %dma_start3A_33 = arith.constant 240 : i32
    %dma_start3A_34 = arith.constant 0 : i32
    %dma_start3A_35 = tpu.memref_slice %arg6[%dma_start3A_33, %dma_start3A_34] : memref<320x128xf32, #tpu.memory_space<vmem>> -> memref<80x128xf32, #tpu.memory_space<vmem>>
    %dma_start3A_36 = arith.constant 0 : i32
    %dma_start3A_37 = tpu.memref_slice %arg5[%dma_start3A_32, %dma_start3A_36] : memref<4x80xi32, #tpu.memory_space<vmem>> -> memref<1x80xi32, #tpu.memory_space<vmem>>
    %dma_start3A_38 = tpu.memref_squeeze %dma_start3A_37 : memref<1x80xi32, #tpu.memory_space<vmem>> -> memref<80xi32, #tpu.memory_space<vmem>>
    %dma_start3A_39 = arith.constant 0 : i32
    %dma_start3A_40 = arith.constant 0 : i32
    %dma_start3A_41 = tpu.memref_slice %arg2[%dma_start3A_39, %dma_start3A_40] : memref<10240x128xf32, #tpu.memory_space<hbm>> -> memref<10240x128xf32, #tpu.memory_space<hbm>>
    tpu.enqueue_indirect_dma source(%dma_start3A_41 : memref<10240x128xf32, #tpu.memory_space<hbm>>) target(%dma_start3A_35 : memref<80x128xf32, #tpu.memory_space<vmem>>) offsets(%dma_start3A_38 : memref<80xi32, #tpu.memory_space<vmem>>) semaphore(%arg7 : memref<!tpu.dma_semaphore, #tpu.memory_space<semaphore_mem>>)
    %dma_wait3A = arith.constant 0 : i32
    %dma_wait3A_42 = arith.constant 0 : i32
    %dma_wait3A_43 = arith.constant 0 : i32
    %dma_wait3A_44 = tpu.memref_slice %arg6[%dma_wait3A_42, %dma_wait3A_43] : memref<320x128xf32, #tpu.memory_space<vmem>> -> memref<80x128xf32, #tpu.memory_space<vmem>>
    %dma_wait3A_45 = arith.constant 0 : i32
    %dma_wait3A_46 = tpu.memref_slice %arg5[%dma_wait3A, %dma_wait3A_45] : memref<4x80xi32, #tpu.memory_space<vmem>> -> memref<1x80xi32, #tpu.memory_space<vmem>>
    %dma_wait3A_47 = tpu.memref_squeeze %dma_wait3A_46 : memref<1x80xi32, #tpu.memory_space<vmem>> -> memref<80xi32, #tpu.memory_space<vmem>>
    %dma_wait3A_48 = arith.constant 0 : i32
    %dma_wait3A_49 = arith.constant 0 : i32
    %dma_wait3A_50 = tpu.memref_slice %arg2[%dma_wait3A_48, %dma_wait3A_49] : memref<10240x128xf32, #tpu.memory_space<hbm>> -> memref<10240x128xf32, #tpu.memory_space<hbm>>
    tpu.wait_indirect_dma semaphore(%arg7 : memref<!tpu.dma_semaphore, #tpu.memory_space<semaphore_mem>>) src(%dma_wait3A_50 : memref<10240x128xf32, #tpu.memory_space<hbm>>) dst(%dma_wait3A_44 : memref<80x128xf32, #tpu.memory_space<vmem>>)
    %dma_wait3A_51 = arith.constant 1 : i32
    %dma_wait3A_52 = arith.constant 80 : i32
    %dma_wait3A_53 = arith.constant 0 : i32
    %dma_wait3A_54 = tpu.memref_slice %arg6[%dma_wait3A_52, %dma_wait3A_53] : memref<320x128xf32, #tpu.memory_space<vmem>> -> memref<80x128xf32, #tpu.memory_space<vmem>>
    %dma_wait3A_55 = arith.constant 0 : i32
    %dma_wait3A_56 = tpu.memref_slice %arg5[%dma_wait3A_51, %dma_wait3A_55] : memref<4x80xi32, #tpu.memory_space<vmem>> -> memref<1x80xi32, #tpu.memory_space<vmem>>
    %dma_wait3A_57 = tpu.memref_squeeze %dma_wait3A_56 : memref<1x80xi32, #tpu.memory_space<vmem>> -> memref<80xi32, #tpu.memory_space<vmem>>
    %dma_wait3A_58 = arith.constant 0 : i32
    %dma_wait3A_59 = arith.constant 0 : i32
    %dma_wait3A_60 = tpu.memref_slice %arg2[%dma_wait3A_58, %dma_wait3A_59] : memref<10240x128xf32, #tpu.memory_space<hbm>> -> memref<10240x128xf32, #tpu.memory_space<hbm>>
    tpu.wait_indirect_dma semaphore(%arg7 : memref<!tpu.dma_semaphore, #tpu.memory_space<semaphore_mem>>) src(%dma_wait3A_60 : memref<10240x128xf32, #tpu.memory_space<hbm>>) dst(%dma_wait3A_54 : memref<80x128xf32, #tpu.memory_space<vmem>>)
    %dma_wait3A_61 = arith.constant 2 : i32
    %dma_wait3A_62 = arith.constant 160 : i32
    %dma_wait3A_63 = arith.constant 0 : i32
    %dma_wait3A_64 = tpu.memref_slice %arg6[%dma_wait3A_62, %dma_wait3A_63] : memref<320x128xf32, #tpu.memory_space<vmem>> -> memref<80x128xf32, #tpu.memory_space<vmem>>
    %dma_wait3A_65 = arith.constant 0 : i32
    %dma_wait3A_66 = tpu.memref_slice %arg5[%dma_wait3A_61, %dma_wait3A_65] : memref<4x80xi32, #tpu.memory_space<vmem>> -> memref<1x80xi32, #tpu.memory_space<vmem>>
    %dma_wait3A_67 = tpu.memref_squeeze %dma_wait3A_66 : memref<1x80xi32, #tpu.memory_space<vmem>> -> memref<80xi32, #tpu.memory_space<vmem>>
    %dma_wait3A_68 = arith.constant 0 : i32
    %dma_wait3A_69 = arith.constant 0 : i32
    %dma_wait3A_70 = tpu.memref_slice %arg2[%dma_wait3A_68, %dma_wait3A_69] : memref<10240x128xf32, #tpu.memory_space<hbm>> -> memref<10240x128xf32, #tpu.memory_space<hbm>>
    tpu.wait_indirect_dma semaphore(%arg7 : memref<!tpu.dma_semaphore, #tpu.memory_space<semaphore_mem>>) src(%dma_wait3A_70 : memref<10240x128xf32, #tpu.memory_space<hbm>>) dst(%dma_wait3A_64 : memref<80x128xf32, #tpu.memory_space<vmem>>)
    %dma_wait3A_71 = arith.constant 3 : i32
    %dma_wait3A_72 = arith.constant 240 : i32
    %dma_wait3A_73 = arith.constant 0 : i32
    %dma_wait3A_74 = tpu.memref_slice %arg6[%dma_wait3A_72, %dma_wait3A_73] : memref<320x128xf32, #tpu.memory_space<vmem>> -> memref<80x128xf32, #tpu.memory_space<vmem>>
    %dma_wait3A_75 = arith.constant 0 : i32
    %dma_wait3A_76 = tpu.memref_slice %arg5[%dma_wait3A_71, %dma_wait3A_75] : memref<4x80xi32, #tpu.memory_space<vmem>> -> memref<1x80xi32, #tpu.memory_space<vmem>>
    %dma_wait3A_77 = tpu.memref_squeeze %dma_wait3A_76 : memref<1x80xi32, #tpu.memory_space<vmem>> -> memref<80xi32, #tpu.memory_space<vmem>>
    %dma_wait3A_78 = arith.constant 0 : i32
    %dma_wait3A_79 = arith.constant 0 : i32
    %dma_wait3A_80 = tpu.memref_slice %arg2[%dma_wait3A_78, %dma_wait3A_79] : memref<10240x128xf32, #tpu.memory_space<hbm>> -> memref<10240x128xf32, #tpu.memory_space<hbm>>
    tpu.wait_indirect_dma semaphore(%arg7 : memref<!tpu.dma_semaphore, #tpu.memory_space<semaphore_mem>>) src(%dma_wait3A_80 : memref<10240x128xf32, #tpu.memory_space<hbm>>) dst(%dma_wait3A_74 : memref<80x128xf32, #tpu.memory_space<vmem>>)
    "tpu.region"() ({
      %run_scoped3A = tpu.sem_alloc : memref<!tpu.dma_semaphore, #tpu.memory_space<semaphore_mem>>
      %dma_start3A_81 = arith.constant 0 : i32
      %dma_start3A_82 = tpu.memref_slice %arg4[%mul3A_2, %dma_start3A_81] : memref<10240x128xf32, #tpu.memory_space<hbm>> -> memref<320x128xf32, #tpu.memory_space<hbm>>
      %dma_start3A_83 = arith.constant 0 : i32
      %dma_start3A_84 = tpu.memref_slice %arg4[%mul3A_2, %dma_start3A_83] : memref<10240x128xf32, #tpu.memory_space<hbm>> -> memref<320x128xf32, #tpu.memory_space<hbm>>
      tpu.enqueue_dma source(%arg6 : memref<320x128xf32, #tpu.memory_space<vmem>>) target(%dma_start3A_84 : memref<320x128xf32, #tpu.memory_space<hbm>>) target_semaphore(%run_scoped3A : memref<!tpu.dma_semaphore, #tpu.memory_space<semaphore_mem>>)
      %dma_wait3A_85 = arith.constant 0 : i32
      %dma_wait3A_86 = tpu.memref_slice %arg4[%mul3A_2, %dma_wait3A_85] : memref<10240x128xf32, #tpu.memory_space<hbm>> -> memref<320x128xf32, #tpu.memory_space<hbm>>
      %dma_wait3A_87 = arith.constant 0 : i32
      %dma_wait3A_88 = tpu.memref_slice %arg4[%mul3A_2, %dma_wait3A_87] : memref<10240x128xf32, #tpu.memory_space<hbm>> -> memref<320x128xf32, #tpu.memory_space<hbm>>
      tpu.wait_dma2 semaphore(%run_scoped3A : memref<!tpu.dma_semaphore, #tpu.memory_space<semaphore_mem>>) src(%arg6 : memref<320x128xf32, #tpu.memory_space<vmem>>) dst(%dma_wait3A_88 : memref<320x128xf32, #tpu.memory_space<hbm>>)
      tpu.yield
    }) : () -> ()
    return
  }
}

#map = affine_map<(d0, d1) -> (0, 0)>
#map1 = affine_map<(d0, d1) -> (0)>
module attributes {stable_mosaic.version = 14 : i64} {
  func.func @k(%arg0: i32, %arg1: i32, %arg2: memref<10240x128xf32, #tpu.memory_space<hbm>>, %arg3: memref<327808xi32, #tpu.memory_space<hbm>>, %arg4: memref<327808xi32, #tpu.memory_space<hbm>>, %arg5: memref<80xi32, #tpu.memory_space<hbm>>, %arg6: memref<328x128xf32, #tpu.memory_space<hbm>>, %arg7: memref<10240x128xf32, #tpu.memory_space<hbm>>, %arg8: memref<80xi32, #tpu.memory_space<vmem>>, %arg9: memref<128xi32, #tpu.memory_space<vmem>>, %arg10: memref<128xi32, #tpu.memory_space<vmem>>, %arg11: memref<128xi32, #tpu.memory_space<vmem>>, %arg12: memref<128xi32, #tpu.memory_space<vmem>>, %arg13: memref<128x128xf32, #tpu.memory_space<vmem>>, %arg14: memref<128x128xf32, #tpu.memory_space<vmem>>, %arg15: memref<5248x128xf32, #tpu.memory_space<vmem_shared>>, %arg16: memref<!tpu.dma_semaphore, #tpu.memory_space<semaphore_mem>>, %arg17: memref<!tpu.dma_semaphore, #tpu.memory_space<semaphore_mem>>) attributes {dimension_semantics = [#tpu.dimension_semantics<core_parallel>, #tpu.dimension_semantics<subcore_parallel>], iteration_bounds = array<i64: 2, 16>, scalar_prefetch = 0 : i64, scratch_operands = 10 : i64, tpu.core_type = #tpu.core_type<sc_vector_subcore>, window_params = [{transform_indices = #map}, {transform_indices = #map1}, {transform_indices = #map1}, {transform_indices = #map1}, {transform_indices = #map}, {transform_indices = #map}]} {
    %mul3A = arith.constant 16 : i32
    %mul3A_0 = arith.muli %arg0, %mul3A : i32
    %add3A = arith.addi %mul3A_0, %arg1 : i32
    %mul3A_1 = arith.constant 320 : i32
    %mul3A_2 = arith.muli %add3A, %mul3A_1 : i32
    %mul3A_3 = arith.constant 328 : i32
    %mul3A_4 = arith.muli %arg1, %mul3A_3 : i32
    "tpu.region"() ({
      %run_scoped3A = tpu.sem_alloc : memref<!tpu.dma_semaphore, #tpu.memory_space<semaphore_mem>>
      %dma_start3A = arith.constant 0 : i32
      %dma_start3A_44 = tpu.memref_slice %arg15[%mul3A_4, %dma_start3A] : memref<5248x128xf32, #tpu.memory_space<vmem_shared>> -> memref<328x128xf32, #tpu.memory_space<vmem_shared>>
      tpu.enqueue_dma source(%arg6 : memref<328x128xf32, #tpu.memory_space<hbm>>) target(%dma_start3A_44 : memref<328x128xf32, #tpu.memory_space<vmem_shared>>) target_semaphore(%run_scoped3A : memref<!tpu.dma_semaphore, #tpu.memory_space<semaphore_mem>>)
      %dma_wait3A = arith.constant 0 : i32
      %dma_wait3A_45 = tpu.memref_slice %arg15[%mul3A_4, %dma_wait3A] : memref<5248x128xf32, #tpu.memory_space<vmem_shared>> -> memref<328x128xf32, #tpu.memory_space<vmem_shared>>
      tpu.wait_dma2 semaphore(%run_scoped3A : memref<!tpu.dma_semaphore, #tpu.memory_space<semaphore_mem>>) src(%arg6 : memref<328x128xf32, #tpu.memory_space<hbm>>) dst(%dma_wait3A_45 : memref<328x128xf32, #tpu.memory_space<vmem_shared>>)
      tpu.yield
    }) : () -> ()
    "tpu.region"() ({
      %run_scoped3A = tpu.sem_alloc : memref<!tpu.dma_semaphore, #tpu.memory_space<semaphore_mem>>
      tpu.enqueue_dma source(%arg5 : memref<80xi32, #tpu.memory_space<hbm>>) target(%arg8 : memref<80xi32, #tpu.memory_space<vmem>>) target_semaphore(%run_scoped3A : memref<!tpu.dma_semaphore, #tpu.memory_space<semaphore_mem>>)
      tpu.wait_dma2 semaphore(%run_scoped3A : memref<!tpu.dma_semaphore, #tpu.memory_space<semaphore_mem>>) src(%arg5 : memref<80xi32, #tpu.memory_space<hbm>>) dst(%arg8 : memref<80xi32, #tpu.memory_space<vmem>>)
      tpu.yield
    }) : () -> ()
    %get3A = arith.index_cast %add3A : i32 to index
    %get3A_5 = tpu.vector_load %arg8[%get3A] {strides = array<i32>} : memref<80xi32, #tpu.memory_space<vmem>>, vector<16xi32>,
    %slice3A = vector.extract_strided_slice %get3A_5 {offsets = [0], sizes = [1], strides = [1]} : vector<16xi32> to vector<1xi32>
    %squeeze3A = vector.extract %slice3A[0] : i32 from vector<1xi32>
    %add3A_6 = arith.constant 32 : i32
    %add3A_7 = arith.addi %add3A, %add3A_6 : i32
    %get3A_8 = arith.index_cast %add3A_7 : i32 to index
    %get3A_9 = tpu.vector_load %arg8[%get3A_8] {strides = array<i32>} : memref<80xi32, #tpu.memory_space<vmem>>, vector<16xi32>,
    %slice3A_10 = vector.extract_strided_slice %get3A_9 {offsets = [0], sizes = [1], strides = [1]} : vector<16xi32> to vector<1xi32>
    %squeeze3A_11 = vector.extract %slice3A_10[0] : i32 from vector<1xi32>
    %and3A = arith.constant -128 : i32
    %and3A_12 = arith.andi %squeeze3A, %and3A : i32
    %multiple_of3A = tpu.assume_multiple %and3A_12, 128 : i32
    %sub3A = arith.subi %squeeze3A_11, %multiple_of3A : i32
    %add3A_13 = arith.constant 128 : i32
    %add3A_14 = arith.addi %sub3A, %add3A_13 : i32
    %sub3A_15 = arith.constant 1 : i32
    %sub3A_16 = arith.subi %add3A_14, %sub3A_15 : i32
    %jit3A = arith.constant 128 : i32
    %div3A = arith.divsi %sub3A_16, %jit3A : i32
    %sign3A = arith.constant 0 : i32
    %sign3A_17 = arith.cmpi sgt, %sub3A_16, %sign3A : i32
    %sign3A_18 = arith.extui %sign3A_17 : i1 to i32
    %sign3A_19 = arith.constant 0 : i32
    %sign3A_20 = arith.cmpi slt, %sub3A_16, %sign3A_19 : i32
    %sign3A_21 = arith.extui %sign3A_20 : i1 to i32
    %sign3A_22 = arith.subi %sign3A_18, %sign3A_21 : i32
    %sign3A_23 = arith.constant 0 : i32
    %sign3A_24 = arith.cmpi sgt, %jit3A, %sign3A_23 : i32
    %sign3A_25 = arith.extui %sign3A_24 : i1 to i32
    %sign3A_26 = arith.constant 0 : i32
    %sign3A_27 = arith.cmpi slt, %jit3A, %sign3A_26 : i32
    %sign3A_28 = arith.extui %sign3A_27 : i1 to i32
    %sign3A_29 = arith.subi %sign3A_25, %sign3A_28 : i32
    %ne3A = arith.cmpi ne, %sign3A_22, %sign3A_29 : i32
    %rem3A = arith.remsi %sub3A_16, %jit3A : i32
    %ne3A_30 = arith.constant 0 : i32
    %ne3A_31 = arith.cmpi ne, %rem3A, %ne3A_30 : i32
    %and3A_32 = arith.andi %ne3A, %ne3A_31 : i1
    %sub3A_33 = arith.constant 1 : i32
    %sub3A_34 = arith.subi %div3A, %sub3A_33 : i32
    %select_n3A = arith.select %and3A_32, %sub3A_34, %div3A : i32
    %while3A = arith.constant 0 : i32
    %while3A_35 = arith.constant 0 : i32
    %while3A_36 = arith.subi %select_n3A, %while3A_35 : i32
    %while3A_37 = arith.addi %while3A_35, %while3A_36 : i32
    %while3A_38 = arith.constant 1 : i32
    %while3A_39 = arith.divsi %while3A_36, %while3A_38 : i32
    %while3A_40 = arith.muli %while3A_39, %while3A_38 : i32
    %while3A_41 = arith.addi %while3A_35, %while3A_40 : i32
    %while3A_42 = arith.constant 1 : i32
    scf.for %while3A_44 = %while3A_35 to %while3A_41 step %while3A_42  : i32 {
      %mul3A_45 = arith.constant 128 : i32
      %mul3A_46 = arith.muli %while3A_44, %mul3A_45 : i32
      %add3A_47 = arith.addi %multiple_of3A, %mul3A_46 : i32
      "tpu.region"() ({
        %run_scoped3A = tpu.sem_alloc : memref<!tpu.dma_semaphore, #tpu.memory_space<semaphore_mem>>
        %dma_start3A_287 = tpu.memref_slice %arg3[%add3A_47] : memref<327808xi32, #tpu.memory_space<hbm>> -> memref<128xi32, #tpu.memory_space<hbm>>
        %dma_start3A_288 = tpu.memref_slice %arg3[%add3A_47] : memref<327808xi32, #tpu.memory_space<hbm>> -> memref<128xi32, #tpu.memory_space<hbm>>
        tpu.enqueue_dma source(%dma_start3A_288 : memref<128xi32, #tpu.memory_space<hbm>>) target(%arg9 : memref<128xi32, #tpu.memory_space<vmem>>) target_semaphore(%run_scoped3A : memref<!tpu.dma_semaphore, #tpu.memory_space<semaphore_mem>>)
        %dma_wait3A_289 = tpu.memref_slice %arg3[%add3A_47] : memref<327808xi32, #tpu.memory_space<hbm>> -> memref<128xi32, #tpu.memory_space<hbm>>
        %dma_wait3A_290 = tpu.memref_slice %arg3[%add3A_47] : memref<327808xi32, #tpu.memory_space<hbm>> -> memref<128xi32, #tpu.memory_space<hbm>>
        tpu.wait_dma2 semaphore(%run_scoped3A : memref<!tpu.dma_semaphore, #tpu.memory_space<semaphore_mem>>) src(%dma_wait3A_290 : memref<128xi32, #tpu.memory_space<hbm>>) dst(%arg9 : memref<128xi32, #tpu.memory_space<vmem>>)
        tpu.yield
      }) : () -> ()
      "tpu.region"() ({
        %run_scoped3A = tpu.sem_alloc : memref<!tpu.dma_semaphore, #tpu.memory_space<semaphore_mem>>
        %dma_start3A_287 = tpu.memref_slice %arg4[%add3A_47] : memref<327808xi32, #tpu.memory_space<hbm>> -> memref<128xi32, #tpu.memory_space<hbm>>
        %dma_start3A_288 = tpu.memref_slice %arg4[%add3A_47] : memref<327808xi32, #tpu.memory_space<hbm>> -> memref<128xi32, #tpu.memory_space<hbm>>
        tpu.enqueue_dma source(%dma_start3A_288 : memref<128xi32, #tpu.memory_space<hbm>>) target(%arg10 : memref<128xi32, #tpu.memory_space<vmem>>) target_semaphore(%run_scoped3A : memref<!tpu.dma_semaphore, #tpu.memory_space<semaphore_mem>>)
        %dma_wait3A_289 = tpu.memref_slice %arg4[%add3A_47] : memref<327808xi32, #tpu.memory_space<hbm>> -> memref<128xi32, #tpu.memory_space<hbm>>
        %dma_wait3A_290 = tpu.memref_slice %arg4[%add3A_47] : memref<327808xi32, #tpu.memory_space<hbm>> -> memref<128xi32, #tpu.memory_space<hbm>>
        tpu.wait_dma2 semaphore(%run_scoped3A : memref<!tpu.dma_semaphore, #tpu.memory_space<semaphore_mem>>) src(%dma_wait3A_290 : memref<128xi32, #tpu.memory_space<hbm>>) dst(%arg10 : memref<128xi32, #tpu.memory_space<vmem>>)
        tpu.yield
      }) : () -> ()
      %iota3A = tpu.iota {dimensions = array<i32: 0>} : vector<16xi32>
      %add3A_48 = vector.broadcast %add3A_47 : i32 to vector<16xi32>
      %add3A_49 = arith.addi %add3A_48, %iota3A : vector<16xi32>
      %add3A_50 = arith.constant 0 : i32
      %add3A_51 = vector.broadcast %add3A_50 : i32 to vector<16xi32>
      %add3A_52 = arith.addi %add3A_49, %add3A_51 : vector<16xi32>
      %ge3A = vector.broadcast %squeeze3A : i32 to vector<16xi32>
      %ge3A_53 = arith.cmpi sge, %add3A_52, %ge3A : vector<16xi32>
      %lt3A = vector.broadcast %squeeze3A_11 : i32 to vector<16xi32>
      %lt3A_54 = arith.cmpi slt, %add3A_52, %lt3A : vector<16xi32>
      %and3A_55 = arith.andi %ge3A_53, %lt3A_54 : vector<16xi1>
      %get3A_56 = arith.constant 0 : index
      %get3A_57 = tpu.vector_load %arg10[%get3A_56] {strides = array<i32>} : memref<128xi32, #tpu.memory_space<vmem>>, vector<16xi32>,
      %get3A_58 = arith.constant 0 : index
      %get3A_59 = tpu.vector_load %arg9[%get3A_58] {strides = array<i32>} : memref<128xi32, #tpu.memory_space<vmem>>, vector<16xi32>,
      %sub3A_60 = vector.broadcast %mul3A_2 : i32 to vector<16xi32>
      %sub3A_61 = arith.subi %get3A_57, %sub3A_60 : vector<16xi32>
      %add3A_62 = vector.broadcast %mul3A_4 : i32 to vector<16xi32>
      %add3A_63 = arith.addi %sub3A_61, %add3A_62 : vector<16xi32>
      %add3A_64 = arith.constant 320 : i32
      %add3A_65 = arith.addi %mul3A_4, %add3A_64 : i32
      %broadcast_in_dim3A = vector.broadcast %add3A_65 : i32 to vector<16xi32>
      %select_n3A_66 = arith.select %and3A_55, %add3A_63, %broadcast_in_dim3A : vector<16xi1>, vector<16xi32>
      %swap3A = arith.constant 0 : index
      %swap3A_67 = tpu.vector_load %arg10[%swap3A] {strides = array<i32>} : memref<128xi32, #tpu.memory_space<vmem>>, vector<16xi32>,
      tpu.vector_store %arg10[%swap3A], %select_n3A_66 {strides = array<i32>} : memref<128xi32, #tpu.memory_space<vmem>>, vector<16xi32>,
      %jit3A_68 = arith.constant 0 : i32
      %broadcast_in_dim3A_69 = vector.broadcast %jit3A_68 : i32 to vector<16xi32>
      %select_n3A_70 = arith.select %and3A_55, %get3A_59, %broadcast_in_dim3A_69 : vector<16xi1>, vector<16xi32>
      %swap3A_71 = arith.constant 0 : index
      %swap3A_72 = tpu.vector_load %arg9[%swap3A_71] {strides = array<i32>} : memref<128xi32, #tpu.memory_space<vmem>>, vector<16xi32>,
      tpu.vector_store %arg9[%swap3A_71], %select_n3A_70 {strides = array<i32>} : memref<128xi32, #tpu.memory_space<vmem>>, vector<16xi32>,
      %iota3A_73 = tpu.iota {dimensions = array<i32: 0>} : vector<16xi32>
      %add3A_74 = vector.broadcast %add3A_47 : i32 to vector<16xi32>
      %add3A_75 = arith.addi %add3A_74, %iota3A_73 : vector<16xi32>
      %add3A_76 = arith.constant 16 : i32
      %add3A_77 = vector.broadcast %add3A_76 : i32 to vector<16xi32>
      %add3A_78 = arith.addi %add3A_75, %add3A_77 : vector<16xi32>
      %ge3A_79 = vector.broadcast %squeeze3A : i32 to vector<16xi32>
      %ge3A_80 = arith.cmpi sge, %add3A_78, %ge3A_79 : vector<16xi32>
      %lt3A_81 = vector.broadcast %squeeze3A_11 : i32 to vector<16xi32>
      %lt3A_82 = arith.cmpi slt, %add3A_78, %lt3A_81 : vector<16xi32>
      %and3A_83 = arith.andi %ge3A_80, %lt3A_82 : vector<16xi1>
      %get3A_84 = arith.constant 16 : index
      %get3A_85 = tpu.vector_load %arg10[%get3A_84] {strides = array<i32>} : memref<128xi32, #tpu.memory_space<vmem>>, vector<16xi32>,
      %get3A_86 = arith.constant 16 : index
      %get3A_87 = tpu.vector_load %arg9[%get3A_86] {strides = array<i32>} : memref<128xi32, #tpu.memory_space<vmem>>, vector<16xi32>,
      %sub3A_88 = vector.broadcast %mul3A_2 : i32 to vector<16xi32>
      %sub3A_89 = arith.subi %get3A_85, %sub3A_88 : vector<16xi32>
      %add3A_90 = vector.broadcast %mul3A_4 : i32 to vector<16xi32>
      %add3A_91 = arith.addi %sub3A_89, %add3A_90 : vector<16xi32>
      %add3A_92 = arith.constant 320 : i32
      %add3A_93 = arith.addi %mul3A_4, %add3A_92 : i32
      %broadcast_in_dim3A_94 = vector.broadcast %add3A_93 : i32 to vector<16xi32>
      %select_n3A_95 = arith.select %and3A_83, %add3A_91, %broadcast_in_dim3A_94 : vector<16xi1>, vector<16xi32>
      %swap3A_96 = arith.constant 16 : index
      %swap3A_97 = tpu.vector_load %arg10[%swap3A_96] {strides = array<i32>} : memref<128xi32, #tpu.memory_space<vmem>>, vector<16xi32>,
      tpu.vector_store %arg10[%swap3A_96], %select_n3A_95 {strides = array<i32>} : memref<128xi32, #tpu.memory_space<vmem>>, vector<16xi32>,
      %jit3A_98 = arith.constant 0 : i32
      %broadcast_in_dim3A_99 = vector.broadcast %jit3A_98 : i32 to vector<16xi32>
      %select_n3A_100 = arith.select %and3A_83, %get3A_87, %broadcast_in_dim3A_99 : vector<16xi1>, vector<16xi32>
      %swap3A_101 = arith.constant 16 : index
      %swap3A_102 = tpu.vector_load %arg9[%swap3A_101] {strides = array<i32>} : memref<128xi32, #tpu.memory_space<vmem>>, vector<16xi32>,
      tpu.vector_store %arg9[%swap3A_101], %select_n3A_100 {strides = array<i32>} : memref<128xi32, #tpu.memory_space<vmem>>, vector<16xi32>,
      %iota3A_103 = tpu.iota {dimensions = array<i32: 0>} : vector<16xi32>
      %add3A_104 = vector.broadcast %add3A_47 : i32 to vector<16xi32>
      %add3A_105 = arith.addi %add3A_104, %iota3A_103 : vector<16xi32>
      %add3A_106 = arith.constant 32 : i32
      %add3A_107 = vector.broadcast %add3A_106 : i32 to vector<16xi32>
      %add3A_108 = arith.addi %add3A_105, %add3A_107 : vector<16xi32>
      %ge3A_109 = vector.broadcast %squeeze3A : i32 to vector<16xi32>
      %ge3A_110 = arith.cmpi sge, %add3A_108, %ge3A_109 : vector<16xi32>
      %lt3A_111 = vector.broadcast %squeeze3A_11 : i32 to vector<16xi32>
      %lt3A_112 = arith.cmpi slt, %add3A_108, %lt3A_111 : vector<16xi32>
      %and3A_113 = arith.andi %ge3A_110, %lt3A_112 : vector<16xi1>
      %get3A_114 = arith.constant 32 : index
      %get3A_115 = tpu.vector_load %arg10[%get3A_114] {strides = array<i32>} : memref<128xi32, #tpu.memory_space<vmem>>, vector<16xi32>,
      %get3A_116 = arith.constant 32 : index
      %get3A_117 = tpu.vector_load %arg9[%get3A_116] {strides = array<i32>} : memref<128xi32, #tpu.memory_space<vmem>>, vector<16xi32>,
      %sub3A_118 = vector.broadcast %mul3A_2 : i32 to vector<16xi32>
      %sub3A_119 = arith.subi %get3A_115, %sub3A_118 : vector<16xi32>
      %add3A_120 = vector.broadcast %mul3A_4 : i32 to vector<16xi32>
      %add3A_121 = arith.addi %sub3A_119, %add3A_120 : vector<16xi32>
      %add3A_122 = arith.constant 320 : i32
      %add3A_123 = arith.addi %mul3A_4, %add3A_122 : i32
      %broadcast_in_dim3A_124 = vector.broadcast %add3A_123 : i32 to vector<16xi32>
      %select_n3A_125 = arith.select %and3A_113, %add3A_121, %broadcast_in_dim3A_124 : vector<16xi1>, vector<16xi32>
      %swap3A_126 = arith.constant 32 : index
      %swap3A_127 = tpu.vector_load %arg10[%swap3A_126] {strides = array<i32>} : memref<128xi32, #tpu.memory_space<vmem>>, vector<16xi32>,
      tpu.vector_store %arg10[%swap3A_126], %select_n3A_125 {strides = array<i32>} : memref<128xi32, #tpu.memory_space<vmem>>, vector<16xi32>,
      %jit3A_128 = arith.constant 0 : i32
      %broadcast_in_dim3A_129 = vector.broadcast %jit3A_128 : i32 to vector<16xi32>
      %select_n3A_130 = arith.select %and3A_113, %get3A_117, %broadcast_in_dim3A_129 : vector<16xi1>, vector<16xi32>
      %swap3A_131 = arith.constant 32 : index
      %swap3A_132 = tpu.vector_load %arg9[%swap3A_131] {strides = array<i32>} : memref<128xi32, #tpu.memory_space<vmem>>, vector<16xi32>,
      tpu.vector_store %arg9[%swap3A_131], %select_n3A_130 {strides = array<i32>} : memref<128xi32, #tpu.memory_space<vmem>>, vector<16xi32>,
      %iota3A_133 = tpu.iota {dimensions = array<i32: 0>} : vector<16xi32>
      %add3A_134 = vector.broadcast %add3A_47 : i32 to vector<16xi32>
      %add3A_135 = arith.addi %add3A_134, %iota3A_133 : vector<16xi32>
      %add3A_136 = arith.constant 48 : i32
      %add3A_137 = vector.broadcast %add3A_136 : i32 to vector<16xi32>
      %add3A_138 = arith.addi %add3A_135, %add3A_137 : vector<16xi32>
      %ge3A_139 = vector.broadcast %squeeze3A : i32 to vector<16xi32>
      %ge3A_140 = arith.cmpi sge, %add3A_138, %ge3A_139 : vector<16xi32>
      %lt3A_141 = vector.broadcast %squeeze3A_11 : i32 to vector<16xi32>
      %lt3A_142 = arith.cmpi slt, %add3A_138, %lt3A_141 : vector<16xi32>
      %and3A_143 = arith.andi %ge3A_140, %lt3A_142 : vector<16xi1>
      %get3A_144 = arith.constant 48 : index
      %get3A_145 = tpu.vector_load %arg10[%get3A_144] {strides = array<i32>} : memref<128xi32, #tpu.memory_space<vmem>>, vector<16xi32>,
      %get3A_146 = arith.constant 48 : index
      %get3A_147 = tpu.vector_load %arg9[%get3A_146] {strides = array<i32>} : memref<128xi32, #tpu.memory_space<vmem>>, vector<16xi32>,
      %sub3A_148 = vector.broadcast %mul3A_2 : i32 to vector<16xi32>
      %sub3A_149 = arith.subi %get3A_145, %sub3A_148 : vector<16xi32>
      %add3A_150 = vector.broadcast %mul3A_4 : i32 to vector<16xi32>
      %add3A_151 = arith.addi %sub3A_149, %add3A_150 : vector<16xi32>
      %add3A_152 = arith.constant 320 : i32
      %add3A_153 = arith.addi %mul3A_4, %add3A_152 : i32
      %broadcast_in_dim3A_154 = vector.broadcast %add3A_153 : i32 to vector<16xi32>
      %select_n3A_155 = arith.select %and3A_143, %add3A_151, %broadcast_in_dim3A_154 : vector<16xi1>, vector<16xi32>
      %swap3A_156 = arith.constant 48 : index
      %swap3A_157 = tpu.vector_load %arg10[%swap3A_156] {strides = array<i32>} : memref<128xi32, #tpu.memory_space<vmem>>, vector<16xi32>,
      tpu.vector_store %arg10[%swap3A_156], %select_n3A_155 {strides = array<i32>} : memref<128xi32, #tpu.memory_space<vmem>>, vector<16xi32>,
      %jit3A_158 = arith.constant 0 : i32
      %broadcast_in_dim3A_159 = vector.broadcast %jit3A_158 : i32 to vector<16xi32>
      %select_n3A_160 = arith.select %and3A_143, %get3A_147, %broadcast_in_dim3A_159 : vector<16xi1>, vector<16xi32>
      %swap3A_161 = arith.constant 48 : index
      %swap3A_162 = tpu.vector_load %arg9[%swap3A_161] {strides = array<i32>} : memref<128xi32, #tpu.memory_space<vmem>>, vector<16xi32>,
      tpu.vector_store %arg9[%swap3A_161], %select_n3A_160 {strides = array<i32>} : memref<128xi32, #tpu.memory_space<vmem>>, vector<16xi32>,
      %iota3A_163 = tpu.iota {dimensions = array<i32: 0>} : vector<16xi32>
      %add3A_164 = vector.broadcast %add3A_47 : i32 to vector<16xi32>
      %add3A_165 = arith.addi %add3A_164, %iota3A_163 : vector<16xi32>
      %add3A_166 = arith.constant 64 : i32
      %add3A_167 = vector.broadcast %add3A_166 : i32 to vector<16xi32>
      %add3A_168 = arith.addi %add3A_165, %add3A_167 : vector<16xi32>
      %ge3A_169 = vector.broadcast %squeeze3A : i32 to vector<16xi32>
      %ge3A_170 = arith.cmpi sge, %add3A_168, %ge3A_169 : vector<16xi32>
      %lt3A_171 = vector.broadcast %squeeze3A_11 : i32 to vector<16xi32>
      %lt3A_172 = arith.cmpi slt, %add3A_168, %lt3A_171 : vector<16xi32>
      %and3A_173 = arith.andi %ge3A_170, %lt3A_172 : vector<16xi1>
      %get3A_174 = arith.constant 64 : index
      %get3A_175 = tpu.vector_load %arg10[%get3A_174] {strides = array<i32>} : memref<128xi32, #tpu.memory_space<vmem>>, vector<16xi32>,
      %get3A_176 = arith.constant 64 : index
      %get3A_177 = tpu.vector_load %arg9[%get3A_176] {strides = array<i32>} : memref<128xi32, #tpu.memory_space<vmem>>, vector<16xi32>,
      %sub3A_178 = vector.broadcast %mul3A_2 : i32 to vector<16xi32>
      %sub3A_179 = arith.subi %get3A_175, %sub3A_178 : vector<16xi32>
      %add3A_180 = vector.broadcast %mul3A_4 : i32 to vector<16xi32>
      %add3A_181 = arith.addi %sub3A_179, %add3A_180 : vector<16xi32>
      %add3A_182 = arith.constant 320 : i32
      %add3A_183 = arith.addi %mul3A_4, %add3A_182 : i32
      %broadcast_in_dim3A_184 = vector.broadcast %add3A_183 : i32 to vector<16xi32>
      %select_n3A_185 = arith.select %and3A_173, %add3A_181, %broadcast_in_dim3A_184 : vector<16xi1>, vector<16xi32>
      %swap3A_186 = arith.constant 64 : index
      %swap3A_187 = tpu.vector_load %arg10[%swap3A_186] {strides = array<i32>} : memref<128xi32, #tpu.memory_space<vmem>>, vector<16xi32>,
      tpu.vector_store %arg10[%swap3A_186], %select_n3A_185 {strides = array<i32>} : memref<128xi32, #tpu.memory_space<vmem>>, vector<16xi32>,
      %jit3A_188 = arith.constant 0 : i32
      %broadcast_in_dim3A_189 = vector.broadcast %jit3A_188 : i32 to vector<16xi32>
      %select_n3A_190 = arith.select %and3A_173, %get3A_177, %broadcast_in_dim3A_189 : vector<16xi1>, vector<16xi32>
      %swap3A_191 = arith.constant 64 : index
      %swap3A_192 = tpu.vector_load %arg9[%swap3A_191] {strides = array<i32>} : memref<128xi32, #tpu.memory_space<vmem>>, vector<16xi32>,
      tpu.vector_store %arg9[%swap3A_191], %select_n3A_190 {strides = array<i32>} : memref<128xi32, #tpu.memory_space<vmem>>, vector<16xi32>,
      %iota3A_193 = tpu.iota {dimensions = array<i32: 0>} : vector<16xi32>
      %add3A_194 = vector.broadcast %add3A_47 : i32 to vector<16xi32>
      %add3A_195 = arith.addi %add3A_194, %iota3A_193 : vector<16xi32>
      %add3A_196 = arith.constant 80 : i32
      %add3A_197 = vector.broadcast %add3A_196 : i32 to vector<16xi32>
      %add3A_198 = arith.addi %add3A_195, %add3A_197 : vector<16xi32>
      %ge3A_199 = vector.broadcast %squeeze3A : i32 to vector<16xi32>
      %ge3A_200 = arith.cmpi sge, %add3A_198, %ge3A_199 : vector<16xi32>
      %lt3A_201 = vector.broadcast %squeeze3A_11 : i32 to vector<16xi32>
      %lt3A_202 = arith.cmpi slt, %add3A_198, %lt3A_201 : vector<16xi32>
      %and3A_203 = arith.andi %ge3A_200, %lt3A_202 : vector<16xi1>
      %get3A_204 = arith.constant 80 : index
      %get3A_205 = tpu.vector_load %arg10[%get3A_204] {strides = array<i32>} : memref<128xi32, #tpu.memory_space<vmem>>, vector<16xi32>,
      %get3A_206 = arith.constant 80 : index
      %get3A_207 = tpu.vector_load %arg9[%get3A_206] {strides = array<i32>} : memref<128xi32, #tpu.memory_space<vmem>>, vector<16xi32>,
      %sub3A_208 = vector.broadcast %mul3A_2 : i32 to vector<16xi32>
      %sub3A_209 = arith.subi %get3A_205, %sub3A_208 : vector<16xi32>
      %add3A_210 = vector.broadcast %mul3A_4 : i32 to vector<16xi32>
      %add3A_211 = arith.addi %sub3A_209, %add3A_210 : vector<16xi32>
      %add3A_212 = arith.constant 320 : i32
      %add3A_213 = arith.addi %mul3A_4, %add3A_212 : i32
      %broadcast_in_dim3A_214 = vector.broadcast %add3A_213 : i32 to vector<16xi32>
      %select_n3A_215 = arith.select %and3A_203, %add3A_211, %broadcast_in_dim3A_214 : vector<16xi1>, vector<16xi32>
      %swap3A_216 = arith.constant 80 : index
      %swap3A_217 = tpu.vector_load %arg10[%swap3A_216] {strides = array<i32>} : memref<128xi32, #tpu.memory_space<vmem>>, vector<16xi32>,
      tpu.vector_store %arg10[%swap3A_216], %select_n3A_215 {strides = array<i32>} : memref<128xi32, #tpu.memory_space<vmem>>, vector<16xi32>,
      %jit3A_218 = arith.constant 0 : i32
      %broadcast_in_dim3A_219 = vector.broadcast %jit3A_218 : i32 to vector<16xi32>
      %select_n3A_220 = arith.select %and3A_203, %get3A_207, %broadcast_in_dim3A_219 : vector<16xi1>, vector<16xi32>
      %swap3A_221 = arith.constant 80 : index
      %swap3A_222 = tpu.vector_load %arg9[%swap3A_221] {strides = array<i32>} : memref<128xi32, #tpu.memory_space<vmem>>, vector<16xi32>,
      tpu.vector_store %arg9[%swap3A_221], %select_n3A_220 {strides = array<i32>} : memref<128xi32, #tpu.memory_space<vmem>>, vector<16xi32>,
      %iota3A_223 = tpu.iota {dimensions = array<i32: 0>} : vector<16xi32>
      %add3A_224 = vector.broadcast %add3A_47 : i32 to vector<16xi32>
      %add3A_225 = arith.addi %add3A_224, %iota3A_223 : vector<16xi32>
      %add3A_226 = arith.constant 96 : i32
      %add3A_227 = vector.broadcast %add3A_226 : i32 to vector<16xi32>
      %add3A_228 = arith.addi %add3A_225, %add3A_227 : vector<16xi32>
      %ge3A_229 = vector.broadcast %squeeze3A : i32 to vector<16xi32>
      %ge3A_230 = arith.cmpi sge, %add3A_228, %ge3A_229 : vector<16xi32>
      %lt3A_231 = vector.broadcast %squeeze3A_11 : i32 to vector<16xi32>
      %lt3A_232 = arith.cmpi slt, %add3A_228, %lt3A_231 : vector<16xi32>
      %and3A_233 = arith.andi %ge3A_230, %lt3A_232 : vector<16xi1>
      %get3A_234 = arith.constant 96 : index
      %get3A_235 = tpu.vector_load %arg10[%get3A_234] {strides = array<i32>} : memref<128xi32, #tpu.memory_space<vmem>>, vector<16xi32>,
      %get3A_236 = arith.constant 96 : index
      %get3A_237 = tpu.vector_load %arg9[%get3A_236] {strides = array<i32>} : memref<128xi32, #tpu.memory_space<vmem>>, vector<16xi32>,
      %sub3A_238 = vector.broadcast %mul3A_2 : i32 to vector<16xi32>
      %sub3A_239 = arith.subi %get3A_235, %sub3A_238 : vector<16xi32>
      %add3A_240 = vector.broadcast %mul3A_4 : i32 to vector<16xi32>
      %add3A_241 = arith.addi %sub3A_239, %add3A_240 : vector<16xi32>
      %add3A_242 = arith.constant 320 : i32
      %add3A_243 = arith.addi %mul3A_4, %add3A_242 : i32
      %broadcast_in_dim3A_244 = vector.broadcast %add3A_243 : i32 to vector<16xi32>
      %select_n3A_245 = arith.select %and3A_233, %add3A_241, %broadcast_in_dim3A_244 : vector<16xi1>, vector<16xi32>
      %swap3A_246 = arith.constant 96 : index
      %swap3A_247 = tpu.vector_load %arg10[%swap3A_246] {strides = array<i32>} : memref<128xi32, #tpu.memory_space<vmem>>, vector<16xi32>,
      tpu.vector_store %arg10[%swap3A_246], %select_n3A_245 {strides = array<i32>} : memref<128xi32, #tpu.memory_space<vmem>>, vector<16xi32>,
      %jit3A_248 = arith.constant 0 : i32
      %broadcast_in_dim3A_249 = vector.broadcast %jit3A_248 : i32 to vector<16xi32>
      %select_n3A_250 = arith.select %and3A_233, %get3A_237, %broadcast_in_dim3A_249 : vector<16xi1>, vector<16xi32>
      %swap3A_251 = arith.constant 96 : index
      %swap3A_252 = tpu.vector_load %arg9[%swap3A_251] {strides = array<i32>} : memref<128xi32, #tpu.memory_space<vmem>>, vector<16xi32>,
      tpu.vector_store %arg9[%swap3A_251], %select_n3A_250 {strides = array<i32>} : memref<128xi32, #tpu.memory_space<vmem>>, vector<16xi32>,
      %iota3A_253 = tpu.iota {dimensions = array<i32: 0>} : vector<16xi32>
      %add3A_254 = vector.broadcast %add3A_47 : i32 to vector<16xi32>
      %add3A_255 = arith.addi %add3A_254, %iota3A_253 : vector<16xi32>
      %add3A_256 = arith.constant 112 : i32
      %add3A_257 = vector.broadcast %add3A_256 : i32 to vector<16xi32>
      %add3A_258 = arith.addi %add3A_255, %add3A_257 : vector<16xi32>
      %ge3A_259 = vector.broadcast %squeeze3A : i32 to vector<16xi32>
      %ge3A_260 = arith.cmpi sge, %add3A_258, %ge3A_259 : vector<16xi32>
      %lt3A_261 = vector.broadcast %squeeze3A_11 : i32 to vector<16xi32>
      %lt3A_262 = arith.cmpi slt, %add3A_258, %lt3A_261 : vector<16xi32>
      %and3A_263 = arith.andi %ge3A_260, %lt3A_262 : vector<16xi1>
      %get3A_264 = arith.constant 112 : index
      %get3A_265 = tpu.vector_load %arg10[%get3A_264] {strides = array<i32>} : memref<128xi32, #tpu.memory_space<vmem>>, vector<16xi32>,
      %get3A_266 = arith.constant 112 : index
      %get3A_267 = tpu.vector_load %arg9[%get3A_266] {strides = array<i32>} : memref<128xi32, #tpu.memory_space<vmem>>, vector<16xi32>,
      %sub3A_268 = vector.broadcast %mul3A_2 : i32 to vector<16xi32>
      %sub3A_269 = arith.subi %get3A_265, %sub3A_268 : vector<16xi32>
      %add3A_270 = vector.broadcast %mul3A_4 : i32 to vector<16xi32>
      %add3A_271 = arith.addi %sub3A_269, %add3A_270 : vector<16xi32>
      %add3A_272 = arith.constant 320 : i32
      %add3A_273 = arith.addi %mul3A_4, %add3A_272 : i32
      %broadcast_in_dim3A_274 = vector.broadcast %add3A_273 : i32 to vector<16xi32>
      %select_n3A_275 = arith.select %and3A_263, %add3A_271, %broadcast_in_dim3A_274 : vector<16xi1>, vector<16xi32>
      %swap3A_276 = arith.constant 112 : index
      %swap3A_277 = tpu.vector_load %arg10[%swap3A_276] {strides = array<i32>} : memref<128xi32, #tpu.memory_space<vmem>>, vector<16xi32>,
      tpu.vector_store %arg10[%swap3A_276], %select_n3A_275 {strides = array<i32>} : memref<128xi32, #tpu.memory_space<vmem>>, vector<16xi32>,
      %jit3A_278 = arith.constant 0 : i32
      %broadcast_in_dim3A_279 = vector.broadcast %jit3A_278 : i32 to vector<16xi32>
      %select_n3A_280 = arith.select %and3A_263, %get3A_267, %broadcast_in_dim3A_279 : vector<16xi1>, vector<16xi32>
      %swap3A_281 = arith.constant 112 : index
      %swap3A_282 = tpu.vector_load %arg9[%swap3A_281] {strides = array<i32>} : memref<128xi32, #tpu.memory_space<vmem>>, vector<16xi32>,
      tpu.vector_store %arg9[%swap3A_281], %select_n3A_280 {strides = array<i32>} : memref<128xi32, #tpu.memory_space<vmem>>, vector<16xi32>,
      %dma_start3A = arith.constant 0 : i32
      %dma_start3A_283 = arith.constant 0 : i32
      %dma_start3A_284 = tpu.memref_slice %arg2[%dma_start3A, %dma_start3A_283] : memref<10240x128xf32, #tpu.memory_space<hbm>> -> memref<10240x128xf32, #tpu.memory_space<hbm>>
      tpu.enqueue_indirect_dma source(%dma_start3A_284 : memref<10240x128xf32, #tpu.memory_space<hbm>>) target(%arg13 : memref<128x128xf32, #tpu.memory_space<vmem>>) offsets(%arg9 : memref<128xi32, #tpu.memory_space<vmem>>) semaphore(%arg16 : memref<!tpu.dma_semaphore, #tpu.memory_space<semaphore_mem>>)
      %dma_wait3A = arith.constant 0 : i32
      %dma_wait3A_285 = arith.constant 0 : i32
      %dma_wait3A_286 = tpu.memref_slice %arg2[%dma_wait3A, %dma_wait3A_285] : memref<10240x128xf32, #tpu.memory_space<hbm>> -> memref<10240x128xf32, #tpu.memory_space<hbm>>
      tpu.wait_indirect_dma semaphore(%arg16 : memref<!tpu.dma_semaphore, #tpu.memory_space<semaphore_mem>>) src(%dma_wait3A_286 : memref<10240x128xf32, #tpu.memory_space<hbm>>) dst(%arg13 : memref<128x128xf32, #tpu.memory_space<vmem>>)
      "tpu.region"() ({
        %run_scoped3A = tpu.sem_alloc : memref<!tpu.dma_semaphore, #tpu.memory_space<semaphore_mem>>
        %dma_start3A_287 = arith.constant 0 : i32
        %dma_start3A_288 = arith.constant 0 : i32
        %dma_start3A_289 = tpu.memref_slice %arg15[%dma_start3A_287, %dma_start3A_288] : memref<5248x128xf32, #tpu.memory_space<vmem_shared>> -> memref<5248x128xf32, #tpu.memory_space<vmem_shared>>
        tpu.enqueue_indirect_dma source(%arg13 : memref<128x128xf32, #tpu.memory_space<vmem>>) target(%dma_start3A_289 : memref<5248x128xf32, #tpu.memory_space<vmem_shared>>) offsets(%arg10 : memref<128xi32, #tpu.memory_space<vmem>>) semaphore(%run_scoped3A : memref<!tpu.dma_semaphore, #tpu.memory_space<semaphore_mem>>) {add = true}
        %dma_wait3A_290 = arith.constant 0 : i32
        %dma_wait3A_291 = arith.constant 0 : i32
        %dma_wait3A_292 = tpu.memref_slice %arg15[%dma_wait3A_290, %dma_wait3A_291] : memref<5248x128xf32, #tpu.memory_space<vmem_shared>> -> memref<5248x128xf32, #tpu.memory_space<vmem_shared>>
        tpu.wait_indirect_dma semaphore(%run_scoped3A : memref<!tpu.dma_semaphore, #tpu.memory_space<semaphore_mem>>) src(%arg13 : memref<128x128xf32, #tpu.memory_space<vmem>>) dst(%dma_wait3A_292 : memref<5248x128xf32, #tpu.memory_space<vmem_shared>>)
        tpu.yield
      }) : () -> ()
    }
    %while3A_43 = arith.constant 1 : i32
    scf.for %while3A_44 = %while3A_41 to %while3A_37 step %while3A_43  : i32 {
      %mul3A_45 = arith.constant 128 : i32
      %mul3A_46 = arith.muli %while3A_44, %mul3A_45 : i32
      %add3A_47 = arith.addi %multiple_of3A, %mul3A_46 : i32
      "tpu.region"() ({
        %run_scoped3A = tpu.sem_alloc : memref<!tpu.dma_semaphore, #tpu.memory_space<semaphore_mem>>
        %dma_start3A_287 = tpu.memref_slice %arg3[%add3A_47] : memref<327808xi32, #tpu.memory_space<hbm>> -> memref<128xi32, #tpu.memory_space<hbm>>
        %dma_start3A_288 = tpu.memref_slice %arg3[%add3A_47] : memref<327808xi32, #tpu.memory_space<hbm>> -> memref<128xi32, #tpu.memory_space<hbm>>
        tpu.enqueue_dma source(%dma_start3A_288 : memref<128xi32, #tpu.memory_space<hbm>>) target(%arg9 : memref<128xi32, #tpu.memory_space<vmem>>) target_semaphore(%run_scoped3A : memref<!tpu.dma_semaphore, #tpu.memory_space<semaphore_mem>>)
        %dma_wait3A_289 = tpu.memref_slice %arg3[%add3A_47] : memref<327808xi32, #tpu.memory_space<hbm>> -> memref<128xi32, #tpu.memory_space<hbm>>
        %dma_wait3A_290 = tpu.memref_slice %arg3[%add3A_47] : memref<327808xi32, #tpu.memory_space<hbm>> -> memref<128xi32, #tpu.memory_space<hbm>>
        tpu.wait_dma2 semaphore(%run_scoped3A : memref<!tpu.dma_semaphore, #tpu.memory_space<semaphore_mem>>) src(%dma_wait3A_290 : memref<128xi32, #tpu.memory_space<hbm>>) dst(%arg9 : memref<128xi32, #tpu.memory_space<vmem>>)
        tpu.yield
      }) : () -> ()
      "tpu.region"() ({
        %run_scoped3A = tpu.sem_alloc : memref<!tpu.dma_semaphore, #tpu.memory_space<semaphore_mem>>
        %dma_start3A_287 = tpu.memref_slice %arg4[%add3A_47] : memref<327808xi32, #tpu.memory_space<hbm>> -> memref<128xi32, #tpu.memory_space<hbm>>
        %dma_start3A_288 = tpu.memref_slice %arg4[%add3A_47] : memref<327808xi32, #tpu.memory_space<hbm>> -> memref<128xi32, #tpu.memory_space<hbm>>
        tpu.enqueue_dma source(%dma_start3A_288 : memref<128xi32, #tpu.memory_space<hbm>>) target(%arg10 : memref<128xi32, #tpu.memory_space<vmem>>) target_semaphore(%run_scoped3A : memref<!tpu.dma_semaphore, #tpu.memory_space<semaphore_mem>>)
        %dma_wait3A_289 = tpu.memref_slice %arg4[%add3A_47] : memref<327808xi32, #tpu.memory_space<hbm>> -> memref<128xi32, #tpu.memory_space<hbm>>
        %dma_wait3A_290 = tpu.memref_slice %arg4[%add3A_47] : memref<327808xi32, #tpu.memory_space<hbm>> -> memref<128xi32, #tpu.memory_space<hbm>>
        tpu.wait_dma2 semaphore(%run_scoped3A : memref<!tpu.dma_semaphore, #tpu.memory_space<semaphore_mem>>) src(%dma_wait3A_290 : memref<128xi32, #tpu.memory_space<hbm>>) dst(%arg10 : memref<128xi32, #tpu.memory_space<vmem>>)
        tpu.yield
      }) : () -> ()
      %iota3A = tpu.iota {dimensions = array<i32: 0>} : vector<16xi32>
      %add3A_48 = vector.broadcast %add3A_47 : i32 to vector<16xi32>
      %add3A_49 = arith.addi %add3A_48, %iota3A : vector<16xi32>
      %add3A_50 = arith.constant 0 : i32
      %add3A_51 = vector.broadcast %add3A_50 : i32 to vector<16xi32>
      %add3A_52 = arith.addi %add3A_49, %add3A_51 : vector<16xi32>
      %ge3A = vector.broadcast %squeeze3A : i32 to vector<16xi32>
      %ge3A_53 = arith.cmpi sge, %add3A_52, %ge3A : vector<16xi32>
      %lt3A = vector.broadcast %squeeze3A_11 : i32 to vector<16xi32>
      %lt3A_54 = arith.cmpi slt, %add3A_52, %lt3A : vector<16xi32>
      %and3A_55 = arith.andi %ge3A_53, %lt3A_54 : vector<16xi1>
      %get3A_56 = arith.constant 0 : index
      %get3A_57 = tpu.vector_load %arg10[%get3A_56] {strides = array<i32>} : memref<128xi32, #tpu.memory_space<vmem>>, vector<16xi32>,
      %get3A_58 = arith.constant 0 : index
      %get3A_59 = tpu.vector_load %arg9[%get3A_58] {strides = array<i32>} : memref<128xi32, #tpu.memory_space<vmem>>, vector<16xi32>,
      %sub3A_60 = vector.broadcast %mul3A_2 : i32 to vector<16xi32>
      %sub3A_61 = arith.subi %get3A_57, %sub3A_60 : vector<16xi32>
      %add3A_62 = vector.broadcast %mul3A_4 : i32 to vector<16xi32>
      %add3A_63 = arith.addi %sub3A_61, %add3A_62 : vector<16xi32>
      %add3A_64 = arith.constant 320 : i32
      %add3A_65 = arith.addi %mul3A_4, %add3A_64 : i32
      %broadcast_in_dim3A = vector.broadcast %add3A_65 : i32 to vector<16xi32>
      %select_n3A_66 = arith.select %and3A_55, %add3A_63, %broadcast_in_dim3A : vector<16xi1>, vector<16xi32>
      %swap3A = arith.constant 0 : index
      %swap3A_67 = tpu.vector_load %arg10[%swap3A] {strides = array<i32>} : memref<128xi32, #tpu.memory_space<vmem>>, vector<16xi32>,
      tpu.vector_store %arg10[%swap3A], %select_n3A_66 {strides = array<i32>} : memref<128xi32, #tpu.memory_space<vmem>>, vector<16xi32>,
      %jit3A_68 = arith.constant 0 : i32
      %broadcast_in_dim3A_69 = vector.broadcast %jit3A_68 : i32 to vector<16xi32>
      %select_n3A_70 = arith.select %and3A_55, %get3A_59, %broadcast_in_dim3A_69 : vector<16xi1>, vector<16xi32>
      %swap3A_71 = arith.constant 0 : index
      %swap3A_72 = tpu.vector_load %arg9[%swap3A_71] {strides = array<i32>} : memref<128xi32, #tpu.memory_space<vmem>>, vector<16xi32>,
      tpu.vector_store %arg9[%swap3A_71], %select_n3A_70 {strides = array<i32>} : memref<128xi32, #tpu.memory_space<vmem>>, vector<16xi32>,
      %iota3A_73 = tpu.iota {dimensions = array<i32: 0>} : vector<16xi32>
      %add3A_74 = vector.broadcast %add3A_47 : i32 to vector<16xi32>
      %add3A_75 = arith.addi %add3A_74, %iota3A_73 : vector<16xi32>
      %add3A_76 = arith.constant 16 : i32
      %add3A_77 = vector.broadcast %add3A_76 : i32 to vector<16xi32>
      %add3A_78 = arith.addi %add3A_75, %add3A_77 : vector<16xi32>
      %ge3A_79 = vector.broadcast %squeeze3A : i32 to vector<16xi32>
      %ge3A_80 = arith.cmpi sge, %add3A_78, %ge3A_79 : vector<16xi32>
      %lt3A_81 = vector.broadcast %squeeze3A_11 : i32 to vector<16xi32>
      %lt3A_82 = arith.cmpi slt, %add3A_78, %lt3A_81 : vector<16xi32>
      %and3A_83 = arith.andi %ge3A_80, %lt3A_82 : vector<16xi1>
      %get3A_84 = arith.constant 16 : index
      %get3A_85 = tpu.vector_load %arg10[%get3A_84] {strides = array<i32>} : memref<128xi32, #tpu.memory_space<vmem>>, vector<16xi32>,
      %get3A_86 = arith.constant 16 : index
      %get3A_87 = tpu.vector_load %arg9[%get3A_86] {strides = array<i32>} : memref<128xi32, #tpu.memory_space<vmem>>, vector<16xi32>,
      %sub3A_88 = vector.broadcast %mul3A_2 : i32 to vector<16xi32>
      %sub3A_89 = arith.subi %get3A_85, %sub3A_88 : vector<16xi32>
      %add3A_90 = vector.broadcast %mul3A_4 : i32 to vector<16xi32>
      %add3A_91 = arith.addi %sub3A_89, %add3A_90 : vector<16xi32>
      %add3A_92 = arith.constant 320 : i32
      %add3A_93 = arith.addi %mul3A_4, %add3A_92 : i32
      %broadcast_in_dim3A_94 = vector.broadcast %add3A_93 : i32 to vector<16xi32>
      %select_n3A_95 = arith.select %and3A_83, %add3A_91, %broadcast_in_dim3A_94 : vector<16xi1>, vector<16xi32>
      %swap3A_96 = arith.constant 16 : index
      %swap3A_97 = tpu.vector_load %arg10[%swap3A_96] {strides = array<i32>} : memref<128xi32, #tpu.memory_space<vmem>>, vector<16xi32>,
      tpu.vector_store %arg10[%swap3A_96], %select_n3A_95 {strides = array<i32>} : memref<128xi32, #tpu.memory_space<vmem>>, vector<16xi32>,
      %jit3A_98 = arith.constant 0 : i32
      %broadcast_in_dim3A_99 = vector.broadcast %jit3A_98 : i32 to vector<16xi32>
      %select_n3A_100 = arith.select %and3A_83, %get3A_87, %broadcast_in_dim3A_99 : vector<16xi1>, vector<16xi32>
      %swap3A_101 = arith.constant 16 : index
      %swap3A_102 = tpu.vector_load %arg9[%swap3A_101] {strides = array<i32>} : memref<128xi32, #tpu.memory_space<vmem>>, vector<16xi32>,
      tpu.vector_store %arg9[%swap3A_101], %select_n3A_100 {strides = array<i32>} : memref<128xi32, #tpu.memory_space<vmem>>, vector<16xi32>,
      %iota3A_103 = tpu.iota {dimensions = array<i32: 0>} : vector<16xi32>
      %add3A_104 = vector.broadcast %add3A_47 : i32 to vector<16xi32>
      %add3A_105 = arith.addi %add3A_104, %iota3A_103 : vector<16xi32>
      %add3A_106 = arith.constant 32 : i32
      %add3A_107 = vector.broadcast %add3A_106 : i32 to vector<16xi32>
      %add3A_108 = arith.addi %add3A_105, %add3A_107 : vector<16xi32>
      %ge3A_109 = vector.broadcast %squeeze3A : i32 to vector<16xi32>
      %ge3A_110 = arith.cmpi sge, %add3A_108, %ge3A_109 : vector<16xi32>
      %lt3A_111 = vector.broadcast %squeeze3A_11 : i32 to vector<16xi32>
      %lt3A_112 = arith.cmpi slt, %add3A_108, %lt3A_111 : vector<16xi32>
      %and3A_113 = arith.andi %ge3A_110, %lt3A_112 : vector<16xi1>
      %get3A_114 = arith.constant 32 : index
      %get3A_115 = tpu.vector_load %arg10[%get3A_114] {strides = array<i32>} : memref<128xi32, #tpu.memory_space<vmem>>, vector<16xi32>,
      %get3A_116 = arith.constant 32 : index
      %get3A_117 = tpu.vector_load %arg9[%get3A_116] {strides = array<i32>} : memref<128xi32, #tpu.memory_space<vmem>>, vector<16xi32>,
      %sub3A_118 = vector.broadcast %mul3A_2 : i32 to vector<16xi32>
      %sub3A_119 = arith.subi %get3A_115, %sub3A_118 : vector<16xi32>
      %add3A_120 = vector.broadcast %mul3A_4 : i32 to vector<16xi32>
      %add3A_121 = arith.addi %sub3A_119, %add3A_120 : vector<16xi32>
      %add3A_122 = arith.constant 320 : i32
      %add3A_123 = arith.addi %mul3A_4, %add3A_122 : i32
      %broadcast_in_dim3A_124 = vector.broadcast %add3A_123 : i32 to vector<16xi32>
      %select_n3A_125 = arith.select %and3A_113, %add3A_121, %broadcast_in_dim3A_124 : vector<16xi1>, vector<16xi32>
      %swap3A_126 = arith.constant 32 : index
      %swap3A_127 = tpu.vector_load %arg10[%swap3A_126] {strides = array<i32>} : memref<128xi32, #tpu.memory_space<vmem>>, vector<16xi32>,
      tpu.vector_store %arg10[%swap3A_126], %select_n3A_125 {strides = array<i32>} : memref<128xi32, #tpu.memory_space<vmem>>, vector<16xi32>,
      %jit3A_128 = arith.constant 0 : i32
      %broadcast_in_dim3A_129 = vector.broadcast %jit3A_128 : i32 to vector<16xi32>
      %select_n3A_130 = arith.select %and3A_113, %get3A_117, %broadcast_in_dim3A_129 : vector<16xi1>, vector<16xi32>
      %swap3A_131 = arith.constant 32 : index
      %swap3A_132 = tpu.vector_load %arg9[%swap3A_131] {strides = array<i32>} : memref<128xi32, #tpu.memory_space<vmem>>, vector<16xi32>,
      tpu.vector_store %arg9[%swap3A_131], %select_n3A_130 {strides = array<i32>} : memref<128xi32, #tpu.memory_space<vmem>>, vector<16xi32>,
      %iota3A_133 = tpu.iota {dimensions = array<i32: 0>} : vector<16xi32>
      %add3A_134 = vector.broadcast %add3A_47 : i32 to vector<16xi32>
      %add3A_135 = arith.addi %add3A_134, %iota3A_133 : vector<16xi32>
      %add3A_136 = arith.constant 48 : i32
      %add3A_137 = vector.broadcast %add3A_136 : i32 to vector<16xi32>
      %add3A_138 = arith.addi %add3A_135, %add3A_137 : vector<16xi32>
      %ge3A_139 = vector.broadcast %squeeze3A : i32 to vector<16xi32>
      %ge3A_140 = arith.cmpi sge, %add3A_138, %ge3A_139 : vector<16xi32>
      %lt3A_141 = vector.broadcast %squeeze3A_11 : i32 to vector<16xi32>
      %lt3A_142 = arith.cmpi slt, %add3A_138, %lt3A_141 : vector<16xi32>
      %and3A_143 = arith.andi %ge3A_140, %lt3A_142 : vector<16xi1>
      %get3A_144 = arith.constant 48 : index
      %get3A_145 = tpu.vector_load %arg10[%get3A_144] {strides = array<i32>} : memref<128xi32, #tpu.memory_space<vmem>>, vector<16xi32>,
      %get3A_146 = arith.constant 48 : index
      %get3A_147 = tpu.vector_load %arg9[%get3A_146] {strides = array<i32>} : memref<128xi32, #tpu.memory_space<vmem>>, vector<16xi32>,
      %sub3A_148 = vector.broadcast %mul3A_2 : i32 to vector<16xi32>
      %sub3A_149 = arith.subi %get3A_145, %sub3A_148 : vector<16xi32>
      %add3A_150 = vector.broadcast %mul3A_4 : i32 to vector<16xi32>
      %add3A_151 = arith.addi %sub3A_149, %add3A_150 : vector<16xi32>
      %add3A_152 = arith.constant 320 : i32
      %add3A_153 = arith.addi %mul3A_4, %add3A_152 : i32
      %broadcast_in_dim3A_154 = vector.broadcast %add3A_153 : i32 to vector<16xi32>
      %select_n3A_155 = arith.select %and3A_143, %add3A_151, %broadcast_in_dim3A_154 : vector<16xi1>, vector<16xi32>
      %swap3A_156 = arith.constant 48 : index
      %swap3A_157 = tpu.vector_load %arg10[%swap3A_156] {strides = array<i32>} : memref<128xi32, #tpu.memory_space<vmem>>, vector<16xi32>,
      tpu.vector_store %arg10[%swap3A_156], %select_n3A_155 {strides = array<i32>} : memref<128xi32, #tpu.memory_space<vmem>>, vector<16xi32>,
      %jit3A_158 = arith.constant 0 : i32
      %broadcast_in_dim3A_159 = vector.broadcast %jit3A_158 : i32 to vector<16xi32>
      %select_n3A_160 = arith.select %and3A_143, %get3A_147, %broadcast_in_dim3A_159 : vector<16xi1>, vector<16xi32>
      %swap3A_161 = arith.constant 48 : index
      %swap3A_162 = tpu.vector_load %arg9[%swap3A_161] {strides = array<i32>} : memref<128xi32, #tpu.memory_space<vmem>>, vector<16xi32>,
      tpu.vector_store %arg9[%swap3A_161], %select_n3A_160 {strides = array<i32>} : memref<128xi32, #tpu.memory_space<vmem>>, vector<16xi32>,
      %iota3A_163 = tpu.iota {dimensions = array<i32: 0>} : vector<16xi32>
      %add3A_164 = vector.broadcast %add3A_47 : i32 to vector<16xi32>
      %add3A_165 = arith.addi %add3A_164, %iota3A_163 : vector<16xi32>
      %add3A_166 = arith.constant 64 : i32
      %add3A_167 = vector.broadcast %add3A_166 : i32 to vector<16xi32>
      %add3A_168 = arith.addi %add3A_165, %add3A_167 : vector<16xi32>
      %ge3A_169 = vector.broadcast %squeeze3A : i32 to vector<16xi32>
      %ge3A_170 = arith.cmpi sge, %add3A_168, %ge3A_169 : vector<16xi32>
      %lt3A_171 = vector.broadcast %squeeze3A_11 : i32 to vector<16xi32>
      %lt3A_172 = arith.cmpi slt, %add3A_168, %lt3A_171 : vector<16xi32>
      %and3A_173 = arith.andi %ge3A_170, %lt3A_172 : vector<16xi1>
      %get3A_174 = arith.constant 64 : index
      %get3A_175 = tpu.vector_load %arg10[%get3A_174] {strides = array<i32>} : memref<128xi32, #tpu.memory_space<vmem>>, vector<16xi32>,
      %get3A_176 = arith.constant 64 : index
      %get3A_177 = tpu.vector_load %arg9[%get3A_176] {strides = array<i32>} : memref<128xi32, #tpu.memory_space<vmem>>, vector<16xi32>,
      %sub3A_178 = vector.broadcast %mul3A_2 : i32 to vector<16xi32>
      %sub3A_179 = arith.subi %get3A_175, %sub3A_178 : vector<16xi32>
      %add3A_180 = vector.broadcast %mul3A_4 : i32 to vector<16xi32>
      %add3A_181 = arith.addi %sub3A_179, %add3A_180 : vector<16xi32>
      %add3A_182 = arith.constant 320 : i32
      %add3A_183 = arith.addi %mul3A_4, %add3A_182 : i32
      %broadcast_in_dim3A_184 = vector.broadcast %add3A_183 : i32 to vector<16xi32>
      %select_n3A_185 = arith.select %and3A_173, %add3A_181, %broadcast_in_dim3A_184 : vector<16xi1>, vector<16xi32>
      %swap3A_186 = arith.constant 64 : index
      %swap3A_187 = tpu.vector_load %arg10[%swap3A_186] {strides = array<i32>} : memref<128xi32, #tpu.memory_space<vmem>>, vector<16xi32>,
      tpu.vector_store %arg10[%swap3A_186], %select_n3A_185 {strides = array<i32>} : memref<128xi32, #tpu.memory_space<vmem>>, vector<16xi32>,
      %jit3A_188 = arith.constant 0 : i32
      %broadcast_in_dim3A_189 = vector.broadcast %jit3A_188 : i32 to vector<16xi32>
      %select_n3A_190 = arith.select %and3A_173, %get3A_177, %broadcast_in_dim3A_189 : vector<16xi1>, vector<16xi32>
      %swap3A_191 = arith.constant 64 : index
      %swap3A_192 = tpu.vector_load %arg9[%swap3A_191] {strides = array<i32>} : memref<128xi32, #tpu.memory_space<vmem>>, vector<16xi32>,
      tpu.vector_store %arg9[%swap3A_191], %select_n3A_190 {strides = array<i32>} : memref<128xi32, #tpu.memory_space<vmem>>, vector<16xi32>,
      %iota3A_193 = tpu.iota {dimensions = array<i32: 0>} : vector<16xi32>
      %add3A_194 = vector.broadcast %add3A_47 : i32 to vector<16xi32>
      %add3A_195 = arith.addi %add3A_194, %iota3A_193 : vector<16xi32>
      %add3A_196 = arith.constant 80 : i32
      %add3A_197 = vector.broadcast %add3A_196 : i32 to vector<16xi32>
      %add3A_198 = arith.addi %add3A_195, %add3A_197 : vector<16xi32>
      %ge3A_199 = vector.broadcast %squeeze3A : i32 to vector<16xi32>
      %ge3A_200 = arith.cmpi sge, %add3A_198, %ge3A_199 : vector<16xi32>
      %lt3A_201 = vector.broadcast %squeeze3A_11 : i32 to vector<16xi32>
      %lt3A_202 = arith.cmpi slt, %add3A_198, %lt3A_201 : vector<16xi32>
      %and3A_203 = arith.andi %ge3A_200, %lt3A_202 : vector<16xi1>
      %get3A_204 = arith.constant 80 : index
      %get3A_205 = tpu.vector_load %arg10[%get3A_204] {strides = array<i32>} : memref<128xi32, #tpu.memory_space<vmem>>, vector<16xi32>,
      %get3A_206 = arith.constant 80 : index
      %get3A_207 = tpu.vector_load %arg9[%get3A_206] {strides = array<i32>} : memref<128xi32, #tpu.memory_space<vmem>>, vector<16xi32>,
      %sub3A_208 = vector.broadcast %mul3A_2 : i32 to vector<16xi32>
      %sub3A_209 = arith.subi %get3A_205, %sub3A_208 : vector<16xi32>
      %add3A_210 = vector.broadcast %mul3A_4 : i32 to vector<16xi32>
      %add3A_211 = arith.addi %sub3A_209, %add3A_210 : vector<16xi32>
      %add3A_212 = arith.constant 320 : i32
      %add3A_213 = arith.addi %mul3A_4, %add3A_212 : i32
      %broadcast_in_dim3A_214 = vector.broadcast %add3A_213 : i32 to vector<16xi32>
      %select_n3A_215 = arith.select %and3A_203, %add3A_211, %broadcast_in_dim3A_214 : vector<16xi1>, vector<16xi32>
      %swap3A_216 = arith.constant 80 : index
      %swap3A_217 = tpu.vector_load %arg10[%swap3A_216] {strides = array<i32>} : memref<128xi32, #tpu.memory_space<vmem>>, vector<16xi32>,
      tpu.vector_store %arg10[%swap3A_216], %select_n3A_215 {strides = array<i32>} : memref<128xi32, #tpu.memory_space<vmem>>, vector<16xi32>,
      %jit3A_218 = arith.constant 0 : i32
      %broadcast_in_dim3A_219 = vector.broadcast %jit3A_218 : i32 to vector<16xi32>
      %select_n3A_220 = arith.select %and3A_203, %get3A_207, %broadcast_in_dim3A_219 : vector<16xi1>, vector<16xi32>
      %swap3A_221 = arith.constant 80 : index
      %swap3A_222 = tpu.vector_load %arg9[%swap3A_221] {strides = array<i32>} : memref<128xi32, #tpu.memory_space<vmem>>, vector<16xi32>,
      tpu.vector_store %arg9[%swap3A_221], %select_n3A_220 {strides = array<i32>} : memref<128xi32, #tpu.memory_space<vmem>>, vector<16xi32>,
      %iota3A_223 = tpu.iota {dimensions = array<i32: 0>} : vector<16xi32>
      %add3A_224 = vector.broadcast %add3A_47 : i32 to vector<16xi32>
      %add3A_225 = arith.addi %add3A_224, %iota3A_223 : vector<16xi32>
      %add3A_226 = arith.constant 96 : i32
      %add3A_227 = vector.broadcast %add3A_226 : i32 to vector<16xi32>
      %add3A_228 = arith.addi %add3A_225, %add3A_227 : vector<16xi32>
      %ge3A_229 = vector.broadcast %squeeze3A : i32 to vector<16xi32>
      %ge3A_230 = arith.cmpi sge, %add3A_228, %ge3A_229 : vector<16xi32>
      %lt3A_231 = vector.broadcast %squeeze3A_11 : i32 to vector<16xi32>
      %lt3A_232 = arith.cmpi slt, %add3A_228, %lt3A_231 : vector<16xi32>
      %and3A_233 = arith.andi %ge3A_230, %lt3A_232 : vector<16xi1>
      %get3A_234 = arith.constant 96 : index
      %get3A_235 = tpu.vector_load %arg10[%get3A_234] {strides = array<i32>} : memref<128xi32, #tpu.memory_space<vmem>>, vector<16xi32>,
      %get3A_236 = arith.constant 96 : index
      %get3A_237 = tpu.vector_load %arg9[%get3A_236] {strides = array<i32>} : memref<128xi32, #tpu.memory_space<vmem>>, vector<16xi32>,
      %sub3A_238 = vector.broadcast %mul3A_2 : i32 to vector<16xi32>
      %sub3A_239 = arith.subi %get3A_235, %sub3A_238 : vector<16xi32>
      %add3A_240 = vector.broadcast %mul3A_4 : i32 to vector<16xi32>
      %add3A_241 = arith.addi %sub3A_239, %add3A_240 : vector<16xi32>
      %add3A_242 = arith.constant 320 : i32
      %add3A_243 = arith.addi %mul3A_4, %add3A_242 : i32
      %broadcast_in_dim3A_244 = vector.broadcast %add3A_243 : i32 to vector<16xi32>
      %select_n3A_245 = arith.select %and3A_233, %add3A_241, %broadcast_in_dim3A_244 : vector<16xi1>, vector<16xi32>
      %swap3A_246 = arith.constant 96 : index
      %swap3A_247 = tpu.vector_load %arg10[%swap3A_246] {strides = array<i32>} : memref<128xi32, #tpu.memory_space<vmem>>, vector<16xi32>,
      tpu.vector_store %arg10[%swap3A_246], %select_n3A_245 {strides = array<i32>} : memref<128xi32, #tpu.memory_space<vmem>>, vector<16xi32>,
      %jit3A_248 = arith.constant 0 : i32
      %broadcast_in_dim3A_249 = vector.broadcast %jit3A_248 : i32 to vector<16xi32>
      %select_n3A_250 = arith.select %and3A_233, %get3A_237, %broadcast_in_dim3A_249 : vector<16xi1>, vector<16xi32>
      %swap3A_251 = arith.constant 96 : index
      %swap3A_252 = tpu.vector_load %arg9[%swap3A_251] {strides = array<i32>} : memref<128xi32, #tpu.memory_space<vmem>>, vector<16xi32>,
      tpu.vector_store %arg9[%swap3A_251], %select_n3A_250 {strides = array<i32>} : memref<128xi32, #tpu.memory_space<vmem>>, vector<16xi32>,
      %iota3A_253 = tpu.iota {dimensions = array<i32: 0>} : vector<16xi32>
      %add3A_254 = vector.broadcast %add3A_47 : i32 to vector<16xi32>
      %add3A_255 = arith.addi %add3A_254, %iota3A_253 : vector<16xi32>
      %add3A_256 = arith.constant 112 : i32
      %add3A_257 = vector.broadcast %add3A_256 : i32 to vector<16xi32>
      %add3A_258 = arith.addi %add3A_255, %add3A_257 : vector<16xi32>
      %ge3A_259 = vector.broadcast %squeeze3A : i32 to vector<16xi32>
      %ge3A_260 = arith.cmpi sge, %add3A_258, %ge3A_259 : vector<16xi32>
      %lt3A_261 = vector.broadcast %squeeze3A_11 : i32 to vector<16xi32>
      %lt3A_262 = arith.cmpi slt, %add3A_258, %lt3A_261 : vector<16xi32>
      %and3A_263 = arith.andi %ge3A_260, %lt3A_262 : vector<16xi1>
      %get3A_264 = arith.constant 112 : index
      %get3A_265 = tpu.vector_load %arg10[%get3A_264] {strides = array<i32>} : memref<128xi32, #tpu.memory_space<vmem>>, vector<16xi32>,
      %get3A_266 = arith.constant 112 : index
      %get3A_267 = tpu.vector_load %arg9[%get3A_266] {strides = array<i32>} : memref<128xi32, #tpu.memory_space<vmem>>, vector<16xi32>,
      %sub3A_268 = vector.broadcast %mul3A_2 : i32 to vector<16xi32>
      %sub3A_269 = arith.subi %get3A_265, %sub3A_268 : vector<16xi32>
      %add3A_270 = vector.broadcast %mul3A_4 : i32 to vector<16xi32>
      %add3A_271 = arith.addi %sub3A_269, %add3A_270 : vector<16xi32>
      %add3A_272 = arith.constant 320 : i32
      %add3A_273 = arith.addi %mul3A_4, %add3A_272 : i32
      %broadcast_in_dim3A_274 = vector.broadcast %add3A_273 : i32 to vector<16xi32>
      %select_n3A_275 = arith.select %and3A_263, %add3A_271, %broadcast_in_dim3A_274 : vector<16xi1>, vector<16xi32>
      %swap3A_276 = arith.constant 112 : index
      %swap3A_277 = tpu.vector_load %arg10[%swap3A_276] {strides = array<i32>} : memref<128xi32, #tpu.memory_space<vmem>>, vector<16xi32>,
      tpu.vector_store %arg10[%swap3A_276], %select_n3A_275 {strides = array<i32>} : memref<128xi32, #tpu.memory_space<vmem>>, vector<16xi32>,
      %jit3A_278 = arith.constant 0 : i32
      %broadcast_in_dim3A_279 = vector.broadcast %jit3A_278 : i32 to vector<16xi32>
      %select_n3A_280 = arith.select %and3A_263, %get3A_267, %broadcast_in_dim3A_279 : vector<16xi1>, vector<16xi32>
      %swap3A_281 = arith.constant 112 : index
      %swap3A_282 = tpu.vector_load %arg9[%swap3A_281] {strides = array<i32>} : memref<128xi32, #tpu.memory_space<vmem>>, vector<16xi32>,
      tpu.vector_store %arg9[%swap3A_281], %select_n3A_280 {strides = array<i32>} : memref<128xi32, #tpu.memory_space<vmem>>, vector<16xi32>,
      %dma_start3A = arith.constant 0 : i32
      %dma_start3A_283 = arith.constant 0 : i32
      %dma_start3A_284 = tpu.memref_slice %arg2[%dma_start3A, %dma_start3A_283] : memref<10240x128xf32, #tpu.memory_space<hbm>> -> memref<10240x128xf32, #tpu.memory_space<hbm>>
      tpu.enqueue_indirect_dma source(%dma_start3A_284 : memref<10240x128xf32, #tpu.memory_space<hbm>>) target(%arg13 : memref<128x128xf32, #tpu.memory_space<vmem>>) offsets(%arg9 : memref<128xi32, #tpu.memory_space<vmem>>) semaphore(%arg16 : memref<!tpu.dma_semaphore, #tpu.memory_space<semaphore_mem>>)
      %dma_wait3A = arith.constant 0 : i32
      %dma_wait3A_285 = arith.constant 0 : i32
      %dma_wait3A_286 = tpu.memref_slice %arg2[%dma_wait3A, %dma_wait3A_285] : memref<10240x128xf32, #tpu.memory_space<hbm>> -> memref<10240x128xf32, #tpu.memory_space<hbm>>
      tpu.wait_indirect_dma semaphore(%arg16 : memref<!tpu.dma_semaphore, #tpu.memory_space<semaphore_mem>>) src(%dma_wait3A_286 : memref<10240x128xf32, #tpu.memory_space<hbm>>) dst(%arg13 : memref<128x128xf32, #tpu.memory_space<vmem>>)
      "tpu.region"() ({
        %run_scoped3A = tpu.sem_alloc : memref<!tpu.dma_semaphore, #tpu.memory_space<semaphore_mem>>
        %dma_start3A_287 = arith.constant 0 : i32
        %dma_start3A_288 = arith.constant 0 : i32
        %dma_start3A_289 = tpu.memref_slice %arg15[%dma_start3A_287, %dma_start3A_288] : memref<5248x128xf32, #tpu.memory_space<vmem_shared>> -> memref<5248x128xf32, #tpu.memory_space<vmem_shared>>
        tpu.enqueue_indirect_dma source(%arg13 : memref<128x128xf32, #tpu.memory_space<vmem>>) target(%dma_start3A_289 : memref<5248x128xf32, #tpu.memory_space<vmem_shared>>) offsets(%arg10 : memref<128xi32, #tpu.memory_space<vmem>>) semaphore(%run_scoped3A : memref<!tpu.dma_semaphore, #tpu.memory_space<semaphore_mem>>) {add = true}
        %dma_wait3A_290 = arith.constant 0 : i32
        %dma_wait3A_291 = arith.constant 0 : i32
        %dma_wait3A_292 = tpu.memref_slice %arg15[%dma_wait3A_290, %dma_wait3A_291] : memref<5248x128xf32, #tpu.memory_space<vmem_shared>> -> memref<5248x128xf32, #tpu.memory_space<vmem_shared>>
        tpu.wait_indirect_dma semaphore(%run_scoped3A : memref<!tpu.dma_semaphore, #tpu.memory_space<semaphore_mem>>) src(%arg13 : memref<128x128xf32, #tpu.memory_space<vmem>>) dst(%dma_wait3A_292 : memref<5248x128xf32, #tpu.memory_space<vmem_shared>>)
        tpu.yield
      }) : () -> ()
    }
    "tpu.region"() ({
      %run_scoped3A = tpu.sem_alloc : memref<!tpu.dma_semaphore, #tpu.memory_space<semaphore_mem>>
      %dma_start3A = arith.constant 0 : i32
      %dma_start3A_44 = tpu.memref_slice %arg7[%mul3A_2, %dma_start3A] : memref<10240x128xf32, #tpu.memory_space<hbm>> -> memref<320x128xf32, #tpu.memory_space<hbm>>
      %dma_start3A_45 = arith.constant 0 : i32
      %dma_start3A_46 = tpu.memref_slice %arg15[%mul3A_4, %dma_start3A_45] : memref<5248x128xf32, #tpu.memory_space<vmem_shared>> -> memref<320x128xf32, #tpu.memory_space<vmem_shared>>
      tpu.enqueue_dma source(%dma_start3A_46 : memref<320x128xf32, #tpu.memory_space<vmem_shared>>) target(%dma_start3A_44 : memref<320x128xf32, #tpu.memory_space<hbm>>) target_semaphore(%run_scoped3A : memref<!tpu.dma_semaphore, #tpu.memory_space<semaphore_mem>>)
      %dma_wait3A = arith.constant 0 : i32
      %dma_wait3A_47 = tpu.memref_slice %arg7[%mul3A_2, %dma_wait3A] : memref<10240x128xf32, #tpu.memory_space<hbm>> -> memref<320x128xf32, #tpu.memory_space<hbm>>
      %dma_wait3A_48 = arith.constant 0 : i32
      %dma_wait3A_49 = tpu.memref_slice %arg15[%mul3A_4, %dma_wait3A_48] : memref<5248x128xf32, #tpu.memory_space<vmem_shared>> -> memref<320x128xf32, #tpu.memory_space<vmem_shared>>
      tpu.wait_dma2 semaphore(%run_scoped3A : memref<!tpu.dma_semaphore, #tpu.memory_space<semaphore_mem>>) src(%dma_wait3A_49 : memref<320x128xf32, #tpu.memory_space<vmem_shared>>) dst(%dma_wait3A_47 : memref<320x128xf32, #tpu.memory_space<hbm>>)
      tpu.yield
    }) : () -> ()
    return
  }
}

module attributes {stable_mosaic.version = 14 : i64} {
  func.func @_h_body(%arg0: memref<10000x128xf32, #tpu.memory_space<vmem>>, %arg1: memref<128x128xf32, #tpu.memory_space<vmem>>, %arg2: memref<1x128xf32, #tpu.memory_space<vmem>>, %arg3: memref<10000x128xf32, #tpu.memory_space<vmem>>) attributes {dimension_semantics = [], scalar_prefetch = 0 : i64, scratch_operands = 0 : i64, tpu.core_type = #tpu.core_type<tc>} {
    %get3A = arith.constant 0 : index
    %get3A_0 = arith.constant 0 : index
    %get3A_1 = vector.load %arg0[%get3A, %get3A_0] : memref<10000x128xf32, #tpu.memory_space<vmem>>, vector<10000x128xf32>
    %get3A_2 = arith.constant 0 : index
    %get3A_3 = arith.constant 0 : index
    %get3A_4 = vector.load %arg1[%get3A_2, %get3A_3] : memref<128x128xf32, #tpu.memory_space<vmem>>, vector<128x128xf32>
    %dot_general3A = arith.constant dense<0.000000e+00> : vector<10000x128xf32>
    %dot_general3A_5 = tpu.matmul %get3A_1, %get3A_4, %dot_general3A {dimension_numbers = #tpu.dot_dimension_numbers<[1], [0], [0], [1], [0, 0, 1, 1], [], []>, transpose_lhs_hint = false} : vector<10000x128xf32>, vector<128x128xf32>, vector<10000x128xf32> -> vector<10000x128xf32>
    %get3A_6 = arith.constant 0 : index
    %get3A_7 = arith.constant 0 : index
    %get3A_8 = vector.load %arg2[%get3A_6, %get3A_7] : memref<1x128xf32, #tpu.memory_space<vmem>>, vector<1x128xf32>
    %add3A = vector.broadcast %get3A_8 : vector<1x128xf32> to vector<10000x128xf32>
    %add3A_9 = arith.addf %dot_general3A_5, %add3A : vector<10000x128xf32>
    %max3A = arith.constant 0.000000e+00 : f32
    %max3A_10 = vector.broadcast %max3A : f32 to vector<10000x128xf32>
    %max3A_11 = arith.maximumf %add3A_9, %max3A_10 : vector<10000x128xf32>
    %swap3A = arith.constant 0 : index
    %swap3A_12 = arith.constant 0 : index
    %swap3A_13 = vector.load %arg3[%swap3A, %swap3A_12] : memref<10000x128xf32, #tpu.memory_space<vmem>>, vector<10000x128xf32>
    tpu.vector_store %arg3[%swap3A, %swap3A_12], %max3A_11 {strides = array<i32>} : memref<10000x128xf32, #tpu.memory_space<vmem>>, vector<10000x128xf32>,
    return
  }
}

module attributes {stable_mosaic.version = 14 : i64} {
  func.func @_rank_body(%arg0: i32, %arg1: memref<256x1xf32, #tpu.memory_space<vmem>>, %arg2: memref<1x10240xf32, #tpu.memory_space<vmem>>, %arg3: memref<256x1xi32, #tpu.memory_space<vmem>>) attributes {dimension_semantics = [#tpu.dimension_semantics<arbitrary>], iteration_bounds = array<i64: 40>, scalar_prefetch = 0 : i64, scratch_operands = 0 : i64, tpu.core_type = #tpu.core_type<tc>, window_params = [{transform_indices = @transform_0, window_bounds = array<i64: 256, 1>}, {pipeline_mode = #tpu.pipeline_mode<synchronous>, transform_indices = @transform_1, window_bounds = array<i64: 1, 10240>}, {transform_indices = @transform_2, window_bounds = array<i64: 256, 1>}]} {
    %get3A = arith.constant 0 : index
    %get3A_0 = arith.constant 0 : index
    %get3A_1 = vector.load %arg1[%get3A, %get3A_0] : memref<256x1xf32, #tpu.memory_space<vmem>>, vector<256x1xf32>
    %mul3A = arith.constant 256 : i32
    %mul3A_2 = arith.muli %arg0, %mul3A : i32
    %iota3A = tpu.iota {dimensions = array<i32: 0>} : vector<256x128xi32>
    %add3A = vector.broadcast %mul3A_2 : i32 to vector<256x128xi32>
    %add3A_3 = arith.addi %add3A, %iota3A : vector<256x128xi32>
    %broadcast_in_dim3A = arith.constant 0.000000e+00 : f32
    %broadcast_in_dim3A_4 = vector.broadcast %broadcast_in_dim3A : f32 to vector<256x128xf32>
    %scan3A = arith.constant 0 : i32
    %scan3A_5 = arith.constant 80 : i32
    %scan3A_6 = arith.addi %scan3A, %scan3A_5 : i32
    %scan3A_7 = arith.constant 1 : i32
    %scan3A_8 = scf.for %scan3A_14 = %scan3A to %scan3A_6 step %scan3A_7 iter_args(%scan3A_15 = %broadcast_in_dim3A_4) -> (vector<256x128xf32>)  : i32 {
      %mul3A_16 = arith.constant 128 : i32
      %mul3A_17 = arith.muli %scan3A_14, %mul3A_16 : i32
      %get3A_18 = arith.constant 0 : index
      %get3A_19 = arith.index_cast %mul3A_17 : i32 to index
      %get3A_20 = vector.load %arg2[%get3A_18, %get3A_19] : memref<1x10240xf32, #tpu.memory_space<vmem>>, vector<1x128xf32>
      %mul3A_21 = arith.constant 128 : i32
      %mul3A_22 = arith.muli %scan3A_14, %mul3A_21 : i32
      %iota3A_23 = tpu.iota {dimensions = array<i32: 1>} : vector<256x128xi32>
      %add3A_24 = vector.broadcast %mul3A_22 : i32 to vector<256x128xi32>
      %add3A_25 = arith.addi %add3A_24, %iota3A_23 : vector<256x128xi32>
      %lt3A = vector.broadcast %get3A_20 : vector<1x128xf32> to vector<256x128xf32>
      %lt3A_26 = vector.broadcast %get3A_1 : vector<256x1xf32> to vector<256x128xf32>
      %lt3A_27 = arith.cmpf olt, %lt3A, %lt3A_26 : vector<256x128xf32>
      %eq3A = vector.broadcast %get3A_20 : vector<1x128xf32> to vector<256x128xf32>
      %eq3A_28 = vector.broadcast %get3A_1 : vector<256x1xf32> to vector<256x128xf32>
      %eq3A_29 = arith.cmpf oeq, %eq3A, %eq3A_28 : vector<256x128xf32>
      %lt3A_30 = arith.cmpi slt, %add3A_25, %add3A_3 : vector<256x128xi32>
      %and3A = arith.andi %eq3A_29, %lt3A_30 : vector<256x128xi1>
      %or3A = arith.ori %lt3A_27, %and3A : vector<256x128xi1>
      %jit3A = arith.constant 1.000000e+00 : f32
      %jit3A_31 = arith.constant 0.000000e+00 : f32
      %broadcast_in_dim3A_32 = vector.broadcast %jit3A : f32 to vector<256x128xf32>
      %broadcast_in_dim3A_33 = vector.broadcast %jit3A_31 : f32 to vector<256x128xf32>
      %select_n3A = arith.select %or3A, %broadcast_in_dim3A_32, %broadcast_in_dim3A_33 : vector<256x128xi1>, vector<256x128xf32>
      %add3A_34 = arith.addf %scan3A_15, %select_n3A : vector<256x128xf32>
      scf.yield %add3A_34 : vector<256x128xf32>
    }
    %scan3A_9 = arith.constant 80 : i32
    %reduce_sum3A = arith.constant dense<0.000000e+00> : vector<256xf32>
    %reduce_sum3A_10 = vector.multi_reduction <add>, %scan3A_8, %reduce_sum3A [1] : vector<256x128xf32> to vector<256xf32>
    %broadcast_in_dim3A_11 = vector.shape_cast %reduce_sum3A_10 : vector<256xf32> to vector<256x1xf32>
    %convert_element_type3A = arith.fptosi %broadcast_in_dim3A_11 : vector<256x1xf32> to vector<256x1xi32>
    %swap3A = arith.constant 0 : index
    %swap3A_12 = arith.constant 0 : index
    %swap3A_13 = vector.load %arg3[%swap3A, %swap3A_12] : memref<256x1xi32, #tpu.memory_space<vmem>>, vector<256x1xi32>
    tpu.vector_store %arg3[%swap3A, %swap3A_12], %convert_element_type3A {strides = array<i32>} : memref<256x1xi32, #tpu.memory_space<vmem>>, vector<256x1xi32>,
    return
  }
  func.func @transform_0(%arg0: i32) -> (i32, i32) {
    %c0_i32 = arith.constant 0 : i32
    %c0_i32_0 = arith.constant 0 : i32
    return %arg0, %c0_i32 : i32, i32
  }
  func.func @transform_1(%arg0: i32) -> (i32, i32) {
    %c0_i32 = arith.constant 0 : i32
    %c0_i32_0 = arith.constant 0 : i32
    %c0_i32_1 = arith.constant 0 : i32
    return %c0_i32, %c0_i32_0 : i32, i32
  }
  func.func @transform_2(%arg0: i32) -> (i32, i32) {
    %c0_i32 = arith.constant 0 : i32
    %c0_i32_0 = arith.constant 0 : i32
    return %arg0, %c0_i32 : i32, i32
  }
}

module attributes {stable_mosaic.version = 14 : i64} {
  func.func @_conv_body(%arg0: memref<10240x128xf32, #tpu.memory_space<vmem>>, %arg1: memref<128x128xf32, #tpu.memory_space<vmem>>, %arg2: memref<128x128xf32, #tpu.memory_space<vmem>>, %arg3: memref<128x128xf32, #tpu.memory_space<vmem>>, %arg4: memref<1x128xf32, #tpu.memory_space<vmem>>, %arg5: memref<10240x128xf32, #tpu.memory_space<vmem>>) attributes {dimension_semantics = [], scalar_prefetch = 0 : i64, scratch_operands = 0 : i64, tpu.core_type = #tpu.core_type<tc>} {
    %get3A = arith.constant 0 : index
    %get3A_0 = arith.constant 0 : index
    %get3A_1 = vector.load %arg0[%get3A, %get3A_0] : memref<10240x128xf32, #tpu.memory_space<vmem>>, vector<10240x128xf32>
    %get3A_2 = arith.constant 0 : index
    %get3A_3 = arith.constant 0 : index
    %get3A_4 = vector.load %arg1[%get3A_2, %get3A_3] : memref<128x128xf32, #tpu.memory_space<vmem>>, vector<128x128xf32>
    %dot_general3A = arith.constant dense<0.000000e+00> : vector<10240x128xf32>
    %dot_general3A_5 = tpu.matmul %get3A_1, %get3A_4, %dot_general3A {dimension_numbers = #tpu.dot_dimension_numbers<[1], [0], [0], [1], [0, 0, 1, 1], [], []>, transpose_lhs_hint = false} : vector<10240x128xf32>, vector<128x128xf32>, vector<10240x128xf32> -> vector<10240x128xf32>
    %get3A_6 = arith.constant 0 : index
    %get3A_7 = arith.constant 0 : index
    %get3A_8 = vector.load %arg2[%get3A_6, %get3A_7] : memref<128x128xf32, #tpu.memory_space<vmem>>, vector<128x128xf32>
    %dot_general3A_9 = arith.constant dense<0.000000e+00> : vector<10240x128xf32>
    %dot_general3A_10 = tpu.matmul %get3A_1, %get3A_8, %dot_general3A_9 {dimension_numbers = #tpu.dot_dimension_numbers<[1], [0], [0], [1], [0, 0, 1, 1], [], []>, transpose_lhs_hint = false} : vector<10240x128xf32>, vector<128x128xf32>, vector<10240x128xf32> -> vector<10240x128xf32>
    %get3A_11 = arith.constant 0 : index
    %get3A_12 = arith.constant 0 : index
    %get3A_13 = vector.load %arg3[%get3A_11, %get3A_12] : memref<128x128xf32, #tpu.memory_space<vmem>>, vector<128x128xf32>
    %dot_general3A_14 = arith.constant dense<0.000000e+00> : vector<10240x128xf32>
    %dot_general3A_15 = tpu.matmul %get3A_1, %get3A_13, %dot_general3A_14 {dimension_numbers = #tpu.dot_dimension_numbers<[1], [0], [0], [1], [0, 0, 1, 1], [], []>, transpose_lhs_hint = false} : vector<10240x128xf32>, vector<128x128xf32>, vector<10240x128xf32> -> vector<10240x128xf32>
    %broadcast_in_dim3A = arith.constant 0.000000e+00 : f32
    %broadcast_in_dim3A_16 = vector.broadcast %broadcast_in_dim3A : f32 to vector<1x128xf32>
    %slice3A = vector.extract_strided_slice %dot_general3A_5 {offsets = [0, 0], sizes = [10239, 128], strides = [1, 1]} : vector<10240x128xf32> to vector<10239x128xf32>
    %concatenate3A = tpu.concatenate %broadcast_in_dim3A_16, %slice3A in 0 : vector<1x128xf32>, vector<10239x128xf32> -> vector<10240x128xf32>
    %slice3A_17 = vector.extract_strided_slice %dot_general3A_15 {offsets = [1, 0], sizes = [10239, 128], strides = [1, 1]} : vector<10240x128xf32> to vector<10239x128xf32>
    %concatenate3A_18 = tpu.concatenate %slice3A_17, %broadcast_in_dim3A_16 in 0 : vector<10239x128xf32>, vector<1x128xf32> -> vector<10240x128xf32>
    %add3A = arith.addf %dot_general3A_10, %concatenate3A : vector<10240x128xf32>
    %add3A_19 = arith.addf %add3A, %concatenate3A_18 : vector<10240x128xf32>
    %get3A_20 = arith.constant 0 : index
    %get3A_21 = arith.constant 0 : index
    %get3A_22 = vector.load %arg4[%get3A_20, %get3A_21] : memref<1x128xf32, #tpu.memory_space<vmem>>, vector<1x128xf32>
    %add3A_23 = vector.broadcast %get3A_22 : vector<1x128xf32> to vector<10240x128xf32>
    %add3A_24 = arith.addf %add3A_19, %add3A_23 : vector<10240x128xf32>
    %swap3A = arith.constant 0 : index
    %swap3A_25 = arith.constant 0 : index
    %swap3A_26 = vector.load %arg5[%swap3A, %swap3A_25] : memref<10240x128xf32, #tpu.memory_space<vmem>>, vector<10240x128xf32>
    tpu.vector_store %arg5[%swap3A, %swap3A_25], %add3A_24 {strides = array<i32>} : memref<10240x128xf32, #tpu.memory_space<vmem>>, vector<10240x128xf32>,
    return
  }
}

module attributes {stable_mosaic.version = 14 : i64} {
  func.func @_phase2_body(%arg0: memref<10240x128xf32, #tpu.memory_space<vmem>>, %arg1: memref<10240x128xf32, #tpu.memory_space<vmem>>, %arg2: memref<128x128xf32, #tpu.memory_space<vmem>>, %arg3: memref<1x128xf32, #tpu.memory_space<vmem>>, %arg4: memref<10240x1xi32, #tpu.memory_space<vmem>>, %arg5: memref<64x128xf32, #tpu.memory_space<vmem>>, %arg6: memref<128x2xf32, #tpu.memory_space<vmem>>, %arg7: memref<1x2xf32, #tpu.memory_space<vmem>>, %arg8: memref<64x1xi32, #tpu.memory_space<vmem>>, %arg9: memref<1x1xf32, #tpu.memory_space<vmem>>, %arg10: memref<64x2xf32, #tpu.memory_space<vmem>>) attributes {dimension_semantics = [], scalar_prefetch = 0 : i64, scratch_operands = 0 : i64, tpu.core_type = #tpu.core_type<tc>} {
    %get3A = arith.constant 0 : index
    %get3A_0 = arith.constant 0 : index
    %get3A_1 = vector.load %arg0[%get3A, %get3A_0] : memref<10240x128xf32, #tpu.memory_space<vmem>>, vector<10240x128xf32>
    %get3A_2 = arith.constant 0 : index
    %get3A_3 = arith.constant 0 : index
    %get3A_4 = vector.load %arg1[%get3A_2, %get3A_3] : memref<10240x128xf32, #tpu.memory_space<vmem>>, vector<10240x128xf32>
    %add3A = arith.addf %get3A_1, %get3A_4 : vector<10240x128xf32>
    %get3A_5 = arith.constant 0 : index
    %get3A_6 = arith.constant 0 : index
    %get3A_7 = vector.load %arg2[%get3A_5, %get3A_6] : memref<128x128xf32, #tpu.memory_space<vmem>>, vector<128x128xf32>
    %dot_general3A = arith.constant dense<0.000000e+00> : vector<10240x128xf32>
    %dot_general3A_8 = tpu.matmul %add3A, %get3A_7, %dot_general3A {dimension_numbers = #tpu.dot_dimension_numbers<[1], [0], [0], [1], [0, 0, 1, 1], [], []>, transpose_lhs_hint = false} : vector<10240x128xf32>, vector<128x128xf32>, vector<10240x128xf32> -> vector<10240x128xf32>
    %get3A_9 = arith.constant 0 : index
    %get3A_10 = arith.constant 0 : index
    %get3A_11 = vector.load %arg3[%get3A_9, %get3A_10] : memref<1x128xf32, #tpu.memory_space<vmem>>, vector<1x128xf32>
    %add3A_12 = vector.broadcast %get3A_11 : vector<1x128xf32> to vector<10240x128xf32>
    %add3A_13 = arith.addf %dot_general3A_8, %add3A_12 : vector<10240x128xf32>
    %max3A = arith.constant 0.000000e+00 : f32
    %max3A_14 = vector.broadcast %max3A : f32 to vector<10240x128xf32>
    %max3A_15 = arith.maximumf %add3A_13, %max3A_14 : vector<10240x128xf32>
    %get3A_16 = arith.constant 0 : index
    %get3A_17 = arith.constant 0 : index
    %get3A_18 = vector.load %arg4[%get3A_16, %get3A_17] : memref<10240x1xi32, #tpu.memory_space<vmem>>, vector<10240x1xi32>
    %iota3A = tpu.iota {dimensions = array<i32: 1>} : vector<10240x64xi32>
    %eq3A = vector.broadcast %get3A_18 : vector<10240x1xi32> to vector<10240x64xi32>
    %eq3A_19 = arith.cmpi eq, %eq3A, %iota3A : vector<10240x64xi32>
    %convert_element_type3A = arith.extui %eq3A_19 : vector<10240x64xi1> to vector<10240x64xi32>
    %convert_element_type3A_20 = arith.sitofp %convert_element_type3A : vector<10240x64xi32> to vector<10240x64xf32>
    %dot_general3A_21 = arith.constant dense<0.000000e+00> : vector<64x128xf32>
    %dot_general3A_22 = tpu.matmul %convert_element_type3A_20, %max3A_15, %dot_general3A_21 {dimension_numbers = #tpu.dot_dimension_numbers<[0], [0], [1], [1], [0, 1, 1, 1], [], []>, transpose_lhs_hint = false} : vector<10240x64xf32>, vector<10240x128xf32>, vector<64x128xf32> -> vector<64x128xf32>
    %reduce_sum3A = arith.constant dense<0.000000e+00> : vector<64xf32>
    %reduce_sum3A_23 = vector.multi_reduction <add>, %convert_element_type3A_20, %reduce_sum3A [0] : vector<10240x64xf32> to vector<64xf32>
    %broadcast_in_dim3A = vector.shape_cast %reduce_sum3A_23 : vector<64xf32> to vector<1x64xf32>
    %max3A_24 = arith.constant 1.000000e+00 : f32
    %max3A_25 = vector.broadcast %max3A_24 : f32 to vector<1x64xf32>
    %max3A_26 = arith.maximumf %broadcast_in_dim3A, %max3A_25 : vector<1x64xf32>
    %div3A = arith.constant 1.000000e+00 : f32
    %div3A_27 = vector.broadcast %div3A : f32 to vector<1x64xf32>
    %div3A_28 = arith.divf %div3A_27, %max3A_26 : vector<1x64xf32>
    %reshape3A = vector.shape_cast %div3A_28 : vector<1x64xf32> to vector<64x1xf32>
    %mul3A = vector.broadcast %reshape3A : vector<64x1xf32> to vector<64x128xf32>
    %mul3A_29 = arith.mulf %dot_general3A_22, %mul3A : vector<64x128xf32>
    %get3A_30 = arith.constant 0 : index
    %get3A_31 = arith.constant 0 : index
    %get3A_32 = vector.load %arg5[%get3A_30, %get3A_31] : memref<64x128xf32, #tpu.memory_space<vmem>>, vector<64x128xf32>
    %add3A_33 = arith.addf %mul3A_29, %get3A_32 : vector<64x128xf32>
    %get3A_34 = arith.constant 0 : index
    %get3A_35 = arith.constant 0 : index
    %get3A_36 = vector.load %arg6[%get3A_34, %get3A_35] : memref<128x2xf32, #tpu.memory_space<vmem>>, vector<128x2xf32>
    %dot_general3A_37 = arith.constant dense<0.000000e+00> : vector<64x2xf32>
    %dot_general3A_38 = tpu.matmul %add3A_33, %get3A_36, %dot_general3A_37 {dimension_numbers = #tpu.dot_dimension_numbers<[1], [0], [0], [1], [0, 0, 1, 1], [], []>, transpose_lhs_hint = false} : vector<64x128xf32>, vector<128x2xf32>, vector<64x2xf32> -> vector<64x2xf32>
    %get3A_39 = arith.constant 0 : index
    %get3A_40 = arith.constant 0 : index
    %get3A_41 = vector.load %arg7[%get3A_39, %get3A_40] : memref<1x2xf32, #tpu.memory_space<vmem>>, vector<1x2xf32>
    %add3A_42 = vector.broadcast %get3A_41 : vector<1x2xf32> to vector<64x2xf32>
    %add3A_43 = arith.addf %dot_general3A_38, %add3A_42 : vector<64x2xf32>
    %reduce_max3A = arith.constant dense<0xFF800000> : vector<64xf32>
    %reduce_max3A_44 = vector.multi_reduction <maximumf>, %add3A_43, %reduce_max3A [1] : vector<64x2xf32> to vector<64xf32>
    %broadcast_in_dim3A_45 = vector.shape_cast %reduce_max3A_44 : vector<64xf32> to vector<64x1xf32>
    %sub3A = vector.broadcast %broadcast_in_dim3A_45 : vector<64x1xf32> to vector<64x2xf32>
    %sub3A_46 = arith.subf %add3A_43, %sub3A : vector<64x2xf32>
    %exp3A = math.exp %sub3A_46 : vector<64x2xf32>
    %sub3A_47 = vector.broadcast %broadcast_in_dim3A_45 : vector<64x1xf32> to vector<64x2xf32>
    %sub3A_48 = arith.subf %add3A_43, %sub3A_47 : vector<64x2xf32>
    %reduce_sum3A_49 = arith.constant dense<0.000000e+00> : vector<64xf32>
    %reduce_sum3A_50 = vector.multi_reduction <add>, %exp3A, %reduce_sum3A_49 [1] : vector<64x2xf32> to vector<64xf32>
    %broadcast_in_dim3A_51 = vector.shape_cast %reduce_sum3A_50 : vector<64xf32> to vector<64x1xf32>
    %log3A = math.log %broadcast_in_dim3A_51 : vector<64x1xf32>
    %sub3A_52 = vector.broadcast %log3A : vector<64x1xf32> to vector<64x2xf32>
    %sub3A_53 = arith.subf %sub3A_48, %sub3A_52 : vector<64x2xf32>
    %swap3A = arith.constant 0 : index
    %swap3A_54 = arith.constant 0 : index
    %swap3A_55 = vector.load %arg10[%swap3A, %swap3A_54] : memref<64x2xf32, #tpu.memory_space<vmem>>, vector<64x2xf32>
    tpu.vector_store %arg10[%swap3A, %swap3A_54], %sub3A_53 {strides = array<i32>} : memref<64x2xf32, #tpu.memory_space<vmem>>, vector<64x2xf32>,
    %get3A_56 = arith.constant 0 : index
    %get3A_57 = arith.constant 0 : index
    %get3A_58 = vector.load %arg8[%get3A_56, %get3A_57] : memref<64x1xi32, #tpu.memory_space<vmem>>, vector<64x1xi32>
    %convert_element_type3A_59 = arith.sitofp %get3A_58 : vector<64x1xi32> to vector<64x1xf32>
    %reduce_sum3A_60 = vector.shape_cast %convert_element_type3A_59 : vector<64x1xf32> to vector<1x64x1xf32>
    %reduce_sum3A_61 = arith.constant dense<0.000000e+00> : vector<1xf32>
    %reduce_sum3A_62 = vector.multi_reduction <add>, %reduce_sum3A_60, %reduce_sum3A_61 [1, 2] : vector<1x64x1xf32> to vector<1xf32>
    %reduce_sum3A_63 = vector.shape_cast %reduce_sum3A_62 : vector<1xf32> to vector<1x1x1xf32>
    %reduce_sum3A_64 = vector.extract %reduce_sum3A_63[0, 0, 0] : f32 from vector<1x1x1xf32>
    %max3A_65 = arith.constant 1.000000e+00 : f32
    %max3A_66 = arith.maximumf %reduce_sum3A_64, %max3A_65 : f32
    %sub3A_67 = arith.constant 1.000000e+00 : f32
    %sub3A_68 = vector.broadcast %sub3A_67 : f32 to vector<64x1xf32>
    %sub3A_69 = arith.subf %sub3A_68, %convert_element_type3A_59 : vector<64x1xf32>
    %reduce_sum3A_70 = vector.shape_cast %sub3A_69 : vector<64x1xf32> to vector<1x64x1xf32>
    %reduce_sum3A_71 = arith.constant dense<0.000000e+00> : vector<1xf32>
    %reduce_sum3A_72 = vector.multi_reduction <add>, %reduce_sum3A_70, %reduce_sum3A_71 [1, 2] : vector<1x64x1xf32> to vector<1xf32>
    %reduce_sum3A_73 = vector.shape_cast %reduce_sum3A_72 : vector<1xf32> to vector<1x1x1xf32>
    %reduce_sum3A_74 = vector.extract %reduce_sum3A_73[0, 0, 0] : f32 from vector<1x1x1xf32>
    %max3A_75 = arith.constant 1.000000e+00 : f32
    %max3A_76 = arith.maximumf %reduce_sum3A_74, %max3A_75 : f32
    %eq3A_77 = arith.constant 1 : i32
    %eq3A_78 = vector.broadcast %eq3A_77 : i32 to vector<64x1xi32>
    %eq3A_79 = arith.cmpi eq, %get3A_58, %eq3A_78 : vector<64x1xi32>
    %div3A_80 = arith.constant 1.000000e+00 : f32
    %div3A_81 = arith.divf %div3A_80, %max3A_66 : f32
    %div3A_82 = arith.constant 1.000000e+00 : f32
    %div3A_83 = arith.divf %div3A_82, %max3A_76 : f32
    %broadcast_in_dim3A_84 = vector.broadcast %div3A_81 : f32 to vector<64x1xf32>
    %broadcast_in_dim3A_85 = vector.broadcast %div3A_83 : f32 to vector<64x1xf32>
    %select_n3A = arith.select %eq3A_79, %broadcast_in_dim3A_84, %broadcast_in_dim3A_85 : vector<64x1xi1>, vector<64x1xf32>
    %eq3A_86 = arith.constant 1 : i32
    %eq3A_87 = vector.broadcast %eq3A_86 : i32 to vector<64x1xi32>
    %eq3A_88 = arith.cmpi eq, %get3A_58, %eq3A_87 : vector<64x1xi32>
    %slice3A = vector.extract_strided_slice %sub3A_53 {offsets = [0, 1], sizes = [64, 1], strides = [1, 1]} : vector<64x2xf32> to vector<64x1xf32>
    %slice3A_89 = vector.extract_strided_slice %sub3A_53 {offsets = [0, 0], sizes = [64, 1], strides = [1, 1]} : vector<64x2xf32> to vector<64x1xf32>
    %select_n3A_90 = arith.select %eq3A_88, %slice3A, %slice3A_89 : vector<64x1xi1>, vector<64x1xf32>
    %mul3A_91 = arith.mulf %select_n3A, %select_n3A_90 : vector<64x1xf32>
    %reduce_sum3A_92 = vector.shape_cast %mul3A_91 : vector<64x1xf32> to vector<1x64x1xf32>
    %reduce_sum3A_93 = arith.constant dense<0.000000e+00> : vector<1xf32>
    %reduce_sum3A_94 = vector.multi_reduction <add>, %reduce_sum3A_92, %reduce_sum3A_93 [1, 2] : vector<1x64x1xf32> to vector<1xf32>
    %reduce_sum3A_95 = vector.shape_cast %reduce_sum3A_94 : vector<1xf32> to vector<1x1x1xf32>
    %reduce_sum3A_96 = vector.extract %reduce_sum3A_95[0, 0, 0] : f32 from vector<1x1x1xf32>
    %neg3A = arith.constant 0.000000e+00 : f32
    %neg3A_97 = arith.subf %neg3A, %reduce_sum3A_96 : f32
    %reduce_sum3A_98 = vector.shape_cast %select_n3A : vector<64x1xf32> to vector<1x64x1xf32>
    %reduce_sum3A_99 = arith.constant dense<0.000000e+00> : vector<1xf32>
    %reduce_sum3A_100 = vector.multi_reduction <add>, %reduce_sum3A_98, %reduce_sum3A_99 [1, 2] : vector<1x64x1xf32> to vector<1xf32>
    %reduce_sum3A_101 = vector.shape_cast %reduce_sum3A_100 : vector<1xf32> to vector<1x1x1xf32>
    %reduce_sum3A_102 = vector.extract %reduce_sum3A_101[0, 0, 0] : f32 from vector<1x1x1xf32>
    %div3A_103 = arith.divf %neg3A_97, %reduce_sum3A_102 : f32
    %reshape3A_104 = vector.broadcast %div3A_103 : f32 to vector<1x1xf32>
    %swap3A_105 = arith.constant 0 : index
    %swap3A_106 = arith.constant 0 : index
    %swap3A_107 = vector.load %arg9[%swap3A_105, %swap3A_106] : memref<1x1xf32, #tpu.memory_space<vmem>>, vector<1x1xf32>
    tpu.vector_store %arg9[%swap3A_105, %swap3A_106], %reshape3A_104 {strides = array<i32>} : memref<1x1xf32, #tpu.memory_space<vmem>>, vector<1x1xf32>,
    return
  }
}

</mosaic_0001>

<sc_bundles>
// kernel: gather_offload_async_start.1
scs
__scs_entry_jumppad:
0x0: {  	(pc) =	sbr.rel $0x88, $3  }
0x1: {  	(tag) =	ssettag $0x0;
	lr =	simm.s32 $0x1  }
0x2: {  	[smem:$0x3F8C] =	sst lr;
	_ =	strace $0xD0000000  }
0x3: {  	_ = 	snop  }
0x4: {  	_ = 	snop  }
0x5: {  	_ = 	snop  }
0x6: {  	_ = 	snop  }
0x7: {  	_ = 	snop  }
__scs_overlays_trampoline_lowered:
0x8: {  	[smem:$0x3F9B] =	sst s0  }
0x9: {  	[smem:$0x3F9C] =	sst s1  }
0xa: {  	[smem:$0x3F9D] =	sst s2  }
0xb: {  	[smem:$0x3F9E] =	sst s3  }
0xc: {  	[smem:$0x3F9F] =	sst s4  }
0xd: {  	[smem:$0x3FA0] =	sst s5  }
0xe: {  	[smem:$0x3FA1] =	sst s6  }
0xf: {  	[smem:$0x3FA2] =	sst s7  }
0x10: {  	[smem:$0x3FA3] =	sst s8  }
0x11: {  	[smem:$0x3FA4] =	sst s9;
	s0 =	simm.s32 @!p0 $0x0  }
0x12: {  	s1 =	sld [smem:$0x3F8A];
	s0 =	simm.s32 @p0 $0x1  }
0x13: {  	[smem:$0x3FA5] =	sst s0;
	s0 =	simm.s32 @!p1 $0x0  }
0x14: {  	s2 =	sld [smem:$0x3F89];
	s0 =	simm.s32 @p1 $0x1  }
0x15: {  	[smem:$0x3FA6] =	sst s0;
	s0 =	simm.s32 @!p2 $0x0  }
0x16: {  	s3 =	sld [smem:$0x3FDB];
	s0 =	simm.s32 @p2 $0x1  }
0x17: {  	s4 =	simm.s32 $0x1BF5;
	[smem:$0x3FA8] =	sst s0  }
0x18: {  	s0 =	sld [smem:$0x3F8B];
	_ =	swait.ge [sflag:s4], $0x0  }
0x19: {  	s7 =	sld [smem:$0x3F8C]  }
0x1a: {  	s8 =	sadd.s32 $0xFFFFE003, lr  }
0x1b: {  	s9 =	sadd.s32 $0xFFFFFEF7, lr;
	s5 =	simm.s32 $0xFFFFFFFF;
	p2 =	slt.u32 s8, $0xFFFFF086  }
0x1c: {  	p1 =	slt.u32 s9, $0xF7A;
	s5 =	simm.s32 @!p2 $0x0  }
0x1d: {  	s5 =	simm.s32 @p1 $0x1;
	p0 =	seq.s32 s7, s2  }
0x1e: {  	s7 =	smul.u32 @!p0 $0xF7A, s2;
	p2 =	seq.s32 @!p0 s5, $0x0  }
0x1f: {  	s9 =	smul.u32 $0xF7A, s1;
	s8 =	simm.s32 @!p0 $0x1BF5;
	p2 =	por !p2, p0  }
0x20: {  	[sflag:s8] =	ssyncset.s32 @!p0 $0xFFFFF086;
	s6 =	sadd.s32 @!p0 s3, s7;
	s7 =	simm.s32 @!p0 $0x108  }
0x21: {  	s3 =	sadd.s32 s3, s9;
	s6 =	sadd.s32 @!p0 $0x88, s6;
	s7 =	simm.s32 @p2 $0x1082  }
0x22: {  	[simem:s7], [sflag:s8] =	dma.local @!p0 [hbm:s6], $0xF7A  }
0x23: {  	s9 =	sor.u32 $0xD0000000, s2;
	s6 =	simm.s32 $0x108;
	_ =	swait.ge @!p0 [sflag:s8], $0x0  }
0x24: {  	s3 =	sadd.s32 $0x88, s3;
	s6 =	simm.s32 @!p1 $0x1082;
	[sflag:s4] =	ssyncset.s32 $0xFFFFF086  }
0x25: {  	[simem:s6], [sflag:s4] =	dma.local [hbm:s3], $0xF7A  }
0x26: {  	[smem:$0x3F8C] =	sst s1;
	(tag) =	ssettag s2;
	_ =	strace s9  }
0x27: {  	s1 =	sld [smem:$0x3F9C]  }
0x28: {  	s2 =	sld [smem:$0x3F9D]  }
0x29: {  	s4 =	sld [smem:$0x3F9F]  }
0x2a: {  	p0 =	seq.s32 s5, $0x0;
	s5 =	sld [smem:$0x3FA0]  }
0x2b: {  	s6 =	sld [smem:$0x3FA1]  }
0x2c: {  	s7 =	sld [smem:$0x3FA2]  }
0x2d: {  	s3 =	simm.s32 $0x108;
	s8 =	sld [smem:$0x3FA3]  }
0x2e: {  	s3 =	simm.s32 @!p0 $0x1082;
	s9 =	sld [smem:$0x3FA4]  }
0x2f: {  	lr =	sadd.s32 s0, s3;
	s0 =	sld [smem:$0x3F9B]  }
0x30: {  	s3 =	sld [smem:$0x3F9E]  }
0x31: {  	[smem:$0x3FA7] =	sst s10  }
0x32: {  	s10 =	sld [smem:$0x3FA5];
	_ =	sdelay $0x3  }
0x33: {  	p0 =	seq.s32 s10, $0x1;
	s10 =	sld [smem:$0x3FA7];
	_ =	sdelay $0x3  }
0x34: {  	[smem:$0x3FA7] =	sst s10  }
0x35: {  	s10 =	sld [smem:$0x3FA6];
	_ =	sdelay $0x3  }
0x36: {  	p1 =	seq.s32 s10, $0x1;
	s10 =	sld [smem:$0x3FA7];
	_ =	sdelay $0x3  }
0x37: {  	[smem:$0x3FA7] =	sst s10  }
0x38: {  	s10 =	sld [smem:$0x3FA8]  }
0x39: {  	_ = 	snop;
	(pc) =	sbr.ind lr, $3  }
0x3a: {  	_ = 	snop  }
0x3b: {  	_ = 	snop  }
0x3c: {  	p2 =	seq.s32 s10, $0x1;
	s10 =	sld [smem:$0x3FA7]  }
0x3d: {  	_ =	shalt  }
0x3e: {  	_ =	shalt  }
0x3f: {  	_ =	shalt  }
0x40: {  	_ =	shalt  }
0x41: {  	_ =	shalt  }
0x42: {  	_ =	shalt  }
0x43: {  	_ =	shalt  }
0x44: {  	_ =	shalt  }
0x45: {  	_ =	shalt  }
0x46: {  	_ =	shalt  }
0x47: {  	_ =	shalt  }
0x48: {  	_ =	shalt  }
0x49: {  	_ =	shalt  }
0x4a: {  	_ =	shalt  }
0x4b: {  	_ =	shalt  }
0x4c: {  	_ =	shalt  }
0x4d: {  	_ =	shalt  }
0x4e: {  	_ =	shalt  }
0x4f: {  	_ =	shalt  }
0x50: {  	_ =	shalt  }
0x51: {  	_ =	shalt  }
0x52: {  	_ =	shalt  }
0x53: {  	_ =	shalt  }
0x54: {  	_ =	shalt  }
0x55: {  	_ =	shalt  }
0x56: {  	_ =	shalt  }
0x57: {  	_ =	shalt  }
0x58: {  	_ =	shalt  }
0x59: {  	_ =	shalt  }
0x5a: {  	_ =	shalt  }
0x5b: {  	_ =	shalt  }
0x5c: {  	_ =	shalt  }
0x5d: {  	_ =	shalt  }
0x5e: {  	_ =	shalt  }
0x5f: {  	_ =	shalt  }
0x60: {  	_ =	shalt  }
0x61: {  	_ =	shalt  }
0x62: {  	_ =	shalt  }
0x63: {  	_ =	shalt  }
0x64: {  	_ =	shalt  }
0x65: {  	_ =	shalt  }
0x66: {  	_ =	shalt  }
0x67: {  	_ =	shalt  }
0x68: {  	_ =	shalt  }
0x69: {  	_ =	shalt  }
0x6a: {  	_ =	shalt  }
0x6b: {  	_ =	shalt  }
0x6c: {  	_ =	shalt  }
0x6d: {  	_ =	shalt  }
0x6e: {  	_ =	shalt  }
0x6f: {  	_ =	shalt  }
0x70: {  	_ =	shalt  }
0x71: {  	_ =	shalt  }
0x72: {  	_ =	shalt  }
0x73: {  	_ =	shalt  }
0x74: {  	_ =	shalt  }
0x75: {  	_ =	shalt  }
0x76: {  	_ =	shalt  }
0x77: {  	_ =	shalt  }
0x78: {  	_ =	shalt  }
0x79: {  	_ =	shalt  }
0x7a: {  	_ =	shalt  }
0x7b: {  	_ =	shalt  }
0x7c: {  	_ =	shalt  }
0x7d: {  	_ =	shalt  }
0x7e: {  	_ =	shalt  }
0x7f: {  	_ =	shalt  }
0x80: {  	_ =	shalt  }
0x81: {  	_ =	shalt  }
0x82: {  	_ =	shalt  }
0x83: {  	_ =	shalt  }
0x84: {  	_ =	shalt  }
0x85: {  	_ =	shalt  }
0x86: {  	_ =	shalt  }
0x87: {  	_ =	shalt  }
.Lfunc_end0:
.L_simem_size_0:
called_computation.3_lowered:
.L_overlay_start_0:
0x88: {  	s2 =	sld [smem:$0x3FD9]  }
0x89: {  	s3 =	sld [smem:$0x3FFE];
	_ =	sdelay $0x1  }
0x8a: {  	s1 =	srdreg.scid  }
0x8b: {  	s0 =	sand.u32 $0x1, s1  }
0x8c: {  	s16 =	sshll.u32 s0, $0xA;
	s2 =	sadd.s32 s3, s2  }
0x8d: {  	s2 =	sadd.s32 s2, s16  }
0x8e: {  	[smem:$0x3FB3] =	sst s2  }
0x8f: {  	_ = 	snop  }
0x90: {  	(tm) =	ssettm $0x1  }
0x91: {  	s17 =	sld [smem:$0x3FFB];
	_ =	sdelay $0x3  }
0x92: {  	_ =	strace s17  }
0x93: {  	s2 =	sld [smem:$0x3FFC];
	_ =	sdelay $0x3  }
0x94: {  	_ =	strace s2  }
0x95: {  	s2 =	sld [smem:$0x3FFD];
	_ =	sdelay $0x3  }
0x96: {  	_ =	strace s2  }
0x97: {  	_ =	strace $0x8FFFFFFF  }
0x98: {  	s18 =	sld [smem:$0x3FDB];
	_ =	sdelay $0x1  }
0x99: {  	s19 =	simm.s32 $_scs_section_size  }
0x9a: {  	s4 =	simm.s32 $_size__tile_overlayer_lowered;
	s5 =	simm.s32 $_tile_overlayer_lowered  }
0x9b: {  	s22 =	simm.s32 $0x1BFF;
	s21 =	sshll.u32 s5, $0x1;
	s2 =	sadd.s32 s19, s18  }
0x9c: {  	s6 =	simm.s32 $0x0;
	s20 =	sshll.u32 s4, $0x1;
	s4 =	sadd.s32 s21, s2  }
0x9d: {  	[timem:s6], [sflag:s22] =	dma.local [hbm:s4], s20  }
0x9e: {  	_ =	swait.ge [sflag:s22], s20  }
0x9f: {  	s3 =	ssub.s32 $0x0, s20;
	[sflag:s22] =	ssyncset.done $0x0  }
0xa0: {  	[sflag:s22] =	ssyncadd.s32 s3;
	_ =	sdelay $0x1  }
0xa1: {  	s23 =	simm.s32 $0x1B8B  }
0xa2: {  	_ =	swait.ge [sflag:s23], $0x1  }
0xa3: {  	[sflag:s23] =	ssyncset.done $0x0  }
0xa4: {  	s25 =	simm.s32 $0x1B8E;
	s24 =	sld [smem:$0x3FFE];
	[sflag:s23] =	ssyncadd.s32 $0xFFFFFFFF  }
0xa5: {  	s26 =	simm.s32 $execute0_lowered;
	[smem:$0x3FD2] =	sst s25  }
0xa6: {  	s4 =	sshll.u32 s26, $0x1;
	_ =	strace $0x80000046;
	[dreg:$0x1] =	wrdreg $0xFFFFFFFF  }
0xa7: {  	s28 =	simm.s32 $_size_execute0_lowered;
	s2 =	sadd.s32 s2, s4;
	[dreg:$0x0] =	wrdreg $0x0  }
0xa8: {  	s4 =	sshll.u32 s28, $0x1;
	[dreg:$0x2] =	wrdreg s2  }
0xa9: {  	[dreg:$0x3] =	wrdreg s4  }
0xaa: {  	[dreg:$0x4] =	wrdreg $0xC0  }
0xab: {  	_ =	task [dreg:s6], $0x5FFFF  }
0xac: {  	[dreg:$0x1] =	wrdreg $0xFFFFFFFF  }
0xad: {  	[dreg:$0x0] =	wrdreg $0x60  }
0xae: {  	[dreg:$0x2] =	wrdreg s24  }
0xaf: {  	[dreg:$0x3] =	wrdreg $0x9  }
0xb0: {  	_ =	task.clear_ibuf [dreg:s6], $0x4FFFF;
	_ =	strace $0x90000046  }
0xb1: {  	s29 =	simm.s32 $0x9;
	_ =	strace $0x80000048  }
0xb2: {  	_ =	swait.ge [sflag:s29], $0x1  }
0xb3: {  	[sflag:s29] =	ssyncadd.s32 $0xFFFFFFFF  }
0xb4: {  	_ =	strace $0x90000048  }
0xb5: {  	_ =	sfence  }
0xb6: {  	s30 =	sld [smem:$0x0];
	_ =	sdelay $0x2  }
0xb7: {  	s31 =	sshll.u32 s1, $0xD;
	s1 =	sshrl.u32 s1, $0x2  }
0xb8: {  	s3 =	sand.u32 $0x4000, s31;
	s1 =	sadd.s32 s1, s30  }
0xb9: {  	s0 =	sor.u32 s3, s0;
	s1 =	sshll.u32 s1, $0x11  }
0xba: {  	s0 =	sor.u32 s1, s0  }
0xbb: {  	s0 =	sadd.s32 $0x8F2B, s0  }
0xbc: {  	[sflag:s0] =	ssyncadd.remote.s32 $0x1  }
0xbd: {  	_ =	sfence.sel $0xFFFF  }
0xbe: {  	[dreg:$0x0] =	wrdreg $0xFFFFFFFF;
	(pc) =	sbr.abs _section_cstart, $3  }
0xbf: {  	[dreg:$0x1] =	wrdreg $0xFFFFFFFF  }
0xc0: {  	_ =	task.clear_ibuf [dreg:s6], $0x2FFFF;
	_ =	strace $0x9FFFFFFF  }
0xc1: {  	(tm) =	ssettm $0x7FFFFFFF  }
tec
execute0_lowered:
.L_overlay_start_1:
0x0: {  	(tag) =	ssettag $0x1  }
0x1: {  	s0 =	srdreg.scid;
	s5 =	rddreg [dreg:$0x0]  }
0x2: {  	s1 =	stileid.u32;
	s6 =	simm.s32 $0x1;
	s9 =	simm.s32 $0x1  }
0x3: {  	s10 =	simm.s32 $0x3;
	s13 =	simm.s32 $0x0;
	s2 =	sshll.u32 s0, $0xD  }
0x4: {  	s12 =	simm.s32 $0x0;
	s3 =	sshll.u32 s1, $0xE;
	s2 =	sand.u32 $0x2000, s2  }
0x5: {  	s0 =	rddreg [dreg:$0x1];
	_ =	strace $0x80000047;
	s2 =	sor.u32 s3, s2  }
0x6: {  	s4 =	sadd.s32 $0xC800, s5;
	[sflag:s6] =	ssyncpa.u1 $0x0;
	s8 =	ssub.s32 $0x50000, s2  }
.Ltmp0:
0x7: {  	s3 =	sadd.s32 $0x2800, s5;
	s7 =	sand.u32 $0x3E000, s8;
	(pc) =	sbr.rel .LBB2_1-.Ltmp0, $4  }
0x8: {  	s5 =	sadd.s32 $0x20800, s5;
	s11 =	smov.u32 s2;
	p0 =	sne.s32 s7, $0x0  }
0x9: {  	s8 =	sshrl.u32 s8, $0x12;
	s7 =	simm.s32 $0x2;
	s9 =	simm.s32 @!p0 $0x0  }
0xa: {  	[sflag:s7] =	ssyncpa.u1 $0x0;
	p0 =	por $0x0, $0x0;
	s8 =	sadd.s32 s9, s8  }
0xb: {  	vm0 =	vmmov $0xffff;
	[sflag:s10] =	ssyncpa.u1 $0x0;
	s10 =	simm.s32 $0x0;
	s9 =	sadd.s32 $0x1, s8  }
.LBB2_4:
0xc: {  	v2 =	vnsel vm1, $0x0, v2  }
0xd: {  	vm1 =	vgt.s32 v0, $0x0;
	v2 =	vmin.u32 v2, $0x4FFFF  }
0xe: {  	v0 =	vnsel vm1, $0x0, v0  }
0xf: {  	v0 =	vmin.u32 v0, $0x4FFFF  }
0x10: {  	[tilespmem:s15], [sflag:$0x1] =	stream.indirect_vreg.gather [hbm4b:s3+s10], $0x1, v1, vm0, $0x4038;
	[tilespmem:$0x8000] =	vst v63  }
0x11: {  	(ifvalue) =	ssetifvalue $0x7FFFFFFF  }
0x12: {  	[tilespmem:s16], [sflag:$0x1] =	stream.indirect_vreg.gather [hbm4b:s3+s10], $0x1, v2, vm0, $0x4038;
	[tilespmem:$0x8000] =	vst v63  }
0x13: {  	s29 =	sadd.s32 $0x10, s16;
	(ifvalue) =	ssetifvalue $0x7FFFFFFF  }
0x14: {  	[tilespmem:s29], [sflag:$0x1] =	stream.indirect_vreg.gather [hbm4b:s3+s10], $0x1, v0, vm0, $0x4038;
	[tilespmem:$0x8000] =	vst v63  }
0x15: {  	_ =	swait.ge [sflag:s6], $0x2000  }
0x16: {  	s30 =	sshrl.u32 s13, $0x3;
	[sflag:s6] =	ssyncset.done $0x0  }
0x17: {  	s31 =	sand.u32 $0x7, s13;
	s15 =	sadd.s32 s5, s30;
	[sflag:s6] =	ssyncadd.s32 $0xFFFFE000  }
0x18: {  	[hbm4b:s15+s31] =	stream.linear.scatter [tilespmem:s14], [sflag:$0x3], $0x2000, $0x38;
	[tilespmem:$0x8000] =	vst v63  }
.LBB2_5:
0x19: {  	s15 =	sadd.s32 $0x40000, s11  }
0x1a: {  	p2 =	sgt.s32 s15, $0x4FFFF  }
0x1b: {  	s15 =	smov.u32 @p2 s2;
	p2 =	sne.s32 s12, s9  }
.Ltmp1:
0x1c: {  	p1 =	slt.u32 s12, $0x2;
	(pc) =	sbr.rel @!p2 .LBB2_6-.Ltmp1, $4  }
0x1d: {  	s14 =	simm.s32 @!p1 $0x3  }
0x1e: {  	s16 =	sadd.s32 $0x1, s12;
	_ =	swait.ge @!p1 [sflag:s14], $0x2000  }
0x1f: {  	s13 =	smov.u32 s11;
	p0 =	por !p0, !p0;
	[sflag:s14] =	ssyncset.done @!p1 $0x0  }
0x20: {  	s12 =	smov.u32 s16;
	s11 =	smov.u32 s15;
	[sflag:s14] =	ssyncadd.s32 @!p1 $0xFFFFE000  }
.LBB2_1:
0x21: {  	p1 =	sge.u32 s12, s8  }
0x22: {  	s14 =	sxor.u32 @!p1 $0xFFFFFFFF, s12  }
0x23: {  	s31 =	sadd.s32 $0xFFFFFFFF, s12;
	s15 =	sshrl.u32 @!p1 s11, $0x3;
	s14 =	sshll.u32 @!p1 s14, $0xD  }
0x24: {  	s16 =	sand.u32 @!p1 $0x7, s11;
	s15 =	sadd.s32 @!p1 s4, s15;
	s14 =	sand.u32 @!p1 $0x2000, s14  }
0x25: {  	[tilespmem:s14], [sflag:$0x2] =	stream.linear.gather @!p1 [hbm4b:s15+s16], $0x2000, $0x38;
	[tilespmem:$0x8000] =	vst v63  }
0x26: {  	p1 =	sge.u32 s31, s8  }
.Ltmp2:
0x27: {  	_ = 	snop;
	(pc) =	sbr.rel @p1 .LBB2_5-.Ltmp2, $1  }
0x28: {  	_ =	sdelay $0x3  }
0x29: {  	s14 =	simm.s32 $0x1  }
0x2a: {  	_ =	swait.ge [sflag:s7], $0x2000;
	s14 =	simm.s32 @!p0 $0x0  }
0x2b: {  	[sflag:s7] =	ssyncset.done $0x0;
	s14 =	sshll.u32 s14, $0xD  }
0x2c: {  	[sflag:s7] =	ssyncadd.s32 $0xFFFFE000;
	(ifvalue) =	ssetifvalue $0x7FFFFFFF;
	v0 =	vld.msk [tilespmem:s14+$0x0 ss:$0x1], $0xffff;
	_ =	sdelay $0x4  }
0x2d: {  	s15 =	sadd.s32 $0x10, s14;
	vm1 =	vgt.s32 v0, $0x0  }
0x2e: {  	v2 =	vld.msk [tilespmem:s15+$0x0 ss:$0x1], $0xffff;
	v1 =	vnsel vm1, $0x0, v0  }
0x2f: {  	v1 =	vmin.u32 v1, $0x4FFFF;
	_ =	sdelay $0x1  }
0x30: {  	s16 =	sshll.u32 s12, $0xD;
	s18 =	simm.s32 $0x20  }
0x31: {  	s16 =	sand.u32 $0x2000, s16;
	s17 =	sadd.s32 $0x10, s15;
	s15 =	sor.u32 $0x4000, s14  }
0x32: {  	s14 =	sor.u32 $0x4000, s16;
	s16 =	sadd.s32 $0x10, s15;
	v0 =	vld.msk [tilespmem:s17+$0x0 ss:$0x1], $0xffff;
	vm1 =	vgt.s32 v2, $0x0;
	(ifvalue) =	ssetifvalue $0x7FFFFFFF  }
.LBB2_3:
0x33: {  	[tilespmem:s15], [sflag:$0x1] =	stream.indirect_vreg.gather [hbm4b:s3+s10], $0x1, v1, vm0, $0x4038;
	[tilespmem:$0x8000] =	vst v63  }
0x34: {  	s18 =	sadd.s32 $0x10, s18  }
0x35: {  	v2 =	vnsel vm1, $0x0, v2;
	p1 =	slt.u32 s18, $0x1FF0  }
.Ltmp3:
0x36: {  	s15 =	smov.u32 s16;
	v1 =	vmin.u32 v2, $0x4FFFF;
	(pc) =	sbr.rel @p1 .LBB2_3-.Ltmp3, $3  }
0x37: {  	_ =	sdelay $0x1  }
0x38: {  	s17 =	sadd.s32 $0x10, s17  }
0x39: {  	vm1 =	vgt.s32 v0, $0x0;
	s16 =	sadd.s32 $0x10, s16;
	v2 =	vmov v0;
	(ifvalue) =	ssetifvalue $0x7FFFFFFF;
	v0 =	vld.msk [tilespmem:s17+$0x0 ss:$0x1], $0xffff  }
.Ltmp4:
0x3a: {  	_ = 	snop;
	(pc) =	sbr.rel .LBB2_4-.Ltmp4, $1  }
0x3b: {  	_ =	sdelay $0x3  }
.LBB2_6:
0x3c: {  	_ =	sfence.sel $0x180000  }
0x3d: {  	s2 =	simm.s32 $0x2;
	[bflag:$0x0] =	sbarrier.arrive $0xFFFF  }
0x3e: {  	s30 =	simm.s32 $0x3;
	[sflag:s2] =	ssyncpa.u1 $0x1  }
0x3f: {  	s31 =	simm.s32 $0x1;
	[sflag:s30] =	ssyncpa.u1 $0x1  }
0x40: {  	[sflag:s31] =	ssyncpa.u1 $0x1  }
0x41: {  	p0 =	sne.s32 s1, $0x0;
	_ =	strace $0x90000047  }
0x42: {  	s0 =	sadd.s32 @!p0 $0x100000, s0;
	[bflag:$0x2] =	sbarrier.arrive $0xFFFF  }
0x43: {  	[sflag:s0] =	ssyncadd.tile.s32 @!p0 $0x1;
	_ =	shalt  }
.Lfunc_end2:
_tile_overlayer_lowered:
.L_overlay_start_2:
0x44: {  	(tag) =	ssettag $0x2  }
0x45: {  	s0 =	rddreg [dreg:$0x0];
	s2 =	stileid.u32  }
0x46: {  	s1 =	rddreg [dreg:$0x1];
	p0 =	sne.s32 s2, $0x0  }
0x47: {  	s3 =	rddreg [dreg:$0x2];
	[bflag:$0x3] =	sbarrier.arrive $0xFFFF;
	s2 =	simm.s32 @!p0 $0x1C01  }
0x48: {  	[timem:s3], [sflag:s2] =	dma.local @!p0 [hbm:s0], s1  }
0x49: {  	s0 =	simm.s32 @!p0 $0x1  }
0x4a: {  	_ =	swait.ge @!p0 [sflag:s0], s1  }
0x4b: {  	s1 =	ssub.s32 @!p0 $0x0, s1;
	[sflag:s0] =	ssyncset.done @!p0 $0x0  }
0x4c: {  	[sflag:s0] =	ssyncadd.s32 @!p0 s1  }
0x4d: {  	[bflag:$0x3] =	sbarrier.arrive $0xFFFF  }
0x4e: {  	_ =	shalt  }

// kernel: gather_offload_async_start
scs
__scs_entry_jumppad:
0x0: {  	(pc) =	sbr.rel $0x88, $3  }
0x1: {  	(tag) =	ssettag $0x0;
	lr =	simm.s32 $0x1  }
0x2: {  	[smem:$0x3F8C] =	sst lr;
	_ =	strace $0xD0000000  }
0x3: {  	_ = 	snop  }
0x4: {  	_ = 	snop  }
0x5: {  	_ = 	snop  }
0x6: {  	_ = 	snop  }
0x7: {  	_ = 	snop  }
__scs_overlays_trampoline_lowered:
0x8: {  	[smem:$0x3F9B] =	sst s0  }
0x9: {  	[smem:$0x3F9C] =	sst s1  }
0xa: {  	[smem:$0x3F9D] =	sst s2  }
0xb: {  	[smem:$0x3F9E] =	sst s3  }
0xc: {  	[smem:$0x3F9F] =	sst s4  }
0xd: {  	[smem:$0x3FA0] =	sst s5  }
0xe: {  	[smem:$0x3FA1] =	sst s6  }
0xf: {  	[smem:$0x3FA2] =	sst s7  }
0x10: {  	[smem:$0x3FA3] =	sst s8  }
0x11: {  	[smem:$0x3FA4] =	sst s9;
	s0 =	simm.s32 @!p0 $0x0  }
0x12: {  	s1 =	sld [smem:$0x3F8A];
	s0 =	simm.s32 @p0 $0x1  }
0x13: {  	[smem:$0x3FA5] =	sst s0;
	s0 =	simm.s32 @!p1 $0x0  }
0x14: {  	s2 =	sld [smem:$0x3F89];
	s0 =	simm.s32 @p1 $0x1  }
0x15: {  	[smem:$0x3FA6] =	sst s0;
	s0 =	simm.s32 @!p2 $0x0  }
0x16: {  	s3 =	sld [smem:$0x3FDB];
	s0 =	simm.s32 @p2 $0x1  }
0x17: {  	s4 =	simm.s32 $0x1BF5;
	[smem:$0x3FA8] =	sst s0  }
0x18: {  	s0 =	sld [smem:$0x3F8B];
	_ =	swait.ge [sflag:s4], $0x0  }
0x19: {  	s7 =	sld [smem:$0x3F8C]  }
0x1a: {  	s8 =	sadd.s32 $0xFFFFE003, lr  }
0x1b: {  	s9 =	sadd.s32 $0xFFFFFEF7, lr;
	s5 =	simm.s32 $0xFFFFFFFF;
	p2 =	slt.u32 s8, $0xFFFFF086  }
0x1c: {  	p1 =	slt.u32 s9, $0xF7A;
	s5 =	simm.s32 @!p2 $0x0  }
0x1d: {  	s5 =	simm.s32 @p1 $0x1;
	p0 =	seq.s32 s7, s2  }
0x1e: {  	s7 =	smul.u32 @!p0 $0xF7A, s2;
	p2 =	seq.s32 @!p0 s5, $0x0  }
0x1f: {  	s9 =	smul.u32 $0xF7A, s1;
	s8 =	simm.s32 @!p0 $0x1BF5;
	p2 =	por !p2, p0  }
0x20: {  	[sflag:s8] =	ssyncset.s32 @!p0 $0xFFFFF086;
	s6 =	sadd.s32 @!p0 s3, s7;
	s7 =	simm.s32 @!p0 $0x108  }
0x21: {  	s3 =	sadd.s32 s3, s9;
	s6 =	sadd.s32 @!p0 $0x88, s6;
	s7 =	simm.s32 @p2 $0x1082  }
0x22: {  	[simem:s7], [sflag:s8] =	dma.local @!p0 [hbm:s6], $0xF7A  }
0x23: {  	s9 =	sor.u32 $0xD0000000, s2;
	s6 =	simm.s32 $0x108;
	_ =	swait.ge @!p0 [sflag:s8], $0x0  }
0x24: {  	s3 =	sadd.s32 $0x88, s3;
	s6 =	simm.s32 @!p1 $0x1082;
	[sflag:s4] =	ssyncset.s32 $0xFFFFF086  }
0x25: {  	[simem:s6], [sflag:s4] =	dma.local [hbm:s3], $0xF7A  }
0x26: {  	[smem:$0x3F8C] =	sst s1;
	(tag) =	ssettag s2;
	_ =	strace s9  }
0x27: {  	s1 =	sld [smem:$0x3F9C]  }
0x28: {  	s2 =	sld [smem:$0x3F9D]  }
0x29: {  	s4 =	sld [smem:$0x3F9F]  }
0x2a: {  	p0 =	seq.s32 s5, $0x0;
	s5 =	sld [smem:$0x3FA0]  }
0x2b: {  	s6 =	sld [smem:$0x3FA1]  }
0x2c: {  	s7 =	sld [smem:$0x3FA2]  }
0x2d: {  	s3 =	simm.s32 $0x108;
	s8 =	sld [smem:$0x3FA3]  }
0x2e: {  	s3 =	simm.s32 @!p0 $0x1082;
	s9 =	sld [smem:$0x3FA4]  }
0x2f: {  	lr =	sadd.s32 s0, s3;
	s0 =	sld [smem:$0x3F9B]  }
0x30: {  	s3 =	sld [smem:$0x3F9E]  }
0x31: {  	[smem:$0x3FA7] =	sst s10  }
0x32: {  	s10 =	sld [smem:$0x3FA5];
	_ =	sdelay $0x3  }
0x33: {  	p0 =	seq.s32 s10, $0x1;
	s10 =	sld [smem:$0x3FA7];
	_ =	sdelay $0x3  }
0x34: {  	[smem:$0x3FA7] =	sst s10  }
0x35: {  	s10 =	sld [smem:$0x3FA6];
	_ =	sdelay $0x3  }
0x36: {  	p1 =	seq.s32 s10, $0x1;
	s10 =	sld [smem:$0x3FA7];
	_ =	sdelay $0x3  }
0x37: {  	[smem:$0x3FA7] =	sst s10  }
0x38: {  	s10 =	sld [smem:$0x3FA8]  }
0x39: {  	_ = 	snop;
	(pc) =	sbr.ind lr, $3  }
0x3a: {  	_ = 	snop  }
0x3b: {  	_ = 	snop  }
0x3c: {  	p2 =	seq.s32 s10, $0x1;
	s10 =	sld [smem:$0x3FA7]  }
0x3d: {  	_ =	shalt  }
0x3e: {  	_ =	shalt  }
0x3f: {  	_ =	shalt  }
0x40: {  	_ =	shalt  }
0x41: {  	_ =	shalt  }
0x42: {  	_ =	shalt  }
0x43: {  	_ =	shalt  }
0x44: {  	_ =	shalt  }
0x45: {  	_ =	shalt  }
0x46: {  	_ =	shalt  }
0x47: {  	_ =	shalt  }
0x48: {  	_ =	shalt  }
0x49: {  	_ =	shalt  }
0x4a: {  	_ =	shalt  }
0x4b: {  	_ =	shalt  }
0x4c: {  	_ =	shalt  }
0x4d: {  	_ =	shalt  }
0x4e: {  	_ =	shalt  }
0x4f: {  	_ =	shalt  }
0x50: {  	_ =	shalt  }
0x51: {  	_ =	shalt  }
0x52: {  	_ =	shalt  }
0x53: {  	_ =	shalt  }
0x54: {  	_ =	shalt  }
0x55: {  	_ =	shalt  }
0x56: {  	_ =	shalt  }
0x57: {  	_ =	shalt  }
0x58: {  	_ =	shalt  }
0x59: {  	_ =	shalt  }
0x5a: {  	_ =	shalt  }
0x5b: {  	_ =	shalt  }
0x5c: {  	_ =	shalt  }
0x5d: {  	_ =	shalt  }
0x5e: {  	_ =	shalt  }
0x5f: {  	_ =	shalt  }
0x60: {  	_ =	shalt  }
0x61: {  	_ =	shalt  }
0x62: {  	_ =	shalt  }
0x63: {  	_ =	shalt  }
0x64: {  	_ =	shalt  }
0x65: {  	_ =	shalt  }
0x66: {  	_ =	shalt  }
0x67: {  	_ =	shalt  }
0x68: {  	_ =	shalt  }
0x69: {  	_ =	shalt  }
0x6a: {  	_ =	shalt  }
0x6b: {  	_ =	shalt  }
0x6c: {  	_ =	shalt  }
0x6d: {  	_ =	shalt  }
0x6e: {  	_ =	shalt  }
0x6f: {  	_ =	shalt  }
0x70: {  	_ =	shalt  }
0x71: {  	_ =	shalt  }
0x72: {  	_ =	shalt  }
0x73: {  	_ =	shalt  }
0x74: {  	_ =	shalt  }
0x75: {  	_ =	shalt  }
0x76: {  	_ =	shalt  }
0x77: {  	_ =	shalt  }
0x78: {  	_ =	shalt  }
0x79: {  	_ =	shalt  }
0x7a: {  	_ =	shalt  }
0x7b: {  	_ =	shalt  }
0x7c: {  	_ =	shalt  }
0x7d: {  	_ =	shalt  }
0x7e: {  	_ =	shalt  }
0x7f: {  	_ =	shalt  }
0x80: {  	_ =	shalt  }
0x81: {  	_ =	shalt  }
0x82: {  	_ =	shalt  }
0x83: {  	_ =	shalt  }
0x84: {  	_ =	shalt  }
0x85: {  	_ =	shalt  }
0x86: {  	_ =	shalt  }
0x87: {  	_ =	shalt  }
.Lfunc_end0:
.L_simem_size_0:
called_computation.2_lowered:
.L_overlay_start_0:
0x88: {  	s2 =	sld [smem:$0x3FD9]  }
0x89: {  	s3 =	sld [smem:$0x3FFE];
	_ =	sdelay $0x1  }
0x8a: {  	s1 =	srdreg.scid  }
0x8b: {  	s0 =	sand.u32 $0x1, s1  }
0x8c: {  	s16 =	sshll.u32 s0, $0xA;
	s2 =	sadd.s32 s3, s2  }
0x8d: {  	s2 =	sadd.s32 s2, s16  }
0x8e: {  	[smem:$0x3FB3] =	sst s2  }
0x8f: {  	_ = 	snop  }
0x90: {  	(tm) =	ssettm $0x1  }
0x91: {  	s17 =	sld [smem:$0x3FFB];
	_ =	sdelay $0x3  }
0x92: {  	_ =	strace s17  }
0x93: {  	s2 =	sld [smem:$0x3FFC];
	_ =	sdelay $0x3  }
0x94: {  	_ =	strace s2  }
0x95: {  	s2 =	sld [smem:$0x3FFD];
	_ =	sdelay $0x3  }
0x96: {  	_ =	strace s2  }
0x97: {  	_ =	strace $0x8FFFFFFF  }
0x98: {  	s18 =	sld [smem:$0x3FDB];
	_ =	sdelay $0x1  }
0x99: {  	s19 =	simm.s32 $_scs_section_size  }
0x9a: {  	s4 =	simm.s32 $_size__tile_overlayer_lowered;
	s5 =	simm.s32 $_tile_overlayer_lowered  }
0x9b: {  	s22 =	simm.s32 $0x1BFF;
	s21 =	sshll.u32 s5, $0x1;
	s2 =	sadd.s32 s19, s18  }
0x9c: {  	s6 =	simm.s32 $0x0;
	s20 =	sshll.u32 s4, $0x1;
	s4 =	sadd.s32 s21, s2  }
0x9d: {  	[timem:s6], [sflag:s22] =	dma.local [hbm:s4], s20  }
0x9e: {  	_ =	swait.ge [sflag:s22], s20  }
0x9f: {  	s3 =	ssub.s32 $0x0, s20;
	[sflag:s22] =	ssyncset.done $0x0  }
0xa0: {  	[sflag:s22] =	ssyncadd.s32 s3;
	_ =	sdelay $0x1  }
0xa1: {  	s23 =	simm.s32 $0x1B8B  }
0xa2: {  	_ =	swait.ge [sflag:s23], $0x1  }
0xa3: {  	[sflag:s23] =	ssyncset.done $0x0  }
0xa4: {  	s25 =	simm.s32 $0x1B8E;
	s24 =	sld [smem:$0x3FFE];
	[sflag:s23] =	ssyncadd.s32 $0xFFFFFFFF  }
0xa5: {  	s26 =	simm.s32 $execute0_lowered;
	[smem:$0x3FD2] =	sst s25  }
0xa6: {  	s4 =	sshll.u32 s26, $0x1;
	_ =	strace $0x80000049;
	[dreg:$0x1] =	wrdreg $0xFFFFFFFF  }
0xa7: {  	s28 =	simm.s32 $_size_execute0_lowered;
	s2 =	sadd.s32 s2, s4;
	[dreg:$0x0] =	wrdreg $0x0  }
0xa8: {  	s4 =	sshll.u32 s28, $0x1;
	[dreg:$0x2] =	wrdreg s2  }
0xa9: {  	[dreg:$0x3] =	wrdreg s4  }
0xaa: {  	[dreg:$0x4] =	wrdreg $0xC0  }
0xab: {  	_ =	task [dreg:s6], $0x5FFFF  }
0xac: {  	[dreg:$0x1] =	wrdreg $0xFFFFFFFF  }
0xad: {  	[dreg:$0x0] =	wrdreg $0x60  }
0xae: {  	[dreg:$0x2] =	wrdreg s24  }
0xaf: {  	[dreg:$0x3] =	wrdreg $0x9  }
0xb0: {  	_ =	task.clear_ibuf [dreg:s6], $0x4FFFF;
	_ =	strace $0x90000049  }
0xb1: {  	s29 =	simm.s32 $0x9;
	_ =	strace $0x8000004B  }
0xb2: {  	_ =	swait.ge [sflag:s29], $0x1  }
0xb3: {  	[sflag:s29] =	ssyncadd.s32 $0xFFFFFFFF  }
0xb4: {  	_ =	strace $0x9000004B  }
0xb5: {  	_ =	sfence  }
0xb6: {  	s30 =	sld [smem:$0x0];
	_ =	sdelay $0x2  }
0xb7: {  	s31 =	sshll.u32 s1, $0xD;
	s1 =	sshrl.u32 s1, $0x2  }
0xb8: {  	s3 =	sand.u32 $0x4000, s31;
	s1 =	sadd.s32 s1, s30  }
0xb9: {  	s0 =	sor.u32 s3, s0;
	s1 =	sshll.u32 s1, $0x11  }
0xba: {  	s0 =	sor.u32 s1, s0  }
0xbb: {  	s0 =	sadd.s32 $0x8F2B, s0  }
0xbc: {  	[sflag:s0] =	ssyncadd.remote.s32 $0x1  }
0xbd: {  	_ =	sfence.sel $0xFFFF  }
0xbe: {  	[dreg:$0x0] =	wrdreg $0xFFFFFFFF;
	(pc) =	sbr.abs _section_cstart, $3  }
0xbf: {  	[dreg:$0x1] =	wrdreg $0xFFFFFFFF  }
0xc0: {  	_ =	task.clear_ibuf [dreg:s6], $0x2FFFF;
	_ =	strace $0x9FFFFFFF  }
0xc1: {  	(tm) =	ssettm $0x7FFFFFFF  }
tec
execute0_lowered:
.L_overlay_start_1:
0x0: {  	(tag) =	ssettag $0x1  }
0x1: {  	s0 =	srdreg.scid;
	s5 =	rddreg [dreg:$0x0]  }
0x2: {  	s1 =	stileid.u32;
	s6 =	simm.s32 $0x1;
	s9 =	simm.s32 $0x1  }
0x3: {  	s10 =	simm.s32 $0x3;
	s13 =	simm.s32 $0x0;
	s2 =	sshll.u32 s0, $0xD  }
0x4: {  	s12 =	simm.s32 $0x0;
	s3 =	sshll.u32 s1, $0xE;
	s2 =	sand.u32 $0x2000, s2  }
0x5: {  	s0 =	rddreg [dreg:$0x1];
	_ =	strace $0x8000004A;
	s2 =	sor.u32 s3, s2  }
0x6: {  	s4 =	sadd.s32 $0xC800, s5;
	[sflag:s6] =	ssyncpa.u1 $0x0;
	s8 =	ssub.s32 $0x50000, s2  }
.Ltmp0:
0x7: {  	s3 =	sadd.s32 $0x16800, s5;
	s7 =	sand.u32 $0x3E000, s8;
	(pc) =	sbr.rel .LBB2_1-.Ltmp0, $4  }
0x8: {  	s5 =	sadd.s32 $0x2600, s5;
	s11 =	smov.u32 s2;
	p0 =	sne.s32 s7, $0x0  }
0x9: {  	s8 =	sshrl.u32 s8, $0x12;
	s7 =	simm.s32 $0x2;
	s9 =	simm.s32 @!p0 $0x0  }
0xa: {  	[sflag:s7] =	ssyncpa.u1 $0x0;
	p0 =	por $0x0, $0x0;
	s8 =	sadd.s32 s9, s8  }
0xb: {  	vm0 =	vmmov $0xffff;
	[sflag:s10] =	ssyncpa.u1 $0x0;
	s10 =	simm.s32 $0x0;
	s9 =	sadd.s32 $0x1, s8  }
.LBB2_4:
0xc: {  	v2 =	vnsel vm1, $0x0, v2  }
0xd: {  	vm1 =	vgt.s32 v0, $0x0;
	v2 =	vmin.u32 v2, $0x4FFFF  }
0xe: {  	v0 =	vnsel vm1, $0x0, v0  }
0xf: {  	v0 =	vmin.u32 v0, $0x4FFFF  }
0x10: {  	[tilespmem:s15], [sflag:$0x1] =	stream.indirect_vreg.gather [hbm4b:s3+s10], $0x1, v1, vm0, $0x4038;
	[tilespmem:$0x8000] =	vst v63  }
0x11: {  	(ifvalue) =	ssetifvalue $0x7FFFFFFF  }
0x12: {  	[tilespmem:s16], [sflag:$0x1] =	stream.indirect_vreg.gather [hbm4b:s3+s10], $0x1, v2, vm0, $0x4038;
	[tilespmem:$0x8000] =	vst v63  }
0x13: {  	s29 =	sadd.s32 $0x10, s16;
	(ifvalue) =	ssetifvalue $0x7FFFFFFF  }
0x14: {  	[tilespmem:s29], [sflag:$0x1] =	stream.indirect_vreg.gather [hbm4b:s3+s10], $0x1, v0, vm0, $0x4038;
	[tilespmem:$0x8000] =	vst v63  }
0x15: {  	_ =	swait.ge [sflag:s6], $0x2000  }
0x16: {  	s30 =	sshrl.u32 s13, $0x3;
	[sflag:s6] =	ssyncset.done $0x0  }
0x17: {  	s31 =	sand.u32 $0x7, s13;
	s15 =	sadd.s32 s5, s30;
	[sflag:s6] =	ssyncadd.s32 $0xFFFFE000  }
0x18: {  	[hbm4b:s15+s31] =	stream.linear.scatter [tilespmem:s14], [sflag:$0x3], $0x2000, $0x38;
	[tilespmem:$0x8000] =	vst v63  }
.LBB2_5:
0x19: {  	s15 =	sadd.s32 $0x40000, s11  }
0x1a: {  	p2 =	sgt.s32 s15, $0x4FFFF  }
0x1b: {  	s15 =	smov.u32 @p2 s2;
	p2 =	sne.s32 s12, s9  }
.Ltmp1:
0x1c: {  	p1 =	slt.u32 s12, $0x2;
	(pc) =	sbr.rel @!p2 .LBB2_6-.Ltmp1, $4  }
0x1d: {  	s14 =	simm.s32 @!p1 $0x3  }
0x1e: {  	s16 =	sadd.s32 $0x1, s12;
	_ =	swait.ge @!p1 [sflag:s14], $0x2000  }
0x1f: {  	s13 =	smov.u32 s11;
	p0 =	por !p0, !p0;
	[sflag:s14] =	ssyncset.done @!p1 $0x0  }
0x20: {  	s12 =	smov.u32 s16;
	s11 =	smov.u32 s15;
	[sflag:s14] =	ssyncadd.s32 @!p1 $0xFFFFE000  }
.LBB2_1:
0x21: {  	p1 =	sge.u32 s12, s8  }
0x22: {  	s14 =	sxor.u32 @!p1 $0xFFFFFFFF, s12  }
0x23: {  	s31 =	sadd.s32 $0xFFFFFFFF, s12;
	s15 =	sshrl.u32 @!p1 s11, $0x3;
	s14 =	sshll.u32 @!p1 s14, $0xD  }
0x24: {  	s16 =	sand.u32 @!p1 $0x7, s11;
	s15 =	sadd.s32 @!p1 s4, s15;
	s14 =	sand.u32 @!p1 $0x2000, s14  }
0x25: {  	[tilespmem:s14], [sflag:$0x2] =	stream.linear.gather @!p1 [hbm4b:s15+s16], $0x2000, $0x38;
	[tilespmem:$0x8000] =	vst v63  }
0x26: {  	p1 =	sge.u32 s31, s8  }
.Ltmp2:
0x27: {  	_ = 	snop;
	(pc) =	sbr.rel @p1 .LBB2_5-.Ltmp2, $1  }
0x28: {  	_ =	sdelay $0x3  }
0x29: {  	s14 =	simm.s32 $0x1  }
0x2a: {  	_ =	swait.ge [sflag:s7], $0x2000;
	s14 =	simm.s32 @!p0 $0x0  }
0x2b: {  	[sflag:s7] =	ssyncset.done $0x0;
	s14 =	sshll.u32 s14, $0xD  }
0x2c: {  	[sflag:s7] =	ssyncadd.s32 $0xFFFFE000;
	(ifvalue) =	ssetifvalue $0x7FFFFFFF;
	v0 =	vld.msk [tilespmem:s14+$0x0 ss:$0x1], $0xffff;
	_ =	sdelay $0x4  }
0x2d: {  	s15 =	sadd.s32 $0x10, s14;
	vm1 =	vgt.s32 v0, $0x0  }
0x2e: {  	v2 =	vld.msk [tilespmem:s15+$0x0 ss:$0x1], $0xffff;
	v1 =	vnsel vm1, $0x0, v0  }
0x2f: {  	v1 =	vmin.u32 v1, $0x4FFFF;
	_ =	sdelay $0x1  }
0x30: {  	s16 =	sshll.u32 s12, $0xD;
	s18 =	simm.s32 $0x20  }
0x31: {  	s16 =	sand.u32 $0x2000, s16;
	s17 =	sadd.s32 $0x10, s15;
	s15 =	sor.u32 $0x4000, s14  }
0x32: {  	s14 =	sor.u32 $0x4000, s16;
	s16 =	sadd.s32 $0x10, s15;
	v0 =	vld.msk [tilespmem:s17+$0x0 ss:$0x1], $0xffff;
	vm1 =	vgt.s32 v2, $0x0;
	(ifvalue) =	ssetifvalue $0x7FFFFFFF  }
.LBB2_3:
0x33: {  	[tilespmem:s15], [sflag:$0x1] =	stream.indirect_vreg.gather [hbm4b:s3+s10], $0x1, v1, vm0, $0x4038;
	[tilespmem:$0x8000] =	vst v63  }
0x34: {  	s18 =	sadd.s32 $0x10, s18  }
0x35: {  	v2 =	vnsel vm1, $0x0, v2;
	p1 =	slt.u32 s18, $0x1FF0  }
.Ltmp3:
0x36: {  	s15 =	smov.u32 s16;
	v1 =	vmin.u32 v2, $0x4FFFF;
	(pc) =	sbr.rel @p1 .LBB2_3-.Ltmp3, $3  }
0x37: {  	_ =	sdelay $0x1  }
0x38: {  	s17 =	sadd.s32 $0x10, s17  }
0x39: {  	vm1 =	vgt.s32 v0, $0x0;
	s16 =	sadd.s32 $0x10, s16;
	v2 =	vmov v0;
	(ifvalue) =	ssetifvalue $0x7FFFFFFF;
	v0 =	vld.msk [tilespmem:s17+$0x0 ss:$0x1], $0xffff  }
.Ltmp4:
0x3a: {  	_ = 	snop;
	(pc) =	sbr.rel .LBB2_4-.Ltmp4, $1  }
0x3b: {  	_ =	sdelay $0x3  }
.LBB2_6:
0x3c: {  	_ =	sfence.sel $0x180000  }
0x3d: {  	s2 =	simm.s32 $0x2;
	[bflag:$0x0] =	sbarrier.arrive $0xFFFF  }
0x3e: {  	s30 =	simm.s32 $0x3;
	[sflag:s2] =	ssyncpa.u1 $0x1  }
0x3f: {  	s31 =	simm.s32 $0x1;
	[sflag:s30] =	ssyncpa.u1 $0x1  }
0x40: {  	[sflag:s31] =	ssyncpa.u1 $0x1  }
0x41: {  	p0 =	sne.s32 s1, $0x0;
	_ =	strace $0x9000004A  }
0x42: {  	s0 =	sadd.s32 @!p0 $0x100000, s0;
	[bflag:$0x2] =	sbarrier.arrive $0xFFFF  }
0x43: {  	[sflag:s0] =	ssyncadd.tile.s32 @!p0 $0x1;
	_ =	shalt  }
.Lfunc_end2:
_tile_overlayer_lowered:
.L_overlay_start_2:
0x44: {  	(tag) =	ssettag $0x2  }
0x45: {  	s0 =	rddreg [dreg:$0x0];
	s2 =	stileid.u32  }
0x46: {  	s1 =	rddreg [dreg:$0x1];
	p0 =	sne.s32 s2, $0x0  }
0x47: {  	s3 =	rddreg [dreg:$0x2];
	[bflag:$0x3] =	sbarrier.arrive $0xFFFF;
	s2 =	simm.s32 @!p0 $0x1C01  }
0x48: {  	[timem:s3], [sflag:s2] =	dma.local @!p0 [hbm:s0], s1  }
0x49: {  	s0 =	simm.s32 @!p0 $0x1  }
0x4a: {  	_ =	swait.ge @!p0 [sflag:s0], s1  }
0x4b: {  	s1 =	ssub.s32 @!p0 $0x0, s1;
	[sflag:s0] =	ssyncset.done @!p0 $0x0  }
0x4c: {  	[sflag:s0] =	ssyncadd.s32 @!p0 s1  }
0x4d: {  	[bflag:$0x3] =	sbarrier.arrive $0xFFFF  }
0x4e: {  	_ =	shalt  }

// kernel: kernel.10.cloned.1.call-start
scs
__scs_entry_jumppad:
0x0: {  	(pc) =	sbr.rel $0x88, $3  }
0x1: {  	(tag) =	ssettag $0x0;
	lr =	simm.s32 $0x1  }
0x2: {  	[smem:$0x3F8C] =	sst lr;
	_ =	strace $0xD0000000  }
0x3: {  	_ = 	snop  }
0x4: {  	_ = 	snop  }
0x5: {  	_ = 	snop  }
0x6: {  	_ = 	snop  }
0x7: {  	_ = 	snop  }
__scs_overlays_trampoline_lowered:
0x8: {  	[smem:$0x3F9B] =	sst s0  }
0x9: {  	[smem:$0x3F9C] =	sst s1  }
0xa: {  	[smem:$0x3F9D] =	sst s2  }
0xb: {  	[smem:$0x3F9E] =	sst s3  }
0xc: {  	[smem:$0x3F9F] =	sst s4  }
0xd: {  	[smem:$0x3FA0] =	sst s5  }
0xe: {  	[smem:$0x3FA1] =	sst s6  }
0xf: {  	[smem:$0x3FA2] =	sst s7  }
0x10: {  	[smem:$0x3FA3] =	sst s8  }
0x11: {  	[smem:$0x3FA4] =	sst s9;
	s0 =	simm.s32 @!p0 $0x0  }
0x12: {  	s1 =	sld [smem:$0x3F8A];
	s0 =	simm.s32 @p0 $0x1  }
0x13: {  	[smem:$0x3FA5] =	sst s0;
	s0 =	simm.s32 @!p1 $0x0  }
0x14: {  	s2 =	sld [smem:$0x3F89];
	s0 =	simm.s32 @p1 $0x1  }
0x15: {  	[smem:$0x3FA6] =	sst s0;
	s0 =	simm.s32 @!p2 $0x0  }
0x16: {  	s3 =	sld [smem:$0x3FDB];
	s0 =	simm.s32 @p2 $0x1  }
0x17: {  	s4 =	simm.s32 $0x1BF5;
	[smem:$0x3FA8] =	sst s0  }
0x18: {  	s0 =	sld [smem:$0x3F8B];
	_ =	swait.ge [sflag:s4], $0x0  }
0x19: {  	s7 =	sld [smem:$0x3F8C]  }
0x1a: {  	s8 =	sadd.s32 $0xFFFFE003, lr  }
0x1b: {  	s9 =	sadd.s32 $0xFFFFFEF7, lr;
	s5 =	simm.s32 $0xFFFFFFFF;
	p2 =	slt.u32 s8, $0xFFFFF086  }
0x1c: {  	p1 =	slt.u32 s9, $0xF7A;
	s5 =	simm.s32 @!p2 $0x0  }
0x1d: {  	s5 =	simm.s32 @p1 $0x1;
	p0 =	seq.s32 s7, s2  }
0x1e: {  	s7 =	smul.u32 @!p0 $0xF7A, s2;
	p2 =	seq.s32 @!p0 s5, $0x0  }
0x1f: {  	s9 =	smul.u32 $0xF7A, s1;
	s8 =	simm.s32 @!p0 $0x1BF5;
	p2 =	por !p2, p0  }
0x20: {  	[sflag:s8] =	ssyncset.s32 @!p0 $0xFFFFF086;
	s6 =	sadd.s32 @!p0 s3, s7;
	s7 =	simm.s32 @!p0 $0x108  }
0x21: {  	s3 =	sadd.s32 s3, s9;
	s6 =	sadd.s32 @!p0 $0x88, s6;
	s7 =	simm.s32 @p2 $0x1082  }
0x22: {  	[simem:s7], [sflag:s8] =	dma.local @!p0 [hbm:s6], $0xF7A  }
0x23: {  	s9 =	sor.u32 $0xD0000000, s2;
	s6 =	simm.s32 $0x108;
	_ =	swait.ge @!p0 [sflag:s8], $0x0  }
0x24: {  	s3 =	sadd.s32 $0x88, s3;
	s6 =	simm.s32 @!p1 $0x1082;
	[sflag:s4] =	ssyncset.s32 $0xFFFFF086  }
0x25: {  	[simem:s6], [sflag:s4] =	dma.local [hbm:s3], $0xF7A  }
0x26: {  	[smem:$0x3F8C] =	sst s1;
	(tag) =	ssettag s2;
	_ =	strace s9  }
0x27: {  	s1 =	sld [smem:$0x3F9C]  }
0x28: {  	s2 =	sld [smem:$0x3F9D]  }
0x29: {  	s4 =	sld [smem:$0x3F9F]  }
0x2a: {  	p0 =	seq.s32 s5, $0x0;
	s5 =	sld [smem:$0x3FA0]  }
0x2b: {  	s6 =	sld [smem:$0x3FA1]  }
0x2c: {  	s7 =	sld [smem:$0x3FA2]  }
0x2d: {  	s3 =	simm.s32 $0x108;
	s8 =	sld [smem:$0x3FA3]  }
0x2e: {  	s3 =	simm.s32 @!p0 $0x1082;
	s9 =	sld [smem:$0x3FA4]  }
0x2f: {  	lr =	sadd.s32 s0, s3;
	s0 =	sld [smem:$0x3F9B]  }
0x30: {  	s3 =	sld [smem:$0x3F9E]  }
0x31: {  	[smem:$0x3FA7] =	sst s10  }
0x32: {  	s10 =	sld [smem:$0x3FA5];
	_ =	sdelay $0x3  }
0x33: {  	p0 =	seq.s32 s10, $0x1;
	s10 =	sld [smem:$0x3FA7];
	_ =	sdelay $0x3  }
0x34: {  	[smem:$0x3FA7] =	sst s10  }
0x35: {  	s10 =	sld [smem:$0x3FA6];
	_ =	sdelay $0x3  }
0x36: {  	p1 =	seq.s32 s10, $0x1;
	s10 =	sld [smem:$0x3FA7];
	_ =	sdelay $0x3  }
0x37: {  	[smem:$0x3FA7] =	sst s10  }
0x38: {  	s10 =	sld [smem:$0x3FA8]  }
0x39: {  	_ = 	snop;
	(pc) =	sbr.ind lr, $3  }
0x3a: {  	_ = 	snop  }
0x3b: {  	_ = 	snop  }
0x3c: {  	p2 =	seq.s32 s10, $0x1;
	s10 =	sld [smem:$0x3FA7]  }
0x3d: {  	_ =	shalt  }
0x3e: {  	_ =	shalt  }
0x3f: {  	_ =	shalt  }
0x40: {  	_ =	shalt  }
0x41: {  	_ =	shalt  }
0x42: {  	_ =	shalt  }
0x43: {  	_ =	shalt  }
0x44: {  	_ =	shalt  }
0x45: {  	_ =	shalt  }
0x46: {  	_ =	shalt  }
0x47: {  	_ =	shalt  }
0x48: {  	_ =	shalt  }
0x49: {  	_ =	shalt  }
0x4a: {  	_ =	shalt  }
0x4b: {  	_ =	shalt  }
0x4c: {  	_ =	shalt  }
0x4d: {  	_ =	shalt  }
0x4e: {  	_ =	shalt  }
0x4f: {  	_ =	shalt  }
0x50: {  	_ =	shalt  }
0x51: {  	_ =	shalt  }
0x52: {  	_ =	shalt  }
0x53: {  	_ =	shalt  }
0x54: {  	_ =	shalt  }
0x55: {  	_ =	shalt  }
0x56: {  	_ =	shalt  }
0x57: {  	_ =	shalt  }
0x58: {  	_ =	shalt  }
0x59: {  	_ =	shalt  }
0x5a: {  	_ =	shalt  }
0x5b: {  	_ =	shalt  }
0x5c: {  	_ =	shalt  }
0x5d: {  	_ =	shalt  }
0x5e: {  	_ =	shalt  }
0x5f: {  	_ =	shalt  }
0x60: {  	_ =	shalt  }
0x61: {  	_ =	shalt  }
0x62: {  	_ =	shalt  }
0x63: {  	_ =	shalt  }
0x64: {  	_ =	shalt  }
0x65: {  	_ =	shalt  }
0x66: {  	_ =	shalt  }
0x67: {  	_ =	shalt  }
0x68: {  	_ =	shalt  }
0x69: {  	_ =	shalt  }
0x6a: {  	_ =	shalt  }
0x6b: {  	_ =	shalt  }
0x6c: {  	_ =	shalt  }
0x6d: {  	_ =	shalt  }
0x6e: {  	_ =	shalt  }
0x6f: {  	_ =	shalt  }
0x70: {  	_ =	shalt  }
0x71: {  	_ =	shalt  }
0x72: {  	_ =	shalt  }
0x73: {  	_ =	shalt  }
0x74: {  	_ =	shalt  }
0x75: {  	_ =	shalt  }
0x76: {  	_ =	shalt  }
0x77: {  	_ =	shalt  }
0x78: {  	_ =	shalt  }
0x79: {  	_ =	shalt  }
0x7a: {  	_ =	shalt  }
0x7b: {  	_ =	shalt  }
0x7c: {  	_ =	shalt  }
0x7d: {  	_ =	shalt  }
0x7e: {  	_ =	shalt  }
0x7f: {  	_ =	shalt  }
0x80: {  	_ =	shalt  }
0x81: {  	_ =	shalt  }
0x82: {  	_ =	shalt  }
0x83: {  	_ =	shalt  }
0x84: {  	_ =	shalt  }
0x85: {  	_ =	shalt  }
0x86: {  	_ =	shalt  }
0x87: {  	_ =	shalt  }
.Lfunc_end0:
.L_simem_size_0:
called_computation.4_lowered:
.L_overlay_start_0:
0x88: {  	s2 =	sld [smem:$0x3FD9]  }
0x89: {  	s3 =	sld [smem:$0x3FFE];
	_ =	sdelay $0x1  }
0x8a: {  	s1 =	srdreg.scid  }
0x8b: {  	s0 =	sand.u32 $0x1, s1  }
0x8c: {  	s14 =	sshll.u32 s0, $0xA;
	s2 =	sadd.s32 s3, s2  }
0x8d: {  	s2 =	sadd.s32 s2, s14  }
0x8e: {  	[smem:$0x3FB3] =	sst s2  }
0x8f: {  	_ = 	snop  }
0x90: {  	s2 =	sld [smem:$0x3FD0];
	_ =	sdelay $0x2  }
0x91: {  	s15 =	simm.s32 $0xB;
	s4 =	simm.s32 $0x10  }
0x92: {  	[smem:s4], [sflag:s15] =	dma.local [hbm:s2], $0x1  }
0x93: {  	_ =	swait.eq [sflag:s15], $0x1  }
0x94: {  	[sflag:s15] =	ssyncset.done $0x0  }
0x95: {  	[sflag:s15] =	ssyncadd.s32 $0xFFFFFFFF  }
0x96: {  	s16 =	sld [smem:$0x10];
	(tm) =	ssettm $0x1  }
0x97: {  	s17 =	sld [smem:$0x3FFB];
	_ =	sdelay $0x3  }
0x98: {  	_ =	strace s17  }
0x99: {  	s3 =	sld [smem:$0x3FFC];
	_ =	sdelay $0x3  }
0x9a: {  	_ =	strace s3  }
0x9b: {  	s3 =	sld [smem:$0x3FFD];
	_ =	sdelay $0x3  }
0x9c: {  	_ =	strace s3  }
0x9d: {  	_ =	strace $0x8FFFFFFF  }
0x9e: {  	s18 =	sld [smem:$0x3FDB];
	_ =	sdelay $0x1  }
0x9f: {  	s19 =	simm.s32 $_scs_section_size  }
0xa0: {  	s5 =	simm.s32 $_size__tile_overlayer_lowered;
	s6 =	simm.s32 $_tile_overlayer_lowered  }
0xa1: {  	s22 =	simm.s32 $0x1BFF;
	s21 =	sshll.u32 s6, $0x1;
	s3 =	sadd.s32 s19, s18  }
0xa2: {  	s7 =	simm.s32 $0x0;
	s20 =	sshll.u32 s5, $0x1;
	s5 =	sadd.s32 s21, s3  }
0xa3: {  	[timem:s7], [sflag:s22] =	dma.local [hbm:s5], s20  }
0xa4: {  	_ =	swait.ge [sflag:s22], s20  }
0xa5: {  	s4 =	ssub.s32 $0x0, s20;
	[sflag:s22] =	ssyncset.done $0x0  }
0xa6: {  	[sflag:s22] =	ssyncadd.s32 s4;
	_ =	sdelay $0x1  }
0xa7: {  	s23 =	simm.s32 $0x1B8B  }
0xa8: {  	_ =	swait.ge [sflag:s23], $0x1  }
0xa9: {  	[sflag:s23] =	ssyncset.done $0x0  }
0xaa: {  	s25 =	simm.s32 $0x1B8E;
	s24 =	sld [smem:$0x3FFE];
	[sflag:s23] =	ssyncadd.s32 $0xFFFFFFFF  }
0xab: {  	s26 =	simm.s32 $execute0_lowered;
	[smem:$0x3FD2] =	sst s25  }
0xac: {  	s5 =	sshll.u32 s26, $0x1;
	_ =	strace $0x8000004C;
	[dreg:$0x1] =	wrdreg $0xFFFFFFFF  }
0xad: {  	s28 =	simm.s32 $_size_execute0_lowered;
	s3 =	sadd.s32 s3, s5;
	[dreg:$0x0] =	wrdreg $0x0  }
0xae: {  	s5 =	sshll.u32 s28, $0x1;
	[dreg:$0x2] =	wrdreg s3  }
0xaf: {  	[dreg:$0x3] =	wrdreg s5  }
0xb0: {  	[dreg:$0x4] =	wrdreg $0xC0  }
0xb1: {  	_ =	task [dreg:s7], $0x5FFFF  }
0xb2: {  	[dreg:$0x1] =	wrdreg $0xFFFFFFFF  }
0xb3: {  	[dreg:$0x0] =	wrdreg $0x60  }
0xb4: {  	[dreg:$0x2] =	wrdreg s24  }
0xb5: {  	[dreg:$0x3] =	wrdreg s16  }
0xb6: {  	[dreg:$0x4] =	wrdreg $0x41800  }
0xb7: {  	[dreg:$0x5] =	wrdreg $0x9  }
0xb8: {  	_ =	task.clear_ibuf [dreg:s7], $0x6FFFF;
	_ =	strace $0x9000004C  }
0xb9: {  	s29 =	simm.s32 $0x9;
	_ =	strace $0x8000004E  }
0xba: {  	_ =	swait.ge [sflag:s29], $0x1  }
0xbb: {  	[sflag:s29] =	ssyncadd.s32 $0xFFFFFFFF  }
0xbc: {  	_ =	strace $0x9000004E  }
0xbd: {  	_ =	sfence  }
0xbe: {  	s30 =	sld [smem:$0x0];
	_ =	sdelay $0x2  }
0xbf: {  	s31 =	sshll.u32 s1, $0xD;
	s1 =	sshrl.u32 s1, $0x2  }
0xc0: {  	s3 =	sand.u32 $0x4000, s31;
	s1 =	sadd.s32 s1, s30  }
0xc1: {  	s0 =	sor.u32 s3, s0;
	s1 =	sshll.u32 s1, $0x11  }
0xc2: {  	s0 =	sor.u32 s1, s0  }
0xc3: {  	s0 =	sadd.s32 $0x8F2B, s0  }
0xc4: {  	[sflag:s0] =	ssyncadd.remote.s32 $0x1  }
0xc5: {  	_ =	sfence.sel $0xFFFF  }
0xc6: {  	[dreg:$0x0] =	wrdreg $0xFFFFFFFF;
	(pc) =	sbr.abs _section_cstart, $3  }
0xc7: {  	[dreg:$0x1] =	wrdreg $0xFFFFFFFF  }
0xc8: {  	_ =	task.clear_ibuf [dreg:s7], $0x2FFFF;
	_ =	strace $0x9FFFFFFF  }
0xc9: {  	(tm) =	ssettm $0x7FFFFFFF  }
tec
execute0_lowered:
.L_overlay_start_1:
0x0: {  	(tag) =	ssettag $0x1  }
0x1: {  	s10 =	rddreg [dreg:$0x0]  }
0x2: {  	s1 =	rddreg [dreg:$0x1]  }
0x3: {  	s2 =	rddreg [dreg:$0x2];
	s3 =	srdreg.scid  }
0x4: {  	s0 =	rddreg [dreg:$0x3];
	s4 =	simm.s32 $0x0;
	s16 =	simm.s32 $0x80  }
0x5: {  	s17 =	simm.s32 $0x100;
	s18 =	simm.s32 $0x180;
	s19 =	simm.s32 $0x0  }
0x6: {  	s11 =	sand.u32 $0x1, s3;
	[smem:$0x7FF] =	sst s4;
	s3 =	stileid.u32  }
0x7: {  	s6 =	sadd.s32 $0x2A800, s10;
	s5 =	sshll.u32 s11, $0x4;
	s13 =	smul.u32 $0x29000, s3  }
0x8: {  	s7 =	sadd.s32 $0xC600, s10;
	s15 =	smul.u32 $0x148, s3;
	s5 =	sor.u32 s3, s5  }
0x9: {  	s8 =	sadd.s32 $0x52800, s10;
	s9 =	sadd.s32 $0x2600, s10;
	s12 =	smul.u32 $0x1400, s5  }
0xa: {  	_ =	strace $0x8000004D;
	s29 =	ssub.s32 $0x2, s11;
	s30 =	smul.u32 $0xFFFFFEC0, s5  }
.Ltmp0:
0xb: {  	s14 =	sshrl.u32 s29, $0x1;
	s13 =	sshrl.u32 s13, $0x2;
	(pc) =	sbr.rel .LBB2_1-.Ltmp0, $4  }
0xc: {  	v0 =	vlaneseq.u32;
	s31 =	sshll.u32 s3, $0x6;
	s14 =	ssub.s32 s29, s14;
	s13 =	sadd.s32 s13, s2  }
0xd: {  	v3 =	vor.u32 $0x10, v0;
	v4 =	vor.u32 $0x20, v0;
	v5 =	vor.u32 $0x30, v0;
	s12 =	sadd.s32 s12, s10;
	s10 =	sor.u32 $0x1C02, s31;
	s11 =	sadd.s32 s15, s30  }
0xe: {  	v6 =	vor.u32 $0x40, v0;
	v7 =	vor.u32 $0x50, v0;
	s15 =	sadd.s32 $0x140, s15;
	s13 =	sshrl.u32 s13, $0x3;
	v1 =	vmov s11;
	s11 =	sadd.s32 $0x5CA00, s12  }
0xf: {  	v8 =	vor.u32 $0x60, v0;
	v9 =	vor.u32 $0x70, v0;
	v2 =	vmov s15;
	s12 =	smax.u32 s14, $0x1;
	s14 =	simm.s32 $0x2;
	s15 =	simm.s32 $0x1  }
.LBB2_3:
0x10: {  	v12 =	vimm.s32 $0x0  }
0x11: {  	v12 =	vsel vm3, $0xFFFFFFFF, v12  }
0x12: {  	[tilespmem:$0x1FF30] =	vst v12;
	v12 =	vimm.s32 $0x0  }
0x13: {  	v12 =	vsel vm1, $0xFFFFFFFF, v12  }
0x14: {  	[tilespmem:$0x1FF40] =	vst v12;
	v12 =	vimm.s32 $0x0  }
0x15: {  	v12 =	vsel vm7, $0xFFFFFFFF, v12  }
0x16: {  	[tilespmem:$0x1FF50] =	vst v12;
	v12 =	vimm.s32 $0x0  }
0x17: {  	v12 =	vsel vm4, $0xFFFFFFFF, v12  }
0x18: {  	[tilespmem:$0x1FF60] =	vst v12;
	v12 =	vimm.s32 $0x0  }
0x19: {  	v12 =	vsel vm8, $0xFFFFFFFF, v12  }
0x1a: {  	[tilespmem:$0x1FF70] =	vst v12;
	v12 =	vimm.s32 $0x0  }
0x1b: {  	v12 =	vsel vm9, $0xFFFFFFFF, v12  }
0x1c: {  	[tilespmem:$0x1FF80] =	vst v12;
	v12 =	vimm.s32 $0x0  }
0x1d: {  	v12 =	vsel vm6, $0xFFFFFFFF, v12  }
0x1e: {  	[tilespmem:$0x1FF90] =	vst v12;
	v12 =	vimm.s32 $0x0  }
0x1f: {  	v12 =	vsel vm2, $0xFFFFFFFF, v12  }
0x20: {  	vm7 =	vmmov vm5;
	[tilespmem:$0x1FFA0] =	vst v12  }
.LBB2_8:
0x21: {  	_ =	swait.ge @p0 [sflag:s14], $0x80  }
0x22: {  	[sflag:s14] =	ssyncset.done @p0 $0x0  }
0x23: {  	s21 =	sadd.s32 @p0 s8, s21;
	[sflag:s14] =	ssyncadd.s32 @p0 $0xFFFFFF80  }
0x24: {  	[tilespmem:s17], [sflag:$0x2] =	stream.linear.gather @p0 [hbm4b:s21+s4], $0x80, $0x38;
	[tilespmem:$0xE580] =	vst v63  }
0x25: {  	_ =	swait.ge @p0 [sflag:s14], $0x80  }
0x26: {  	v27 =	vld [tilespmem:$0x1FEC0]  }
0x27: {  	[sflag:s14] =	ssyncset.done @p0 $0x0;
	v28 =	vld [tilespmem:$0x1FEB0]  }
0x28: {  	v29 =	vld [tilespmem:$0x1FF20];
	[sflag:s14] =	ssyncadd.s32 @p0 $0xFFFFFF80  }
0x29: {  	v13 =	vld @p0 [tilespmem:$0xD0]  }
0x2a: {  	v14 =	vld @p0 [tilespmem:$0x140]  }
0x2b: {  	v15 =	vld @p0 [tilespmem:$0x120]  }
0x2c: {  	v16 =	vld @p0 [tilespmem:$0xE0]  }
0x2d: {  	v17 =	vld @p0 [tilespmem:$0x130]  }
0x2e: {  	vm2 =	vmand @p0 vm2, vm11;
	vm3 =	vmand @p0 vm0, vm12;
	v18 =	vld @p0 [tilespmem:$0x150]  }
0x2f: {  	vm0 =	vge.s32 @p0 v12, v10;
	v19 =	vld @p0 [tilespmem:$0xB0];
	v14 =	vadd.s32 @p0 v14, v1;
	v13 =	vnsel @p0 vm2, $0x0, v13  }
0x30: {  	vm4 =	vmand @p0 vm5, vm4;
	vm0 =	vmand @p0 vm0, vm8;
	v12 =	vld @p0 [tilespmem:$0x80];
	v14 =	vsel @p0 vm3, v14, v2;
	[tilespmem:$0xD0] =	vst @p0 v13  }
0x31: {  	vm5 =	vnez.u8 v27;
	v13 =	vadd.s32 @p0 v15, v1;
	v15 =	vld @p0 [tilespmem:$0x90];
	[tilespmem:$0x140] =	vst @p0 v14;
	v14 =	vnsel @p0 vm0, $0x0, v16  }
0x32: {  	vm5 =	vmand @p0 vm6, vm5;
	v13 =	vsel @p0 vm4, v13, v2;
	v16 =	vadd.s32 @p0 v17, v1;
	v17 =	vld @p0 [tilespmem:$0xA0];
	[tilespmem:$0xE0] =	vst @p0 v14  }
0x33: {  	v14 =	vld @p0 [tilespmem:$0xF0];
	[tilespmem:$0x120] =	vst @p0 v13;
	v13 =	vsel @p0 vm5, v16, v2  }
0x34: {  	vm6 =	vmand @p0 vm13, vm15;
	v16 =	vnsel @p0 vm5, $0x0, v19;
	vm5 =	vnez.u8 v28;
	v19 =	vld @p0 [tilespmem:$0x100];
	[tilespmem:$0x130] =	vst @p0 v13  }
0x35: {  	v12 =	vnsel @p0 vm6, $0x0, v12;
	v13 =	vld @p0 [tilespmem:$0xC0];
	vm5 =	vmand @p0 vm9, vm5;
	[tilespmem:$0xB0] =	vst @p0 v16;
	v16 =	vadd.s32 @p0 v18, v1  }
0x36: {  	[tilespmem:$0x80] =	vst @p0 v12;
	v16 =	vsel @p0 vm2, v16, v2;
	v12 =	vnsel @p0 vm5, $0x0, v15;
	v15 =	vld @p0 [tilespmem:$0x160]  }
0x37: {  	v18 =	vld @p0 [tilespmem:$0x110];
	vm2 =	vnez.u8 v29;
	[tilespmem:$0x150] =	vst @p0 v16  }
0x38: {  	vm2 =	vmand @p0 vm2, vm1;
	[tilespmem:$0x90] =	vst @p0 v12;
	v12 =	vld @p0 [tilespmem:$0x170];
	v17 =	vnsel @p0 vm4, $0x0, v17  }
0x39: {  	[tilespmem:$0xA0] =	vst @p0 v17;
	v14 =	vnsel @p0 vm2, $0x0, v14  }
0x3a: {  	v16 =	vadd.s32 @p0 v19, v1;
	v13 =	vnsel @p0 vm3, $0x0, v13;
	[tilespmem:$0xF0] =	vst @p0 v14  }
0x3b: {  	[tilespmem:$0xC0] =	vst @p0 v13;
	v13 =	vsel @p0 vm6, v16, v2;
	v15 =	vadd.s32 @p0 v15, v1  }
0x3c: {  	[tilespmem:$0x100] =	vst @p0 v13;
	v13 =	vadd.s32 @p0 v18, v1;
	v14 =	vsel @p0 vm0, v15, v2  }
0x3d: {  	v12 =	vadd.s32 @p0 v12, v1;
	v13 =	vsel @p0 vm5, v13, v2;
	[tilespmem:$0x160] =	vst @p0 v14  }
0x3e: {  	v12 =	vsel @p0 vm2, v12, v2;
	[tilespmem:$0x110] =	vst @p0 v13  }
0x3f: {  	[tilespmem:$0x170] =	vst @p0 v12  }
0x40: {  	[tilespmem:s18], [sflag:$0x1] =	stream.indirect.gather @p0 [hbm4b:s6+s16], $0x80, s16, s16, $0xb8;
	[tilespmem:$0xE580] =	vst v63  }
0x41: {  	_ =	swait.ge @p0 [sflag:s15], $0x4000  }
0x42: {  	[sflag:s15] =	ssyncset.done @p0 $0x0  }
0x43: {  	[sflag:s15] =	ssyncadd.s32 @p0 $0xFFFFC000  }
0x44: {  	[spmem:s2] =	stream.indirect.scatter.add.f32 @p0 [tilespmem:s18], [sflag:$0x2], $0x80, s17, s16, $0xb8;
	[tilespmem:$0xE580] =	vst v63  }
0x45: {  	_ =	swait.ge @p0 [sflag:s14], $0x4000  }
0x46: {  	[sflag:s14] =	ssyncset.done @p0 $0x0  }
0x47: {  	s30 =	sadd.s32 s7, s20;
	[sflag:s14] =	ssyncadd.s32 @p0 $0xFFFFC000  }
0x48: {  	[tilespmem:s16], [sflag:$0x2] =	stream.linear.gather [hbm4b:s30+s4], $0x80, $0x38;
	[tilespmem:$0xE580] =	vst v63  }
0x49: {  	_ =	swait.ge [sflag:s14], $0x80  }
0x4a: {  	[sflag:s14] =	ssyncset.done $0x0  }
0x4b: {  	s31 =	sadd.s32 s8, s20;
	[sflag:s14] =	ssyncadd.s32 $0xFFFFFF80  }
0x4c: {  	[tilespmem:s17], [sflag:$0x2] =	stream.linear.gather [hbm4b:s31+s4], $0x80, $0x38;
	[tilespmem:$0xE580] =	vst v63  }
0x4d: {  	_ =	swait.ge [sflag:s14], $0x80  }
0x4e: {  	v31 =	vld [tilespmem:$0x1FFC0]  }
0x4f: {  	v33 =	vld [tilespmem:$0x1FF40]  }
0x50: {  	v34 =	vld [tilespmem:$0x1FFD0]  }
0x51: {  	v35 =	vld [tilespmem:$0x1FF30]  }
0x52: {  	v38 =	vld [tilespmem:$0x1FFB0]  }
0x53: {  	v39 =	vld [tilespmem:$0x1FF60]  }
0x54: {  	v40 =	vld [tilespmem:$0x1FFE0]  }
0x55: {  	v42 =	vld [tilespmem:$0x1FF50]  }
0x56: {  	v43 =	vld [tilespmem:$0x1FF70]  }
0x57: {  	v46 =	vld [tilespmem:$0x1FF80]  }
0x58: {  	[sflag:s14] =	ssyncset.done $0x0;
	v52 =	vld [tilespmem:$0x1FFA0]  }
0x59: {  	v53 =	vld [tilespmem:$0x1FF90];
	[sflag:s14] =	ssyncadd.s32 $0xFFFFFF80  }
0x5a: {  	v30 =	vld [tilespmem:$0xD0];
	vm13 =	vnez.u8 v31;
	vm5 =	vnez.u8 v33;
	vm8 =	vnez.u8 v34  }
0x5b: {  	v32 =	vld [tilespmem:$0x140];
	vm9 =	vnez.u8 v35;
	vm10 =	vnez.u8 v38;
	vm11 =	vnez.u8 v39  }
0x5c: {  	v36 =	vld [tilespmem:$0x120];
	vm12 =	vnez.u8 v40;
	vm15 =	vmmov vm13;
	vm6 =	vmmov vm5  }
0x5d: {  	v50 =	vld [tilespmem:$0xA0];
	vm0 =	vmmov vm8;
	vm3 =	vmmov vm9;
	vm1 =	vmmov vm10  }
0x5e: {  	v41 =	vld [tilespmem:$0x130];
	vm4 =	vmmov vm12;
	vm13 =	vnez.u8 v42;
	vm8 =	vge.s32 v11, v10  }
0x5f: {  	v59 =	vld [tilespmem:$0x1FFF0];
	vm10 =	vnez.u8 v46;
	vm12 =	vnez.u8 v52;
	vm0 =	vmand vm0, vm3  }
0x60: {  	v37 =	vld [tilespmem:$0xE0];
	vm2 =	vmand vm15, vm6;
	vm3 =	vmmov vm11;
	vm5 =	vmmov vm13  }
0x61: {  	v44 =	vld [tilespmem:$0x150];
	vm15 =	vnez.u8 v43;
	v11 =	vadd.s32 v32, v1;
	v12 =	vnsel vm2, $0x0, v30  }
0x62: {  	v10 =	vld [tilespmem:$0xB0];
	v47 =	vadd.s32 v36, v1;
	vm3 =	vmand vm1, vm3;
	v16 =	vnsel vm0, $0x0, v50;
	[tilespmem:$0xD0] =	vst v12  }
0x63: {  	v45 =	vld [tilespmem:$0x80];
	vm11 =	vmmov vm7;
	v49 =	vadd.s32 v41, v1;
	v11 =	vsel vm3, v11, v2;
	[tilespmem:$0xA0] =	vst v16  }
0x64: {  	v48 =	vld [tilespmem:$0x90];
	vm6 =	vmmov vm15;
	vm1 =	vmand vm8, vm4;
	v12 =	vsel vm0, v47, v2;
	[tilespmem:$0x140] =	vst v11  }
0x65: {  	v54 =	vld [tilespmem:$0xC0];
	vm13 =	vnez.u8 v53;
	vm9 =	vmand vm5, vm6;
	v11 =	vnsel vm1, $0x0, v37;
	[tilespmem:$0x120] =	vst v12  }
0x66: {  	v55 =	vld [tilespmem:$0x100];
	vm4 =	vmmov vm12;
	vm5 =	vmmov vm10;
	v51 =	vsel vm9, v49, v2;
	[tilespmem:$0xE0] =	vst v11  }
0x67: {  	v57 =	vld [tilespmem:$0x160];
	vm6 =	vmmov vm13;
	vm5 =	vmand vm5, vm11;
	v10 =	vnsel vm9, $0x0, v10;
	[tilespmem:$0x130] =	vst v51  }
0x68: {  	vm4 =	vmand vm4, vm6;
	v11 =	vld [tilespmem:$0xF0];
	v13 =	vnsel vm5, $0x0, v45;
	[tilespmem:$0xB0] =	vst v10  }
0x69: {  	v58 =	vld [tilespmem:$0x170];
	v56 =	vnsel vm4, $0x0, v48;
	v10 =	vadd.s32 v44, v1;
	[tilespmem:$0x80] =	vst v13  }
0x6a: {  	vm14 =	vmmov vm14;
	v60 =	vld [tilespmem:$0x110];
	vm15 =	vnez.u8 v59;
	[tilespmem:$0x90] =	vst v56;
	v10 =	vsel vm2, v10, v2  }
0x6b: {  	v61 =	vadd.s32 v55, v1;
	vm2 =	vmmov vm15;
	[tilespmem:$0x150] =	vst v10;
	v10 =	vnsel vm3, $0x0, v54  }
0x6c: {  	vm0 =	vmand vm14, vm2;
	[tilespmem:$0xC0] =	vst v10;
	v10 =	vsel vm5, v61, v2  }
0x6d: {  	v62 =	vadd.s32 v57, v1;
	v11 =	vnsel vm0, $0x0, v11;
	[tilespmem:$0x100] =	vst v10  }
0x6e: {  	v10 =	vadd.s32 v58, v1;
	[tilespmem:$0xF0] =	vst v11;
	v11 =	vsel vm1, v62, v2  }
0x6f: {  	v63 =	vadd.s32 v60, v1;
	v10 =	vsel vm0, v10, v2;
	[tilespmem:$0x160] =	vst v11  }
0x70: {  	v11 =	vsel vm4, v63, v2;
	[tilespmem:$0x170] =	vst v10  }
0x71: {  	[tilespmem:$0x110] =	vst v11  }
0x72: {  	[tilespmem:s18], [sflag:$0x1] =	stream.indirect.gather [hbm4b:s6+s16], $0x80, s16, s16, $0xb8;
	[tilespmem:$0xE580] =	vst v63  }
0x73: {  	_ =	swait.ge [sflag:s15], $0x4000  }
0x74: {  	[sflag:s15] =	ssyncset.done $0x0  }
0x75: {  	[sflag:s15] =	ssyncadd.s32 $0xFFFFC000  }
0x76: {  	[spmem:s2] =	stream.indirect.scatter.add.f32 [tilespmem:s18], [sflag:$0x2], $0x80, s17, s16, $0xb8;
	[tilespmem:$0xE580] =	vst v63  }
0x77: {  	_ =	swait.ge [sflag:s14], $0x4000  }
0x78: {  	[sflag:s14] =	ssyncset.done $0x0  }
0x79: {  	[sflag:s14] =	ssyncadd.s32 $0xFFFFC000  }
.LBB2_9:
0x7a: {  	s19 =	sadd.s32 $0x1, s19  }
0x7b: {  	p0 =	sne.s32 s19, s12  }
.Ltmp1:
0x7c: {  	_ = 	snop;
	(pc) =	sbr.rel @!p0 .LBB2_10-.Ltmp1, $4  }
0x7d: {  	[hbm:s11], [sflag:s10] =	dma.local [spmem:s13], $0x1400  }
0x7e: {  	_ =	swait.ge [sflag:s14], $0x1400  }
0x7f: {  	[sflag:s14] =	ssyncset.done $0x0  }
0x80: {  	[sflag:s14] =	ssyncadd.s32 $0xFFFFEC00  }
.LBB2_1:
0x81: {  	[spmem:s13], [sflag:s10] =	dma.local [hbm:s9], $0x1480  }
0x82: {  	_ =	swait.ge [sflag:s14], $0x1480  }
0x83: {  	[sflag:s14] =	ssyncset.done $0x0  }
0x84: {  	[sflag:s14] =	ssyncadd.s32 $0xFFFFEB80  }
0x85: {  	[tilespmem:s4], [sflag:$0x2] =	stream.linear.gather [hbm4b:s1+s4], $0x80, $0x38;
	[tilespmem:$0xE580] =	vst v63  }
0x86: {  	_ =	swait.ge [sflag:s14], $0x80  }
0x87: {  	[sflag:s14] =	ssyncset.done $0x0  }
0x88: {  	[sflag:s14] =	ssyncadd.s32 $0xFFFFFF80  }
0x89: {  	v10 =	vld [tilespmem:s5+$0x0]  }
0x8a: {  	v11 =	vld [tilespmem:s5+$0x20];
	_ =	sdelay $0x3  }
0x8b: {  	(v2sf) =	vpush v10, $0x0  }
0x8c: {  	(v2sf) =	vpush v11, $0x0;
	_ =	sdelay $0xd  }
0x8d: {  	s20 =	spop (v2sf)  }
0x8e: {  	s22 =	spop (v2sf);
	s21 =	sand.u32 $0xFFFFFF80, s20  }
0x8f: {  	s20 =	ssub.s32 s22, s21  }
0x90: {  	s20 =	sadd.s32 $0x7F, s20  }
0x91: {  	s30 =	sand.u32 $0x7F, s20  }
0x92: {  	s31 =	sshra.s32 s20, $0x1F;
	p1 =	slt.s32 s20, $0x1;
	p0 =	sne.s32 s30, $0x0  }
0x93: {  	s22 =	sshrl.u32 s31, $0x19;
	p0 =	por !p1, !p0  }
0x94: {  	s20 =	sadd.s32 s22, s20;
	s22 =	simm.s32 $0x1;
	p0 =	por !p0, !p0  }
0x95: {  	s20 =	sshra.s32 s20, $0x7;
	s22 =	simm.s32 @!p0 $0x0  }
0x96: {  	s22 =	ssub.s32 s20, s22  }
0x97: {  	p0 =	slt.s32 s22, $0x1  }
.Ltmp2:
0x98: {  	_ = 	snop;
	(pc) =	sbr.rel @p0 .LBB2_9-.Ltmp2, $1  }
0x99: {  	_ =	sdelay $0x3  }
0x9a: {  	v10 =	vbroadcast v10, $0x0;
	v12 =	vbroadcast v11, $0x0  }
0x9b: {  	v11 =	vor.u32 s21, v6;
	v13 =	vor.u32 s21, v7;
	v14 =	vor.u32 s21, v4  }
0x9c: {  	vm0 =	vge.s32 v11, v10;
	vm1 =	vge.s32 v13, v10;
	vm2 =	vlt.s32 v13, v12  }
0x9d: {  	vm3 =	vge.s32 v14, v10;
	vm4 =	vlt.s32 v11, v12;
	v13 =	vor.u32 s21, v5  }
0x9e: {  	v11 =	vor.u32 s21, v8;
	vm5 =	vlt.s32 v14, v12;
	vm7 =	vge.s32 v13, v10  }
0x9f: {  	vm8 =	vlt.s32 v13, v12;
	v13 =	vor.u32 s21, v3;
	vm0 =	vmmov vm0  }
0xa0: {  	vm11 =	vge.s32 v13, v10;
	vm12 =	vlt.s32 v13, v12;
	v13 =	vimm.s32 $0x0  }
0xa1: {  	v14 =	vor.u32 s21, v0;
	vm6 =	vlt.s32 v11, v12;
	v13 =	vsel vm0, $0xFFFFFFFF, v13  }
0xa2: {  	vm9 =	vge.s32 v14, v10;
	vm0 =	vmmov vm1;
	[tilespmem:$0x1FFB0] =	vst v13;
	v13 =	vimm.s32 $0x0  }
0xa3: {  	vm10 =	vlt.s32 v14, v12;
	v14 =	vor.u32 s21, v9;
	v13 =	vsel vm0, $0xFFFFFFFF, v13  }
0xa4: {  	vm4 =	vmmov vm4;
	vm0 =	vmmov vm3;
	[tilespmem:$0x1FFC0] =	vst v13;
	v13 =	vimm.s32 $0x0  }
0xa5: {  	p1 =	sne.s32 s22, $0x1;
	vm13 =	vge.s32 v14, v10;
	vm15 =	vlt.s32 v14, v12;
	v13 =	vsel vm0, $0xFFFFFFFF, v13  }
.Ltmp3:
0xa6: {  	vm7 =	vmmov vm7;
	vm0 =	vmmov vm6;
	[tilespmem:$0x1FFD0] =	vst v13;
	v13 =	vimm.s32 $0x0;
	(pc) =	sbr.rel @!p1 .LBB2_3-.Ltmp3, $4  }
0xa7: {  	vm8 =	vmmov vm8;
	vm9 =	vmmov vm9;
	v13 =	vsel vm0, $0xFFFFFFFF, v13  }
0xa8: {  	vm1 =	vmmov vm2;
	vm0 =	vmmov vm15;
	[tilespmem:$0x1FFE0] =	vst v13;
	v13 =	vimm.s32 $0x0  }
0xa9: {  	vm2 =	vmmov vm11;
	vm14 =	vmmov vm13;
	v13 =	vsel vm0, $0xFFFFFFFF, v13  }
0xaa: {  	s20 =	sshrl.u32 s21, $0x3;
	s22 =	sadd.s32 $0xFFFFFFFF, s22;
	p0 =	por $0x0, $0x0;
	vm3 =	vmmov vm5;
	vm5 =	vmmov vm10;
	vm6 =	vmmov vm12;
	[tilespmem:$0x1FFF0] =	vst v13  }
0xab: {  	v21 =	vld [tilespmem:$0x1FFB0];
	_ =	sdelay $0x1  }
0xac: {  	v62 =	vld [tilespmem:$0x1FFC0];
	_ =	sdelay $0x2  }
0xad: {  	vm12 =	vmmov vm2;
	vm2 =	vnez.u8 v21  }
0xae: {  	v61 =	vimm.s32 $0x0;
	v63 =	vimm.s32 $0x0;
	vm2 =	vmmov vm2  }
0xaf: {  	s21 =	sadd.s32 $0x80, s21;
	vm11 =	vmmov vm1;
	v21 =	vsel vm2, $0xFFFFFFFF, v61;
	vm2 =	vnez.u8 v62  }
0xb0: {  	v15 =	vor.u32 s21, v7;
	v16 =	vor.u32 s21, v6;
	vm2 =	vmmov vm2  }
0xb1: {  	vm0 =	vge.s32 v15, v10;
	[tilespmem:$0x1FED0] =	vst v21;
	v21 =	vsel vm2, $0xFFFFFFFF, v63;
	vm2 =	vge.s32 v16, v10  }
0xb2: {  	vm1 =	vlt.s32 v15, v12;
	v15 =	vimm.s32 $0x0;
	vm2 =	vmmov vm2  }
0xb3: {  	v15 =	vsel vm2, $0xFFFFFFFF, v15  }
0xb4: {  	vm0 =	vmmov vm0;
	[tilespmem:$0x1FFB0] =	vst v15;
	v15 =	vimm.s32 $0x0  }
0xb5: {  	v15 =	vsel vm0, $0xFFFFFFFF, v15  }
0xb6: {  	vm0 =	vmmov vm1;
	[tilespmem:$0x1FFC0] =	vst v15;
	v15 =	vimm.s32 $0x0  }
0xb7: {  	v15 =	vsel vm0, $0xFFFFFFFF, v15  }
0xb8: {  	[tilespmem:$0x1FF40] =	vst v15;
	v15 =	vld [tilespmem:$0x1FFD0];
	_ =	sdelay $0x2  }
0xb9: {  	v14 =	vor.u32 s21, v4  }
0xba: {  	vm15 =	vmmov vm5;
	vm2 =	vlt.s32 v14, v12;
	vm1 =	vge.s32 v14, v10  }
0xbb: {  	v14 =	vimm.s32 $0x0;
	vm1 =	vmmov vm1;
	vm0 =	vnez.u8 v15  }
0xbc: {  	v15 =	vimm.s32 $0x0;
	vm5 =	vmmov vm0;
	vm0 =	vmmov vm4  }
0xbd: {  	v14 =	vsel vm1, $0xFFFFFFFF, v14;
	v15 =	vsel vm0, $0xFFFFFFFF, v15;
	vm0 =	vlt.s32 v16, v12  }
0xbe: {  	[tilespmem:$0x1FFD0] =	vst v14;
	v14 =	vimm.s32 $0x0;
	vm0 =	vmmov vm0  }
0xbf: {  	v14 =	vsel vm0, $0xFFFFFFFF, v14  }
0xc0: {  	vm0 =	vmmov vm2;
	[tilespmem:$0x1FF60] =	vst v14;
	v14 =	vimm.s32 $0x0  }
0xc1: {  	v14 =	vsel vm0, $0xFFFFFFFF, v14  }
0xc2: {  	[tilespmem:$0x1FF30] =	vst v14;
	v14 =	vld [tilespmem:$0x1FFE0];
	_ =	sdelay $0x4  }
0xc3: {  	v13 =	vor.u32 s21, v8;
	vm1 =	vmmov vm8;
	vm0 =	vnez.u8 v14  }
0xc4: {  	v14 =	vimm.s32 $0x0;
	vm8 =	vmmov vm0;
	vm0 =	vmmov vm7  }
0xc5: {  	vm2 =	vlt.s32 v13, v12;
	v14 =	vsel vm0, $0xFFFFFFFF, v14  }
0xc6: {  	v17 =	vor.u32 s21, v5;
	vm2 =	vmmov vm2;
	[tilespmem:$0x1FF00] =	vst v14;
	v14 =	vimm.s32 $0x0  }
0xc7: {  	vm0 =	vge.s32 v17, v10;
	v14 =	vsel vm2, $0xFFFFFFFF, v14  }
0xc8: {  	v18 =	vor.u32 s21, v0;
	vm0 =	vmmov vm0;
	[tilespmem:$0x1FFE0] =	vst v14;
	v14 =	vimm.s32 $0x0  }
0xc9: {  	vm10 =	vmmov vm1;
	v14 =	vsel vm0, $0xFFFFFFFF, v14;
	vm0 =	vge.s32 v18, v10  }
0xca: {  	vm1 =	vlt.s32 v17, v12;
	[tilespmem:$0x1FF50] =	vst v14;
	vm0 =	vmmov vm0;
	v14 =	vimm.s32 $0x0  }
0xcb: {  	vm7 =	vmmov vm1;
	vm1 =	vlt.s32 v18, v12;
	v14 =	vsel vm0, $0xFFFFFFFF, v14  }
0xcc: {  	vm0 =	vmmov vm1;
	[tilespmem:$0x1FF80] =	vst v14;
	v14 =	vimm.s32 $0x0  }
0xcd: {  	v14 =	vsel vm0, $0xFFFFFFFF, v14  }
0xce: {  	vm0 =	vmmov vm14;
	[tilespmem:$0x1FF10] =	vst v14;
	v14 =	vimm.s32 $0x0  }
0xcf: {  	v14 =	vsel vm0, $0xFFFFFFFF, v14  }
0xd0: {  	[tilespmem:$0x1FF20] =	vst v14;
	v14 =	vld [tilespmem:$0x1FFF0];
	_ =	sdelay $0x2  }
0xd1: {  	vm13 =	vmmov vm9;
	v19 =	vor.u32 s21, v3;
	v20 =	vor.u32 s21, v9  }
0xd2: {  	p1 =	sne.s32 s22, $0x1;
	vm9 =	vmmov vm12;
	vm4 =	vmmov vm3;
	vm2 =	vge.s32 v19, v10  }
.Ltmp4:
0xd3: {  	s23 =	sadd.s32 s7, s20;
	vm3 =	vmmov vm6;
	vm12 =	vmmov vm2;
	vm0 =	vnez.u8 v14;
	(pc) =	sbr.rel @!p1 .LBB2_5-.Ltmp4, $4  }
0xd4: {  	[tilespmem:s16], [sflag:$0x2] =	stream.linear.gather [hbm4b:s23+s4], $0x80, $0x38;
	vm2 =	vlt.s32 v20, v12;
	vm1 =	vmmov vm0;
	vm0 =	vlt.s32 v19, v12;
	[tilespmem:$0xE580] =	vst v63  }
0xd5: {  	[tilespmem:$0x1FEE0] =	vst v21;
	v14 =	vimm.s32 $0x0;
	vm6 =	vmmov vm0;
	vm0 =	vmmov vm2  }
0xd6: {  	[tilespmem:$0x1FEF0] =	vst v15;
	vm14 =	vge.s32 v20, v10;
	v14 =	vsel vm0, $0xFFFFFFFF, v14  }
0xd7: {  	s22 =	sadd.s32 $0xFFFFFFFF, s22;
	p0 =	por $0x1, $0x1;
	vm15 =	vmmov vm15;
	s23 =	sshrl.u32 s21, $0x3;
	vm14 =	vmmov vm14;
	[tilespmem:$0x1FFF0] =	vst v14  }
.LBB2_6:
0xd8: {  	v14 =	vimm.s32 $0x0  }
0xd9: {  	v14 =	vsel vm7, $0xFFFFFFFF, v14  }
0xda: {  	[tilespmem:$0x1FF70] =	vst v14;
	v14 =	vimm.s32 $0x0  }
0xdb: {  	v14 =	vsel vm12, $0xFFFFFFFF, v14  }
0xdc: {  	[tilespmem:$0x1FFA0] =	vst v14;
	v14 =	vimm.s32 $0x0  }
0xdd: {  	vm2 =	vmmov vm11;
	v14 =	vsel vm6, $0xFFFFFFFF, v14  }
0xde: {  	s21 =	sadd.s32 $0x80, s21;
	v58 =	vimm.s32 $0x0;
	v59 =	vimm.s32 $0x0;
	[tilespmem:$0x1FF90] =	vst v14;
	v14 =	vimm.s32 $0x0  }
0xdf: {  	v15 =	vor.u32 s21, v6;
	v16 =	vor.u32 s21, v7;
	v14 =	vsel vm14, $0xFFFFFFFF, v14  }
0xe0: {  	vm11 =	vge.s32 v16, v10;
	vm0 =	vlt.s32 v16, v12;
	[tilespmem:$0x1FE80] =	vst v14;
	v14 =	vor.u32 s21, v4  }
0xe1: {  	v16 =	vsel vm0, $0xFFFFFFFF, v58;
	vm6 =	vge.s32 v15, v10;
	_ =	swait.ge [sflag:s14], $0x80;
	vm0 =	vge.s32 v14, v10  }
0xe2: {  	[tilespmem:$0x1FDD0] =	vst v16;
	v16 =	vsel vm0, $0xFFFFFFFF, v59;
	vm0 =	vlt.s32 v15, v12;
	v15 =	vimm.s32 $0x0  }
0xe3: {  	[tilespmem:$0x1FDE0] =	vst v16;
	v15 =	vsel vm0, $0xFFFFFFFF, v15;
	vm0 =	vlt.s32 v14, v12;
	v14 =	vimm.s32 $0x0  }
0xe4: {  	[sflag:s14] =	ssyncset.done $0x0;
	[tilespmem:$0x1FDF0] =	vst v15;
	v15 =	vor.u32 s21, v8;
	v14 =	vsel vm0, $0xFFFFFFFF, v14  }
0xe5: {  	s25 =	sadd.s32 s8, s20;
	v60 =	vimm.s32 $0x0;
	[sflag:s14] =	ssyncadd.s32 $0xFFFFFF80;
	[tilespmem:$0x1FE00] =	vst v14;
	v14 =	vor.u32 s21, v5;
	vm0 =	vlt.s32 v15, v12  }
0xe6: {  	v17 =	vimm.s32 $0x0;
	[tilespmem:s17], [sflag:$0x2] =	stream.linear.gather [hbm4b:s25+s4], $0x80, $0x38;
	v16 =	vsel vm0, $0xFFFFFFFF, v60;
	vm0 =	vge.s32 v14, v10;
	[tilespmem:$0xE580] =	vst v63  }
0xe7: {  	[tilespmem:$0x1FE10] =	vst v16;
	v17 =	vsel vm0, $0xFFFFFFFF, v17;
	vm0 =	vlt.s32 v14, v12;
	v14 =	vimm.s32 $0x0  }
0xe8: {  	v61 =	vor.u32 s21, v0;
	_ =	swait.ge [sflag:s14], $0x80;
	v14 =	vsel vm0, $0xFFFFFFFF, v14  }
0xe9: {  	vm0 =	vge.s32 v61, v10;
	[tilespmem:$0x1FE30] =	vst v14;
	v14 =	vimm.s32 $0x0;
	v20 =	vld [tilespmem:$0x1FEE0]  }
0xea: {  	v21 =	vld [tilespmem:$0x1FED0];
	v14 =	vsel vm0, $0xFFFFFFFF, v14  }
0xeb: {  	v27 =	vld [tilespmem:$0x1FEF0];
	vm0 =	vlt.s32 v61, v12;
	[tilespmem:$0x1FE40] =	vst v14;
	v14 =	vimm.s32 $0x0  }
0xec: {  	v30 =	vld [tilespmem:$0x1FFB0];
	v14 =	vsel vm0, $0xFFFFFFFF, v14  }
0xed: {  	v32 =	vld [tilespmem:$0x1FF00];
	[tilespmem:$0x1FE50] =	vst v14;
	v14 =	vor.u32 s21, v3  }
0xee: {  	v62 =	vimm.s32 $0x0;
	v38 =	vld [tilespmem:$0x1FFC0];
	vm0 =	vge.s32 v14, v10  }
0xef: {  	v43 =	vld [tilespmem:$0x1FF20];
	v16 =	vsel vm0, $0xFFFFFFFF, v62;
	vm0 =	vlt.s32 v14, v12;
	v14 =	vimm.s32 $0x0  }
0xf0: {  	v24 =	vimm.s32 $0x0;
	[sflag:s14] =	ssyncset.done $0x0;
	v44 =	vld [tilespmem:$0x1FF40];
	v14 =	vsel vm0, $0xFFFFFFFF, v14  }
0xf1: {  	vm4 =	vmand vm5, vm4;
	v31 =	vimm.s32 $0x0;
	v45 =	vld [tilespmem:$0x1FDD0];
	[sflag:s14] =	ssyncadd.s32 $0xFFFFFF80;
	[tilespmem:$0x1FE70] =	vst v14;
	v14 =	vor.u32 s21, v9  }
0xf2: {  	v34 =	vimm.s32 $0x0;
	v39 =	vimm.s32 $0x0;
	v19 =	vld [tilespmem:$0x130];
	vm0 =	vge.s32 v14, v10  }
0xf3: {  	[tilespmem:$0x1FE20] =	vst v17;
	v26 =	vld [tilespmem:$0x150];
	v17 =	vsel vm0, $0xFFFFFFFF, v24;
	vm0 =	vlt.s32 v14, v12;
	v14 =	vimm.s32 $0x0  }
0xf4: {  	v46 =	vimm.s32 $0x0;
	v50 =	vimm.s32 $0x0;
	v25 =	vld [tilespmem:$0x120];
	v14 =	vsel vm0, $0xFFFFFFFF, v14  }
0xf5: {  	v52 =	vimm.s32 $0x0;
	v54 =	vimm.s32 $0x0;
	v58 =	vimm.s32 $0x0;
	[tilespmem:$0x1FEA0] =	vst v14;
	v14 =	vld [tilespmem:$0x140]  }
0xf6: {  	vm12 =	vmmov vm6;
	vm6 =	vmand vm13, vm15;
	vm14 =	vge.s32 v11, v10;
	v28 =	vld [tilespmem:$0x80]  }
0xf7: {  	vm14 =	vmand vm14, vm8;
	v18 =	vld [tilespmem:$0xE0];
	vm5 =	vnez.u8 v27;
	vm7 =	vnez.u8 v30  }
0xf8: {  	v63 =	vld [tilespmem:$0xD0];
	v33 =	vadd.s32 v19, v1;
	v37 =	vadd.s32 v26, v1;
	vm0 =	vnez.u8 v20  }
0xf9: {  	v11 =	vmovc v13;
	v13 =	vmovc v15;
	v15 =	vld [tilespmem:$0xB0];
	[tilespmem:$0x1FE90] =	vst v17;
	v17 =	vadd.s32 v25, v1;
	vm0 =	vmand vm0, vm2;
	vm2 =	vnez.u8 v21  }
0xfa: {  	v47 =	vld [tilespmem:$0x1FFD0];
	v17 =	vsel vm4, v17, v2;
	vm2 =	vmand vm2, vm5;
	v14 =	vadd.s32 v14, v1  }
0xfb: {  	v49 =	vld [tilespmem:$0x1FDE0];
	[tilespmem:$0x1FE60] =	vst v16;
	v21 =	vnsel vm6, $0x0, v28;
	vm5 =	vmmov vm7;
	v14 =	vsel vm2, v14, v2  }
0xfc: {  	v51 =	vld [tilespmem:$0x1FF60];
	[tilespmem:$0x140] =	vst v14;
	v14 =	vnsel vm14, $0x0, v18;
	v18 =	vsel vm5, $0xFFFFFFFF, v31;
	vm5 =	vnez.u8 v32  }
0xfd: {  	v53 =	vld [tilespmem:$0x1FDF0];
	v16 =	vnsel vm0, $0x0, v63;
	[tilespmem:$0x1FED0] =	vst v18;
	vm5 =	vmand vm5, vm10;
	vm10 =	vnez.u8 v38  }
0xfe: {  	v55 =	vld [tilespmem:$0x1FF30];
	[tilespmem:$0xE0] =	vst v14;
	v18 =	vsel vm0, v37, v2;
	vm7 =	vmmov vm10;
	v15 =	vnsel vm5, $0x0, v15  }
0xff: {  	v14 =	vld [tilespmem:$0xF0];
	vm0 =	vmmov vm11;
	v20 =	vsel vm7, $0xFFFFFFFF, v39;
	[tilespmem:$0xB0] =	vst v15;
	v15 =	vimm.s32 $0x0  }
0x100: {  	v29 =	vld [tilespmem:$0x90];
	vm7 =	vmand vm9, vm3;
	v15 =	vsel vm0, $0xFFFFFFFF, v15;
	vm0 =	vnez.u8 v43  }
0x101: {  	v40 =	vld [tilespmem:$0xC0];
	[tilespmem:$0x120] =	vst v17;
	vm3 =	vnez.u8 v45;
	vm0 =	vmand vm0, vm1;
	vm1 =	vnez.u8 v44  }
0x102: {  	v57 =	vld [tilespmem:$0x1FE00];
	[tilespmem:$0x80] =	vst v21;
	v36 =	vsel vm5, v33, v2;
	vm11 =	vmmov vm1;
	vm1 =	vmmov vm3  }
0x103: {  	v59 =	vld [tilespmem:$0x1FFE0];
	[tilespmem:$0x150] =	vst v18;
	vm3 =	vnez.u8 v49;
	v21 =	vsel vm1, $0xFFFFFFFF, v46;
	vm1 =	vnez.u8 v47  }
0x104: {  	v35 =	vld [tilespmem:$0xA0];
	[tilespmem:$0x1FFC0] =	vst v15;
	v14 =	vnsel vm0, $0x0, v14;
	vm5 =	vmmov vm1;
	vm1 =	vmmov vm3  }
0x105: {  	v15 =	vnsel vm7, $0x0, v29;
	[tilespmem:$0xF0] =	vst v14;
	v14 =	vld [tilespmem:$0x1FE10];
	v18 =	vsel vm1, $0xFFFFFFFF, v50;
	vm1 =	vnez.u8 v51  }
0x106: {  	v17 =	vnsel vm2, $0x0, v40;
	vm2 =	vnez.u8 v53;
	[tilespmem:$0x90] =	vst v15;
	vm3 =	vmmov vm1  }
0x107: {  	v42 =	vld [tilespmem:$0x160];
	v19 =	vsel vm12, $0xFFFFFFFF, v34;
	[tilespmem:$0x1FFD0] =	vst v18;
	vm1 =	vmmov vm2;
	v18 =	vsel vm3, $0xFFFFFFFF, v52  }
0x108: {  	v15 =	vld [tilespmem:$0x170];
	vm2 =	vnez.u8 v57;
	[tilespmem:$0x1FEF0] =	vst v18;
	v18 =	vsel vm1, $0xFFFFFFFF, v54;
	vm1 =	vnez.u8 v55  }
0x109: {  	[tilespmem:$0x1FFB0] =	vst v19;
	v19 =	vnsel vm4, $0x0, v35;
	vm4 =	vmmov vm1;
	vm1 =	vmmov vm2  }
0x10a: {  	[tilespmem:$0xC0] =	vst v17;
	vm2 =	vnez.u8 v14;
	v17 =	vsel vm1, $0xFFFFFFFF, v58;
	vm1 =	vnez.u8 v59  }
0x10b: {  	v14 =	vimm.s32 $0x0;
	vm8 =	vmmov vm1;
	vm1 =	vmmov vm2  }
0x10c: {  	[tilespmem:$0xD0] =	vst v16;
	v16 =	vadd.s32 v42, v1;
	v14 =	vsel vm1, $0xFFFFFFFF, v14  }
0x10d: {  	v61 =	vld [tilespmem:$0x1FF50];
	v15 =	vadd.s32 v15, v1;
	[tilespmem:$0x1FFE0] =	vst v14;
	v14 =	vsel vm14, v16, v2  }
0x10e: {  	[tilespmem:$0x160] =	vst v14;
	v14 =	vsel vm0, v15, v2;
	v15 =	vld [tilespmem:$0x1FE20];
	_ =	sdelay $0x1  }
0x10f: {  	[tilespmem:$0x170] =	vst v14;
	v14 =	vld [tilespmem:$0x1FF70];
	_ =	sdelay $0x1  }
0x110: {  	vm1 =	vnez.u8 v61  }
0x111: {  	vm2 =	vmmov vm1;
	vm1 =	vnez.u8 v15  }
0x112: {  	v15 =	vimm.s32 $0x0;
	vm0 =	vmmov vm1  }
0x113: {  	v15 =	vsel vm0, $0xFFFFFFFF, v15;
	vm0 =	vnez.u8 v14;
	v14 =	vld [tilespmem:$0x1FE30];
	_ =	sdelay $0x3  }
0x114: {  	v48 =	vld [tilespmem:$0x110]  }
0x115: {  	vm10 =	vmmov vm0;
	vm0 =	vnez.u8 v14;
	v14 =	vld [tilespmem:$0x1FF80];
	_ =	sdelay $0x3  }
0x116: {  	v63 =	vadd.s32 v48, v1  }
0x117: {  	[tilespmem:$0x1FF50] =	vst v15;
	v15 =	vsel vm7, v63, v2;
	vm7 =	vmmov vm0;
	vm0 =	vnez.u8 v14;
	v14 =	vld [tilespmem:$0x1FE40];
	_ =	sdelay $0x4  }
0x118: {  	vm1 =	vnez.u8 v14  }
0x119: {  	vm13 =	vmmov vm0;
	v14 =	vimm.s32 $0x0;
	vm0 =	vmmov vm1  }
0x11a: {  	v14 =	vsel vm0, $0xFFFFFFFF, v14  }
0x11b: {  	[tilespmem:$0x1FF80] =	vst v14;
	v14 =	vld [tilespmem:$0x1FF10];
	_ =	sdelay $0x3  }
0x11c: {  	v41 =	vld [tilespmem:$0x100]  }
0x11d: {  	vm0 =	vnez.u8 v14;
	v14 =	vld [tilespmem:$0x1FE50];
	_ =	sdelay $0x3  }
0x11e: {  	v56 =	vadd.s32 v41, v1  }
0x11f: {  	v60 =	vsel vm6, v56, v2;
	vm1 =	vnez.u8 v14  }
0x120: {  	[tilespmem:$0xA0] =	vst v19;
	vm15 =	vmmov vm0;
	v14 =	vimm.s32 $0x0;
	vm0 =	vmmov vm1  }
0x121: {  	[tilespmem:$0x100] =	vst v60;
	v14 =	vsel vm0, $0xFFFFFFFF, v14  }
0x122: {  	[tilespmem:$0x1FF10] =	vst v14;
	v14 =	vld [tilespmem:$0x1FFA0]  }
0x123: {  	[tilespmem:$0x130] =	vst v36  }
0x124: {  	[tilespmem:$0x1FEE0] =	vst v20  }
0x125: {  	[tilespmem:$0x1FF40] =	vst v21  }
0x126: {  	v62 =	vimm.s32 $0x0;
	[tilespmem:$0x1FF60] =	vst v18  }
0x127: {  	[tilespmem:$0x1FF30] =	vst v17;
	v16 =	vsel vm2, $0xFFFFFFFF, v62;
	vm0 =	vnez.u8 v14;
	v14 =	vld [tilespmem:$0x1FE60]  }
0x128: {  	[tilespmem:$0x1FF00] =	vst v16  }
0x129: {  	[tilespmem:$0x110] =	vst v15  }
0x12a: {  	[tilespmem:s18], [sflag:$0x1] =	stream.indirect.gather [hbm4b:s6+s16], $0x80, s16, s16, $0xb8;
	[tilespmem:$0xE580] =	vst v63  }
0x12b: {  	_ =	swait.ge [sflag:s15], $0x4000  }
0x12c: {  	vm9 =	vmmov vm0;
	vm0 =	vnez.u8 v14;
	v14 =	vld [tilespmem:$0x1FF90];
	_ =	sdelay $0x4  }
0x12d: {  	vm12 =	vmmov vm0;
	vm0 =	vnez.u8 v14;
	v14 =	vld [tilespmem:$0x1FE70];
	_ =	sdelay $0x4  }
0x12e: {  	vm3 =	vmmov vm0;
	vm0 =	vnez.u8 v14;
	v14 =	vld [tilespmem:$0x1FE80];
	_ =	sdelay $0x4  }
0x12f: {  	vm1 =	vnez.u8 v14  }
0x130: {  	vm6 =	vmmov vm0;
	v14 =	vimm.s32 $0x0;
	vm0 =	vmmov vm1  }
0x131: {  	v14 =	vsel vm0, $0xFFFFFFFF, v14  }
0x132: {  	[tilespmem:$0x1FF20] =	vst v14;
	v14 =	vld [tilespmem:$0x1FE90];
	_ =	sdelay $0x4  }
0x133: {  	vm0 =	vnez.u8 v14;
	v14 =	vld [tilespmem:$0x1FFF0];
	_ =	sdelay $0x4  }
0x134: {  	vm14 =	vmmov vm0;
	vm0 =	vnez.u8 v14;
	v14 =	vld [tilespmem:$0x1FEA0];
	_ =	sdelay $0x4  }
0x135: {  	[sflag:s15] =	ssyncset.done $0x0;
	vm2 =	vnez.u8 v14  }
0x136: {  	p1 =	sne.s32 s22, $0x1;
	[sflag:s15] =	ssyncadd.s32 $0xFFFFC000;
	vm1 =	vmmov vm0;
	v14 =	vimm.s32 $0x0;
	vm0 =	vmmov vm2  }
0x137: {  	[spmem:s2] =	stream.indirect.scatter.add.f32 [tilespmem:s18], [sflag:$0x2], $0x80, s17, s16, $0xb8;
	v14 =	vsel vm0, $0xFFFFFFFF, v14;
	[tilespmem:$0xE580] =	vst v63  }
.Ltmp5:
0x138: {  	[tilespmem:$0x1FFF0] =	vst v14;
	(pc) =	sbr.rel @p1 .LBB2_6-.Ltmp5, $4  }
0x139: {  	s22 =	sadd.s32 $0xFFFFFFFF, s22;
	_ =	swait.ge [sflag:s14], $0x4000  }
0x13a: {  	s20 =	smov.u32 s23;
	s24 =	sshrl.u32 s21, $0x3;
	[sflag:s14] =	ssyncset.done $0x0  }
0x13b: {  	s31 =	sadd.s32 s7, s20;
	s23 =	smov.u32 s24;
	[sflag:s14] =	ssyncadd.s32 $0xFFFFC000  }
0x13c: {  	[tilespmem:s16], [sflag:$0x2] =	stream.linear.gather [hbm4b:s31+s4], $0x80, $0x38;
	[tilespmem:$0xE580] =	vst v63  }
0x13d: {  	v12 =	vimm.s32 $0x0  }
0x13e: {  	v12 =	vsel vm3, $0xFFFFFFFF, v12  }
0x13f: {  	[tilespmem:$0x1FEB0] =	vst v12;
	v12 =	vimm.s32 $0x0  }
0x140: {  	v12 =	vsel vm10, $0xFFFFFFFF, v12  }
0x141: {  	[tilespmem:$0x1FEC0] =	vst v12;
	v12 =	vimm.s32 $0x0  }
0x142: {  	v12 =	vsel vm7, $0xFFFFFFFF, v12  }
0x143: {  	[tilespmem:$0x1FF70] =	vst v12;
	v12 =	vld [tilespmem:$0x1FF10];
	_ =	sdelay $0x4  }
0x144: {  	vm7 =	vnez.u8 v12;
	v12 =	vimm.s32 $0x0  }
0x145: {  	v12 =	vsel vm6, $0xFFFFFFFF, v12  }
0x146: {  	[tilespmem:$0x1FF90] =	vst v12;
	v12 =	vimm.s32 $0x0  }
0x147: {  	v12 =	vsel vm12, $0xFFFFFFFF, v12;
	_ =	sdelay $0x2  }
0x148: {  	[tilespmem:$0x1FFA0] =	vst v12;
	v12 =	vmov v11;
	v11 =	vmov v13;
	v13 =	vld [tilespmem:$0x1FED0];
	_ =	sdelay $0x4  }
0x149: {  	vm0 =	vnez.u8 v13;
	v13 =	vld [tilespmem:$0x1FEE0];
	_ =	sdelay $0x4  }
0x14a: {  	vm2 =	vnez.u8 v13;
	v13 =	vld [tilespmem:$0x1FEF0];
	_ =	sdelay $0x4  }
0x14b: {  	vm12 =	vnez.u8 v13;
	v13 =	vld [tilespmem:$0x1FF00]  }
.Ltmp6:
0x14c: {  	_ = 	snop;
	(pc) =	sbr.rel .LBB2_8-.Ltmp6, $2  }
0x14d: {  	_ =	sdelay $0x2  }
0x14e: {  	s21 =	smov.u32 s20;
	s20 =	smov.u32 s23;
	vm6 =	vnez.u8 v13  }
.LBB2_5:
0x14f: {  	v12 =	vimm.s32 $0x0  }
0x150: {  	v12 =	vsel vm3, $0xFFFFFFFF, v12  }
0x151: {  	[tilespmem:$0x1FEB0] =	vst v12;
	v12 =	vimm.s32 $0x0  }
0x152: {  	v12 =	vsel vm10, $0xFFFFFFFF, v12  }
0x153: {  	[tilespmem:$0x1FEC0] =	vst v12;
	v12 =	vimm.s32 $0x0  }
0x154: {  	v12 =	vsel vm7, $0xFFFFFFFF, v12  }
0x155: {  	[tilespmem:$0x1FF70] =	vst v12;
	v12 =	vld [tilespmem:$0x1FF10];
	_ =	sdelay $0x4  }
0x156: {  	vm7 =	vnez.u8 v12;
	v12 =	vimm.s32 $0x0  }
0x157: {  	v12 =	vsel vm6, $0xFFFFFFFF, v12  }
0x158: {  	[tilespmem:$0x1FF90] =	vst v12;
	v12 =	vimm.s32 $0x0  }
0x159: {  	v12 =	vsel vm12, $0xFFFFFFFF, v12;
	_ =	sdelay $0x2  }
0x15a: {  	[tilespmem:$0x1FFA0] =	vst v12;
	v12 =	vmov v11;
	v11 =	vmov v13;
	v13 =	vld [tilespmem:$0x1FED0];
	_ =	sdelay $0x4  }
0x15b: {  	vm0 =	vnez.u8 v13;
	v13 =	vld [tilespmem:$0x1FEE0];
	_ =	sdelay $0x4  }
0x15c: {  	vm2 =	vnez.u8 v13;
	v13 =	vld [tilespmem:$0x1FEF0];
	_ =	sdelay $0x4  }
0x15d: {  	vm12 =	vnez.u8 v13;
	v13 =	vld [tilespmem:$0x1FF00]  }
.Ltmp7:
0x15e: {  	_ = 	snop;
	(pc) =	sbr.rel .LBB2_8-.Ltmp7, $2  }
0x15f: {  	_ =	sdelay $0x2  }
0x160: {  	s21 =	smov.u32 s20;
	s20 =	smov.u32 s23;
	vm6 =	vnez.u8 v13  }
.LBB2_10:
0x161: {  	_ =	sfence.sel $0x180000  }
0x162: {  	[bflag:$0x0] =	sbarrier.arrive $0xFFFF  }
0x163: {  	p0 =	sne.s32 s3, $0x0;
	_ =	strace $0x9000004D  }
0x164: {  	s0 =	sadd.s32 @!p0 $0x100000, s0;
	[bflag:$0x2] =	sbarrier.arrive $0xFFFF  }
0x165: {  	[sflag:s0] =	ssyncadd.tile.s32 @!p0 $0x1;
	_ =	shalt  }
.Lfunc_end2:
_tile_overlayer_lowered:
.L_overlay_start_2:
0x166: {  	(tag) =	ssettag $0x2  }
0x167: {  	s0 =	rddreg [dreg:$0x0];
	s2 =	stileid.u32  }
0x168: {  	s1 =	rddreg [dreg:$0x1];
	p0 =	sne.s32 s2, $0x0  }
0x169: {  	s3 =	rddreg [dreg:$0x2];
	[bflag:$0x3] =	sbarrier.arrive $0xFFFF;
	s2 =	simm.s32 @!p0 $0x1C02  }
0x16a: {  	[timem:s3], [sflag:s2] =	dma.local @!p0 [hbm:s0], s1  }
0x16b: {  	s0 =	simm.s32 @!p0 $0x2  }
0x16c: {  	_ =	swait.ge @!p0 [sflag:s0], s1  }
0x16d: {  	s1 =	ssub.s32 @!p0 $0x0, s1;
	[sflag:s0] =	ssyncset.done @!p0 $0x0  }
0x16e: {  	[sflag:s0] =	ssyncadd.s32 @!p0 s1  }
0x16f: {  	[bflag:$0x3] =	sbarrier.arrive $0xFFFF  }
0x170: {  	_ =	shalt  }

// kernel: kernel.13.cloned.1.call-start
scs
__scs_entry_jumppad:
0x0: {  	(pc) =	sbr.rel $0x88, $3  }
0x1: {  	(tag) =	ssettag $0x0;
	lr =	simm.s32 $0x1  }
0x2: {  	[smem:$0x3F8C] =	sst lr;
	_ =	strace $0xD0000000  }
0x3: {  	_ = 	snop  }
0x4: {  	_ = 	snop  }
0x5: {  	_ = 	snop  }
0x6: {  	_ = 	snop  }
0x7: {  	_ = 	snop  }
__scs_overlays_trampoline_lowered:
0x8: {  	[smem:$0x3F9B] =	sst s0  }
0x9: {  	[smem:$0x3F9C] =	sst s1  }
0xa: {  	[smem:$0x3F9D] =	sst s2  }
0xb: {  	[smem:$0x3F9E] =	sst s3  }
0xc: {  	[smem:$0x3F9F] =	sst s4  }
0xd: {  	[smem:$0x3FA0] =	sst s5  }
0xe: {  	[smem:$0x3FA1] =	sst s6  }
0xf: {  	[smem:$0x3FA2] =	sst s7  }
0x10: {  	[smem:$0x3FA3] =	sst s8  }
0x11: {  	[smem:$0x3FA4] =	sst s9;
	s0 =	simm.s32 @!p0 $0x0  }
0x12: {  	s1 =	sld [smem:$0x3F8A];
	s0 =	simm.s32 @p0 $0x1  }
0x13: {  	[smem:$0x3FA5] =	sst s0;
	s0 =	simm.s32 @!p1 $0x0  }
0x14: {  	s2 =	sld [smem:$0x3F89];
	s0 =	simm.s32 @p1 $0x1  }
0x15: {  	[smem:$0x3FA6] =	sst s0;
	s0 =	simm.s32 @!p2 $0x0  }
0x16: {  	s3 =	sld [smem:$0x3FDB];
	s0 =	simm.s32 @p2 $0x1  }
0x17: {  	s4 =	simm.s32 $0x1BF5;
	[smem:$0x3FA8] =	sst s0  }
0x18: {  	s0 =	sld [smem:$0x3F8B];
	_ =	swait.ge [sflag:s4], $0x0  }
0x19: {  	s7 =	sld [smem:$0x3F8C]  }
0x1a: {  	s8 =	sadd.s32 $0xFFFFE003, lr  }
0x1b: {  	s9 =	sadd.s32 $0xFFFFFEF7, lr;
	s5 =	simm.s32 $0xFFFFFFFF;
	p2 =	slt.u32 s8, $0xFFFFF086  }
0x1c: {  	p1 =	slt.u32 s9, $0xF7A;
	s5 =	simm.s32 @!p2 $0x0  }
0x1d: {  	s5 =	simm.s32 @p1 $0x1;
	p0 =	seq.s32 s7, s2  }
0x1e: {  	s7 =	smul.u32 @!p0 $0xF7A, s2;
	p2 =	seq.s32 @!p0 s5, $0x0  }
0x1f: {  	s9 =	smul.u32 $0xF7A, s1;
	s8 =	simm.s32 @!p0 $0x1BF5;
	p2 =	por !p2, p0  }
0x20: {  	[sflag:s8] =	ssyncset.s32 @!p0 $0xFFFFF086;
	s6 =	sadd.s32 @!p0 s3, s7;
	s7 =	simm.s32 @!p0 $0x108  }
0x21: {  	s3 =	sadd.s32 s3, s9;
	s6 =	sadd.s32 @!p0 $0x88, s6;
	s7 =	simm.s32 @p2 $0x1082  }
0x22: {  	[simem:s7], [sflag:s8] =	dma.local @!p0 [hbm:s6], $0xF7A  }
0x23: {  	s9 =	sor.u32 $0xD0000000, s2;
	s6 =	simm.s32 $0x108;
	_ =	swait.ge @!p0 [sflag:s8], $0x0  }
0x24: {  	s3 =	sadd.s32 $0x88, s3;
	s6 =	simm.s32 @!p1 $0x1082;
	[sflag:s4] =	ssyncset.s32 $0xFFFFF086  }
0x25: {  	[simem:s6], [sflag:s4] =	dma.local [hbm:s3], $0xF7A  }
0x26: {  	[smem:$0x3F8C] =	sst s1;
	(tag) =	ssettag s2;
	_ =	strace s9  }
0x27: {  	s1 =	sld [smem:$0x3F9C]  }
0x28: {  	s2 =	sld [smem:$0x3F9D]  }
0x29: {  	s4 =	sld [smem:$0x3F9F]  }
0x2a: {  	p0 =	seq.s32 s5, $0x0;
	s5 =	sld [smem:$0x3FA0]  }
0x2b: {  	s6 =	sld [smem:$0x3FA1]  }
0x2c: {  	s7 =	sld [smem:$0x3FA2]  }
0x2d: {  	s3 =	simm.s32 $0x108;
	s8 =	sld [smem:$0x3FA3]  }
0x2e: {  	s3 =	simm.s32 @!p0 $0x1082;
	s9 =	sld [smem:$0x3FA4]  }
0x2f: {  	lr =	sadd.s32 s0, s3;
	s0 =	sld [smem:$0x3F9B]  }
0x30: {  	s3 =	sld [smem:$0x3F9E]  }
0x31: {  	[smem:$0x3FA7] =	sst s10  }
0x32: {  	s10 =	sld [smem:$0x3FA5];
	_ =	sdelay $0x3  }
0x33: {  	p0 =	seq.s32 s10, $0x1;
	s10 =	sld [smem:$0x3FA7];
	_ =	sdelay $0x3  }
0x34: {  	[smem:$0x3FA7] =	sst s10  }
0x35: {  	s10 =	sld [smem:$0x3FA6];
	_ =	sdelay $0x3  }
0x36: {  	p1 =	seq.s32 s10, $0x1;
	s10 =	sld [smem:$0x3FA7];
	_ =	sdelay $0x3  }
0x37: {  	[smem:$0x3FA7] =	sst s10  }
0x38: {  	s10 =	sld [smem:$0x3FA8]  }
0x39: {  	_ = 	snop;
	(pc) =	sbr.ind lr, $3  }
0x3a: {  	_ = 	snop  }
0x3b: {  	_ = 	snop  }
0x3c: {  	p2 =	seq.s32 s10, $0x1;
	s10 =	sld [smem:$0x3FA7]  }
0x3d: {  	_ =	shalt  }
0x3e: {  	_ =	shalt  }
0x3f: {  	_ =	shalt  }
0x40: {  	_ =	shalt  }
0x41: {  	_ =	shalt  }
0x42: {  	_ =	shalt  }
0x43: {  	_ =	shalt  }
0x44: {  	_ =	shalt  }
0x45: {  	_ =	shalt  }
0x46: {  	_ =	shalt  }
0x47: {  	_ =	shalt  }
0x48: {  	_ =	shalt  }
0x49: {  	_ =	shalt  }
0x4a: {  	_ =	shalt  }
0x4b: {  	_ =	shalt  }
0x4c: {  	_ =	shalt  }
0x4d: {  	_ =	shalt  }
0x4e: {  	_ =	shalt  }
0x4f: {  	_ =	shalt  }
0x50: {  	_ =	shalt  }
0x51: {  	_ =	shalt  }
0x52: {  	_ =	shalt  }
0x53: {  	_ =	shalt  }
0x54: {  	_ =	shalt  }
0x55: {  	_ =	shalt  }
0x56: {  	_ =	shalt  }
0x57: {  	_ =	shalt  }
0x58: {  	_ =	shalt  }
0x59: {  	_ =	shalt  }
0x5a: {  	_ =	shalt  }
0x5b: {  	_ =	shalt  }
0x5c: {  	_ =	shalt  }
0x5d: {  	_ =	shalt  }
0x5e: {  	_ =	shalt  }
0x5f: {  	_ =	shalt  }
0x60: {  	_ =	shalt  }
0x61: {  	_ =	shalt  }
0x62: {  	_ =	shalt  }
0x63: {  	_ =	shalt  }
0x64: {  	_ =	shalt  }
0x65: {  	_ =	shalt  }
0x66: {  	_ =	shalt  }
0x67: {  	_ =	shalt  }
0x68: {  	_ =	shalt  }
0x69: {  	_ =	shalt  }
0x6a: {  	_ =	shalt  }
0x6b: {  	_ =	shalt  }
0x6c: {  	_ =	shalt  }
0x6d: {  	_ =	shalt  }
0x6e: {  	_ =	shalt  }
0x6f: {  	_ =	shalt  }
0x70: {  	_ =	shalt  }
0x71: {  	_ =	shalt  }
0x72: {  	_ =	shalt  }
0x73: {  	_ =	shalt  }
0x74: {  	_ =	shalt  }
0x75: {  	_ =	shalt  }
0x76: {  	_ =	shalt  }
0x77: {  	_ =	shalt  }
0x78: {  	_ =	shalt  }
0x79: {  	_ =	shalt  }
0x7a: {  	_ =	shalt  }
0x7b: {  	_ =	shalt  }
0x7c: {  	_ =	shalt  }
0x7d: {  	_ =	shalt  }
0x7e: {  	_ =	shalt  }
0x7f: {  	_ =	shalt  }
0x80: {  	_ =	shalt  }
0x81: {  	_ =	shalt  }
0x82: {  	_ =	shalt  }
0x83: {  	_ =	shalt  }
0x84: {  	_ =	shalt  }
0x85: {  	_ =	shalt  }
0x86: {  	_ =	shalt  }
0x87: {  	_ =	shalt  }
.Lfunc_end0:
.L_simem_size_0:
called_computation.5_lowered:
.L_overlay_start_0:
0x88: {  	s2 =	sld [smem:$0x3FD9]  }
0x89: {  	s3 =	sld [smem:$0x3FFE];
	_ =	sdelay $0x1  }
0x8a: {  	s1 =	srdreg.scid  }
0x8b: {  	s0 =	sand.u32 $0x1, s1  }
0x8c: {  	s16 =	sshll.u32 s0, $0xA;
	s2 =	sadd.s32 s3, s2  }
0x8d: {  	s2 =	sadd.s32 s2, s16  }
0x8e: {  	[smem:$0x3FB3] =	sst s2  }
0x8f: {  	_ = 	snop  }
0x90: {  	(tm) =	ssettm $0x1  }
0x91: {  	s17 =	sld [smem:$0x3FFB];
	_ =	sdelay $0x3  }
0x92: {  	_ =	strace s17  }
0x93: {  	s2 =	sld [smem:$0x3FFC];
	_ =	sdelay $0x3  }
0x94: {  	_ =	strace s2  }
0x95: {  	s2 =	sld [smem:$0x3FFD];
	_ =	sdelay $0x3  }
0x96: {  	_ =	strace s2  }
0x97: {  	_ =	strace $0x8FFFFFFF  }
0x98: {  	s18 =	sld [smem:$0x3FDB];
	_ =	sdelay $0x1  }
0x99: {  	s19 =	simm.s32 $_scs_section_size  }
0x9a: {  	s4 =	simm.s32 $_size__tile_overlayer_lowered;
	s5 =	simm.s32 $_tile_overlayer_lowered  }
0x9b: {  	s22 =	simm.s32 $0x1BFF;
	s21 =	sshll.u32 s5, $0x1;
	s2 =	sadd.s32 s19, s18  }
0x9c: {  	s6 =	simm.s32 $0x0;
	s20 =	sshll.u32 s4, $0x1;
	s4 =	sadd.s32 s21, s2  }
0x9d: {  	[timem:s6], [sflag:s22] =	dma.local [hbm:s4], s20  }
0x9e: {  	_ =	swait.ge [sflag:s22], s20  }
0x9f: {  	s3 =	ssub.s32 $0x0, s20;
	[sflag:s22] =	ssyncset.done $0x0  }
0xa0: {  	[sflag:s22] =	ssyncadd.s32 s3;
	_ =	sdelay $0x1  }
0xa1: {  	s23 =	simm.s32 $0x1B8B  }
0xa2: {  	_ =	swait.ge [sflag:s23], $0x1  }
0xa3: {  	[sflag:s23] =	ssyncset.done $0x0  }
0xa4: {  	s25 =	simm.s32 $0x1B8E;
	s24 =	sld [smem:$0x3FFE];
	[sflag:s23] =	ssyncadd.s32 $0xFFFFFFFF  }
0xa5: {  	s26 =	simm.s32 $execute0_lowered;
	[smem:$0x3FD2] =	sst s25  }
0xa6: {  	s4 =	sshll.u32 s26, $0x1;
	_ =	strace $0x80000055;
	[dreg:$0x1] =	wrdreg $0xFFFFFFFF  }
0xa7: {  	s28 =	simm.s32 $_size_execute0_lowered;
	s2 =	sadd.s32 s2, s4;
	[dreg:$0x0] =	wrdreg $0x0  }
0xa8: {  	s4 =	sshll.u32 s28, $0x1;
	[dreg:$0x2] =	wrdreg s2  }
0xa9: {  	[dreg:$0x3] =	wrdreg s4  }
0xaa: {  	[dreg:$0x4] =	wrdreg $0xC0  }
0xab: {  	_ =	task [dreg:s6], $0x5FFFF  }
0xac: {  	[dreg:$0x1] =	wrdreg $0xFFFFFFFF  }
0xad: {  	[dreg:$0x0] =	wrdreg $0x60  }
0xae: {  	[dreg:$0x2] =	wrdreg s24  }
0xaf: {  	[dreg:$0x3] =	wrdreg $0x9  }
0xb0: {  	_ =	task.clear_ibuf [dreg:s6], $0x4FFFF;
	_ =	strace $0x90000055  }
0xb1: {  	s29 =	simm.s32 $0x9;
	_ =	strace $0x80000057  }
0xb2: {  	_ =	swait.ge [sflag:s29], $0x1  }
0xb3: {  	[sflag:s29] =	ssyncadd.s32 $0xFFFFFFFF  }
0xb4: {  	_ =	strace $0x90000057  }
0xb5: {  	_ =	sfence  }
0xb6: {  	s30 =	sld [smem:$0x0];
	_ =	sdelay $0x2  }
0xb7: {  	s31 =	sshll.u32 s1, $0xD;
	s1 =	sshrl.u32 s1, $0x2  }
0xb8: {  	s3 =	sand.u32 $0x4000, s31;
	s1 =	sadd.s32 s1, s30  }
0xb9: {  	s0 =	sor.u32 s3, s0;
	s1 =	sshll.u32 s1, $0x11  }
0xba: {  	s0 =	sor.u32 s1, s0  }
0xbb: {  	s0 =	sadd.s32 $0x8F2B, s0  }
0xbc: {  	[sflag:s0] =	ssyncadd.remote.s32 $0x1  }
0xbd: {  	_ =	sfence.sel $0xFFFF  }
0xbe: {  	[dreg:$0x0] =	wrdreg $0xFFFFFFFF;
	(pc) =	sbr.abs _section_cstart, $3  }
0xbf: {  	[dreg:$0x1] =	wrdreg $0xFFFFFFFF  }
0xc0: {  	_ =	task.clear_ibuf [dreg:s6], $0x2FFFF;
	_ =	strace $0x9FFFFFFF  }
0xc1: {  	(tm) =	ssettm $0x7FFFFFFF  }
tec
execute0_lowered:
.L_overlay_start_1:
0x0: {  	(tag) =	ssettag $0x1  }
0x1: {  	s0 =	srdreg.scid  }
0x2: {  	s16 =	sand.u32 $0x1, s0  }
0x3: {  	s1 =	stileid.u32;
	s3 =	sshll.u32 s16, $0x4  }
0x4: {  	s7 =	rddreg [dreg:$0x0];
	s2 =	simm.s32 $0x0;
	s3 =	sor.u32 s1, s3  }
0x5: {  	[smem:$0x7FF] =	sst s2;
	s4 =	sshll.u32 s3, $0x6  }
0x6: {  	s0 =	rddreg [dreg:$0x1];
	_ =	strace $0x80000056;
	s4 =	sadd.s32 s4, s7  }
0x7: {  	s5 =	smul.u32 $0x1400, s3;
	s3 =	sadd.s32 $0x3C00, s4;
	s4 =	simm.s32 $0x2  }
0x8: {  	[tilespmem:s2], [sflag:$0x2] =	stream.linear.gather [hbm4b:s3+s2], $0x200, $0x38;
	[tilespmem:$0xA200] =	vst v63  }
0x9: {  	_ =	swait.ge [sflag:s4], $0x200  }
0xa: {  	s5 =	sadd.s32 s5, s7;
	[sflag:s4] =	ssyncset.done $0x0  }
0xb: {  	s6 =	simm.s32 $0x200;
	s5 =	sadd.s32 $0x5CA00, s5;
	[sflag:s4] =	ssyncadd.s32 $0xFFFFFE00  }
0xc: {  	[tilespmem:s6], [sflag:$0x2] =	stream.linear.gather [hbm4b:s5+s2], $0xA000, $0x38;
	[tilespmem:$0xA200] =	vst v63  }
0xd: {  	_ =	swait.ge [sflag:s4], $0xA000  }
0xe: {  	[sflag:s4] =	ssyncset.done $0x0  }
0xf: {  	s8 =	simm.s32 $0x50;
	s7 =	sadd.s32 $0x16800, s7;
	[sflag:s4] =	ssyncadd.s32 $0xFFFF6000  }
0x10: {  	[hbm4b:s7+s8] =	stream.indirect.scatter [tilespmem:s6], [sflag:$0x1], $0x80, s2, s8, $0xb8;
	[tilespmem:$0xA200] =	vst v63  }
0x11: {  	s9 =	simm.s32 $0x80;
	s10 =	simm.s32 $0x2A00  }
0x12: {  	[hbm4b:s7+s8] =	stream.indirect.scatter [tilespmem:s10], [sflag:$0x1], $0x80, s9, s8, $0xb8;
	[tilespmem:$0xA200] =	vst v63  }
0x13: {  	s11 =	simm.s32 $0x100;
	s12 =	simm.s32 $0x5200  }
0x14: {  	[hbm4b:s7+s8] =	stream.indirect.scatter [tilespmem:s12], [sflag:$0x1], $0x80, s11, s8, $0xb8;
	[tilespmem:$0xA200] =	vst v63  }
0x15: {  	s13 =	simm.s32 $0x180;
	s15 =	simm.s32 $0x7A00;
	s14 =	simm.s32 $0x1  }
0x16: {  	[hbm4b:s7+s8] =	stream.indirect.scatter [tilespmem:s15], [sflag:$0x1], $0x80, s13, s8, $0xb8;
	[tilespmem:$0xA200] =	vst v63  }
0x17: {  	_ =	swait.ge [sflag:s14], $0x2800  }
0x18: {  	s16 =	ssub.s32 $0x2, s16;
	[sflag:s14] =	ssyncset.done $0x0  }
0x19: {  	s17 =	sshrl.u32 s16, $0x1;
	[sflag:s14] =	ssyncadd.s32 $0xFFFFD800  }
0x1a: {  	s16 =	ssub.s32 s16, s17;
	_ =	swait.ge [sflag:s14], $0x2800  }
0x1b: {  	s16 =	smax.u32 s16, $0x1;
	[sflag:s14] =	ssyncset.done $0x0  }
0x1c: {  	p0 =	sne.s32 s16, $0x1;
	[sflag:s14] =	ssyncadd.s32 $0xFFFFD800  }
.Ltmp0:
0x1d: {  	_ =	swait.ge [sflag:s14], $0x2800;
	(pc) =	sbr.rel @!p0 .LBB2_2-.Ltmp0, $4  }
0x1e: {  	[sflag:s14] =	ssyncset.done $0x0  }
0x1f: {  	[sflag:s14] =	ssyncadd.s32 $0xFFFFD800  }
0x20: {  	_ =	swait.ge [sflag:s14], $0x2800  }
0x21: {  	s16 =	sadd.s32 $0xFFFFFFFF, s16;
	[sflag:s14] =	ssyncset.done $0x0  }
.LBB2_1:
0x22: {  	p0 =	sne.s32 s16, $0x1;
	s16 =	sadd.s32 $0xFFFFFFFF, s16;
	[sflag:s14] =	ssyncadd.s32 $0xFFFFD800  }
0x23: {  	[tilespmem:s2], [sflag:$0x2] =	stream.linear.gather [hbm4b:s3+s2], $0x200, $0x38;
	[tilespmem:$0xA200] =	vst v63  }
0x24: {  	_ =	swait.ge [sflag:s4], $0x200  }
0x25: {  	[sflag:s4] =	ssyncset.done $0x0  }
0x26: {  	[sflag:s4] =	ssyncadd.s32 $0xFFFFFE00  }
0x27: {  	[tilespmem:s6], [sflag:$0x2] =	stream.linear.gather [hbm4b:s5+s2], $0xA000, $0x38;
	[tilespmem:$0xA200] =	vst v63  }
0x28: {  	_ =	swait.ge [sflag:s4], $0xA000  }
0x29: {  	[sflag:s4] =	ssyncset.done $0x0  }
0x2a: {  	[sflag:s4] =	ssyncadd.s32 $0xFFFF6000  }
0x2b: {  	[hbm4b:s7+s8] =	stream.indirect.scatter [tilespmem:s6], [sflag:$0x1], $0x80, s2, s8, $0xb8;
	[tilespmem:$0xA200] =	vst v63  }
0x2c: {  	_ = 	snop  }
0x2d: {  	[hbm4b:s7+s8] =	stream.indirect.scatter [tilespmem:s10], [sflag:$0x1], $0x80, s9, s8, $0xb8;
	[tilespmem:$0xA200] =	vst v63  }
0x2e: {  	_ = 	snop  }
0x2f: {  	[hbm4b:s7+s8] =	stream.indirect.scatter [tilespmem:s12], [sflag:$0x1], $0x80, s11, s8, $0xb8;
	[tilespmem:$0xA200] =	vst v63  }
0x30: {  	_ = 	snop  }
0x31: {  	[hbm4b:s7+s8] =	stream.indirect.scatter [tilespmem:s15], [sflag:$0x1], $0x80, s13, s8, $0xb8;
	[tilespmem:$0xA200] =	vst v63  }
0x32: {  	_ =	swait.ge [sflag:s14], $0x2800  }
0x33: {  	[sflag:s14] =	ssyncset.done $0x0  }
0x34: {  	[sflag:s14] =	ssyncadd.s32 $0xFFFFD800  }
0x35: {  	_ =	swait.ge [sflag:s14], $0x2800  }
0x36: {  	[sflag:s14] =	ssyncset.done $0x0  }
0x37: {  	[sflag:s14] =	ssyncadd.s32 $0xFFFFD800  }
.Ltmp1:
0x38: {  	_ =	swait.ge [sflag:s14], $0x2800;
	(pc) =	sbr.rel @p0 .LBB2_1-.Ltmp1, $4  }
0x39: {  	[sflag:s14] =	ssyncset.done $0x0  }
0x3a: {  	[sflag:s14] =	ssyncadd.s32 $0xFFFFD800  }
0x3b: {  	_ =	swait.ge [sflag:s14], $0x2800  }
0x3c: {  	[sflag:s14] =	ssyncset.done $0x0  }
.LBB2_2:
0x3d: {  	[sflag:s14] =	ssyncadd.s32 $0xFFFFD800  }
0x3e: {  	_ =	sfence.sel $0x180000  }
0x3f: {  	[bflag:$0x0] =	sbarrier.arrive $0xFFFF  }
0x40: {  	p0 =	sne.s32 s1, $0x0;
	_ =	strace $0x90000056  }
0x41: {  	s0 =	sadd.s32 @!p0 $0x100000, s0;
	[bflag:$0x2] =	sbarrier.arrive $0xFFFF  }
0x42: {  	[sflag:s0] =	ssyncadd.tile.s32 @!p0 $0x1;
	_ =	shalt  }
.Lfunc_end2:
_tile_overlayer_lowered:
.L_overlay_start_2:
0x43: {  	(tag) =	ssettag $0x2  }
0x44: {  	s0 =	rddreg [dreg:$0x0];
	s2 =	stileid.u32  }
0x45: {  	s1 =	rddreg [dreg:$0x1];
	p0 =	sne.s32 s2, $0x0  }
0x46: {  	s3 =	rddreg [dreg:$0x2];
	[bflag:$0x3] =	sbarrier.arrive $0xFFFF;
	s2 =	simm.s32 @!p0 $0x1C02  }
0x47: {  	[timem:s3], [sflag:s2] =	dma.local @!p0 [hbm:s0], s1  }
0x48: {  	s0 =	simm.s32 @!p0 $0x2  }
0x49: {  	_ =	swait.ge @!p0 [sflag:s0], s1  }
0x4a: {  	s1 =	ssub.s32 @!p0 $0x0, s1;
	[sflag:s0] =	ssyncset.done @!p0 $0x0  }
0x4b: {  	[sflag:s0] =	ssyncadd.s32 @!p0 s1  }
0x4c: {  	[bflag:$0x3] =	sbarrier.arrive $0xFFFF  }
0x4d: {  	_ =	shalt  }

// kernel: kernel.16.cloned.1.call-start
scs
__scs_entry_jumppad:
0x0: {  	(pc) =	sbr.rel $0x88, $3  }
0x1: {  	(tag) =	ssettag $0x0;
	lr =	simm.s32 $0x1  }
0x2: {  	[smem:$0x3F8C] =	sst lr;
	_ =	strace $0xD0000000  }
0x3: {  	_ = 	snop  }
0x4: {  	_ = 	snop  }
0x5: {  	_ = 	snop  }
0x6: {  	_ = 	snop  }
0x7: {  	_ = 	snop  }
__scs_overlays_trampoline_lowered:
0x8: {  	[smem:$0x3F9B] =	sst s0  }
0x9: {  	[smem:$0x3F9C] =	sst s1  }
0xa: {  	[smem:$0x3F9D] =	sst s2  }
0xb: {  	[smem:$0x3F9E] =	sst s3  }
0xc: {  	[smem:$0x3F9F] =	sst s4  }
0xd: {  	[smem:$0x3FA0] =	sst s5  }
0xe: {  	[smem:$0x3FA1] =	sst s6  }
0xf: {  	[smem:$0x3FA2] =	sst s7  }
0x10: {  	[smem:$0x3FA3] =	sst s8  }
0x11: {  	[smem:$0x3FA4] =	sst s9;
	s0 =	simm.s32 @!p0 $0x0  }
0x12: {  	s1 =	sld [smem:$0x3F8A];
	s0 =	simm.s32 @p0 $0x1  }
0x13: {  	[smem:$0x3FA5] =	sst s0;
	s0 =	simm.s32 @!p1 $0x0  }
0x14: {  	s2 =	sld [smem:$0x3F89];
	s0 =	simm.s32 @p1 $0x1  }
0x15: {  	[smem:$0x3FA6] =	sst s0;
	s0 =	simm.s32 @!p2 $0x0  }
0x16: {  	s3 =	sld [smem:$0x3FDB];
	s0 =	simm.s32 @p2 $0x1  }
0x17: {  	s4 =	simm.s32 $0x1BF5;
	[smem:$0x3FA8] =	sst s0  }
0x18: {  	s0 =	sld [smem:$0x3F8B];
	_ =	swait.ge [sflag:s4], $0x0  }
0x19: {  	s7 =	sld [smem:$0x3F8C]  }
0x1a: {  	s8 =	sadd.s32 $0xFFFFE003, lr  }
0x1b: {  	s9 =	sadd.s32 $0xFFFFFEF7, lr;
	s5 =	simm.s32 $0xFFFFFFFF;
	p2 =	slt.u32 s8, $0xFFFFF086  }
0x1c: {  	p1 =	slt.u32 s9, $0xF7A;
	s5 =	simm.s32 @!p2 $0x0  }
0x1d: {  	s5 =	simm.s32 @p1 $0x1;
	p0 =	seq.s32 s7, s2  }
0x1e: {  	s7 =	smul.u32 @!p0 $0xF7A, s2;
	p2 =	seq.s32 @!p0 s5, $0x0  }
0x1f: {  	s9 =	smul.u32 $0xF7A, s1;
	s8 =	simm.s32 @!p0 $0x1BF5;
	p2 =	por !p2, p0  }
0x20: {  	[sflag:s8] =	ssyncset.s32 @!p0 $0xFFFFF086;
	s6 =	sadd.s32 @!p0 s3, s7;
	s7 =	simm.s32 @!p0 $0x108  }
0x21: {  	s3 =	sadd.s32 s3, s9;
	s6 =	sadd.s32 @!p0 $0x88, s6;
	s7 =	simm.s32 @p2 $0x1082  }
0x22: {  	[simem:s7], [sflag:s8] =	dma.local @!p0 [hbm:s6], $0xF7A  }
0x23: {  	s9 =	sor.u32 $0xD0000000, s2;
	s6 =	simm.s32 $0x108;
	_ =	swait.ge @!p0 [sflag:s8], $0x0  }
0x24: {  	s3 =	sadd.s32 $0x88, s3;
	s6 =	simm.s32 @!p1 $0x1082;
	[sflag:s4] =	ssyncset.s32 $0xFFFFF086  }
0x25: {  	[simem:s6], [sflag:s4] =	dma.local [hbm:s3], $0xF7A  }
0x26: {  	[smem:$0x3F8C] =	sst s1;
	(tag) =	ssettag s2;
	_ =	strace s9  }
0x27: {  	s1 =	sld [smem:$0x3F9C]  }
0x28: {  	s2 =	sld [smem:$0x3F9D]  }
0x29: {  	s4 =	sld [smem:$0x3F9F]  }
0x2a: {  	p0 =	seq.s32 s5, $0x0;
	s5 =	sld [smem:$0x3FA0]  }
0x2b: {  	s6 =	sld [smem:$0x3FA1]  }
0x2c: {  	s7 =	sld [smem:$0x3FA2]  }
0x2d: {  	s3 =	simm.s32 $0x108;
	s8 =	sld [smem:$0x3FA3]  }
0x2e: {  	s3 =	simm.s32 @!p0 $0x1082;
	s9 =	sld [smem:$0x3FA4]  }
0x2f: {  	lr =	sadd.s32 s0, s3;
	s0 =	sld [smem:$0x3F9B]  }
0x30: {  	s3 =	sld [smem:$0x3F9E]  }
0x31: {  	[smem:$0x3FA7] =	sst s10  }
0x32: {  	s10 =	sld [smem:$0x3FA5];
	_ =	sdelay $0x3  }
0x33: {  	p0 =	seq.s32 s10, $0x1;
	s10 =	sld [smem:$0x3FA7];
	_ =	sdelay $0x3  }
0x34: {  	[smem:$0x3FA7] =	sst s10  }
0x35: {  	s10 =	sld [smem:$0x3FA6];
	_ =	sdelay $0x3  }
0x36: {  	p1 =	seq.s32 s10, $0x1;
	s10 =	sld [smem:$0x3FA7];
	_ =	sdelay $0x3  }
0x37: {  	[smem:$0x3FA7] =	sst s10  }
0x38: {  	s10 =	sld [smem:$0x3FA8]  }
0x39: {  	_ = 	snop;
	(pc) =	sbr.ind lr, $3  }
0x3a: {  	_ = 	snop  }
0x3b: {  	_ = 	snop  }
0x3c: {  	p2 =	seq.s32 s10, $0x1;
	s10 =	sld [smem:$0x3FA7]  }
0x3d: {  	_ =	shalt  }
0x3e: {  	_ =	shalt  }
0x3f: {  	_ =	shalt  }
0x40: {  	_ =	shalt  }
0x41: {  	_ =	shalt  }
0x42: {  	_ =	shalt  }
0x43: {  	_ =	shalt  }
0x44: {  	_ =	shalt  }
0x45: {  	_ =	shalt  }
0x46: {  	_ =	shalt  }
0x47: {  	_ =	shalt  }
0x48: {  	_ =	shalt  }
0x49: {  	_ =	shalt  }
0x4a: {  	_ =	shalt  }
0x4b: {  	_ =	shalt  }
0x4c: {  	_ =	shalt  }
0x4d: {  	_ =	shalt  }
0x4e: {  	_ =	shalt  }
0x4f: {  	_ =	shalt  }
0x50: {  	_ =	shalt  }
0x51: {  	_ =	shalt  }
0x52: {  	_ =	shalt  }
0x53: {  	_ =	shalt  }
0x54: {  	_ =	shalt  }
0x55: {  	_ =	shalt  }
0x56: {  	_ =	shalt  }
0x57: {  	_ =	shalt  }
0x58: {  	_ =	shalt  }
0x59: {  	_ =	shalt  }
0x5a: {  	_ =	shalt  }
0x5b: {  	_ =	shalt  }
0x5c: {  	_ =	shalt  }
0x5d: {  	_ =	shalt  }
0x5e: {  	_ =	shalt  }
0x5f: {  	_ =	shalt  }
0x60: {  	_ =	shalt  }
0x61: {  	_ =	shalt  }
0x62: {  	_ =	shalt  }
0x63: {  	_ =	shalt  }
0x64: {  	_ =	shalt  }
0x65: {  	_ =	shalt  }
0x66: {  	_ =	shalt  }
0x67: {  	_ =	shalt  }
0x68: {  	_ =	shalt  }
0x69: {  	_ =	shalt  }
0x6a: {  	_ =	shalt  }
0x6b: {  	_ =	shalt  }
0x6c: {  	_ =	shalt  }
0x6d: {  	_ =	shalt  }
0x6e: {  	_ =	shalt  }
0x6f: {  	_ =	shalt  }
0x70: {  	_ =	shalt  }
0x71: {  	_ =	shalt  }
0x72: {  	_ =	shalt  }
0x73: {  	_ =	shalt  }
0x74: {  	_ =	shalt  }
0x75: {  	_ =	shalt  }
0x76: {  	_ =	shalt  }
0x77: {  	_ =	shalt  }
0x78: {  	_ =	shalt  }
0x79: {  	_ =	shalt  }
0x7a: {  	_ =	shalt  }
0x7b: {  	_ =	shalt  }
0x7c: {  	_ =	shalt  }
0x7d: {  	_ =	shalt  }
0x7e: {  	_ =	shalt  }
0x7f: {  	_ =	shalt  }
0x80: {  	_ =	shalt  }
0x81: {  	_ =	shalt  }
0x82: {  	_ =	shalt  }
0x83: {  	_ =	shalt  }
0x84: {  	_ =	shalt  }
0x85: {  	_ =	shalt  }
0x86: {  	_ =	shalt  }
0x87: {  	_ =	shalt  }
.Lfunc_end0:
.L_simem_size_0:
called_computation.6_lowered:
.L_overlay_start_0:
0x88: {  	s2 =	sld [smem:$0x3FD9]  }
0x89: {  	s3 =	sld [smem:$0x3FFE];
	_ =	sdelay $0x1  }
0x8a: {  	s1 =	srdreg.scid  }
0x8b: {  	s0 =	sand.u32 $0x1, s1  }
0x8c: {  	s16 =	sshll.u32 s0, $0xA;
	s2 =	sadd.s32 s3, s2  }
0x8d: {  	s2 =	sadd.s32 s2, s16  }
0x8e: {  	[smem:$0x3FB3] =	sst s2  }
0x8f: {  	_ = 	snop  }
0x90: {  	(tm) =	ssettm $0x1  }
0x91: {  	s17 =	sld [smem:$0x3FFB];
	_ =	sdelay $0x3  }
0x92: {  	_ =	strace s17  }
0x93: {  	s2 =	sld [smem:$0x3FFC];
	_ =	sdelay $0x3  }
0x94: {  	_ =	strace s2  }
0x95: {  	s2 =	sld [smem:$0x3FFD];
	_ =	sdelay $0x3  }
0x96: {  	_ =	strace s2  }
0x97: {  	_ =	strace $0x8FFFFFFF  }
0x98: {  	s18 =	sld [smem:$0x3FDB];
	_ =	sdelay $0x1  }
0x99: {  	s19 =	simm.s32 $_scs_section_size  }
0x9a: {  	s4 =	simm.s32 $_size__tile_overlayer_lowered;
	s5 =	simm.s32 $_tile_overlayer_lowered  }
0x9b: {  	s22 =	simm.s32 $0x1BFF;
	s21 =	sshll.u32 s5, $0x1;
	s2 =	sadd.s32 s19, s18  }
0x9c: {  	s6 =	simm.s32 $0x0;
	s20 =	sshll.u32 s4, $0x1;
	s4 =	sadd.s32 s21, s2  }
0x9d: {  	[timem:s6], [sflag:s22] =	dma.local [hbm:s4], s20  }
0x9e: {  	_ =	swait.ge [sflag:s22], s20  }
0x9f: {  	s3 =	ssub.s32 $0x0, s20;
	[sflag:s22] =	ssyncset.done $0x0  }
0xa0: {  	[sflag:s22] =	ssyncadd.s32 s3;
	_ =	sdelay $0x1  }
0xa1: {  	s23 =	simm.s32 $0x1B8B  }
0xa2: {  	_ =	swait.ge [sflag:s23], $0x1  }
0xa3: {  	[sflag:s23] =	ssyncset.done $0x0  }
0xa4: {  	s25 =	simm.s32 $0x1B8E;
	s24 =	sld [smem:$0x3FFE];
	[sflag:s23] =	ssyncadd.s32 $0xFFFFFFFF  }
0xa5: {  	s26 =	simm.s32 $execute0_lowered;
	[smem:$0x3FD2] =	sst s25  }
0xa6: {  	s4 =	sshll.u32 s26, $0x1;
	_ =	strace $0x80000058;
	[dreg:$0x1] =	wrdreg $0xFFFFFFFF  }
0xa7: {  	s28 =	simm.s32 $_size_execute0_lowered;
	s2 =	sadd.s32 s2, s4;
	[dreg:$0x0] =	wrdreg $0x0  }
0xa8: {  	s4 =	sshll.u32 s28, $0x1;
	[dreg:$0x2] =	wrdreg s2  }
0xa9: {  	[dreg:$0x3] =	wrdreg s4  }
0xaa: {  	[dreg:$0x4] =	wrdreg $0xC0  }
0xab: {  	_ =	task [dreg:s6], $0x5FFFF  }
0xac: {  	[dreg:$0x1] =	wrdreg $0xFFFFFFFF  }
0xad: {  	[dreg:$0x0] =	wrdreg $0x60  }
0xae: {  	[dreg:$0x2] =	wrdreg s24  }
0xaf: {  	[dreg:$0x3] =	wrdreg $0x9  }
0xb0: {  	_ =	task.clear_ibuf [dreg:s6], $0x4FFFF;
	_ =	strace $0x90000058  }
0xb1: {  	s29 =	simm.s32 $0x9;
	_ =	strace $0x8000005A  }
0xb2: {  	_ =	swait.ge [sflag:s29], $0x1  }
0xb3: {  	[sflag:s29] =	ssyncadd.s32 $0xFFFFFFFF  }
0xb4: {  	_ =	strace $0x9000005A  }
0xb5: {  	_ =	sfence  }
0xb6: {  	s30 =	sld [smem:$0x0];
	_ =	sdelay $0x2  }
0xb7: {  	s31 =	sshll.u32 s1, $0xD;
	s1 =	sshrl.u32 s1, $0x2  }
0xb8: {  	s3 =	sand.u32 $0x4000, s31;
	s1 =	sadd.s32 s1, s30  }
0xb9: {  	s0 =	sor.u32 s3, s0;
	s1 =	sshll.u32 s1, $0x11  }
0xba: {  	s0 =	sor.u32 s1, s0  }
0xbb: {  	s0 =	sadd.s32 $0x8F2B, s0  }
0xbc: {  	[sflag:s0] =	ssyncadd.remote.s32 $0x1  }
0xbd: {  	_ =	sfence.sel $0xFFFF  }
0xbe: {  	[dreg:$0x0] =	wrdreg $0xFFFFFFFF;
	(pc) =	sbr.abs _section_cstart, $3  }
0xbf: {  	[dreg:$0x1] =	wrdreg $0xFFFFFFFF  }
0xc0: {  	_ =	task.clear_ibuf [dreg:s6], $0x2FFFF;
	_ =	strace $0x9FFFFFFF  }
0xc1: {  	(tm) =	ssettm $0x7FFFFFFF  }
tec
execute0_lowered:
.L_overlay_start_1:
0x0: {  	(tag) =	ssettag $0x1  }
0x1: {  	s0 =	srdreg.scid  }
0x2: {  	s15 =	sand.u32 $0x1, s0  }
0x3: {  	s0 =	stileid.u32;
	s1 =	sshll.u32 s15, $0x4  }
0x4: {  	s16 =	rddreg [dreg:$0x0];
	s2 =	simm.s32 $0x0;
	s17 =	sor.u32 s0, s1  }
0x5: {  	[smem:$0x7FF] =	sst s2;
	s3 =	sshll.u32 s17, $0x6  }
0x6: {  	s1 =	rddreg [dreg:$0x1];
	s3 =	sadd.s32 s3, s16  }
0x7: {  	_ =	strace $0x80000059;
	s4 =	sadd.s32 $0x3C00, s3;
	s3 =	simm.s32 $0x2  }
0x8: {  	[tilespmem:s2], [sflag:$0x2] =	stream.linear.gather [hbm4b:s4+s2], $0x200, $0x38;
	[tilespmem:$0xA200] =	vst v63  }
0x9: {  	_ =	swait.ge [sflag:s3], $0x200  }
0xa: {  	s6 =	simm.s32 $0x50;
	[sflag:s3] =	ssyncset.done $0x0  }
0xb: {  	s7 =	simm.s32 $0x200;
	s5 =	sadd.s32 $0x16800, s16;
	[sflag:s3] =	ssyncadd.s32 $0xFFFFFE00  }
0xc: {  	[tilespmem:s7], [sflag:$0x1] =	stream.indirect.gather [hbm4b:s5+s6], $0x80, s2, s6, $0xb8;
	[tilespmem:$0xA200] =	vst v63  }
0xd: {  	s8 =	simm.s32 $0x80;
	s9 =	simm.s32 $0x2A00  }
0xe: {  	[tilespmem:s9], [sflag:$0x1] =	stream.indirect.gather [hbm4b:s5+s6], $0x80, s8, s6, $0xb8;
	[tilespmem:$0xA200] =	vst v63  }
0xf: {  	s10 =	simm.s32 $0x100;
	s11 =	simm.s32 $0x5200  }
0x10: {  	[tilespmem:s11], [sflag:$0x1] =	stream.indirect.gather [hbm4b:s5+s6], $0x80, s10, s6, $0xb8;
	[tilespmem:$0xA200] =	vst v63  }
0x11: {  	s12 =	simm.s32 $0x180;
	s13 =	simm.s32 $0x7A00;
	s14 =	simm.s32 $0x1  }
0x12: {  	[tilespmem:s13], [sflag:$0x1] =	stream.indirect.gather [hbm4b:s5+s6], $0x80, s12, s6, $0xb8;
	[tilespmem:$0xA200] =	vst v63  }
0x13: {  	_ =	swait.ge [sflag:s14], $0x2800  }
0x14: {  	[sflag:s14] =	ssyncset.done $0x0  }
0x15: {  	[sflag:s14] =	ssyncadd.s32 $0xFFFFD800  }
0x16: {  	_ =	swait.ge [sflag:s14], $0x2800  }
0x17: {  	[sflag:s14] =	ssyncset.done $0x0  }
0x18: {  	s15 =	ssub.s32 $0x2, s15;
	[sflag:s14] =	ssyncadd.s32 $0xFFFFD800  }
0x19: {  	s18 =	sshrl.u32 s15, $0x1;
	_ =	swait.ge [sflag:s14], $0x2800  }
0x1a: {  	s30 =	ssub.s32 s15, s18;
	[sflag:s14] =	ssyncset.done $0x0  }
0x1b: {  	s17 =	smul.u32 $0x1400, s17;
	s31 =	smax.u32 s30, $0x1;
	[sflag:s14] =	ssyncadd.s32 $0xFFFFD800  }
0x1c: {  	p0 =	sne.s32 s31, $0x1;
	_ =	swait.ge [sflag:s14], $0x2800  }
.Ltmp0:
0x1d: {  	s16 =	sadd.s32 s17, s16;
	[sflag:s14] =	ssyncset.done $0x0;
	(pc) =	sbr.rel @!p0 .LBB2_2-.Ltmp0, $4  }
0x1e: {  	s15 =	sadd.s32 $0x5CA00, s16;
	[sflag:s14] =	ssyncadd.s32 $0xFFFFD800  }
0x1f: {  	[hbm4b:s15+s2] =	stream.linear.scatter [tilespmem:s7], [sflag:$0x2], $0xA000, $0x38;
	[tilespmem:$0xA200] =	vst v63  }
0x20: {  	_ =	swait.ge [sflag:s3], $0xA000  }
0x21: {  	s16 =	sadd.s32 $0xFFFFFFFF, s31;
	[sflag:s3] =	ssyncset.done $0x0  }
.LBB2_1:
0x22: {  	p0 =	sne.s32 s16, $0x1;
	s16 =	sadd.s32 $0xFFFFFFFF, s16;
	[sflag:s3] =	ssyncadd.s32 $0xFFFF6000  }
0x23: {  	[tilespmem:s2], [sflag:$0x2] =	stream.linear.gather [hbm4b:s4+s2], $0x200, $0x38;
	[tilespmem:$0xA200] =	vst v63  }
0x24: {  	_ =	swait.ge [sflag:s3], $0x200  }
0x25: {  	[sflag:s3] =	ssyncset.done $0x0  }
0x26: {  	[sflag:s3] =	ssyncadd.s32 $0xFFFFFE00  }
0x27: {  	[tilespmem:s7], [sflag:$0x1] =	stream.indirect.gather [hbm4b:s5+s6], $0x80, s2, s6, $0xb8;
	[tilespmem:$0xA200] =	vst v63  }
0x28: {  	_ = 	snop  }
0x29: {  	[tilespmem:s9], [sflag:$0x1] =	stream.indirect.gather [hbm4b:s5+s6], $0x80, s8, s6, $0xb8;
	[tilespmem:$0xA200] =	vst v63  }
0x2a: {  	_ = 	snop  }
0x2b: {  	[tilespmem:s11], [sflag:$0x1] =	stream.indirect.gather [hbm4b:s5+s6], $0x80, s10, s6, $0xb8;
	[tilespmem:$0xA200] =	vst v63  }
0x2c: {  	_ = 	snop  }
0x2d: {  	[tilespmem:s13], [sflag:$0x1] =	stream.indirect.gather [hbm4b:s5+s6], $0x80, s12, s6, $0xb8;
	[tilespmem:$0xA200] =	vst v63  }
0x2e: {  	_ =	swait.ge [sflag:s14], $0x2800  }
0x2f: {  	[sflag:s14] =	ssyncset.done $0x0  }
0x30: {  	[sflag:s14] =	ssyncadd.s32 $0xFFFFD800  }
0x31: {  	_ =	swait.ge [sflag:s14], $0x2800  }
0x32: {  	[sflag:s14] =	ssyncset.done $0x0  }
0x33: {  	[sflag:s14] =	ssyncadd.s32 $0xFFFFD800  }
0x34: {  	_ =	swait.ge [sflag:s14], $0x2800  }
0x35: {  	[sflag:s14] =	ssyncset.done $0x0  }
0x36: {  	[sflag:s14] =	ssyncadd.s32 $0xFFFFD800  }
0x37: {  	_ =	swait.ge [sflag:s14], $0x2800  }
.Ltmp1:
0x38: {  	[sflag:s14] =	ssyncset.done $0x0;
	(pc) =	sbr.rel @p0 .LBB2_1-.Ltmp1, $4  }
0x39: {  	[sflag:s14] =	ssyncadd.s32 $0xFFFFD800  }
0x3a: {  	[hbm4b:s15+s2] =	stream.linear.scatter [tilespmem:s7], [sflag:$0x2], $0xA000, $0x38;
	[tilespmem:$0xA200] =	vst v63  }
0x3b: {  	_ =	swait.ge [sflag:s3], $0xA000  }
0x3c: {  	[sflag:s3] =	ssyncset.done $0x0  }
.LBB2_2:
0x3d: {  	[sflag:s3] =	ssyncadd.s32 $0xFFFF6000  }
0x3e: {  	_ =	sfence.sel $0x180000  }
0x3f: {  	[bflag:$0x0] =	sbarrier.arrive $0xFFFF  }
0x40: {  	p0 =	sne.s32 s0, $0x0;
	_ =	strace $0x90000059  }
0x41: {  	s0 =	sadd.s32 @!p0 $0x100000, s1;
	[bflag:$0x2] =	sbarrier.arrive $0xFFFF  }
0x42: {  	[sflag:s0] =	ssyncadd.tile.s32 @!p0 $0x1;
	_ =	shalt  }
.Lfunc_end2:
_tile_overlayer_lowered:
.L_overlay_start_2:
0x43: {  	(tag) =	ssettag $0x2  }
0x44: {  	s0 =	rddreg [dreg:$0x0];
	s2 =	stileid.u32  }
0x45: {  	s1 =	rddreg [dreg:$0x1];
	p0 =	sne.s32 s2, $0x0  }
0x46: {  	s3 =	rddreg [dreg:$0x2];
	[bflag:$0x3] =	sbarrier.arrive $0xFFFF;
	s2 =	simm.s32 @!p0 $0x1C02  }
0x47: {  	[timem:s3], [sflag:s2] =	dma.local @!p0 [hbm:s0], s1  }
0x48: {  	s0 =	simm.s32 @!p0 $0x2  }
0x49: {  	_ =	swait.ge @!p0 [sflag:s0], s1  }
0x4a: {  	s1 =	ssub.s32 @!p0 $0x0, s1;
	[sflag:s0] =	ssyncset.done @!p0 $0x0  }
0x4b: {  	[sflag:s0] =	ssyncadd.s32 @!p0 s1  }
0x4c: {  	[bflag:$0x3] =	sbarrier.arrive $0xFFFF  }
0x4d: {  	_ =	shalt  }

// kernel: kernel.19.cloned.1.call-start
scs
__scs_entry_jumppad:
0x0: {  	(pc) =	sbr.rel $0x88, $3  }
0x1: {  	(tag) =	ssettag $0x0;
	lr =	simm.s32 $0x1  }
0x2: {  	[smem:$0x3F8C] =	sst lr;
	_ =	strace $0xD0000000  }
0x3: {  	_ = 	snop  }
0x4: {  	_ = 	snop  }
0x5: {  	_ = 	snop  }
0x6: {  	_ = 	snop  }
0x7: {  	_ = 	snop  }
__scs_overlays_trampoline_lowered:
0x8: {  	[smem:$0x3F9B] =	sst s0  }
0x9: {  	[smem:$0x3F9C] =	sst s1  }
0xa: {  	[smem:$0x3F9D] =	sst s2  }
0xb: {  	[smem:$0x3F9E] =	sst s3  }
0xc: {  	[smem:$0x3F9F] =	sst s4  }
0xd: {  	[smem:$0x3FA0] =	sst s5  }
0xe: {  	[smem:$0x3FA1] =	sst s6  }
0xf: {  	[smem:$0x3FA2] =	sst s7  }
0x10: {  	[smem:$0x3FA3] =	sst s8  }
0x11: {  	[smem:$0x3FA4] =	sst s9;
	s0 =	simm.s32 @!p0 $0x0  }
0x12: {  	s1 =	sld [smem:$0x3F8A];
	s0 =	simm.s32 @p0 $0x1  }
0x13: {  	[smem:$0x3FA5] =	sst s0;
	s0 =	simm.s32 @!p1 $0x0  }
0x14: {  	s2 =	sld [smem:$0x3F89];
	s0 =	simm.s32 @p1 $0x1  }
0x15: {  	[smem:$0x3FA6] =	sst s0;
	s0 =	simm.s32 @!p2 $0x0  }
0x16: {  	s3 =	sld [smem:$0x3FDB];
	s0 =	simm.s32 @p2 $0x1  }
0x17: {  	s4 =	simm.s32 $0x1BF5;
	[smem:$0x3FA8] =	sst s0  }
0x18: {  	s0 =	sld [smem:$0x3F8B];
	_ =	swait.ge [sflag:s4], $0x0  }
0x19: {  	s7 =	sld [smem:$0x3F8C]  }
0x1a: {  	s8 =	sadd.s32 $0xFFFFE003, lr  }
0x1b: {  	s9 =	sadd.s32 $0xFFFFFEF7, lr;
	s5 =	simm.s32 $0xFFFFFFFF;
	p2 =	slt.u32 s8, $0xFFFFF086  }
0x1c: {  	p1 =	slt.u32 s9, $0xF7A;
	s5 =	simm.s32 @!p2 $0x0  }
0x1d: {  	s5 =	simm.s32 @p1 $0x1;
	p0 =	seq.s32 s7, s2  }
0x1e: {  	s7 =	smul.u32 @!p0 $0xF7A, s2;
	p2 =	seq.s32 @!p0 s5, $0x0  }
0x1f: {  	s9 =	smul.u32 $0xF7A, s1;
	s8 =	simm.s32 @!p0 $0x1BF5;
	p2 =	por !p2, p0  }
0x20: {  	[sflag:s8] =	ssyncset.s32 @!p0 $0xFFFFF086;
	s6 =	sadd.s32 @!p0 s3, s7;
	s7 =	simm.s32 @!p0 $0x108  }
0x21: {  	s3 =	sadd.s32 s3, s9;
	s6 =	sadd.s32 @!p0 $0x88, s6;
	s7 =	simm.s32 @p2 $0x1082  }
0x22: {  	[simem:s7], [sflag:s8] =	dma.local @!p0 [hbm:s6], $0xF7A  }
0x23: {  	s9 =	sor.u32 $0xD0000000, s2;
	s6 =	simm.s32 $0x108;
	_ =	swait.ge @!p0 [sflag:s8], $0x0  }
0x24: {  	s3 =	sadd.s32 $0x88, s3;
	s6 =	simm.s32 @!p1 $0x1082;
	[sflag:s4] =	ssyncset.s32 $0xFFFFF086  }
0x25: {  	[simem:s6], [sflag:s4] =	dma.local [hbm:s3], $0xF7A  }
0x26: {  	[smem:$0x3F8C] =	sst s1;
	(tag) =	ssettag s2;
	_ =	strace s9  }
0x27: {  	s1 =	sld [smem:$0x3F9C]  }
0x28: {  	s2 =	sld [smem:$0x3F9D]  }
0x29: {  	s4 =	sld [smem:$0x3F9F]  }
0x2a: {  	p0 =	seq.s32 s5, $0x0;
	s5 =	sld [smem:$0x3FA0]  }
0x2b: {  	s6 =	sld [smem:$0x3FA1]  }
0x2c: {  	s7 =	sld [smem:$0x3FA2]  }
0x2d: {  	s3 =	simm.s32 $0x108;
	s8 =	sld [smem:$0x3FA3]  }
0x2e: {  	s3 =	simm.s32 @!p0 $0x1082;
	s9 =	sld [smem:$0x3FA4]  }
0x2f: {  	lr =	sadd.s32 s0, s3;
	s0 =	sld [smem:$0x3F9B]  }
0x30: {  	s3 =	sld [smem:$0x3F9E]  }
0x31: {  	[smem:$0x3FA7] =	sst s10  }
0x32: {  	s10 =	sld [smem:$0x3FA5];
	_ =	sdelay $0x3  }
0x33: {  	p0 =	seq.s32 s10, $0x1;
	s10 =	sld [smem:$0x3FA7];
	_ =	sdelay $0x3  }
0x34: {  	[smem:$0x3FA7] =	sst s10  }
0x35: {  	s10 =	sld [smem:$0x3FA6];
	_ =	sdelay $0x3  }
0x36: {  	p1 =	seq.s32 s10, $0x1;
	s10 =	sld [smem:$0x3FA7];
	_ =	sdelay $0x3  }
0x37: {  	[smem:$0x3FA7] =	sst s10  }
0x38: {  	s10 =	sld [smem:$0x3FA8]  }
0x39: {  	_ = 	snop;
	(pc) =	sbr.ind lr, $3  }
0x3a: {  	_ = 	snop  }
0x3b: {  	_ = 	snop  }
0x3c: {  	p2 =	seq.s32 s10, $0x1;
	s10 =	sld [smem:$0x3FA7]  }
0x3d: {  	_ =	shalt  }
0x3e: {  	_ =	shalt  }
0x3f: {  	_ =	shalt  }
0x40: {  	_ =	shalt  }
0x41: {  	_ =	shalt  }
0x42: {  	_ =	shalt  }
0x43: {  	_ =	shalt  }
0x44: {  	_ =	shalt  }
0x45: {  	_ =	shalt  }
0x46: {  	_ =	shalt  }
0x47: {  	_ =	shalt  }
0x48: {  	_ =	shalt  }
0x49: {  	_ =	shalt  }
0x4a: {  	_ =	shalt  }
0x4b: {  	_ =	shalt  }
0x4c: {  	_ =	shalt  }
0x4d: {  	_ =	shalt  }
0x4e: {  	_ =	shalt  }
0x4f: {  	_ =	shalt  }
0x50: {  	_ =	shalt  }
0x51: {  	_ =	shalt  }
0x52: {  	_ =	shalt  }
0x53: {  	_ =	shalt  }
0x54: {  	_ =	shalt  }
0x55: {  	_ =	shalt  }
0x56: {  	_ =	shalt  }
0x57: {  	_ =	shalt  }
0x58: {  	_ =	shalt  }
0x59: {  	_ =	shalt  }
0x5a: {  	_ =	shalt  }
0x5b: {  	_ =	shalt  }
0x5c: {  	_ =	shalt  }
0x5d: {  	_ =	shalt  }
0x5e: {  	_ =	shalt  }
0x5f: {  	_ =	shalt  }
0x60: {  	_ =	shalt  }
0x61: {  	_ =	shalt  }
0x62: {  	_ =	shalt  }
0x63: {  	_ =	shalt  }
0x64: {  	_ =	shalt  }
0x65: {  	_ =	shalt  }
0x66: {  	_ =	shalt  }
0x67: {  	_ =	shalt  }
0x68: {  	_ =	shalt  }
0x69: {  	_ =	shalt  }
0x6a: {  	_ =	shalt  }
0x6b: {  	_ =	shalt  }
0x6c: {  	_ =	shalt  }
0x6d: {  	_ =	shalt  }
0x6e: {  	_ =	shalt  }
0x6f: {  	_ =	shalt  }
0x70: {  	_ =	shalt  }
0x71: {  	_ =	shalt  }
0x72: {  	_ =	shalt  }
0x73: {  	_ =	shalt  }
0x74: {  	_ =	shalt  }
0x75: {  	_ =	shalt  }
0x76: {  	_ =	shalt  }
0x77: {  	_ =	shalt  }
0x78: {  	_ =	shalt  }
0x79: {  	_ =	shalt  }
0x7a: {  	_ =	shalt  }
0x7b: {  	_ =	shalt  }
0x7c: {  	_ =	shalt  }
0x7d: {  	_ =	shalt  }
0x7e: {  	_ =	shalt  }
0x7f: {  	_ =	shalt  }
0x80: {  	_ =	shalt  }
0x81: {  	_ =	shalt  }
0x82: {  	_ =	shalt  }
0x83: {  	_ =	shalt  }
0x84: {  	_ =	shalt  }
0x85: {  	_ =	shalt  }
0x86: {  	_ =	shalt  }
0x87: {  	_ =	shalt  }
.Lfunc_end0:
.L_simem_size_0:
called_computation.7_lowered:
.L_overlay_start_0:
0x88: {  	s2 =	sld [smem:$0x3FD9]  }
0x89: {  	s3 =	sld [smem:$0x3FFE];
	_ =	sdelay $0x1  }
0x8a: {  	s1 =	srdreg.scid  }
0x8b: {  	s0 =	sand.u32 $0x1, s1  }
0x8c: {  	s14 =	sshll.u32 s0, $0xA;
	s2 =	sadd.s32 s3, s2  }
0x8d: {  	s2 =	sadd.s32 s2, s14  }
0x8e: {  	[smem:$0x3FB3] =	sst s2  }
0x8f: {  	_ = 	snop  }
0x90: {  	s2 =	sld [smem:$0x3FD0];
	_ =	sdelay $0x2  }
0x91: {  	s15 =	simm.s32 $0xB;
	s4 =	simm.s32 $0x10  }
0x92: {  	[smem:s4], [sflag:s15] =	dma.local [hbm:s2], $0x1  }
0x93: {  	_ =	swait.eq [sflag:s15], $0x1  }
0x94: {  	[sflag:s15] =	ssyncset.done $0x0  }
0x95: {  	[sflag:s15] =	ssyncadd.s32 $0xFFFFFFFF  }
0x96: {  	s16 =	sld [smem:$0x10];
	(tm) =	ssettm $0x1  }
0x97: {  	s17 =	sld [smem:$0x3FFB];
	_ =	sdelay $0x3  }
0x98: {  	_ =	strace s17  }
0x99: {  	s3 =	sld [smem:$0x3FFC];
	_ =	sdelay $0x3  }
0x9a: {  	_ =	strace s3  }
0x9b: {  	s3 =	sld [smem:$0x3FFD];
	_ =	sdelay $0x3  }
0x9c: {  	_ =	strace s3  }
0x9d: {  	_ =	strace $0x8FFFFFFF  }
0x9e: {  	s18 =	sld [smem:$0x3FDB];
	_ =	sdelay $0x1  }
0x9f: {  	s19 =	simm.s32 $_scs_section_size  }
0xa0: {  	s5 =	simm.s32 $_size__tile_overlayer_lowered;
	s6 =	simm.s32 $_tile_overlayer_lowered  }
0xa1: {  	s22 =	simm.s32 $0x1BFF;
	s21 =	sshll.u32 s6, $0x1;
	s3 =	sadd.s32 s19, s18  }
0xa2: {  	s7 =	simm.s32 $0x0;
	s20 =	sshll.u32 s5, $0x1;
	s5 =	sadd.s32 s21, s3  }
0xa3: {  	[timem:s7], [sflag:s22] =	dma.local [hbm:s5], s20  }
0xa4: {  	_ =	swait.ge [sflag:s22], s20  }
0xa5: {  	s4 =	ssub.s32 $0x0, s20;
	[sflag:s22] =	ssyncset.done $0x0  }
0xa6: {  	[sflag:s22] =	ssyncadd.s32 s4;
	_ =	sdelay $0x1  }
0xa7: {  	s23 =	simm.s32 $0x1B8B  }
0xa8: {  	_ =	swait.ge [sflag:s23], $0x1  }
0xa9: {  	[sflag:s23] =	ssyncset.done $0x0  }
0xaa: {  	s25 =	simm.s32 $0x1B8E;
	s24 =	sld [smem:$0x3FFE];
	[sflag:s23] =	ssyncadd.s32 $0xFFFFFFFF  }
0xab: {  	s26 =	simm.s32 $execute0_lowered;
	[smem:$0x3FD2] =	sst s25  }
0xac: {  	s5 =	sshll.u32 s26, $0x1;
	_ =	strace $0x8000005B;
	[dreg:$0x1] =	wrdreg $0xFFFFFFFF  }
0xad: {  	s28 =	simm.s32 $_size_execute0_lowered;
	s3 =	sadd.s32 s3, s5;
	[dreg:$0x0] =	wrdreg $0x0  }
0xae: {  	s5 =	sshll.u32 s28, $0x1;
	[dreg:$0x2] =	wrdreg s3  }
0xaf: {  	[dreg:$0x3] =	wrdreg s5  }
0xb0: {  	[dreg:$0x4] =	wrdreg $0xC0  }
0xb1: {  	_ =	task [dreg:s7], $0x5FFFF  }
0xb2: {  	[dreg:$0x1] =	wrdreg $0xFFFFFFFF  }
0xb3: {  	[dreg:$0x0] =	wrdreg $0x60  }
0xb4: {  	[dreg:$0x2] =	wrdreg s24  }
0xb5: {  	[dreg:$0x3] =	wrdreg s16  }
0xb6: {  	[dreg:$0x4] =	wrdreg $0x41800  }
0xb7: {  	[dreg:$0x5] =	wrdreg $0x9  }
0xb8: {  	_ =	task.clear_ibuf [dreg:s7], $0x6FFFF;
	_ =	strace $0x9000005B  }
0xb9: {  	s29 =	simm.s32 $0x9;
	_ =	strace $0x8000005D  }
0xba: {  	_ =	swait.ge [sflag:s29], $0x1  }
0xbb: {  	[sflag:s29] =	ssyncadd.s32 $0xFFFFFFFF  }
0xbc: {  	_ =	strace $0x9000005D  }
0xbd: {  	_ =	sfence  }
0xbe: {  	s30 =	sld [smem:$0x0];
	_ =	sdelay $0x2  }
0xbf: {  	s31 =	sshll.u32 s1, $0xD;
	s1 =	sshrl.u32 s1, $0x2  }
0xc0: {  	s3 =	sand.u32 $0x4000, s31;
	s1 =	sadd.s32 s1, s30  }
0xc1: {  	s0 =	sor.u32 s3, s0;
	s1 =	sshll.u32 s1, $0x11  }
0xc2: {  	s0 =	sor.u32 s1, s0  }
0xc3: {  	s0 =	sadd.s32 $0x8F2B, s0  }
0xc4: {  	[sflag:s0] =	ssyncadd.remote.s32 $0x1  }
0xc5: {  	_ =	sfence.sel $0xFFFF  }
0xc6: {  	[dreg:$0x0] =	wrdreg $0xFFFFFFFF;
	(pc) =	sbr.abs _section_cstart, $3  }
0xc7: {  	[dreg:$0x1] =	wrdreg $0xFFFFFFFF  }
0xc8: {  	_ =	task.clear_ibuf [dreg:s7], $0x2FFFF;
	_ =	strace $0x9FFFFFFF  }
0xc9: {  	(tm) =	ssettm $0x7FFFFFFF  }
tec
execute0_lowered:
.L_overlay_start_1:
0x0: {  	(tag) =	ssettag $0x1  }
0x1: {  	s10 =	rddreg [dreg:$0x0]  }
0x2: {  	s1 =	rddreg [dreg:$0x1]  }
0x3: {  	s2 =	rddreg [dreg:$0x2];
	s3 =	srdreg.scid  }
0x4: {  	s0 =	rddreg [dreg:$0x3];
	s4 =	simm.s32 $0x0;
	s16 =	simm.s32 $0x80  }
0x5: {  	s17 =	simm.s32 $0x100;
	s18 =	simm.s32 $0x180;
	s19 =	simm.s32 $0x0  }
0x6: {  	s11 =	sand.u32 $0x1, s3;
	[smem:$0x7FF] =	sst s4;
	s3 =	stileid.u32  }
0x7: {  	s6 =	sadd.s32 $0x5CA00, s10;
	s5 =	sshll.u32 s11, $0x4;
	s13 =	smul.u32 $0x29000, s3  }
0x8: {  	s7 =	sadd.s32 $0xC600, s10;
	s15 =	smul.u32 $0x148, s3;
	s5 =	sor.u32 s3, s5  }
0x9: {  	s8 =	sadd.s32 $0x52800, s10;
	s9 =	sadd.s32 $0x2600, s10;
	s12 =	smul.u32 $0x1400, s5  }
0xa: {  	_ =	strace $0x8000005C;
	s29 =	ssub.s32 $0x2, s11;
	s30 =	smul.u32 $0xFFFFFEC0, s5  }
.Ltmp0:
0xb: {  	s14 =	sshrl.u32 s29, $0x1;
	s13 =	sshrl.u32 s13, $0x2;
	(pc) =	sbr.rel .LBB2_1-.Ltmp0, $4  }
0xc: {  	v0 =	vlaneseq.u32;
	s31 =	sshll.u32 s3, $0x6;
	s14 =	ssub.s32 s29, s14;
	s13 =	sadd.s32 s13, s2  }
0xd: {  	v3 =	vor.u32 $0x10, v0;
	v4 =	vor.u32 $0x20, v0;
	v5 =	vor.u32 $0x30, v0;
	s12 =	sadd.s32 s12, s10;
	s10 =	sor.u32 $0x1C02, s31;
	s11 =	sadd.s32 s15, s30  }
0xe: {  	v6 =	vor.u32 $0x40, v0;
	v7 =	vor.u32 $0x50, v0;
	s15 =	sadd.s32 $0x140, s15;
	s13 =	sshrl.u32 s13, $0x3;
	v1 =	vmov s11;
	s11 =	sadd.s32 $0x16800, s12  }
0xf: {  	v8 =	vor.u32 $0x60, v0;
	v9 =	vor.u32 $0x70, v0;
	v2 =	vmov s15;
	s12 =	smax.u32 s14, $0x1;
	s14 =	simm.s32 $0x2;
	s15 =	simm.s32 $0x1  }
.LBB2_3:
0x10: {  	v12 =	vimm.s32 $0x0  }
0x11: {  	v12 =	vsel vm3, $0xFFFFFFFF, v12  }
0x12: {  	[tilespmem:$0x1FF30] =	vst v12;
	v12 =	vimm.s32 $0x0  }
0x13: {  	v12 =	vsel vm1, $0xFFFFFFFF, v12  }
0x14: {  	[tilespmem:$0x1FF40] =	vst v12;
	v12 =	vimm.s32 $0x0  }
0x15: {  	v12 =	vsel vm7, $0xFFFFFFFF, v12  }
0x16: {  	[tilespmem:$0x1FF50] =	vst v12;
	v12 =	vimm.s32 $0x0  }
0x17: {  	v12 =	vsel vm4, $0xFFFFFFFF, v12  }
0x18: {  	[tilespmem:$0x1FF60] =	vst v12;
	v12 =	vimm.s32 $0x0  }
0x19: {  	v12 =	vsel vm8, $0xFFFFFFFF, v12  }
0x1a: {  	[tilespmem:$0x1FF70] =	vst v12;
	v12 =	vimm.s32 $0x0  }
0x1b: {  	v12 =	vsel vm9, $0xFFFFFFFF, v12  }
0x1c: {  	[tilespmem:$0x1FF80] =	vst v12;
	v12 =	vimm.s32 $0x0  }
0x1d: {  	v12 =	vsel vm6, $0xFFFFFFFF, v12  }
0x1e: {  	[tilespmem:$0x1FF90] =	vst v12;
	v12 =	vimm.s32 $0x0  }
0x1f: {  	v12 =	vsel vm2, $0xFFFFFFFF, v12  }
0x20: {  	vm7 =	vmmov vm5;
	[tilespmem:$0x1FFA0] =	vst v12  }
.LBB2_8:
0x21: {  	_ =	swait.ge @p0 [sflag:s14], $0x80  }
0x22: {  	[sflag:s14] =	ssyncset.done @p0 $0x0  }
0x23: {  	s21 =	sadd.s32 @p0 s8, s21;
	[sflag:s14] =	ssyncadd.s32 @p0 $0xFFFFFF80  }
0x24: {  	[tilespmem:s17], [sflag:$0x2] =	stream.linear.gather @p0 [hbm4b:s21+s4], $0x80, $0x38;
	[tilespmem:$0xE580] =	vst v63  }
0x25: {  	_ =	swait.ge @p0 [sflag:s14], $0x80  }
0x26: {  	v27 =	vld [tilespmem:$0x1FEC0]  }
0x27: {  	[sflag:s14] =	ssyncset.done @p0 $0x0;
	v28 =	vld [tilespmem:$0x1FEB0]  }
0x28: {  	v29 =	vld [tilespmem:$0x1FF20];
	[sflag:s14] =	ssyncadd.s32 @p0 $0xFFFFFF80  }
0x29: {  	v13 =	vld @p0 [tilespmem:$0xD0]  }
0x2a: {  	v14 =	vld @p0 [tilespmem:$0x140]  }
0x2b: {  	v15 =	vld @p0 [tilespmem:$0x120]  }
0x2c: {  	v16 =	vld @p0 [tilespmem:$0xE0]  }
0x2d: {  	v17 =	vld @p0 [tilespmem:$0x130]  }
0x2e: {  	vm2 =	vmand @p0 vm2, vm11;
	vm3 =	vmand @p0 vm0, vm12;
	v18 =	vld @p0 [tilespmem:$0x150]  }
0x2f: {  	vm0 =	vge.s32 @p0 v12, v10;
	v19 =	vld @p0 [tilespmem:$0xB0];
	v14 =	vadd.s32 @p0 v14, v1;
	v13 =	vnsel @p0 vm2, $0x0, v13  }
0x30: {  	vm4 =	vmand @p0 vm5, vm4;
	vm0 =	vmand @p0 vm0, vm8;
	v12 =	vld @p0 [tilespmem:$0x80];
	v14 =	vsel @p0 vm3, v14, v2;
	[tilespmem:$0xD0] =	vst @p0 v13  }
0x31: {  	vm5 =	vnez.u8 v27;
	v13 =	vadd.s32 @p0 v15, v1;
	v15 =	vld @p0 [tilespmem:$0x90];
	[tilespmem:$0x140] =	vst @p0 v14;
	v14 =	vnsel @p0 vm0, $0x0, v16  }
0x32: {  	vm5 =	vmand @p0 vm6, vm5;
	v13 =	vsel @p0 vm4, v13, v2;
	v16 =	vadd.s32 @p0 v17, v1;
	v17 =	vld @p0 [tilespmem:$0xA0];
	[tilespmem:$0xE0] =	vst @p0 v14  }
0x33: {  	v14 =	vld @p0 [tilespmem:$0xF0];
	[tilespmem:$0x120] =	vst @p0 v13;
	v13 =	vsel @p0 vm5, v16, v2  }
0x34: {  	vm6 =	vmand @p0 vm13, vm15;
	v16 =	vnsel @p0 vm5, $0x0, v19;
	vm5 =	vnez.u8 v28;
	v19 =	vld @p0 [tilespmem:$0x100];
	[tilespmem:$0x130] =	vst @p0 v13  }
0x35: {  	v12 =	vnsel @p0 vm6, $0x0, v12;
	v13 =	vld @p0 [tilespmem:$0xC0];
	vm5 =	vmand @p0 vm9, vm5;
	[tilespmem:$0xB0] =	vst @p0 v16;
	v16 =	vadd.s32 @p0 v18, v1  }
0x36: {  	[tilespmem:$0x80] =	vst @p0 v12;
	v16 =	vsel @p0 vm2, v16, v2;
	v12 =	vnsel @p0 vm5, $0x0, v15;
	v15 =	vld @p0 [tilespmem:$0x160]  }
0x37: {  	v18 =	vld @p0 [tilespmem:$0x110];
	vm2 =	vnez.u8 v29;
	[tilespmem:$0x150] =	vst @p0 v16  }
0x38: {  	vm2 =	vmand @p0 vm2, vm1;
	[tilespmem:$0x90] =	vst @p0 v12;
	v12 =	vld @p0 [tilespmem:$0x170];
	v17 =	vnsel @p0 vm4, $0x0, v17  }
0x39: {  	[tilespmem:$0xA0] =	vst @p0 v17;
	v14 =	vnsel @p0 vm2, $0x0, v14  }
0x3a: {  	v16 =	vadd.s32 @p0 v19, v1;
	v13 =	vnsel @p0 vm3, $0x0, v13;
	[tilespmem:$0xF0] =	vst @p0 v14  }
0x3b: {  	[tilespmem:$0xC0] =	vst @p0 v13;
	v13 =	vsel @p0 vm6, v16, v2;
	v15 =	vadd.s32 @p0 v15, v1  }
0x3c: {  	[tilespmem:$0x100] =	vst @p0 v13;
	v13 =	vadd.s32 @p0 v18, v1;
	v14 =	vsel @p0 vm0, v15, v2  }
0x3d: {  	v12 =	vadd.s32 @p0 v12, v1;
	v13 =	vsel @p0 vm5, v13, v2;
	[tilespmem:$0x160] =	vst @p0 v14  }
0x3e: {  	v12 =	vsel @p0 vm2, v12, v2;
	[tilespmem:$0x110] =	vst @p0 v13  }
0x3f: {  	[tilespmem:$0x170] =	vst @p0 v12  }
0x40: {  	[tilespmem:s18], [sflag:$0x1] =	stream.indirect.gather @p0 [hbm4b:s6+s16], $0x80, s16, s16, $0xb8;
	[tilespmem:$0xE580] =	vst v63  }
0x41: {  	_ =	swait.ge @p0 [sflag:s15], $0x4000  }
0x42: {  	[sflag:s15] =	ssyncset.done @p0 $0x0  }
0x43: {  	[sflag:s15] =	ssyncadd.s32 @p0 $0xFFFFC000  }
0x44: {  	[spmem:s2] =	stream.indirect.scatter.add.f32 @p0 [tilespmem:s18], [sflag:$0x2], $0x80, s17, s16, $0xb8;
	[tilespmem:$0xE580] =	vst v63  }
0x45: {  	_ =	swait.ge @p0 [sflag:s14], $0x4000  }
0x46: {  	[sflag:s14] =	ssyncset.done @p0 $0x0  }
0x47: {  	s30 =	sadd.s32 s7, s20;
	[sflag:s14] =	ssyncadd.s32 @p0 $0xFFFFC000  }
0x48: {  	[tilespmem:s16], [sflag:$0x2] =	stream.linear.gather [hbm4b:s30+s4], $0x80, $0x38;
	[tilespmem:$0xE580] =	vst v63  }
0x49: {  	_ =	swait.ge [sflag:s14], $0x80  }
0x4a: {  	[sflag:s14] =	ssyncset.done $0x0  }
0x4b: {  	s31 =	sadd.s32 s8, s20;
	[sflag:s14] =	ssyncadd.s32 $0xFFFFFF80  }
0x4c: {  	[tilespmem:s17], [sflag:$0x2] =	stream.linear.gather [hbm4b:s31+s4], $0x80, $0x38;
	[tilespmem:$0xE580] =	vst v63  }
0x4d: {  	_ =	swait.ge [sflag:s14], $0x80  }
0x4e: {  	v31 =	vld [tilespmem:$0x1FFC0]  }
0x4f: {  	v33 =	vld [tilespmem:$0x1FF40]  }
0x50: {  	v34 =	vld [tilespmem:$0x1FFD0]  }
0x51: {  	v35 =	vld [tilespmem:$0x1FF30]  }
0x52: {  	v38 =	vld [tilespmem:$0x1FFB0]  }
0x53: {  	v39 =	vld [tilespmem:$0x1FF60]  }
0x54: {  	v40 =	vld [tilespmem:$0x1FFE0]  }
0x55: {  	v42 =	vld [tilespmem:$0x1FF50]  }
0x56: {  	v43 =	vld [tilespmem:$0x1FF70]  }
0x57: {  	v46 =	vld [tilespmem:$0x1FF80]  }
0x58: {  	[sflag:s14] =	ssyncset.done $0x0;
	v52 =	vld [tilespmem:$0x1FFA0]  }
0x59: {  	v53 =	vld [tilespmem:$0x1FF90];
	[sflag:s14] =	ssyncadd.s32 $0xFFFFFF80  }
0x5a: {  	v30 =	vld [tilespmem:$0xD0];
	vm13 =	vnez.u8 v31;
	vm5 =	vnez.u8 v33;
	vm8 =	vnez.u8 v34  }
0x5b: {  	v32 =	vld [tilespmem:$0x140];
	vm9 =	vnez.u8 v35;
	vm10 =	vnez.u8 v38;
	vm11 =	vnez.u8 v39  }
0x5c: {  	v36 =	vld [tilespmem:$0x120];
	vm12 =	vnez.u8 v40;
	vm15 =	vmmov vm13;
	vm6 =	vmmov vm5  }
0x5d: {  	v50 =	vld [tilespmem:$0xA0];
	vm0 =	vmmov vm8;
	vm3 =	vmmov vm9;
	vm1 =	vmmov vm10  }
0x5e: {  	v41 =	vld [tilespmem:$0x130];
	vm4 =	vmmov vm12;
	vm13 =	vnez.u8 v42;
	vm8 =	vge.s32 v11, v10  }
0x5f: {  	v59 =	vld [tilespmem:$0x1FFF0];
	vm10 =	vnez.u8 v46;
	vm12 =	vnez.u8 v52;
	vm0 =	vmand vm0, vm3  }
0x60: {  	v37 =	vld [tilespmem:$0xE0];
	vm2 =	vmand vm15, vm6;
	vm3 =	vmmov vm11;
	vm5 =	vmmov vm13  }
0x61: {  	v44 =	vld [tilespmem:$0x150];
	vm15 =	vnez.u8 v43;
	v11 =	vadd.s32 v32, v1;
	v12 =	vnsel vm2, $0x0, v30  }
0x62: {  	v10 =	vld [tilespmem:$0xB0];
	v47 =	vadd.s32 v36, v1;
	vm3 =	vmand vm1, vm3;
	v16 =	vnsel vm0, $0x0, v50;
	[tilespmem:$0xD0] =	vst v12  }
0x63: {  	v45 =	vld [tilespmem:$0x80];
	vm11 =	vmmov vm7;
	v49 =	vadd.s32 v41, v1;
	v11 =	vsel vm3, v11, v2;
	[tilespmem:$0xA0] =	vst v16  }
0x64: {  	v48 =	vld [tilespmem:$0x90];
	vm6 =	vmmov vm15;
	vm1 =	vmand vm8, vm4;
	v12 =	vsel vm0, v47, v2;
	[tilespmem:$0x140] =	vst v11  }
0x65: {  	v54 =	vld [tilespmem:$0xC0];
	vm13 =	vnez.u8 v53;
	vm9 =	vmand vm5, vm6;
	v11 =	vnsel vm1, $0x0, v37;
	[tilespmem:$0x120] =	vst v12  }
0x66: {  	v55 =	vld [tilespmem:$0x100];
	vm4 =	vmmov vm12;
	vm5 =	vmmov vm10;
	v51 =	vsel vm9, v49, v2;
	[tilespmem:$0xE0] =	vst v11  }
0x67: {  	v57 =	vld [tilespmem:$0x160];
	vm6 =	vmmov vm13;
	vm5 =	vmand vm5, vm11;
	v10 =	vnsel vm9, $0x0, v10;
	[tilespmem:$0x130] =	vst v51  }
0x68: {  	vm4 =	vmand vm4, vm6;
	v11 =	vld [tilespmem:$0xF0];
	v13 =	vnsel vm5, $0x0, v45;
	[tilespmem:$0xB0] =	vst v10  }
0x69: {  	v58 =	vld [tilespmem:$0x170];
	v56 =	vnsel vm4, $0x0, v48;
	v10 =	vadd.s32 v44, v1;
	[tilespmem:$0x80] =	vst v13  }
0x6a: {  	vm14 =	vmmov vm14;
	v60 =	vld [tilespmem:$0x110];
	vm15 =	vnez.u8 v59;
	[tilespmem:$0x90] =	vst v56;
	v10 =	vsel vm2, v10, v2  }
0x6b: {  	v61 =	vadd.s32 v55, v1;
	vm2 =	vmmov vm15;
	[tilespmem:$0x150] =	vst v10;
	v10 =	vnsel vm3, $0x0, v54  }
0x6c: {  	vm0 =	vmand vm14, vm2;
	[tilespmem:$0xC0] =	vst v10;
	v10 =	vsel vm5, v61, v2  }
0x6d: {  	v62 =	vadd.s32 v57, v1;
	v11 =	vnsel vm0, $0x0, v11;
	[tilespmem:$0x100] =	vst v10  }
0x6e: {  	v10 =	vadd.s32 v58, v1;
	[tilespmem:$0xF0] =	vst v11;
	v11 =	vsel vm1, v62, v2  }
0x6f: {  	v63 =	vadd.s32 v60, v1;
	v10 =	vsel vm0, v10, v2;
	[tilespmem:$0x160] =	vst v11  }
0x70: {  	v11 =	vsel vm4, v63, v2;
	[tilespmem:$0x170] =	vst v10  }
0x71: {  	[tilespmem:$0x110] =	vst v11  }
0x72: {  	[tilespmem:s18], [sflag:$0x1] =	stream.indirect.gather [hbm4b:s6+s16], $0x80, s16, s16, $0xb8;
	[tilespmem:$0xE580] =	vst v63  }
0x73: {  	_ =	swait.ge [sflag:s15], $0x4000  }
0x74: {  	[sflag:s15] =	ssyncset.done $0x0  }
0x75: {  	[sflag:s15] =	ssyncadd.s32 $0xFFFFC000  }
0x76: {  	[spmem:s2] =	stream.indirect.scatter.add.f32 [tilespmem:s18], [sflag:$0x2], $0x80, s17, s16, $0xb8;
	[tilespmem:$0xE580] =	vst v63  }
0x77: {  	_ =	swait.ge [sflag:s14], $0x4000  }
0x78: {  	[sflag:s14] =	ssyncset.done $0x0  }
0x79: {  	[sflag:s14] =	ssyncadd.s32 $0xFFFFC000  }
.LBB2_9:
0x7a: {  	s19 =	sadd.s32 $0x1, s19  }
0x7b: {  	p0 =	sne.s32 s19, s12  }
.Ltmp1:
0x7c: {  	_ = 	snop;
	(pc) =	sbr.rel @!p0 .LBB2_10-.Ltmp1, $4  }
0x7d: {  	[hbm:s11], [sflag:s10] =	dma.local [spmem:s13], $0x1400  }
0x7e: {  	_ =	swait.ge [sflag:s14], $0x1400  }
0x7f: {  	[sflag:s14] =	ssyncset.done $0x0  }
0x80: {  	[sflag:s14] =	ssyncadd.s32 $0xFFFFEC00  }
.LBB2_1:
0x81: {  	[spmem:s13], [sflag:s10] =	dma.local [hbm:s9], $0x1480  }
0x82: {  	_ =	swait.ge [sflag:s14], $0x1480  }
0x83: {  	[sflag:s14] =	ssyncset.done $0x0  }
0x84: {  	[sflag:s14] =	ssyncadd.s32 $0xFFFFEB80  }
0x85: {  	[tilespmem:s4], [sflag:$0x2] =	stream.linear.gather [hbm4b:s1+s4], $0x80, $0x38;
	[tilespmem:$0xE580] =	vst v63  }
0x86: {  	_ =	swait.ge [sflag:s14], $0x80  }
0x87: {  	[sflag:s14] =	ssyncset.done $0x0  }
0x88: {  	[sflag:s14] =	ssyncadd.s32 $0xFFFFFF80  }
0x89: {  	v10 =	vld [tilespmem:s5+$0x0]  }
0x8a: {  	v11 =	vld [tilespmem:s5+$0x20];
	_ =	sdelay $0x3  }
0x8b: {  	(v2sf) =	vpush v10, $0x0  }
0x8c: {  	(v2sf) =	vpush v11, $0x0;
	_ =	sdelay $0xd  }
0x8d: {  	s20 =	spop (v2sf)  }
0x8e: {  	s22 =	spop (v2sf);
	s21 =	sand.u32 $0xFFFFFF80, s20  }
0x8f: {  	s20 =	ssub.s32 s22, s21  }
0x90: {  	s20 =	sadd.s32 $0x7F, s20  }
0x91: {  	s30 =	sand.u32 $0x7F, s20  }
0x92: {  	s31 =	sshra.s32 s20, $0x1F;
	p1 =	slt.s32 s20, $0x1;
	p0 =	sne.s32 s30, $0x0  }
0x93: {  	s22 =	sshrl.u32 s31, $0x19;
	p0 =	por !p1, !p0  }
0x94: {  	s20 =	sadd.s32 s22, s20;
	s22 =	simm.s32 $0x1;
	p0 =	por !p0, !p0  }
0x95: {  	s20 =	sshra.s32 s20, $0x7;
	s22 =	simm.s32 @!p0 $0x0  }
0x96: {  	s22 =	ssub.s32 s20, s22  }
0x97: {  	p0 =	slt.s32 s22, $0x1  }
.Ltmp2:
0x98: {  	_ = 	snop;
	(pc) =	sbr.rel @p0 .LBB2_9-.Ltmp2, $1  }
0x99: {  	_ =	sdelay $0x3  }
0x9a: {  	v10 =	vbroadcast v10, $0x0;
	v12 =	vbroadcast v11, $0x0  }
0x9b: {  	v11 =	vor.u32 s21, v6;
	v13 =	vor.u32 s21, v7;
	v14 =	vor.u32 s21, v4  }
0x9c: {  	vm0 =	vge.s32 v11, v10;
	vm1 =	vge.s32 v13, v10;
	vm2 =	vlt.s32 v13, v12  }
0x9d: {  	vm3 =	vge.s32 v14, v10;
	vm4 =	vlt.s32 v11, v12;
	v13 =	vor.u32 s21, v5  }
0x9e: {  	v11 =	vor.u32 s21, v8;
	vm5 =	vlt.s32 v14, v12;
	vm7 =	vge.s32 v13, v10  }
0x9f: {  	vm8 =	vlt.s32 v13, v12;
	v13 =	vor.u32 s21, v3;
	vm0 =	vmmov vm0  }
0xa0: {  	vm11 =	vge.s32 v13, v10;
	vm12 =	vlt.s32 v13, v12;
	v13 =	vimm.s32 $0x0  }
0xa1: {  	v14 =	vor.u32 s21, v0;
	vm6 =	vlt.s32 v11, v12;
	v13 =	vsel vm0, $0xFFFFFFFF, v13  }
0xa2: {  	vm9 =	vge.s32 v14, v10;
	vm0 =	vmmov vm1;
	[tilespmem:$0x1FFB0] =	vst v13;
	v13 =	vimm.s32 $0x0  }
0xa3: {  	vm10 =	vlt.s32 v14, v12;
	v14 =	vor.u32 s21, v9;
	v13 =	vsel vm0, $0xFFFFFFFF, v13  }
0xa4: {  	vm4 =	vmmov vm4;
	vm0 =	vmmov vm3;
	[tilespmem:$0x1FFC0] =	vst v13;
	v13 =	vimm.s32 $0x0  }
0xa5: {  	p1 =	sne.s32 s22, $0x1;
	vm13 =	vge.s32 v14, v10;
	vm15 =	vlt.s32 v14, v12;
	v13 =	vsel vm0, $0xFFFFFFFF, v13  }
.Ltmp3:
0xa6: {  	vm7 =	vmmov vm7;
	vm0 =	vmmov vm6;
	[tilespmem:$0x1FFD0] =	vst v13;
	v13 =	vimm.s32 $0x0;
	(pc) =	sbr.rel @!p1 .LBB2_3-.Ltmp3, $4  }
0xa7: {  	vm8 =	vmmov vm8;
	vm9 =	vmmov vm9;
	v13 =	vsel vm0, $0xFFFFFFFF, v13  }
0xa8: {  	vm1 =	vmmov vm2;
	vm0 =	vmmov vm15;
	[tilespmem:$0x1FFE0] =	vst v13;
	v13 =	vimm.s32 $0x0  }
0xa9: {  	vm2 =	vmmov vm11;
	vm14 =	vmmov vm13;
	v13 =	vsel vm0, $0xFFFFFFFF, v13  }
0xaa: {  	s20 =	sshrl.u32 s21, $0x3;
	s22 =	sadd.s32 $0xFFFFFFFF, s22;
	p0 =	por $0x0, $0x0;
	vm3 =	vmmov vm5;
	vm5 =	vmmov vm10;
	vm6 =	vmmov vm12;
	[tilespmem:$0x1FFF0] =	vst v13  }
0xab: {  	v21 =	vld [tilespmem:$0x1FFB0];
	_ =	sdelay $0x1  }
0xac: {  	v62 =	vld [tilespmem:$0x1FFC0];
	_ =	sdelay $0x2  }
0xad: {  	vm12 =	vmmov vm2;
	vm2 =	vnez.u8 v21  }
0xae: {  	v61 =	vimm.s32 $0x0;
	v63 =	vimm.s32 $0x0;
	vm2 =	vmmov vm2  }
0xaf: {  	s21 =	sadd.s32 $0x80, s21;
	vm11 =	vmmov vm1;
	v21 =	vsel vm2, $0xFFFFFFFF, v61;
	vm2 =	vnez.u8 v62  }
0xb0: {  	v15 =	vor.u32 s21, v7;
	v16 =	vor.u32 s21, v6;
	vm2 =	vmmov vm2  }
0xb1: {  	vm0 =	vge.s32 v15, v10;
	[tilespmem:$0x1FED0] =	vst v21;
	v21 =	vsel vm2, $0xFFFFFFFF, v63;
	vm2 =	vge.s32 v16, v10  }
0xb2: {  	vm1 =	vlt.s32 v15, v12;
	v15 =	vimm.s32 $0x0;
	vm2 =	vmmov vm2  }
0xb3: {  	v15 =	vsel vm2, $0xFFFFFFFF, v15  }
0xb4: {  	vm0 =	vmmov vm0;
	[tilespmem:$0x1FFB0] =	vst v15;
	v15 =	vimm.s32 $0x0  }
0xb5: {  	v15 =	vsel vm0, $0xFFFFFFFF, v15  }
0xb6: {  	vm0 =	vmmov vm1;
	[tilespmem:$0x1FFC0] =	vst v15;
	v15 =	vimm.s32 $0x0  }
0xb7: {  	v15 =	vsel vm0, $0xFFFFFFFF, v15  }
0xb8: {  	[tilespmem:$0x1FF40] =	vst v15;
	v15 =	vld [tilespmem:$0x1FFD0];
	_ =	sdelay $0x2  }
0xb9: {  	v14 =	vor.u32 s21, v4  }
0xba: {  	vm15 =	vmmov vm5;
	vm2 =	vlt.s32 v14, v12;
	vm1 =	vge.s32 v14, v10  }
0xbb: {  	v14 =	vimm.s32 $0x0;
	vm1 =	vmmov vm1;
	vm0 =	vnez.u8 v15  }
0xbc: {  	v15 =	vimm.s32 $0x0;
	vm5 =	vmmov vm0;
	vm0 =	vmmov vm4  }
0xbd: {  	v14 =	vsel vm1, $0xFFFFFFFF, v14;
	v15 =	vsel vm0, $0xFFFFFFFF, v15;
	vm0 =	vlt.s32 v16, v12  }
0xbe: {  	[tilespmem:$0x1FFD0] =	vst v14;
	v14 =	vimm.s32 $0x0;
	vm0 =	vmmov vm0  }
0xbf: {  	v14 =	vsel vm0, $0xFFFFFFFF, v14  }
0xc0: {  	vm0 =	vmmov vm2;
	[tilespmem:$0x1FF60] =	vst v14;
	v14 =	vimm.s32 $0x0  }
0xc1: {  	v14 =	vsel vm0, $0xFFFFFFFF, v14  }
0xc2: {  	[tilespmem:$0x1FF30] =	vst v14;
	v14 =	vld [tilespmem:$0x1FFE0];
	_ =	sdelay $0x4  }
0xc3: {  	v13 =	vor.u32 s21, v8;
	vm1 =	vmmov vm8;
	vm0 =	vnez.u8 v14  }
0xc4: {  	v14 =	vimm.s32 $0x0;
	vm8 =	vmmov vm0;
	vm0 =	vmmov vm7  }
0xc5: {  	vm2 =	vlt.s32 v13, v12;
	v14 =	vsel vm0, $0xFFFFFFFF, v14  }
0xc6: {  	v17 =	vor.u32 s21, v5;
	vm2 =	vmmov vm2;
	[tilespmem:$0x1FF00] =	vst v14;
	v14 =	vimm.s32 $0x0  }
0xc7: {  	vm0 =	vge.s32 v17, v10;
	v14 =	vsel vm2, $0xFFFFFFFF, v14  }
0xc8: {  	v18 =	vor.u32 s21, v0;
	vm0 =	vmmov vm0;
	[tilespmem:$0x1FFE0] =	vst v14;
	v14 =	vimm.s32 $0x0  }
0xc9: {  	vm10 =	vmmov vm1;
	v14 =	vsel vm0, $0xFFFFFFFF, v14;
	vm0 =	vge.s32 v18, v10  }
0xca: {  	vm1 =	vlt.s32 v17, v12;
	[tilespmem:$0x1FF50] =	vst v14;
	vm0 =	vmmov vm0;
	v14 =	vimm.s32 $0x0  }
0xcb: {  	vm7 =	vmmov vm1;
	vm1 =	vlt.s32 v18, v12;
	v14 =	vsel vm0, $0xFFFFFFFF, v14  }
0xcc: {  	vm0 =	vmmov vm1;
	[tilespmem:$0x1FF80] =	vst v14;
	v14 =	vimm.s32 $0x0  }
0xcd: {  	v14 =	vsel vm0, $0xFFFFFFFF, v14  }
0xce: {  	vm0 =	vmmov vm14;
	[tilespmem:$0x1FF10] =	vst v14;
	v14 =	vimm.s32 $0x0  }
0xcf: {  	v14 =	vsel vm0, $0xFFFFFFFF, v14  }
0xd0: {  	[tilespmem:$0x1FF20] =	vst v14;
	v14 =	vld [tilespmem:$0x1FFF0];
	_ =	sdelay $0x2  }
0xd1: {  	vm13 =	vmmov vm9;
	v19 =	vor.u32 s21, v3;
	v20 =	vor.u32 s21, v9  }
0xd2: {  	p1 =	sne.s32 s22, $0x1;
	vm9 =	vmmov vm12;
	vm4 =	vmmov vm3;
	vm2 =	vge.s32 v19, v10  }
.Ltmp4:
0xd3: {  	s23 =	sadd.s32 s7, s20;
	vm3 =	vmmov vm6;
	vm12 =	vmmov vm2;
	vm0 =	vnez.u8 v14;
	(pc) =	sbr.rel @!p1 .LBB2_5-.Ltmp4, $4  }
0xd4: {  	[tilespmem:s16], [sflag:$0x2] =	stream.linear.gather [hbm4b:s23+s4], $0x80, $0x38;
	vm2 =	vlt.s32 v20, v12;
	vm1 =	vmmov vm0;
	vm0 =	vlt.s32 v19, v12;
	[tilespmem:$0xE580] =	vst v63  }
0xd5: {  	[tilespmem:$0x1FEE0] =	vst v21;
	v14 =	vimm.s32 $0x0;
	vm6 =	vmmov vm0;
	vm0 =	vmmov vm2  }
0xd6: {  	[tilespmem:$0x1FEF0] =	vst v15;
	vm14 =	vge.s32 v20, v10;
	v14 =	vsel vm0, $0xFFFFFFFF, v14  }
0xd7: {  	s22 =	sadd.s32 $0xFFFFFFFF, s22;
	p0 =	por $0x1, $0x1;
	vm15 =	vmmov vm15;
	s23 =	sshrl.u32 s21, $0x3;
	vm14 =	vmmov vm14;
	[tilespmem:$0x1FFF0] =	vst v14  }
.LBB2_6:
0xd8: {  	v14 =	vimm.s32 $0x0  }
0xd9: {  	v14 =	vsel vm7, $0xFFFFFFFF, v14  }
0xda: {  	[tilespmem:$0x1FF70] =	vst v14;
	v14 =	vimm.s32 $0x0  }
0xdb: {  	v14 =	vsel vm12, $0xFFFFFFFF, v14  }
0xdc: {  	[tilespmem:$0x1FFA0] =	vst v14;
	v14 =	vimm.s32 $0x0  }
0xdd: {  	vm2 =	vmmov vm11;
	v14 =	vsel vm6, $0xFFFFFFFF, v14  }
0xde: {  	s21 =	sadd.s32 $0x80, s21;
	v58 =	vimm.s32 $0x0;
	v59 =	vimm.s32 $0x0;
	[tilespmem:$0x1FF90] =	vst v14;
	v14 =	vimm.s32 $0x0  }
0xdf: {  	v15 =	vor.u32 s21, v6;
	v16 =	vor.u32 s21, v7;
	v14 =	vsel vm14, $0xFFFFFFFF, v14  }
0xe0: {  	vm11 =	vge.s32 v16, v10;
	vm0 =	vlt.s32 v16, v12;
	[tilespmem:$0x1FE80] =	vst v14;
	v14 =	vor.u32 s21, v4  }
0xe1: {  	v16 =	vsel vm0, $0xFFFFFFFF, v58;
	vm6 =	vge.s32 v15, v10;
	_ =	swait.ge [sflag:s14], $0x80;
	vm0 =	vge.s32 v14, v10  }
0xe2: {  	[tilespmem:$0x1FDD0] =	vst v16;
	v16 =	vsel vm0, $0xFFFFFFFF, v59;
	vm0 =	vlt.s32 v15, v12;
	v15 =	vimm.s32 $0x0  }
0xe3: {  	[tilespmem:$0x1FDE0] =	vst v16;
	v15 =	vsel vm0, $0xFFFFFFFF, v15;
	vm0 =	vlt.s32 v14, v12;
	v14 =	vimm.s32 $0x0  }
0xe4: {  	[sflag:s14] =	ssyncset.done $0x0;
	[tilespmem:$0x1FDF0] =	vst v15;
	v15 =	vor.u32 s21, v8;
	v14 =	vsel vm0, $0xFFFFFFFF, v14  }
0xe5: {  	s25 =	sadd.s32 s8, s20;
	v60 =	vimm.s32 $0x0;
	[sflag:s14] =	ssyncadd.s32 $0xFFFFFF80;
	[tilespmem:$0x1FE00] =	vst v14;
	v14 =	vor.u32 s21, v5;
	vm0 =	vlt.s32 v15, v12  }
0xe6: {  	v17 =	vimm.s32 $0x0;
	[tilespmem:s17], [sflag:$0x2] =	stream.linear.gather [hbm4b:s25+s4], $0x80, $0x38;
	v16 =	vsel vm0, $0xFFFFFFFF, v60;
	vm0 =	vge.s32 v14, v10;
	[tilespmem:$0xE580] =	vst v63  }
0xe7: {  	[tilespmem:$0x1FE10] =	vst v16;
	v17 =	vsel vm0, $0xFFFFFFFF, v17;
	vm0 =	vlt.s32 v14, v12;
	v14 =	vimm.s32 $0x0  }
0xe8: {  	v61 =	vor.u32 s21, v0;
	_ =	swait.ge [sflag:s14], $0x80;
	v14 =	vsel vm0, $0xFFFFFFFF, v14  }
0xe9: {  	vm0 =	vge.s32 v61, v10;
	[tilespmem:$0x1FE30] =	vst v14;
	v14 =	vimm.s32 $0x0;
	v20 =	vld [tilespmem:$0x1FEE0]  }
0xea: {  	v21 =	vld [tilespmem:$0x1FED0];
	v14 =	vsel vm0, $0xFFFFFFFF, v14  }
0xeb: {  	v27 =	vld [tilespmem:$0x1FEF0];
	vm0 =	vlt.s32 v61, v12;
	[tilespmem:$0x1FE40] =	vst v14;
	v14 =	vimm.s32 $0x0  }
0xec: {  	v30 =	vld [tilespmem:$0x1FFB0];
	v14 =	vsel vm0, $0xFFFFFFFF, v14  }
0xed: {  	v32 =	vld [tilespmem:$0x1FF00];
	[tilespmem:$0x1FE50] =	vst v14;
	v14 =	vor.u32 s21, v3  }
0xee: {  	v62 =	vimm.s32 $0x0;
	v38 =	vld [tilespmem:$0x1FFC0];
	vm0 =	vge.s32 v14, v10  }
0xef: {  	v43 =	vld [tilespmem:$0x1FF20];
	v16 =	vsel vm0, $0xFFFFFFFF, v62;
	vm0 =	vlt.s32 v14, v12;
	v14 =	vimm.s32 $0x0  }
0xf0: {  	v24 =	vimm.s32 $0x0;
	[sflag:s14] =	ssyncset.done $0x0;
	v44 =	vld [tilespmem:$0x1FF40];
	v14 =	vsel vm0, $0xFFFFFFFF, v14  }
0xf1: {  	vm4 =	vmand vm5, vm4;
	v31 =	vimm.s32 $0x0;
	v45 =	vld [tilespmem:$0x1FDD0];
	[sflag:s14] =	ssyncadd.s32 $0xFFFFFF80;
	[tilespmem:$0x1FE70] =	vst v14;
	v14 =	vor.u32 s21, v9  }
0xf2: {  	v34 =	vimm.s32 $0x0;
	v39 =	vimm.s32 $0x0;
	v19 =	vld [tilespmem:$0x130];
	vm0 =	vge.s32 v14, v10  }
0xf3: {  	[tilespmem:$0x1FE20] =	vst v17;
	v26 =	vld [tilespmem:$0x150];
	v17 =	vsel vm0, $0xFFFFFFFF, v24;
	vm0 =	vlt.s32 v14, v12;
	v14 =	vimm.s32 $0x0  }
0xf4: {  	v46 =	vimm.s32 $0x0;
	v50 =	vimm.s32 $0x0;
	v25 =	vld [tilespmem:$0x120];
	v14 =	vsel vm0, $0xFFFFFFFF, v14  }
0xf5: {  	v52 =	vimm.s32 $0x0;
	v54 =	vimm.s32 $0x0;
	v58 =	vimm.s32 $0x0;
	[tilespmem:$0x1FEA0] =	vst v14;
	v14 =	vld [tilespmem:$0x140]  }
0xf6: {  	vm12 =	vmmov vm6;
	vm6 =	vmand vm13, vm15;
	vm14 =	vge.s32 v11, v10;
	v28 =	vld [tilespmem:$0x80]  }
0xf7: {  	vm14 =	vmand vm14, vm8;
	v18 =	vld [tilespmem:$0xE0];
	vm5 =	vnez.u8 v27;
	vm7 =	vnez.u8 v30  }
0xf8: {  	v63 =	vld [tilespmem:$0xD0];
	v33 =	vadd.s32 v19, v1;
	v37 =	vadd.s32 v26, v1;
	vm0 =	vnez.u8 v20  }
0xf9: {  	v11 =	vmovc v13;
	v13 =	vmovc v15;
	v15 =	vld [tilespmem:$0xB0];
	[tilespmem:$0x1FE90] =	vst v17;
	v17 =	vadd.s32 v25, v1;
	vm0 =	vmand vm0, vm2;
	vm2 =	vnez.u8 v21  }
0xfa: {  	v47 =	vld [tilespmem:$0x1FFD0];
	v17 =	vsel vm4, v17, v2;
	vm2 =	vmand vm2, vm5;
	v14 =	vadd.s32 v14, v1  }
0xfb: {  	v49 =	vld [tilespmem:$0x1FDE0];
	[tilespmem:$0x1FE60] =	vst v16;
	v21 =	vnsel vm6, $0x0, v28;
	vm5 =	vmmov vm7;
	v14 =	vsel vm2, v14, v2  }
0xfc: {  	v51 =	vld [tilespmem:$0x1FF60];
	[tilespmem:$0x140] =	vst v14;
	v14 =	vnsel vm14, $0x0, v18;
	v18 =	vsel vm5, $0xFFFFFFFF, v31;
	vm5 =	vnez.u8 v32  }
0xfd: {  	v53 =	vld [tilespmem:$0x1FDF0];
	v16 =	vnsel vm0, $0x0, v63;
	[tilespmem:$0x1FED0] =	vst v18;
	vm5 =	vmand vm5, vm10;
	vm10 =	vnez.u8 v38  }
0xfe: {  	v55 =	vld [tilespmem:$0x1FF30];
	[tilespmem:$0xE0] =	vst v14;
	v18 =	vsel vm0, v37, v2;
	vm7 =	vmmov vm10;
	v15 =	vnsel vm5, $0x0, v15  }
0xff: {  	v14 =	vld [tilespmem:$0xF0];
	vm0 =	vmmov vm11;
	v20 =	vsel vm7, $0xFFFFFFFF, v39;
	[tilespmem:$0xB0] =	vst v15;
	v15 =	vimm.s32 $0x0  }
0x100: {  	v29 =	vld [tilespmem:$0x90];
	vm7 =	vmand vm9, vm3;
	v15 =	vsel vm0, $0xFFFFFFFF, v15;
	vm0 =	vnez.u8 v43  }
0x101: {  	v40 =	vld [tilespmem:$0xC0];
	[tilespmem:$0x120] =	vst v17;
	vm3 =	vnez.u8 v45;
	vm0 =	vmand vm0, vm1;
	vm1 =	vnez.u8 v44  }
0x102: {  	v57 =	vld [tilespmem:$0x1FE00];
	[tilespmem:$0x80] =	vst v21;
	v36 =	vsel vm5, v33, v2;
	vm11 =	vmmov vm1;
	vm1 =	vmmov vm3  }
0x103: {  	v59 =	vld [tilespmem:$0x1FFE0];
	[tilespmem:$0x150] =	vst v18;
	vm3 =	vnez.u8 v49;
	v21 =	vsel vm1, $0xFFFFFFFF, v46;
	vm1 =	vnez.u8 v47  }
0x104: {  	v35 =	vld [tilespmem:$0xA0];
	[tilespmem:$0x1FFC0] =	vst v15;
	v14 =	vnsel vm0, $0x0, v14;
	vm5 =	vmmov vm1;
	vm1 =	vmmov vm3  }
0x105: {  	v15 =	vnsel vm7, $0x0, v29;
	[tilespmem:$0xF0] =	vst v14;
	v14 =	vld [tilespmem:$0x1FE10];
	v18 =	vsel vm1, $0xFFFFFFFF, v50;
	vm1 =	vnez.u8 v51  }
0x106: {  	v17 =	vnsel vm2, $0x0, v40;
	vm2 =	vnez.u8 v53;
	[tilespmem:$0x90] =	vst v15;
	vm3 =	vmmov vm1  }
0x107: {  	v42 =	vld [tilespmem:$0x160];
	v19 =	vsel vm12, $0xFFFFFFFF, v34;
	[tilespmem:$0x1FFD0] =	vst v18;
	vm1 =	vmmov vm2;
	v18 =	vsel vm3, $0xFFFFFFFF, v52  }
0x108: {  	v15 =	vld [tilespmem:$0x170];
	vm2 =	vnez.u8 v57;
	[tilespmem:$0x1FEF0] =	vst v18;
	v18 =	vsel vm1, $0xFFFFFFFF, v54;
	vm1 =	vnez.u8 v55  }
0x109: {  	[tilespmem:$0x1FFB0] =	vst v19;
	v19 =	vnsel vm4, $0x0, v35;
	vm4 =	vmmov vm1;
	vm1 =	vmmov vm2  }
0x10a: {  	[tilespmem:$0xC0] =	vst v17;
	vm2 =	vnez.u8 v14;
	v17 =	vsel vm1, $0xFFFFFFFF, v58;
	vm1 =	vnez.u8 v59  }
0x10b: {  	v14 =	vimm.s32 $0x0;
	vm8 =	vmmov vm1;
	vm1 =	vmmov vm2  }
0x10c: {  	[tilespmem:$0xD0] =	vst v16;
	v16 =	vadd.s32 v42, v1;
	v14 =	vsel vm1, $0xFFFFFFFF, v14  }
0x10d: {  	v61 =	vld [tilespmem:$0x1FF50];
	v15 =	vadd.s32 v15, v1;
	[tilespmem:$0x1FFE0] =	vst v14;
	v14 =	vsel vm14, v16, v2  }
0x10e: {  	[tilespmem:$0x160] =	vst v14;
	v14 =	vsel vm0, v15, v2;
	v15 =	vld [tilespmem:$0x1FE20];
	_ =	sdelay $0x1  }
0x10f: {  	[tilespmem:$0x170] =	vst v14;
	v14 =	vld [tilespmem:$0x1FF70];
	_ =	sdelay $0x1  }
0x110: {  	vm1 =	vnez.u8 v61  }
0x111: {  	vm2 =	vmmov vm1;
	vm1 =	vnez.u8 v15  }
0x112: {  	v15 =	vimm.s32 $0x0;
	vm0 =	vmmov vm1  }
0x113: {  	v15 =	vsel vm0, $0xFFFFFFFF, v15;
	vm0 =	vnez.u8 v14;
	v14 =	vld [tilespmem:$0x1FE30];
	_ =	sdelay $0x3  }
0x114: {  	v48 =	vld [tilespmem:$0x110]  }
0x115: {  	vm10 =	vmmov vm0;
	vm0 =	vnez.u8 v14;
	v14 =	vld [tilespmem:$0x1FF80];
	_ =	sdelay $0x3  }
0x116: {  	v63 =	vadd.s32 v48, v1  }
0x117: {  	[tilespmem:$0x1FF50] =	vst v15;
	v15 =	vsel vm7, v63, v2;
	vm7 =	vmmov vm0;
	vm0 =	vnez.u8 v14;
	v14 =	vld [tilespmem:$0x1FE40];
	_ =	sdelay $0x4  }
0x118: {  	vm1 =	vnez.u8 v14  }
0x119: {  	vm13 =	vmmov vm0;
	v14 =	vimm.s32 $0x0;
	vm0 =	vmmov vm1  }
0x11a: {  	v14 =	vsel vm0, $0xFFFFFFFF, v14  }
0x11b: {  	[tilespmem:$0x1FF80] =	vst v14;
	v14 =	vld [tilespmem:$0x1FF10];
	_ =	sdelay $0x3  }
0x11c: {  	v41 =	vld [tilespmem:$0x100]  }
0x11d: {  	vm0 =	vnez.u8 v14;
	v14 =	vld [tilespmem:$0x1FE50];
	_ =	sdelay $0x3  }
0x11e: {  	v56 =	vadd.s32 v41, v1  }
0x11f: {  	v60 =	vsel vm6, v56, v2;
	vm1 =	vnez.u8 v14  }
0x120: {  	[tilespmem:$0xA0] =	vst v19;
	vm15 =	vmmov vm0;
	v14 =	vimm.s32 $0x0;
	vm0 =	vmmov vm1  }
0x121: {  	[tilespmem:$0x100] =	vst v60;
	v14 =	vsel vm0, $0xFFFFFFFF, v14  }
0x122: {  	[tilespmem:$0x1FF10] =	vst v14;
	v14 =	vld [tilespmem:$0x1FFA0]  }
0x123: {  	[tilespmem:$0x130] =	vst v36  }
0x124: {  	[tilespmem:$0x1FEE0] =	vst v20  }
0x125: {  	[tilespmem:$0x1FF40] =	vst v21  }
0x126: {  	v62 =	vimm.s32 $0x0;
	[tilespmem:$0x1FF60] =	vst v18  }
0x127: {  	[tilespmem:$0x1FF30] =	vst v17;
	v16 =	vsel vm2, $0xFFFFFFFF, v62;
	vm0 =	vnez.u8 v14;
	v14 =	vld [tilespmem:$0x1FE60]  }
0x128: {  	[tilespmem:$0x1FF00] =	vst v16  }
0x129: {  	[tilespmem:$0x110] =	vst v15  }
0x12a: {  	[tilespmem:s18], [sflag:$0x1] =	stream.indirect.gather [hbm4b:s6+s16], $0x80, s16, s16, $0xb8;
	[tilespmem:$0xE580] =	vst v63  }
0x12b: {  	_ =	swait.ge [sflag:s15], $0x4000  }
0x12c: {  	vm9 =	vmmov vm0;
	vm0 =	vnez.u8 v14;
	v14 =	vld [tilespmem:$0x1FF90];
	_ =	sdelay $0x4  }
0x12d: {  	vm12 =	vmmov vm0;
	vm0 =	vnez.u8 v14;
	v14 =	vld [tilespmem:$0x1FE70];
	_ =	sdelay $0x4  }
0x12e: {  	vm3 =	vmmov vm0;
	vm0 =	vnez.u8 v14;
	v14 =	vld [tilespmem:$0x1FE80];
	_ =	sdelay $0x4  }
0x12f: {  	vm1 =	vnez.u8 v14  }
0x130: {  	vm6 =	vmmov vm0;
	v14 =	vimm.s32 $0x0;
	vm0 =	vmmov vm1  }
0x131: {  	v14 =	vsel vm0, $0xFFFFFFFF, v14  }
0x132: {  	[tilespmem:$0x1FF20] =	vst v14;
	v14 =	vld [tilespmem:$0x1FE90];
	_ =	sdelay $0x4  }
0x133: {  	vm0 =	vnez.u8 v14;
	v14 =	vld [tilespmem:$0x1FFF0];
	_ =	sdelay $0x4  }
0x134: {  	vm14 =	vmmov vm0;
	vm0 =	vnez.u8 v14;
	v14 =	vld [tilespmem:$0x1FEA0];
	_ =	sdelay $0x4  }
0x135: {  	[sflag:s15] =	ssyncset.done $0x0;
	vm2 =	vnez.u8 v14  }
0x136: {  	p1 =	sne.s32 s22, $0x1;
	[sflag:s15] =	ssyncadd.s32 $0xFFFFC000;
	vm1 =	vmmov vm0;
	v14 =	vimm.s32 $0x0;
	vm0 =	vmmov vm2  }
0x137: {  	[spmem:s2] =	stream.indirect.scatter.add.f32 [tilespmem:s18], [sflag:$0x2], $0x80, s17, s16, $0xb8;
	v14 =	vsel vm0, $0xFFFFFFFF, v14;
	[tilespmem:$0xE580] =	vst v63  }
.Ltmp5:
0x138: {  	[tilespmem:$0x1FFF0] =	vst v14;
	(pc) =	sbr.rel @p1 .LBB2_6-.Ltmp5, $4  }
0x139: {  	s22 =	sadd.s32 $0xFFFFFFFF, s22;
	_ =	swait.ge [sflag:s14], $0x4000  }
0x13a: {  	s20 =	smov.u32 s23;
	s24 =	sshrl.u32 s21, $0x3;
	[sflag:s14] =	ssyncset.done $0x0  }
0x13b: {  	s31 =	sadd.s32 s7, s20;
	s23 =	smov.u32 s24;
	[sflag:s14] =	ssyncadd.s32 $0xFFFFC000  }
0x13c: {  	[tilespmem:s16], [sflag:$0x2] =	stream.linear.gather [hbm4b:s31+s4], $0x80, $0x38;
	[tilespmem:$0xE580] =	vst v63  }
0x13d: {  	v12 =	vimm.s32 $0x0  }
0x13e: {  	v12 =	vsel vm3, $0xFFFFFFFF, v12  }
0x13f: {  	[tilespmem:$0x1FEB0] =	vst v12;
	v12 =	vimm.s32 $0x0  }
0x140: {  	v12 =	vsel vm10, $0xFFFFFFFF, v12  }
0x141: {  	[tilespmem:$0x1FEC0] =	vst v12;
	v12 =	vimm.s32 $0x0  }
0x142: {  	v12 =	vsel vm7, $0xFFFFFFFF, v12  }
0x143: {  	[tilespmem:$0x1FF70] =	vst v12;
	v12 =	vld [tilespmem:$0x1FF10];
	_ =	sdelay $0x4  }
0x144: {  	vm7 =	vnez.u8 v12;
	v12 =	vimm.s32 $0x0  }
0x145: {  	v12 =	vsel vm6, $0xFFFFFFFF, v12  }
0x146: {  	[tilespmem:$0x1FF90] =	vst v12;
	v12 =	vimm.s32 $0x0  }
0x147: {  	v12 =	vsel vm12, $0xFFFFFFFF, v12;
	_ =	sdelay $0x2  }
0x148: {  	[tilespmem:$0x1FFA0] =	vst v12;
	v12 =	vmov v11;
	v11 =	vmov v13;
	v13 =	vld [tilespmem:$0x1FED0];
	_ =	sdelay $0x4  }
0x149: {  	vm0 =	vnez.u8 v13;
	v13 =	vld [tilespmem:$0x1FEE0];
	_ =	sdelay $0x4  }
0x14a: {  	vm2 =	vnez.u8 v13;
	v13 =	vld [tilespmem:$0x1FEF0];
	_ =	sdelay $0x4  }
0x14b: {  	vm12 =	vnez.u8 v13;
	v13 =	vld [tilespmem:$0x1FF00]  }
.Ltmp6:
0x14c: {  	_ = 	snop;
	(pc) =	sbr.rel .LBB2_8-.Ltmp6, $2  }
0x14d: {  	_ =	sdelay $0x2  }
0x14e: {  	s21 =	smov.u32 s20;
	s20 =	smov.u32 s23;
	vm6 =	vnez.u8 v13  }
.LBB2_5:
0x14f: {  	v12 =	vimm.s32 $0x0  }
0x150: {  	v12 =	vsel vm3, $0xFFFFFFFF, v12  }
0x151: {  	[tilespmem:$0x1FEB0] =	vst v12;
	v12 =	vimm.s32 $0x0  }
0x152: {  	v12 =	vsel vm10, $0xFFFFFFFF, v12  }
0x153: {  	[tilespmem:$0x1FEC0] =	vst v12;
	v12 =	vimm.s32 $0x0  }
0x154: {  	v12 =	vsel vm7, $0xFFFFFFFF, v12  }
0x155: {  	[tilespmem:$0x1FF70] =	vst v12;
	v12 =	vld [tilespmem:$0x1FF10];
	_ =	sdelay $0x4  }
0x156: {  	vm7 =	vnez.u8 v12;
	v12 =	vimm.s32 $0x0  }
0x157: {  	v12 =	vsel vm6, $0xFFFFFFFF, v12  }
0x158: {  	[tilespmem:$0x1FF90] =	vst v12;
	v12 =	vimm.s32 $0x0  }
0x159: {  	v12 =	vsel vm12, $0xFFFFFFFF, v12;
	_ =	sdelay $0x2  }
0x15a: {  	[tilespmem:$0x1FFA0] =	vst v12;
	v12 =	vmov v11;
	v11 =	vmov v13;
	v13 =	vld [tilespmem:$0x1FED0];
	_ =	sdelay $0x4  }
0x15b: {  	vm0 =	vnez.u8 v13;
	v13 =	vld [tilespmem:$0x1FEE0];
	_ =	sdelay $0x4  }
0x15c: {  	vm2 =	vnez.u8 v13;
	v13 =	vld [tilespmem:$0x1FEF0];
	_ =	sdelay $0x4  }
0x15d: {  	vm12 =	vnez.u8 v13;
	v13 =	vld [tilespmem:$0x1FF00]  }
.Ltmp7:
0x15e: {  	_ = 	snop;
	(pc) =	sbr.rel .LBB2_8-.Ltmp7, $2  }
0x15f: {  	_ =	sdelay $0x2  }
0x160: {  	s21 =	smov.u32 s20;
	s20 =	smov.u32 s23;
	vm6 =	vnez.u8 v13  }
.LBB2_10:
0x161: {  	_ =	sfence.sel $0x180000  }
0x162: {  	[bflag:$0x0] =	sbarrier.arrive $0xFFFF  }
0x163: {  	p0 =	sne.s32 s3, $0x0;
	_ =	strace $0x9000005C  }
0x164: {  	s0 =	sadd.s32 @!p0 $0x100000, s0;
	[bflag:$0x2] =	sbarrier.arrive $0xFFFF  }
0x165: {  	[sflag:s0] =	ssyncadd.tile.s32 @!p0 $0x1;
	_ =	shalt  }
.Lfunc_end2:
_tile_overlayer_lowered:
.L_overlay_start_2:
0x166: {  	(tag) =	ssettag $0x2  }
0x167: {  	s0 =	rddreg [dreg:$0x0];
	s2 =	stileid.u32  }
0x168: {  	s1 =	rddreg [dreg:$0x1];
	p0 =	sne.s32 s2, $0x0  }
0x169: {  	s3 =	rddreg [dreg:$0x2];
	[bflag:$0x3] =	sbarrier.arrive $0xFFFF;
	s2 =	simm.s32 @!p0 $0x1C02  }
0x16a: {  	[timem:s3], [sflag:s2] =	dma.local @!p0 [hbm:s0], s1  }
0x16b: {  	s0 =	simm.s32 @!p0 $0x2  }
0x16c: {  	_ =	swait.ge @!p0 [sflag:s0], s1  }
0x16d: {  	s1 =	ssub.s32 @!p0 $0x0, s1;
	[sflag:s0] =	ssyncset.done @!p0 $0x0  }
0x16e: {  	[sflag:s0] =	ssyncadd.s32 @!p0 s1  }
0x16f: {  	[bflag:$0x3] =	sbarrier.arrive $0xFFFF  }
0x170: {  	_ =	shalt  }

// kernel: scatter_offload_async_start.1
scs
__scs_entry_jumppad:
0x0: {  	(pc) =	sbr.rel $0x88, $3  }
0x1: {  	(tag) =	ssettag $0x0;
	lr =	simm.s32 $0x1  }
0x2: {  	[smem:$0x3F8C] =	sst lr;
	_ =	strace $0xD0000000  }
0x3: {  	_ = 	snop  }
0x4: {  	_ = 	snop  }
0x5: {  	_ = 	snop  }
0x6: {  	_ = 	snop  }
0x7: {  	_ = 	snop  }
__scs_overlays_trampoline_lowered:
0x8: {  	[smem:$0x3F9B] =	sst s0  }
0x9: {  	[smem:$0x3F9C] =	sst s1  }
0xa: {  	[smem:$0x3F9D] =	sst s2  }
0xb: {  	[smem:$0x3F9E] =	sst s3  }
0xc: {  	[smem:$0x3F9F] =	sst s4  }
0xd: {  	[smem:$0x3FA0] =	sst s5  }
0xe: {  	[smem:$0x3FA1] =	sst s6  }
0xf: {  	[smem:$0x3FA2] =	sst s7  }
0x10: {  	[smem:$0x3FA3] =	sst s8  }
0x11: {  	[smem:$0x3FA4] =	sst s9;
	s0 =	simm.s32 @!p0 $0x0  }
0x12: {  	s1 =	sld [smem:$0x3F8A];
	s0 =	simm.s32 @p0 $0x1  }
0x13: {  	[smem:$0x3FA5] =	sst s0;
	s0 =	simm.s32 @!p1 $0x0  }
0x14: {  	s2 =	sld [smem:$0x3F89];
	s0 =	simm.s32 @p1 $0x1  }
0x15: {  	[smem:$0x3FA6] =	sst s0;
	s0 =	simm.s32 @!p2 $0x0  }
0x16: {  	s3 =	sld [smem:$0x3FDB];
	s0 =	simm.s32 @p2 $0x1  }
0x17: {  	s4 =	simm.s32 $0x1BF5;
	[smem:$0x3FA8] =	sst s0  }
0x18: {  	s0 =	sld [smem:$0x3F8B];
	_ =	swait.ge [sflag:s4], $0x0  }
0x19: {  	s7 =	sld [smem:$0x3F8C]  }
0x1a: {  	s8 =	sadd.s32 $0xFFFFE003, lr  }
0x1b: {  	s9 =	sadd.s32 $0xFFFFFEF7, lr;
	s5 =	simm.s32 $0xFFFFFFFF;
	p2 =	slt.u32 s8, $0xFFFFF086  }
0x1c: {  	p1 =	slt.u32 s9, $0xF7A;
	s5 =	simm.s32 @!p2 $0x0  }
0x1d: {  	s5 =	simm.s32 @p1 $0x1;
	p0 =	seq.s32 s7, s2  }
0x1e: {  	s7 =	smul.u32 @!p0 $0xF7A, s2;
	p2 =	seq.s32 @!p0 s5, $0x0  }
0x1f: {  	s9 =	smul.u32 $0xF7A, s1;
	s8 =	simm.s32 @!p0 $0x1BF5;
	p2 =	por !p2, p0  }
0x20: {  	[sflag:s8] =	ssyncset.s32 @!p0 $0xFFFFF086;
	s6 =	sadd.s32 @!p0 s3, s7;
	s7 =	simm.s32 @!p0 $0x108  }
0x21: {  	s3 =	sadd.s32 s3, s9;
	s6 =	sadd.s32 @!p0 $0x88, s6;
	s7 =	simm.s32 @p2 $0x1082  }
0x22: {  	[simem:s7], [sflag:s8] =	dma.local @!p0 [hbm:s6], $0xF7A  }
0x23: {  	s9 =	sor.u32 $0xD0000000, s2;
	s6 =	simm.s32 $0x108;
	_ =	swait.ge @!p0 [sflag:s8], $0x0  }
0x24: {  	s3 =	sadd.s32 $0x88, s3;
	s6 =	simm.s32 @!p1 $0x1082;
	[sflag:s4] =	ssyncset.s32 $0xFFFFF086  }
0x25: {  	[simem:s6], [sflag:s4] =	dma.local [hbm:s3], $0xF7A  }
0x26: {  	[smem:$0x3F8C] =	sst s1;
	(tag) =	ssettag s2;
	_ =	strace s9  }
0x27: {  	s1 =	sld [smem:$0x3F9C]  }
0x28: {  	s2 =	sld [smem:$0x3F9D]  }
0x29: {  	s4 =	sld [smem:$0x3F9F]  }
0x2a: {  	p0 =	seq.s32 s5, $0x0;
	s5 =	sld [smem:$0x3FA0]  }
0x2b: {  	s6 =	sld [smem:$0x3FA1]  }
0x2c: {  	s7 =	sld [smem:$0x3FA2]  }
0x2d: {  	s3 =	simm.s32 $0x108;
	s8 =	sld [smem:$0x3FA3]  }
0x2e: {  	s3 =	simm.s32 @!p0 $0x1082;
	s9 =	sld [smem:$0x3FA4]  }
0x2f: {  	lr =	sadd.s32 s0, s3;
	s0 =	sld [smem:$0x3F9B]  }
0x30: {  	s3 =	sld [smem:$0x3F9E]  }
0x31: {  	[smem:$0x3FA7] =	sst s10  }
0x32: {  	s10 =	sld [smem:$0x3FA5];
	_ =	sdelay $0x3  }
0x33: {  	p0 =	seq.s32 s10, $0x1;
	s10 =	sld [smem:$0x3FA7];
	_ =	sdelay $0x3  }
0x34: {  	[smem:$0x3FA7] =	sst s10  }
0x35: {  	s10 =	sld [smem:$0x3FA6];
	_ =	sdelay $0x3  }
0x36: {  	p1 =	seq.s32 s10, $0x1;
	s10 =	sld [smem:$0x3FA7];
	_ =	sdelay $0x3  }
0x37: {  	[smem:$0x3FA7] =	sst s10  }
0x38: {  	s10 =	sld [smem:$0x3FA8]  }
0x39: {  	_ = 	snop;
	(pc) =	sbr.ind lr, $3  }
0x3a: {  	_ = 	snop  }
0x3b: {  	_ = 	snop  }
0x3c: {  	p2 =	seq.s32 s10, $0x1;
	s10 =	sld [smem:$0x3FA7]  }
0x3d: {  	_ =	shalt  }
0x3e: {  	_ =	shalt  }
0x3f: {  	_ =	shalt  }
0x40: {  	_ =	shalt  }
0x41: {  	_ =	shalt  }
0x42: {  	_ =	shalt  }
0x43: {  	_ =	shalt  }
0x44: {  	_ =	shalt  }
0x45: {  	_ =	shalt  }
0x46: {  	_ =	shalt  }
0x47: {  	_ =	shalt  }
0x48: {  	_ =	shalt  }
0x49: {  	_ =	shalt  }
0x4a: {  	_ =	shalt  }
0x4b: {  	_ =	shalt  }
0x4c: {  	_ =	shalt  }
0x4d: {  	_ =	shalt  }
0x4e: {  	_ =	shalt  }
0x4f: {  	_ =	shalt  }
0x50: {  	_ =	shalt  }
0x51: {  	_ =	shalt  }
0x52: {  	_ =	shalt  }
0x53: {  	_ =	shalt  }
0x54: {  	_ =	shalt  }
0x55: {  	_ =	shalt  }
0x56: {  	_ =	shalt  }
0x57: {  	_ =	shalt  }
0x58: {  	_ =	shalt  }
0x59: {  	_ =	shalt  }
0x5a: {  	_ =	shalt  }
0x5b: {  	_ =	shalt  }
0x5c: {  	_ =	shalt  }
0x5d: {  	_ =	shalt  }
0x5e: {  	_ =	shalt  }
0x5f: {  	_ =	shalt  }
0x60: {  	_ =	shalt  }
0x61: {  	_ =	shalt  }
0x62: {  	_ =	shalt  }
0x63: {  	_ =	shalt  }
0x64: {  	_ =	shalt  }
0x65: {  	_ =	shalt  }
0x66: {  	_ =	shalt  }
0x67: {  	_ =	shalt  }
0x68: {  	_ =	shalt  }
0x69: {  	_ =	shalt  }
0x6a: {  	_ =	shalt  }
0x6b: {  	_ =	shalt  }
0x6c: {  	_ =	shalt  }
0x6d: {  	_ =	shalt  }
0x6e: {  	_ =	shalt  }
0x6f: {  	_ =	shalt  }
0x70: {  	_ =	shalt  }
0x71: {  	_ =	shalt  }
0x72: {  	_ =	shalt  }
0x73: {  	_ =	shalt  }
0x74: {  	_ =	shalt  }
0x75: {  	_ =	shalt  }
0x76: {  	_ =	shalt  }
0x77: {  	_ =	shalt  }
0x78: {  	_ =	shalt  }
0x79: {  	_ =	shalt  }
0x7a: {  	_ =	shalt  }
0x7b: {  	_ =	shalt  }
0x7c: {  	_ =	shalt  }
0x7d: {  	_ =	shalt  }
0x7e: {  	_ =	shalt  }
0x7f: {  	_ =	shalt  }
0x80: {  	_ =	shalt  }
0x81: {  	_ =	shalt  }
0x82: {  	_ =	shalt  }
0x83: {  	_ =	shalt  }
0x84: {  	_ =	shalt  }
0x85: {  	_ =	shalt  }
0x86: {  	_ =	shalt  }
0x87: {  	_ =	shalt  }
.Lfunc_end0:
.L_simem_size_0:
called_computation.1_lowered:
.L_overlay_start_0:
0x88: {  	s0 =	sld [smem:$0x3FD9]  }
0x89: {  	s1 =	sld [smem:$0x3FFE];
	_ =	sdelay $0x3  }
0x8a: {  	s0 =	sadd.s32 s1, s0  }
0x8b: {  	[smem:$0x3FB3] =	sst s0  }
0x8c: {  	_ = 	snop  }
0x8d: {  	(tm) =	ssettm $0x1  }
0x8e: {  	s15 =	sld [smem:$0x3FFB];
	_ =	sdelay $0x3  }
0x8f: {  	_ =	strace s15  }
0x90: {  	s0 =	sld [smem:$0x3FFC];
	_ =	sdelay $0x3  }
0x91: {  	_ =	strace s0  }
0x92: {  	s0 =	sld [smem:$0x3FFD];
	_ =	sdelay $0x3  }
0x93: {  	_ =	strace s0  }
0x94: {  	_ =	strace $0x8FFFFFFF  }
0x95: {  	s16 =	sld [smem:$0x3FDB];
	_ =	sdelay $0x1  }
0x96: {  	s17 =	simm.s32 $_scs_section_size  }
0x97: {  	s2 =	simm.s32 $_size__tile_overlayer_lowered;
	s3 =	simm.s32 $_tile_overlayer_lowered  }
0x98: {  	s20 =	simm.s32 $0x1BFF;
	s19 =	sshll.u32 s3, $0x1;
	s0 =	sadd.s32 s17, s16  }
0x99: {  	s4 =	simm.s32 $0x0;
	s18 =	sshll.u32 s2, $0x1;
	s2 =	sadd.s32 s19, s0  }
0x9a: {  	[timem:s4], [sflag:s20] =	dma.local [hbm:s2], s18  }
0x9b: {  	_ =	swait.ge [sflag:s20], s18  }
0x9c: {  	s1 =	ssub.s32 $0x0, s18;
	[sflag:s20] =	ssyncset.done $0x0  }
0x9d: {  	[sflag:s20] =	ssyncadd.s32 s1;
	_ =	sdelay $0x1  }
0x9e: {  	s21 =	simm.s32 $0x1B8B  }
0x9f: {  	_ =	swait.ge [sflag:s21], $0x1  }
0xa0: {  	[sflag:s21] =	ssyncset.done $0x0  }
0xa1: {  	s23 =	simm.s32 $0x1B8E;
	s22 =	sld [smem:$0x3FFE];
	[sflag:s21] =	ssyncadd.s32 $0xFFFFFFFF  }
0xa2: {  	s24 =	simm.s32 $execute0_lowered;
	[smem:$0x3FD2] =	sst s23  }
0xa3: {  	s2 =	sshll.u32 s24, $0x1;
	_ =	strace $0x80000052;
	[dreg:$0x1] =	wrdreg $0xFFFFFFFF  }
0xa4: {  	s25 =	simm.s32 $_size_execute0_lowered;
	s0 =	sadd.s32 s0, s2;
	[dreg:$0x0] =	wrdreg $0x0  }
0xa5: {  	s2 =	sshll.u32 s25, $0x1;
	[dreg:$0x2] =	wrdreg s0  }
0xa6: {  	[dreg:$0x3] =	wrdreg s2  }
0xa7: {  	[dreg:$0x4] =	wrdreg $0xC0  }
0xa8: {  	_ =	task [dreg:s4], $0x5FFFF  }
0xa9: {  	[dreg:$0x1] =	wrdreg $0xFFFFFFFF  }
0xaa: {  	[dreg:$0x0] =	wrdreg $0x60  }
0xab: {  	[dreg:$0x2] =	wrdreg s22  }
0xac: {  	[dreg:$0x3] =	wrdreg $0xA  }
0xad: {  	_ =	task.clear_ibuf [dreg:s4], $0x4FFFF;
	_ =	strace $0x90000052  }
0xae: {  	s26 =	simm.s32 $0xA;
	_ =	strace $0x80000054  }
0xaf: {  	_ =	swait.ge [sflag:s26], $0x1  }
0xb0: {  	[sflag:s26] =	ssyncadd.s32 $0xFFFFFFFF  }
0xb1: {  	_ =	strace $0x90000054  }
0xb2: {  	_ =	sfence  }
0xb3: {  	s28 =	sld [smem:$0x0];
	_ =	sdelay $0x1  }
0xb4: {  	s29 =	srdreg.scid  }
0xb5: {  	s30 =	sshll.u32 s29, $0xD;
	s31 =	sshrl.u32 s29, $0x2  }
0xb6: {  	s1 =	sand.u32 $0x1, s29;
	s2 =	sand.u32 $0x4000, s30;
	s0 =	sadd.s32 s31, s28  }
0xb7: {  	s1 =	sor.u32 s2, s1;
	s0 =	sshll.u32 s0, $0x11  }
0xb8: {  	s0 =	sor.u32 s0, s1  }
0xb9: {  	s0 =	sadd.s32 $0x8F2B, s0  }
0xba: {  	[sflag:s0] =	ssyncadd.remote.s32 $0x1  }
0xbb: {  	_ =	sfence.sel $0xFFFF  }
0xbc: {  	[dreg:$0x0] =	wrdreg $0xFFFFFFFF;
	(pc) =	sbr.abs _section_cstart, $3  }
0xbd: {  	[dreg:$0x1] =	wrdreg $0xFFFFFFFF  }
0xbe: {  	_ =	task.clear_ibuf [dreg:s4], $0x2FFFF;
	_ =	strace $0x9FFFFFFF  }
0xbf: {  	(tm) =	ssettm $0x7FFFFFFF  }
tec
execute0_lowered:
.L_overlay_start_1:
0x0: {  	(tag) =	ssettag $0x1  }
0x1: {  	s0 =	rddreg [dreg:$0x0];
	_ =	strace $0x80000053;
	s1 =	simm.s32 $0x1  }
0x2: {  	s9 =	simm.s32 $0x108;
	v0 =	vimm.s32 $0x0;
	[sflag:s1] =	ssyncpa.u1 $0x0  }
0x3: {  	[tilespmem:s9+$0x70] =	vst v0  }
0x4: {  	[tilespmem:s9+$0x60] =	vst v0  }
0x5: {  	[tilespmem:s9+$0x50] =	vst v0  }
0x6: {  	[tilespmem:s9+$0x40] =	vst v0  }
0x7: {  	[tilespmem:s9+$0x30] =	vst v0  }
0x8: {  	s1 =	sadd.s32 $0x5400, s0;
	s4 =	sadd.s32 $0x3C00, s0;
	[tilespmem:s9+$0x20] =	vst v0  }
0x9: {  	s5 =	sadd.s32 $0x16800, s0;
	s6 =	sadd.s32 $0x4200, s0;
	s0 =	simm.s32 $0x40;
	[tilespmem:s9+$0x10] =	vst v0  }
.LBB2_1:
0xa: {  	s0 =	sadd.s32 $0x40, s0;
	[tilespmem:s9+$0x0] =	vst v0;
	s9 =	sadd.s32 $0x80, s9  }
0xb: {  	p0 =	slt.u32 s0, $0x3C40;
	[tilespmem:s9+$0x70] =	vst v0  }
0xc: {  	[tilespmem:s9+$0x60] =	vst v0  }
.Ltmp0:
0xd: {  	[tilespmem:s9+$0x50] =	vst v0;
	(pc) =	sbr.rel @p0 .LBB2_1-.Ltmp0, $4  }
0xe: {  	[tilespmem:s9+$0x40] =	vst v0  }
0xf: {  	[tilespmem:s9+$0x30] =	vst v0  }
0x10: {  	[tilespmem:s9+$0x20] =	vst v0  }
0x11: {  	[tilespmem:s9+$0x10] =	vst v0  }
0x12: {  	s14 =	stileid.u32  }
0x13: {  	s2 =	sshll.u32 s14, $0x1;
	s0 =	smin.u32 s14, $0xA  }
0x14: {  	s0 =	sadd.s32 s0, s2  }
0x15: {  	p0 =	slt.u32 s14, $0xA;
	s7 =	smul.u32 $0xF0, s0;
	s0 =	simm.s32 $0x2D0  }
0x16: {  	s0 =	simm.s32 @!p0 $0x1E0  }
0x17: {  	s0 =	sadd.s32 s0, s7  }
0x18: {  	s8 =	smin.u32 s0, $0x2710  }
0x19: {  	s0 =	ssub.s32 s8, s7  }
0x1a: {  	p0 =	sgt.s32 s0, $0x0  }
0x1b: {  	s0 =	simm.s32 @!p0 $0x0  }
0x1c: {  	s3 =	simm.s32 $0x2;
	s30 =	smul.u32 $0x8889, s0  }
0x1d: {  	s10 =	simm.s32 $0x7;
	s31 =	simm.s32 $0x8;
	s11 =	simm.s32 $0x9  }
0x1e: {  	s20 =	simm.s32 $0x0;
	[dreg:$0x2] =	wrdreg s2;
	s2 =	sshrl.u32 s30, $0x17  }
0x1f: {  	s16 =	simm.s32 $0xA;
	s18 =	simm.s32 $0x0;
	s12 =	smul.u32 $0xF0, s2  }
.Ltmp1:
0x20: {  	[tilespmem:s9+$0x0] =	vst v0;
	v0 =	vimm.s32 $0xFFFFFFFF;
	s19 =	simm.s32 $0x0;
	[sflag:s3] =	ssyncpa.u1 $0x0;
	(pc) =	sbr.rel .LBB2_3-.Ltmp1, $4  }
0x21: {  	[tilespmem:$0xF208] =	vst v0;
	[sflag:s10] =	ssyncpa.u1 $0x0;
	p0 =	sne.s32 s0, s12;
	s0 =	simm.s32 $0x1  }
0x22: {  	s14 =	sshll.u32 s14, $0x8;
	[sflag:s31] =	ssyncpa.u1 $0x0;
	s0 =	simm.s32 @!p0 $0x0  }
0x23: {  	[sflag:s11] =	ssyncpa.u1 $0x0;
	s17 =	smov.u32 s7;
	s13 =	sadd.s32 s2, s0  }
0x24: {  	v0 =	vlaneseq.u32;
	s12 =	simm.s32 $0x1;
	p0 =	por $0x0, $0x0;
	s15 =	sadd.s32 $0x1, s13  }
.LBB2_18:
0x25: {  	s0 =	sshrl.u32 s29, $0x2  }
.LBB2_20:
0x26: {  	_ =	swait.ge [sflag:s16], s0  }
0x27: {  	s31 =	ssub.s32 $0x0, s0;
	v1 =	vmov s22;
	vm0 =	veq.s32 v0, $0x0;
	[sflag:s16] =	ssyncset.done $0x0  }
0x28: {  	vm15 =	veq.s32 v0, $0x2;
	v1 =	vsel vm0, s28, v1;
	[sflag:s16] =	ssyncadd.s32 s31  }
0x29: {  	v1 =	vsel vm15, s20, v1;
	[sflag:s16] =	ssyncpa.u1 $0x1  }
0x2a: {  	[tilespmem:$0xF208] =	vst v1  }
.LBB2_21:
0x2b: {  	s0 =	sadd.s32 $0xF0, s17  }
0x2c: {  	s2 =	smov.u32 s7;
	p1 =	slt.s32 s0, s8  }
0x2d: {  	s2 =	smov.u32 @p1 s0;
	p1 =	sne.s32 s19, s15  }
.Ltmp2:
0x2e: {  	_ = 	snop;
	(pc) =	sbr.rel @!p1 .LBB2_22-.Ltmp2, $3  }
0x2f: {  	_ =	sdelay $0x1  }
0x30: {  	s20 =	smov.u32 s18;
	s31 =	sadd.s32 $0x1, s19;
	s18 =	smov.u32 s17  }
0x31: {  	p0 =	por !p0, !p0;
	s19 =	smov.u32 s31;
	s17 =	smov.u32 s2  }
.LBB2_3:
0x32: {  	p1 =	sge.u32 s19, s13  }
0x33: {  	s0 =	smulhi.u32 @!p1 $0xAAAAAAAB, s19  }
0x34: {  	s2 =	smov.u32 s17;
	p2 =	sgt.s32 @!p1 s17, $0x2620  }
0x35: {  	s3 =	sshra.s32 @!p1 s17, $0x1F;
	p2 =	por !p2, p1;
	s0 =	sshrl.u32 @!p1 s0, $0x1  }
0x36: {  	s3 =	sand.u32 @!p1 s3, s17;
	s2 =	simm.s32 @p2 $0x2620;
	s0 =	smul.u32 @!p1 $0x3, s0  }
0x37: {  	s2 =	ssub.s32 @!p1 s2, s3  }
0x38: {  	s2 =	sadd.s32 @!p1 $0xFFFFD9E0, s2;
	s0 =	ssub.s32 @!p1 s19, s0  }
0x39: {  	s3 =	sshll.u32 @!p1 s2, $0x2;
	p2 =	sgt.s32 @!p1 s2, $0xEF;
	s0 =	smul.u32 @!p1 $0x3C0, s0  }
0x3a: {  	s21 =	sand.u32 @!p1 $0x7, s17;
	s2 =	ssub.s32 @!p1 $0x3C0, s3;
	p2 =	por !p2, p1  }
0x3b: {  	s3 =	sshrl.u32 @!p1 s17, $0x3;
	s2 =	sshrl.u32 @!p1 s2, $0x2;
	s0 =	sshrl.u32 @!p1 s0, $0x2  }
0x3c: {  	s3 =	sadd.s32 @!p1 s6, s3;
	s2 =	simm.s32 @!p2 $0x0;
	s0 =	sadd.s32 @!p1 $0x10238, s0  }
0x3d: {  	[tilespmem:s0], [sflag:$0x8] =	stream.linear.gather @!p1 [hbm4b:s3+s21], s2, $0x38;
	[tilespmem:$0x1F6E8] =	vst v63  }
0x3e: {  	s0 =	sadd.s32 $0xFFFFFFFF, s19  }
0x3f: {  	p1 =	sge.u32 s0, s13  }
0x40: {  	p2 =	sgt.s32 @!p1 s18, $0x2620  }
0x41: {  	s2 =	smov.u32 s18;
	s3 =	sshra.s32 @!p1 s18, $0x1F;
	p2 =	por !p2, p1  }
0x42: {  	s3 =	sand.u32 @!p1 s3, s18;
	s2 =	simm.s32 @p2 $0x2620  }
0x43: {  	s2 =	ssub.s32 @!p1 s2, s3  }
0x44: {  	s2 =	sadd.s32 @!p1 $0xFFFFD9E0, s2  }
0x45: {  	s21 =	sand.u32 @!p1 $0x1, s0;
	s3 =	sshll.u32 @!p1 s2, $0x2  }
0x46: {  	p2 =	sgt.s32 @!p1 s2, $0xEF;
	s2 =	ssub.s32 @!p1 $0x3C0, s3;
	s3 =	smulhi.u32 @!p1 $0xAAAAAAAB, s0  }
0x47: {  	s23 =	smul.u32 @!p1 $0x3C0, s21;
	p2 =	por !p2, p1;
	s2 =	sshrl.u32 @!p1 s2, $0x2  }
0x48: {  	s22 =	simm.s32 @!p1 $0x8;
	s2 =	simm.s32 @!p2 $0x0;
	s3 =	sshrl.u32 @!p1 s3, $0x1  }
0x49: {  	s23 =	sshrl.u32 @!p1 s23, $0x2;
	_ =	swait.ge @!p1 [sflag:s22], s2;
	s3 =	smul.u32 @!p1 $0x3, s3  }
0x4a: {  	s23 =	sor.u32 @!p1 $0x10508, s23;
	s24 =	ssub.s32 @!p1 $0x0, s2;
	[sflag:s22] =	ssyncset.done @!p1 $0x0  }
0x4b: {  	[sflag:s22] =	ssyncadd.s32 @!p1 s24;
	s22 =	sshrl.u32 @!p1 s18, $0x3;
	s0 =	ssub.s32 @!p1 s0, s3  }
0x4c: {  	s24 =	sand.u32 @!p1 $0x7, s18;
	s22 =	sadd.s32 @!p1 s4, s22;
	s0 =	smul.u32 @!p1 $0x3C0, s0  }
0x4d: {  	[tilespmem:s23], [sflag:$0x9] =	stream.linear.gather @!p1 [hbm4b:s22+s24], s2, $0x38;
	[tilespmem:$0x1F6E8] =	vst v63  }
0x4e: {  	s3 =	ssub.s32 @!p1 $0x2710, s18;
	s2 =	smul.u32 @!p1 $0x1E000, s21  }
0x4f: {  	p2 =	slt.s32 @!p1 s3, $0xF0  }
0x50: {  	p2 =	por !p2, p1;
	s0 =	sshrl.u32 @!p1 s0, $0x2;
	s2 =	sshrl.u32 @!p1 s2, $0x2  }
0x51: {  	s3 =	simm.s32 @p2 $0xF0;
	s0 =	sadd.s32 @!p1 $0x10238, s0;
	s2 =	sor.u32 @!p1 $0x106E8, s2  }
0x52: {  	[tilespmem:s2], [sflag:$0x7] =	stream.indirect.gather @!p1 [hbm4b:s5+s3], $0x80, s0, s3, $0xb8;
	[tilespmem:$0x1F6E8] =	vst v63  }
0x53: {  	p1 =	slt.u32 s19, $0x2  }
.Ltmp3:
0x54: {  	_ = 	snop;
	(pc) =	sbr.rel @p1 .LBB2_21-.Ltmp3, $1  }
0x55: {  	_ =	sdelay $0x3  }
0x56: {  	p1 =	sgt.s32 s20, $0x2620;
	s0 =	smov.u32 s20  }
0x57: {  	s2 =	sshra.s32 s20, $0x1F;
	s3 =	ssub.s32 $0x2710, s20;
	s0 =	simm.s32 @!p1 $0x2620  }
0x58: {  	s2 =	sand.u32 s2, s20;
	p1 =	slt.s32 s3, $0xF0;
	s21 =	smov.u32 s3  }
0x59: {  	s0 =	ssub.s32 s0, s2;
	s21 =	simm.s32 @!p1 $0xF0  }
0x5a: {  	s0 =	sadd.s32 $0xFFFFD9E0, s0;
	s26 =	sshll.u32 s21, $0x7  }
0x5b: {  	s29 =	sshll.u32 s0, $0x2;
	s2 =	sand.u32 $0x3FFFFF80, s26  }
0x5c: {  	p1 =	sgt.s32 s0, $0xEF;
	s30 =	ssub.s32 $0x3C0, s29;
	_ =	swait.ge [sflag:s10], s2  }
0x5d: {  	s2 =	ssub.s32 $0x0, s2;
	[sflag:s10] =	ssyncset.done $0x0;
	s0 =	sshrl.u32 s30, $0x2  }
0x5e: {  	[sflag:s10] =	ssyncadd.s32 s2;
	s0 =	simm.s32 @p1 $0x0  }
0x5f: {  	_ =	swait.ge [sflag:s11], s0  }
0x60: {  	s0 =	ssub.s32 $0x0, s0;
	[sflag:s11] =	ssyncset.done $0x0  }
0x61: {  	[sflag:s11] =	ssyncadd.s32 s0  }
0x62: {  	v1 =	vld [tilespmem:$0xF208];
	_ =	sdelay $0x4  }
0x63: {  	(v2sf) =	vpush v1, $0x0  }
0x64: {  	(v2sf) =	vpush v1, $0x1  }
0x65: {  	(v2sf) =	vpush v1, $0x2;
	_ =	sdelay $0x3  }
0x66: {  	s0 =	sadd.s32 $0xF0, s20  }
0x67: {  	p1 =	slt.s32 s8, s0  }
0x68: {  	s0 =	smov.u32 @p1 s8;
	p1 =	sgt.s32 s3, $0x0  }
0x69: {  	s24 =	ssub.s32 s0, s20;
	s3 =	simm.s32 @!p1 $0x0  }
0x6a: {  	p1 =	slt.s32 s3, s24  }
0x6b: {  	s24 =	smov.u32 @p1 s3  }
0x6c: {  	s23 =	simm.s32 $0x1;
	p1 =	slt.s32 s24, $0x1  }
.Ltmp4:
0x6d: {  	s23 =	simm.s32 @!p0 $0x0;
	(pc) =	sbr.rel @p1 .LBB2_8-.Ltmp4, $4  }
0x6e: {  	s31 =	smul.u32 $0x3C0, s23  }
0x6f: {  	s25 =	spop (v2sf)  }
0x70: {  	s0 =	sshrl.u32 s31, $0x2;
	s28 =	spop (v2sf)  }
0x71: {  	s21 =	sor.u32 $0x10508, s0;
	s20 =	spop (v2sf)  }
0x72: {  	s0 =	smin.u32 s24, $0x10  }
0x73: {  	v1 =	vmov s0  }
0x74: {  	p2 =	sgt.s32 s24, $0x10;
	vm1 =	vgt.u32 v1, v0  }
.Ltmp5:
0x75: {  	_ = 	snop;
	(pc) =	sbr.rel @!p2 .LBB2_7-.Ltmp5, $2  }
0x76: {  	_ =	sdelay $0x2  }
0x77: {  	s26 =	simm.s32 $0x10;
	s29 =	sadd.s32 $0xFFFFFFF0, s24;
	s22 =	smov.u32 s21;
	vm0 =	vmmov vm1  }
.LBB2_6:
0x78: {  	s0 =	smin.u32 s29, $0x10;
	s26 =	sadd.s32 $0x10, s26;
	v1 =	vld.msk [tilespmem:s22+$0x0 ss:$0x1], vm1  }
0x79: {  	v2 =	vmov s0;
	p2 =	slt.s32 s26, s24  }
0x7a: {  	vm1 =	vgt.u32 v2, v0  }
.Ltmp6:
0x7b: {  	(pc) =	sbr.rel @p2 .LBB2_6-.Ltmp6, $3  }
0x7c: {  	_ =	sdelay $0x1  }
0x7d: {  	v1 =	vshll.u32 v1, $0x4  }
0x7e: {  	s29 =	sadd.s32 $0xFFFFFFF0, s29;
	[tilespmem:s22+$0x0] =	vst.msk vm0, v1;
	s22 =	sadd.s32 $0x10, s22;
	vm0 =	vmmov vm1  }
.LBB2_7:
0x7f: {  	_ =	sdelay $0x4  }
0x80: {  	v1 =	vld.msk [tilespmem:s22+$0x0 ss:$0x1], vm1;
	_ =	sdelay $0x4  }
0x81: {  	v1 =	vshll.u32 v1, $0x4  }
0x82: {  	[tilespmem:s22+$0x0] =	vst.msk vm0, v1  }
.LBB2_8:
0x83: {  	s0 =	sand.u32 $0x1, s19  }
0x84: {  	s0 =	smul.u32 $0xF0, s0  }
0x85: {  	p2 =	sne.s32 s28, $0xFFFFFFFF  }
0x86: {  	v1 =	vld.msk @!p2 [tilespmem:s0+$0x10508], $0x1;
	_ =	sdelay $0x4  }
0x87: {  	(v2sf) =	vpush @!p2 v1, $0x0;
	_ =	sdelay $0xc  }
.Ltmp7:
0x88: {  	_ = 	snop;
	(pc) =	sbr.rel @p1 .LBB2_19-.Ltmp7, $4  }
0x89: {  	_ = 	snop  }
0x8a: {  	s26 =	spop @!p2 (v2sf)  }
0x8b: {  	s20 =	simm.s32 @!p2 $0x0;
	s22 =	smov.u32 s26  }
0x8c: {  	[sflag:s16] =	ssyncpa.u1 $0x0;
	s26 =	smov.u32 @p2 s25;
	s22 =	smov.u32 @p2 s28  }
0x8d: {  	v1 =	vld.msk [tilespmem:s21+$0x0], $0x1;
	_ =	sdelay $0x4  }
0x8e: {  	(v2sf) =	vpush v1, $0x0;
	_ =	sdelay $0xe  }
0x8f: {  	s0 =	smul.u32 $0x1E000, s23;
	s30 =	spop (v2sf)  }
0x90: {  	s24 =	ssub.s32 $0x0, s24;
	p1 =	seq.s32 s26, s30  }
0x91: {  	s28 =	sadd.s32 $0x1, s24;
	s0 =	sshrl.u32 s0, $0x2;
	p2 =	sgt.s32 @!p1 s26, $0x0  }
0x92: {  	s23 =	sor.u32 $0x10728, s0;
	s0 =	smov.u32 s26;
	p2 =	por !p2, p1  }
0x93: {  	s0 =	simm.s32 @p2 $0x0;
	p2 =	seq.s32 s28, $0x0  }
.Ltmp8:
0x94: {  	_ = 	snop;
	(pc) =	sbr.rel @p2 .LBB2_11-.Ltmp8, $4  }
0x95: {  	_ = 	snop  }
0x96: {  	s25 =	simm.s32 $0x0;
	s31 =	simm.s32 @!p1 $0x1;
	s2 =	smin.u32 @!p1 s0, $0x3F0  }
0x97: {  	s29 =	sadd.s32 $0x1, s21;
	s31 =	smov.u32 @p1 s25;
	s3 =	sand.u32 @!p1 $0x3F8, s2  }
0x98: {  	s0 =	simm.s32 @!p1 $0x7988;
	s2 =	sand.u32 @!p1 $0x7, s2;
	s3 =	sadd.s32 @!p1 s1, s3  }
.LBB2_10:
0x99: {  	s9 =	smov.u32 s31  }
0x9a: {  	[tilespmem:s0], [sflag:$0x2] =	stream.linear.gather @!p1 [hbm4b:s3+s2], $0x80, $0x38;
	[tilespmem:$0x1F6E8] =	vst v63  }
0x9b: {  	s28 =	sadd.s32 $0x1, s28;
	s2 =	smov.u32 s30;
	v1 =	vld.msk [tilespmem:s29+$0x0], $0x1  }
0x9c: {  	p2 =	seq.s32 s28, $0x0;
	_ =	sdelay $0x3  }
0x9d: {  	(v2sf) =	vpush v1, $0x0;
	_ =	sdelay $0xe  }
0x9e: {  	s30 =	spop (v2sf)  }
0x9f: {  	p1 =	seq.s32 s2, s30  }
0xa0: {  	p3 =	sgt.s32 @!p1 s2, $0x0;
	s0 =	sshll.u32 @!p1 s31, $0x9;
	s31 =	sadd.s32 @!p1 $0x1, s31  }
.Ltmp9:
0xa1: {  	p3 =	por !p3, p1;
	s0 =	sshra.s32 @!p1 s0, $0x2;
	(pc) =	sbr.rel @!p2 .LBB2_10-.Ltmp9, $4  }
0xa2: {  	s31 =	smov.u32 @p1 s9;
	s2 =	simm.s32 @p3 $0x0;
	s0 =	sadd.s32 @!p1 $0x7988, s0  }
0xa3: {  	s2 =	smin.u32 @!p1 s2, $0x3F0  }
0xa4: {  	s3 =	sand.u32 @!p1 $0x3F8, s2;
	s2 =	sand.u32 @!p1 $0x7, s2  }
0xa5: {  	s29 =	sadd.s32 $0x1, s29;
	s3 =	sadd.s32 @!p1 s1, s3  }
.LBB2_11:
0xa6: {  	[tilespmem:s0], [sflag:$0x2] =	stream.linear.gather @!p1 [hbm4b:s3+s2], $0x80, $0x38;
	[tilespmem:$0x1F6E8] =	vst v63  }
.Ltmp10:
0xa7: {  	s30 =	sshll.u32 s31, $0x7;
	(pc) =	sbr.rel .LBB2_12-.Ltmp10, $4  }
0xa8: {  	s31 =	simm.s32 $0x2;
	s0 =	sand.u32 $0x3FFFFF80, s30  }
0xa9: {  	_ =	swait.ge [sflag:s31], s0  }
0xaa: {  	s0 =	ssub.s32 $0x0, s0;
	[sflag:s31] =	ssyncset.done $0x0  }
0xab: {  	s29 =	simm.s32 $0x0;
	[sflag:s31] =	ssyncadd.s32 s0  }
.LBB2_13:
0xac: {  	v1 =	vld [tilespmem:s23+$0xFFFFFFC0];
	_ =	sdelay $0x3  }
0xad: {  	s0 =	sshra.s32 s0, $0x2  }
0xae: {  	[tilespmem:s0+$0x108] =	vst.add.f32.msk $0xffff, v1  }
0xaf: {  	v1 =	vld [tilespmem:s23+$0xFFFFFFD0];
	_ =	sdelay $0x4  }
0xb0: {  	[tilespmem:s0+$0x118] =	vst.add.f32.msk $0xffff, v1  }
0xb1: {  	v1 =	vld [tilespmem:s23+$0xFFFFFFE0];
	_ =	sdelay $0x4  }
0xb2: {  	[tilespmem:s0+$0x128] =	vst.add.f32.msk $0xffff, v1  }
0xb3: {  	v1 =	vld [tilespmem:s23+$0xFFFFFFF0];
	_ =	sdelay $0x4  }
0xb4: {  	[tilespmem:s0+$0x138] =	vst.add.f32.msk $0xffff, v1  }
0xb5: {  	v1 =	vld [tilespmem:s23+$0x0];
	_ =	sdelay $0x4  }
0xb6: {  	[tilespmem:s0+$0x148] =	vst.add.f32.msk $0xffff, v1  }
0xb7: {  	v1 =	vld [tilespmem:s23+$0x10];
	_ =	sdelay $0x4  }
0xb8: {  	[tilespmem:s0+$0x158] =	vst.add.f32.msk $0xffff, v1  }
0xb9: {  	v1 =	vld [tilespmem:s23+$0x20];
	_ =	sdelay $0x4  }
0xba: {  	[tilespmem:s0+$0x168] =	vst.add.f32.msk $0xffff, v1  }
0xbb: {  	v1 =	vld [tilespmem:s23+$0x30];
	_ =	sdelay $0x4  }
0xbc: {  	[tilespmem:s0+$0x178] =	vst.add.f32.msk $0xffff, v1  }
.LBB2_17:
0xbd: {  	s24 =	sadd.s32 $0x1, s24  }
0xbe: {  	p1 =	seq.s32 s24, $0x0  }
.Ltmp11:
0xbf: {  	_ = 	snop;
	(pc) =	sbr.rel @p1 .LBB2_18-.Ltmp11, $2  }
0xc0: {  	_ =	sdelay $0x2  }
0xc1: {  	s21 =	sadd.s32 $0x1, s21;
	s23 =	sadd.s32 $0x80, s23;
	s26 =	smov.u32 s28  }
.LBB2_12:
0xc2: {  	v1 =	vld.msk [tilespmem:s21+$0x0], $0x1;
	_ =	sdelay $0x4  }
0xc3: {  	(v2sf) =	vpush v1, $0x0;
	_ =	sdelay $0xe  }
0xc4: {  	s28 =	spop (v2sf)  }
0xc5: {  	p1 =	sne.s32 s26, s28  }
.Ltmp12:
0xc6: {  	_ = 	snop;
	(pc) =	sbr.rel @!p1 .LBB2_13-.Ltmp12, $2  }
0xc7: {  	_ =	sdelay $0x2  }
0xc8: {  	s0 =	sshll.u32 s20, $0x9  }
0xc9: {  	p1 =	seq.s32 s26, s22  }
.Ltmp13:
0xca: {  	_ = 	snop;
	(pc) =	sbr.rel @!p1 .LBB2_15-.Ltmp13, $1  }
0xcb: {  	_ =	sdelay $0x3  }
0xcc: {  	s0 =	sshra.s32 s0, $0x2  }
.Ltmp14:
0xcd: {  	s0 =	sadd.s32 $0x108, s0;
	(pc) =	sbr.rel .LBB2_16-.Ltmp14, $4  }
0xce: {  	[spmem:s14] =	stream.linear.scatter [tilespmem:s0], [sflag:$0x1], $0x80, $0x38;
	[tilespmem:$0x1F6E8] =	vst v63  }
0xcf: {  	_ =	swait.ge [sflag:s12], $0x80  }
0xd0: {  	[sflag:s12] =	ssyncset.done $0x0  }
0xd1: {  	[sflag:s12] =	ssyncadd.s32 $0xFFFFFF80  }
.LBB2_15:
0xd2: {  	s2 =	sshll.u32 s25, $0x9  }
0xd3: {  	s2 =	sshra.s32 s2, $0x2  }
0xd4: {  	v1 =	vld [tilespmem:s2+$0x7988];
	_ =	sdelay $0x3  }
0xd5: {  	s0 =	sshra.s32 s0, $0x2  }
0xd6: {  	[tilespmem:s0+$0x108] =	vst.add.f32.msk $0xffff, v1  }
0xd7: {  	v1 =	vld [tilespmem:s2+$0x7998];
	_ =	sdelay $0x4  }
0xd8: {  	[tilespmem:s0+$0x118] =	vst.add.f32.msk $0xffff, v1  }
0xd9: {  	v1 =	vld [tilespmem:s2+$0x79A8];
	_ =	sdelay $0x4  }
0xda: {  	[tilespmem:s0+$0x128] =	vst.add.f32.msk $0xffff, v1  }
0xdb: {  	v1 =	vld [tilespmem:s2+$0x79B8];
	_ =	sdelay $0x4  }
0xdc: {  	[tilespmem:s0+$0x138] =	vst.add.f32.msk $0xffff, v1  }
0xdd: {  	v1 =	vld [tilespmem:s2+$0x79C8];
	_ =	sdelay $0x4  }
0xde: {  	[tilespmem:s0+$0x148] =	vst.add.f32.msk $0xffff, v1  }
0xdf: {  	v1 =	vld [tilespmem:s2+$0x79D8];
	_ =	sdelay $0x4  }
0xe0: {  	[tilespmem:s0+$0x158] =	vst.add.f32.msk $0xffff, v1  }
0xe1: {  	v1 =	vld [tilespmem:s2+$0x79E8];
	_ =	sdelay $0x4  }
0xe2: {  	[tilespmem:s0+$0x168] =	vst.add.f32.msk $0xffff, v1  }
0xe3: {  	v1 =	vld [tilespmem:s2+$0x79F8];
	_ =	sdelay $0x2  }
0xe4: {  	p1 =	sgt.u32 s26, $0x3F0  }
0xe5: {  	s2 =	sand.u32 @!p1 $0x3F8, s26  }
0xe6: {  	s3 =	sadd.s32 $0x108, s0;
	[tilespmem:s0+$0x178] =	vst.add.f32.msk $0xffff, v1;
	s0 =	sadd.s32 @!p1 s1, s2;
	s2 =	sand.u32 @!p1 $0x7, s26  }
0xe7: {  	[hbm4b:s0+s2] =	stream.linear.scatter @!p1 [tilespmem:s3], [sflag:$0xA], $0x80, $0x38;
	[tilespmem:$0x1F6E8] =	vst v63  }
0xe8: {  	s0 =	simm.s32 $0x0  }
0xe9: {  	s0 =	simm.s32 @!p1 $0x200  }
0xea: {  	s29 =	sadd.s32 s0, s29  }
.LBB2_16:
0xeb: {  	s0 =	sadd.s32 $0x1, s20  }
0xec: {  	s2 =	smulhi.u32 $0x88888889, s0;
	_ =	sdelay $0x1  }
0xed: {  	v1 =	vld [tilespmem:s23+$0xFFFFFFC0];
	s2 =	sshrl.u32 s2, $0x7  }
0xee: {  	s2 =	smul.u32 $0xF0, s2;
	_ =	sdelay $0x1  }
0xef: {  	s20 =	ssub.s32 s0, s2  }
0xf0: {  	s0 =	sshll.u32 s20, $0x7  }
0xf1: {  	[tilespmem:s0+$0x108] =	vst v1  }
0xf2: {  	v1 =	vld [tilespmem:s23+$0xFFFFFFD0];
	_ =	sdelay $0x4  }
0xf3: {  	[tilespmem:s0+$0x118] =	vst v1  }
0xf4: {  	v1 =	vld [tilespmem:s23+$0xFFFFFFE0];
	_ =	sdelay $0x4  }
0xf5: {  	[tilespmem:s0+$0x128] =	vst v1  }
0xf6: {  	v1 =	vld [tilespmem:s23+$0xFFFFFFF0];
	_ =	sdelay $0x4  }
0xf7: {  	[tilespmem:s0+$0x138] =	vst v1  }
0xf8: {  	v1 =	vld [tilespmem:s23+$0x0];
	_ =	sdelay $0x4  }
0xf9: {  	[tilespmem:s0+$0x148] =	vst v1  }
0xfa: {  	v1 =	vld [tilespmem:s23+$0x10];
	_ =	sdelay $0x4  }
0xfb: {  	[tilespmem:s0+$0x158] =	vst v1  }
0xfc: {  	v1 =	vld [tilespmem:s23+$0x20];
	_ =	sdelay $0x4  }
0xfd: {  	[tilespmem:s0+$0x168] =	vst v1  }
0xfe: {  	v1 =	vld [tilespmem:s23+$0x30]  }
.Ltmp15:
0xff: {  	_ = 	snop;
	(pc) =	sbr.rel .LBB2_17-.Ltmp15, $2  }
0x100: {  	_ =	sdelay $0x2  }
0x101: {  	s25 =	sadd.s32 $0x1, s25;
	[tilespmem:s0+$0x178] =	vst v1  }
.LBB2_19:
.Ltmp16:
0x102: {  	(pc) =	sbr.rel .LBB2_20-.Ltmp16, $4  }
0x103: {  	_ = 	snop  }
0x104: {  	s0 =	simm.s32 $0x2  }
0x105: {  	_ =	swait.ge [sflag:s0], $0x0  }
0x106: {  	s28 =	smov.u32 s26;
	[sflag:s0] =	ssyncset.done $0x0;
	s0 =	simm.s32 $0x0  }
.LBB2_22:
0x107: {  	_ =	sfence.sel $0x180000  }
0x108: {  	s0 =	simm.s32 $0x7;
	[bflag:$0x0] =	sbarrier.arrive $0xFFFF  }
0x109: {  	s24 =	simm.s32 $0x8;
	[sflag:s0] =	ssyncpa.u1 $0x1  }
0x10a: {  	s25 =	simm.s32 $0x9;
	[sflag:s24] =	ssyncpa.u1 $0x1  }
0x10b: {  	s26 =	simm.s32 $0x2;
	[sflag:s25] =	ssyncpa.u1 $0x1  }
0x10c: {  	[sflag:s26] =	ssyncpa.u1 $0x1  }
0x10d: {  	v0 =	vld [tilespmem:$0xF208];
	_ =	sdelay $0x4  }
0x10e: {  	(v2sf) =	vpush v0, $0x0  }
0x10f: {  	(v2sf) =	vpush v0, $0x1;
	_ =	sdelay $0x2  }
0x110: {  	(v2sf) =	vpush v0, $0x2;
	_ =	sdelay $0xa  }
0x111: {  	s0 =	spop (v2sf)  }
0x112: {  	s2 =	spop (v2sf)  }
0x113: {  	s3 =	smov.u32 s0;
	p0 =	sne.s32 s0, s2  }
0x114: {  	s3 =	simm.s32 @!p0 $0xFFFFFFFF  }
0x115: {  	v2 =	vimm.s32 $0x1;
	v3 =	vlaneseq.u32;
	v1 =	vmov s3;
	s3 =	spop (v2sf)  }
0x116: {  	v0 =	vperm.xlane v0, v2;
	v1 =	vperm.xlane v1, v3;
	p0 =	seq.s32 s3, $0xFFFFFFFF  }
0x117: {  	vm0 =	vcmask $0x3F04;
	s5 =	simm.s32 $0xF208;
	p1 =	sne.s32 @!p0 s0, s2  }
0x118: {  	s6 =	rddreg [dreg:$0x2];
	s0 =	simm.s32 @!p0 $0x1;
	v0 =	vsel vm0, v1, v0;
	p1 =	por !p1, p0  }
0x119: {  	s4 =	sor.u32 $0x1000, s6;
	s2 =	sshll.u32 @!p0 s3, $0x9;
	[tilespmem:$0xF208] =	vst v0;
	s0 =	simm.s32 @p1 $0x0  }
0x11a: {  	[spmem:s4] =	stream.linear.scatter [tilespmem:s5], [sflag:$0x1], $0x2, $0x38;
	[tilespmem:$0x1F6E8] =	vst v63  }
0x11b: {  	s2 =	sshra.s32 @!p0 s2, $0x2;
	s0 =	sor.u32 @!p0 s0, s6  }
0x11c: {  	s2 =	sadd.s32 @!p0 $0x108, s2;
	s0 =	sshll.u32 @!p0 s0, $0x7  }
0x11d: {  	[spmem:s0] =	stream.linear.scatter @!p0 [tilespmem:s2], [sflag:$0x1], $0x80, $0x38;
	[tilespmem:$0x1F6E8] =	vst v63  }
0x11e: {  	s2 =	simm.s32 @!p0 $0x82  }
0x11f: {  	s0 =	simm.s32 $0x1;
	s2 =	simm.s32 @p0 $0x2  }
0x120: {  	_ =	swait.ge [sflag:s0], s2  }
0x121: {  	s2 =	ssub.s32 $0x0, s2;
	[sflag:s0] =	ssyncset.done $0x0  }
0x122: {  	[sflag:s0] =	ssyncadd.s32 s2  }
0x123: {  	_ =	sfence.stream.spmem  }
0x124: {  	s28 =	simm.s32 $0x3;
	[bflag:$0x0] =	sbarrier.arrive $0xFFFF  }
0x125: {  	s29 =	simm.s32 $0x4;
	[sflag:s28] =	ssyncpa.u1 $0x1  }
0x126: {  	s30 =	simm.s32 $0x3C;
	s31 =	stileid.u32;
	[sflag:s29] =	ssyncpa.u1 $0x1  }
0x127: {  	p0 =	sne.s32 s31, $0x0;
	[sflag:s30] =	ssyncpa.u1 $0x1  }
0x128: {  	_ =	sfence @p0  }
0x129: {  	[sflag:s0] =	ssyncpa.u1 @p0 $0x1  }
0x12a: {  	_ =	strace @p0 $0x90000053  }
0x12b: {  	[bflag:$0x2] =	sbarrier.arrive @p0 $0xFFFF  }
0x12c: {  	_ =	shalt @p0  }
.LBB2_23:
0x12d: {  	_ =	sfence.stream.spmem;
	s0 =	simm.s32 $0x5  }
0x12e: {  	s2 =	simm.s32 $0x1000;
	s3 =	simm.s32 $0xF218;
	[sflag:s0] =	ssyncpa.u1 $0x0  }
0x12f: {  	[tilespmem:s3], [sflag:$0x5] =	stream.linear.gather [spmem:s2], $0x20, $0x38;
	[tilespmem:$0x1F6E8] =	vst v63  }
0x130: {  	s30 =	simm.s32 $0xF238;
	s2 =	simm.s32 $0x0  }
0x131: {  	[tilespmem:s30], [sflag:$0x5] =	stream.linear.gather [spmem:s2], $0x1000, $0x38;
	[tilespmem:$0x1F6E8] =	vst v63  }
.Ltmp17:
0x132: {  	_ = 	snop;
	(pc) =	sbr.rel .LBB2_24-.Ltmp17, $4  }
0x133: {  	_ =	swait.ge [sflag:s0], $0x1020  }
0x134: {  	[sflag:s0] =	ssyncset.done $0x0  }
0x135: {  	s31 =	simm.s32 $0x6;
	[sflag:s0] =	ssyncadd.s32 $0xFFFFEFE0  }
0x136: {  	s3 =	simm.s32 $0x0;
	[sflag:s31] =	ssyncpa.u1 $0x0  }
.LBB2_30:
0x137: {  	p0 =	slt.u32 s4, $0x3F1  }
0x138: {  	s0 =	sand.u32 @p0 $0x3F8, s4  }
0x139: {  	s4 =	sand.u32 @p0 $0x7, s4;
	s5 =	simm.s32 @p0 $0xF188;
	s0 =	sadd.s32 @p0 s1, s0  }
0x13a: {  	[tilespmem:s5], [sflag:$0x6] =	stream.linear.gather @p0 [hbm4b:s0+s4], $0x80, $0x38;
	[tilespmem:$0x1F6E8] =	vst v63  }
0x13b: {  	s0 =	simm.s32 @p0 $0x6  }
0x13c: {  	_ =	swait.ge @p0 [sflag:s0], $0x80  }
0x13d: {  	[sflag:s0] =	ssyncset.done @p0 $0x0  }
0x13e: {  	[sflag:s0] =	ssyncadd.s32 @p0 $0xFFFFFF80  }
0x13f: {  	v1 =	vld @p0 [tilespmem:$0xF188];
	_ =	sdelay $0x2  }
0x140: {  	s0 =	sshll.u32 @p0 s3, $0x9  }
0x141: {  	s4 =	sshrl.u32 @p0 s0, $0x2  }
0x142: {  	[tilespmem:s4+$0xF238] =	vst.add.f32.msk @p0 $0xffff, v1  }
0x143: {  	v1 =	vld @p0 [tilespmem:$0xF198];
	_ =	sdelay $0x4  }
0x144: {  	[tilespmem:s4+$0xF248] =	vst.add.f32.msk @p0 $0xffff, v1  }
0x145: {  	v1 =	vld @p0 [tilespmem:$0xF1A8];
	_ =	sdelay $0x4  }
0x146: {  	[tilespmem:s4+$0xF258] =	vst.add.f32.msk @p0 $0xffff, v1  }
0x147: {  	v1 =	vld @p0 [tilespmem:$0xF1B8];
	_ =	sdelay $0x4  }
0x148: {  	[tilespmem:s4+$0xF268] =	vst.add.f32.msk @p0 $0xffff, v1  }
0x149: {  	v1 =	vld @p0 [tilespmem:$0xF1C8];
	_ =	sdelay $0x4  }
0x14a: {  	[tilespmem:s4+$0xF278] =	vst.add.f32.msk @p0 $0xffff, v1  }
0x14b: {  	v1 =	vld @p0 [tilespmem:$0xF1D8];
	_ =	sdelay $0x4  }
0x14c: {  	[tilespmem:s4+$0xF288] =	vst.add.f32.msk @p0 $0xffff, v1  }
0x14d: {  	v1 =	vld @p0 [tilespmem:$0xF1E8];
	_ =	sdelay $0x4  }
0x14e: {  	[tilespmem:s4+$0xF298] =	vst.add.f32.msk @p0 $0xffff, v1  }
0x14f: {  	v1 =	vld @p0 [tilespmem:$0xF1F8];
	_ =	sdelay $0x3  }
0x150: {  	s5 =	sshll.u32 @!p0 s3, $0x9  }
0x151: {  	s5 =	smov.u32 @p0 s0;
	[tilespmem:s4+$0xF2A8] =	vst.add.f32.msk @p0 $0xffff, v1  }
0x152: {  	s0 =	sshrl.u32 s5, $0x2;
	[tilespmem:s2+$0xF218] =	vst.msk $0x1, v0  }
0x153: {  	v0 =	vld [tilespmem:s0+$0xF238];
	_ =	sdelay $0x2  }
0x154: {  	s31 =	sshll.u32 s2, $0x9  }
0x155: {  	s4 =	sshra.s32 s31, $0x2  }
0x156: {  	[tilespmem:s4+$0xF238] =	vst v0  }
0x157: {  	v0 =	vld [tilespmem:s0+$0xF248];
	_ =	sdelay $0x4  }
0x158: {  	[tilespmem:s4+$0xF248] =	vst v0  }
0x159: {  	v0 =	vld [tilespmem:s0+$0xF258];
	_ =	sdelay $0x4  }
0x15a: {  	[tilespmem:s4+$0xF258] =	vst v0  }
0x15b: {  	v0 =	vld [tilespmem:s0+$0xF268];
	_ =	sdelay $0x4  }
0x15c: {  	[tilespmem:s4+$0xF268] =	vst v0  }
0x15d: {  	v0 =	vld [tilespmem:s0+$0xF278];
	_ =	sdelay $0x4  }
0x15e: {  	[tilespmem:s4+$0xF278] =	vst v0  }
0x15f: {  	v0 =	vld [tilespmem:s0+$0xF288];
	_ =	sdelay $0x4  }
0x160: {  	[tilespmem:s4+$0xF288] =	vst v0  }
0x161: {  	v0 =	vld [tilespmem:s0+$0xF298];
	_ =	sdelay $0x4  }
0x162: {  	[tilespmem:s4+$0xF298] =	vst v0  }
0x163: {  	v0 =	vld [tilespmem:s0+$0xF2A8];
	_ =	sdelay $0x4  }
0x164: {  	s2 =	sadd.s32 $0x1, s2;
	[tilespmem:s4+$0xF2A8] =	vst v0  }
.LBB2_31:
0x165: {  	s3 =	sadd.s32 $0x1, s3  }
0x166: {  	p0 =	sne.s32 s3, $0x20  }
.Ltmp18:
0x167: {  	_ = 	snop;
	(pc) =	sbr.rel @!p0 .LBB2_32-.Ltmp18, $1  }
0x168: {  	_ =	sdelay $0x3  }
.LBB2_24:
0x169: {  	v0 =	vld.msk [tilespmem:s3+$0xF218], $0x1;
	_ =	sdelay $0x4  }
0x16a: {  	(v2sf) =	vpush v0, $0x0;
	_ =	sdelay $0xe  }
0x16b: {  	s4 =	spop (v2sf)  }
0x16c: {  	p0 =	seq.s32 s4, $0xFFFFFFFF  }
.Ltmp19:
0x16d: {  	_ = 	snop;
	(pc) =	sbr.rel @p0 .LBB2_31-.Ltmp19, $1  }
0x16e: {  	_ =	sdelay $0x3  }
0x16f: {  	p0 =	slt.s32 s2, $0x1  }
.Ltmp20:
0x170: {  	_ = 	snop;
	(pc) =	sbr.rel @p0 .LBB2_30-.Ltmp20, $1  }
0x171: {  	_ =	sdelay $0x3  }
0x172: {  	s5 =	simm.s32 $0xF218;
	p0 =	por $0x0, $0x0  }
0x173: {  	v1 =	vld.msk @!p0 [tilespmem:s5+$0x0], $0x1;
	_ =	sdelay $0x4  }
0x174: {  	(v2sf) =	vpush @!p0 v1, $0x0;
	_ =	sdelay $0xd  }
0x175: {  	p2 =	sne.s32 s2, $0x1  }
.Ltmp21:
0x176: {  	s0 =	spop @!p0 (v2sf);
	(pc) =	sbr.rel @!p2 .LBB2_28-.Ltmp21, $4  }
0x177: {  	p1 =	seq.s32 @!p0 s4, s0  }
0x178: {  	s6 =	simm.s32 $0x0;
	p1 =	por !p1, p0  }
0x179: {  	s0 =	simm.s32 $0xFFFFFFFF;
	s6 =	simm.s32 @p1 $0xFFFFFFFF  }
0x17a: {  	s7 =	simm.s32 $0x1;
	s6 =	smov.u32 @p0 s0  }
.LBB2_27:
0x17b: {  	s0 =	smov.u32 s6;
	p0 =	sne.s32 s6, $0xFFFFFFFF  }
0x17c: {  	s5 =	sadd.s32 $0x1, s5;
	s6 =	smov.u32 s7;
	s7 =	sadd.s32 $0x1, s7  }
0x17d: {  	p1 =	sne.s32 s2, s7;
	v1 =	vld.msk @!p0 [tilespmem:s5+$0x0], $0x1;
	_ =	sdelay $0x4  }
0x17e: {  	(v2sf) =	vpush @!p0 v1, $0x0;
	_ =	sdelay $0xe  }
.Ltmp22:
0x17f: {  	s8 =	spop @!p0 (v2sf);
	(pc) =	sbr.rel @p1 .LBB2_27-.Ltmp22, $4  }
0x180: {  	p2 =	seq.s32 @!p0 s4, s8  }
0x181: {  	p2 =	por !p2, p0  }
0x182: {  	s6 =	simm.s32 @p2 $0xFFFFFFFF  }
0x183: {  	s6 =	smov.u32 @p0 s0  }
.LBB2_28:
0x184: {  	p0 =	seq.s32 s6, $0xFFFFFFFF  }
.Ltmp23:
0x185: {  	_ = 	snop;
	(pc) =	sbr.rel @p0 .LBB2_30-.Ltmp23, $1  }
0x186: {  	_ =	sdelay $0x3  }
0x187: {  	s0 =	sshll.u32 s3, $0x7  }
0x188: {  	s0 =	sand.u32 $0x3FFFFF80, s0  }
0x189: {  	v0 =	vld [tilespmem:s0+$0xF238];
	_ =	sdelay $0x2  }
0x18a: {  	s4 =	sshll.u32 s6, $0x9  }
0x18b: {  	s4 =	sshra.s32 s4, $0x2  }
0x18c: {  	[tilespmem:s4+$0xF238] =	vst.add.f32.msk $0xffff, v0  }
0x18d: {  	v0 =	vld [tilespmem:s0+$0xF248];
	_ =	sdelay $0x4  }
0x18e: {  	[tilespmem:s4+$0xF248] =	vst.add.f32.msk $0xffff, v0  }
0x18f: {  	v0 =	vld [tilespmem:s0+$0xF258];
	_ =	sdelay $0x4  }
0x190: {  	[tilespmem:s4+$0xF258] =	vst.add.f32.msk $0xffff, v0  }
0x191: {  	v0 =	vld [tilespmem:s0+$0xF268];
	_ =	sdelay $0x4  }
0x192: {  	[tilespmem:s4+$0xF268] =	vst.add.f32.msk $0xffff, v0  }
0x193: {  	v0 =	vld [tilespmem:s0+$0xF278];
	_ =	sdelay $0x4  }
0x194: {  	[tilespmem:s4+$0xF278] =	vst.add.f32.msk $0xffff, v0  }
0x195: {  	v0 =	vld [tilespmem:s0+$0xF288];
	_ =	sdelay $0x4  }
0x196: {  	[tilespmem:s4+$0xF288] =	vst.add.f32.msk $0xffff, v0  }
0x197: {  	v0 =	vld [tilespmem:s0+$0xF298];
	_ =	sdelay $0x4  }
0x198: {  	[tilespmem:s4+$0xF298] =	vst.add.f32.msk $0xffff, v0  }
0x199: {  	v0 =	vld [tilespmem:s0+$0xF2A8]  }
.Ltmp24:
0x19a: {  	_ = 	snop;
	(pc) =	sbr.rel .LBB2_31-.Ltmp24, $2  }
0x19b: {  	_ =	sdelay $0x2  }
0x19c: {  	[tilespmem:s4+$0xF2A8] =	vst.add.f32.msk $0xffff, v0  }
.LBB2_32:
0x19d: {  	p0 =	slt.s32 s2, $0x1  }
.Ltmp25:
0x19e: {  	_ = 	snop;
	(pc) =	sbr.rel @p0 .LBB2_36-.Ltmp25, $3  }
0x19f: {  	_ =	sdelay $0x1  }
0x1a0: {  	s0 =	simm.s32 $0x6  }
0x1a1: {  	s3 =	simm.s32 $0x0;
	[sflag:s0] =	ssyncpa.u1 $0x1  }
0x1a2: {  	s0 =	simm.s32 $0xF218  }
0x1a3: {  	v0 =	vld.msk [tilespmem:s0+$0x0], $0x1;
	_ =	sdelay $0x4  }
0x1a4: {  	(v2sf) =	vpush v0, $0x0;
	_ =	sdelay $0xe  }
0x1a5: {  	s2 =	sadd.s32 $0xFFFFFFFF, s2;
	s0 =	spop (v2sf)  }
0x1a6: {  	p1 =	sne.s32 s2, $0x0;
	p0 =	sgt.u32 s0, $0x3F0  }
.Ltmp26:
0x1a7: {  	s5 =	sand.u32 @!p0 $0x3F8, s0;
	(pc) =	sbr.rel @!p1 .LBB2_35-.Ltmp26, $4  }
0x1a8: {  	s4 =	simm.s32 $0xF238;
	s0 =	sand.u32 @!p0 $0x7, s0;
	s5 =	sadd.s32 @!p0 s1, s5  }
0x1a9: {  	[hbm4b:s5+s0] =	stream.linear.scatter @!p0 [tilespmem:s4], [sflag:$0x5], $0x80, $0x38;
	[tilespmem:$0x1F6E8] =	vst v63  }
0x1aa: {  	s0 =	simm.s32 $0x0  }
0x1ab: {  	s5 =	simm.s32 $0xF219;
	s0 =	simm.s32 @!p0 $0x200  }
.LBB2_34:
0x1ac: {  	v0 =	vld.msk [tilespmem:s5+$0x0], $0x1;
	s2 =	sadd.s32 $0xFFFFFFFF, s2;
	s3 =	sadd.s32 s3, s0  }
0x1ad: {  	p0 =	sne.s32 s2, $0x0;
	_ =	sdelay $0x3  }
0x1ae: {  	(v2sf) =	vpush v0, $0x0;
	_ =	sdelay $0xe  }
.Ltmp27:
0x1af: {  	s6 =	spop (v2sf);
	(pc) =	sbr.rel @p0 .LBB2_34-.Ltmp27, $4  }
0x1b0: {  	s0 =	simm.s32 $0x0;
	p1 =	sgt.u32 s6, $0x3F0  }
0x1b1: {  	s4 =	sadd.s32 $0x80, s4;
	s0 =	simm.s32 @!p1 $0x200;
	s7 =	sand.u32 @!p1 $0x3F8, s6  }
0x1b2: {  	s5 =	sadd.s32 $0x1, s5;
	s6 =	sand.u32 @!p1 $0x7, s6;
	s7 =	sadd.s32 @!p1 s1, s7  }
0x1b3: {  	[hbm4b:s7+s6] =	stream.linear.scatter @!p1 [tilespmem:s4], [sflag:$0x5], $0x80, $0x38;
	[tilespmem:$0x1F6E8] =	vst v63  }
.LBB2_35:
0x1b4: {  	s0 =	sadd.s32 s3, s0  }
0x1b5: {  	s3 =	sshrl.u32 s0, $0x2  }
.LBB2_36:
0x1b6: {  	s0 =	simm.s32 $0x5  }
0x1b7: {  	_ =	swait.ge [sflag:s0], s3  }
0x1b8: {  	s1 =	ssub.s32 $0x0, s3;
	[sflag:s0] =	ssyncset.done $0x0  }
0x1b9: {  	[sflag:s0] =	ssyncadd.s32 s1  }
0x1ba: {  	[sflag:s0] =	ssyncpa.u1 $0x1  }
0x1bb: {  	s30 =	simm.s32 $0x1;
	_ =	sfence  }
0x1bc: {  	[sflag:s30] =	ssyncpa.u1 $0x1  }
0x1bd: {  	_ =	strace $0x90000053  }
0x1be: {  	[bflag:$0x2] =	sbarrier.arrive $0xFFFF  }
0x1bf: {  	s31 =	rddreg [dreg:$0x1]  }
0x1c0: {  	s0 =	sadd.s32 $0x100000, s31  }
0x1c1: {  	[sflag:s0] =	ssyncadd.tile.s32 $0x1;
	_ =	shalt  }
.Lfunc_end2:
_tile_overlayer_lowered:
.L_overlay_start_2:
0x1c2: {  	(tag) =	ssettag $0x2  }
0x1c3: {  	s0 =	rddreg [dreg:$0x0];
	s2 =	stileid.u32  }
0x1c4: {  	s1 =	rddreg [dreg:$0x1];
	p0 =	sne.s32 s2, $0x0  }
0x1c5: {  	s3 =	rddreg [dreg:$0x2];
	[bflag:$0x3] =	sbarrier.arrive $0xFFFF;
	s2 =	simm.s32 @!p0 $0x1C01  }
0x1c6: {  	[timem:s3], [sflag:s2] =	dma.local @!p0 [hbm:s0], s1  }
0x1c7: {  	s0 =	simm.s32 @!p0 $0x1  }
0x1c8: {  	_ =	swait.ge @!p0 [sflag:s0], s1  }
0x1c9: {  	s1 =	ssub.s32 @!p0 $0x0, s1;
	[sflag:s0] =	ssyncset.done @!p0 $0x0  }
0x1ca: {  	[sflag:s0] =	ssyncadd.s32 @!p0 s1  }
0x1cb: {  	[bflag:$0x3] =	sbarrier.arrive $0xFFFF  }
0x1cc: {  	_ =	shalt  }

// kernel: scatter_offload_async_start
scs
__scs_entry_jumppad:
0x0: {  	(pc) =	sbr.rel $0x88, $3  }
0x1: {  	(tag) =	ssettag $0x0;
	lr =	simm.s32 $0x1  }
0x2: {  	[smem:$0x3F8C] =	sst lr;
	_ =	strace $0xD0000000  }
0x3: {  	_ = 	snop  }
0x4: {  	_ = 	snop  }
0x5: {  	_ = 	snop  }
0x6: {  	_ = 	snop  }
0x7: {  	_ = 	snop  }
__scs_overlays_trampoline_lowered:
0x8: {  	[smem:$0x3F9B] =	sst s0  }
0x9: {  	[smem:$0x3F9C] =	sst s1  }
0xa: {  	[smem:$0x3F9D] =	sst s2  }
0xb: {  	[smem:$0x3F9E] =	sst s3  }
0xc: {  	[smem:$0x3F9F] =	sst s4  }
0xd: {  	[smem:$0x3FA0] =	sst s5  }
0xe: {  	[smem:$0x3FA1] =	sst s6  }
0xf: {  	[smem:$0x3FA2] =	sst s7  }
0x10: {  	[smem:$0x3FA3] =	sst s8  }
0x11: {  	[smem:$0x3FA4] =	sst s9;
	s0 =	simm.s32 @!p0 $0x0  }
0x12: {  	s1 =	sld [smem:$0x3F8A];
	s0 =	simm.s32 @p0 $0x1  }
0x13: {  	[smem:$0x3FA5] =	sst s0;
	s0 =	simm.s32 @!p1 $0x0  }
0x14: {  	s2 =	sld [smem:$0x3F89];
	s0 =	simm.s32 @p1 $0x1  }
0x15: {  	[smem:$0x3FA6] =	sst s0;
	s0 =	simm.s32 @!p2 $0x0  }
0x16: {  	s3 =	sld [smem:$0x3FDB];
	s0 =	simm.s32 @p2 $0x1  }
0x17: {  	s4 =	simm.s32 $0x1BF5;
	[smem:$0x3FA8] =	sst s0  }
0x18: {  	s0 =	sld [smem:$0x3F8B];
	_ =	swait.ge [sflag:s4], $0x0  }
0x19: {  	s7 =	sld [smem:$0x3F8C]  }
0x1a: {  	s8 =	sadd.s32 $0xFFFFE003, lr  }
0x1b: {  	s9 =	sadd.s32 $0xFFFFFEF7, lr;
	s5 =	simm.s32 $0xFFFFFFFF;
	p2 =	slt.u32 s8, $0xFFFFF086  }
0x1c: {  	p1 =	slt.u32 s9, $0xF7A;
	s5 =	simm.s32 @!p2 $0x0  }
0x1d: {  	s5 =	simm.s32 @p1 $0x1;
	p0 =	seq.s32 s7, s2  }
0x1e: {  	s7 =	smul.u32 @!p0 $0xF7A, s2;
	p2 =	seq.s32 @!p0 s5, $0x0  }
0x1f: {  	s9 =	smul.u32 $0xF7A, s1;
	s8 =	simm.s32 @!p0 $0x1BF5;
	p2 =	por !p2, p0  }
0x20: {  	[sflag:s8] =	ssyncset.s32 @!p0 $0xFFFFF086;
	s6 =	sadd.s32 @!p0 s3, s7;
	s7 =	simm.s32 @!p0 $0x108  }
0x21: {  	s3 =	sadd.s32 s3, s9;
	s6 =	sadd.s32 @!p0 $0x88, s6;
	s7 =	simm.s32 @p2 $0x1082  }
0x22: {  	[simem:s7], [sflag:s8] =	dma.local @!p0 [hbm:s6], $0xF7A  }
0x23: {  	s9 =	sor.u32 $0xD0000000, s2;
	s6 =	simm.s32 $0x108;
	_ =	swait.ge @!p0 [sflag:s8], $0x0  }
0x24: {  	s3 =	sadd.s32 $0x88, s3;
	s6 =	simm.s32 @!p1 $0x1082;
	[sflag:s4] =	ssyncset.s32 $0xFFFFF086  }
0x25: {  	[simem:s6], [sflag:s4] =	dma.local [hbm:s3], $0xF7A  }
0x26: {  	[smem:$0x3F8C] =	sst s1;
	(tag) =	ssettag s2;
	_ =	strace s9  }
0x27: {  	s1 =	sld [smem:$0x3F9C]  }
0x28: {  	s2 =	sld [smem:$0x3F9D]  }
0x29: {  	s4 =	sld [smem:$0x3F9F]  }
0x2a: {  	p0 =	seq.s32 s5, $0x0;
	s5 =	sld [smem:$0x3FA0]  }
0x2b: {  	s6 =	sld [smem:$0x3FA1]  }
0x2c: {  	s7 =	sld [smem:$0x3FA2]  }
0x2d: {  	s3 =	simm.s32 $0x108;
	s8 =	sld [smem:$0x3FA3]  }
0x2e: {  	s3 =	simm.s32 @!p0 $0x1082;
	s9 =	sld [smem:$0x3FA4]  }
0x2f: {  	lr =	sadd.s32 s0, s3;
	s0 =	sld [smem:$0x3F9B]  }
0x30: {  	s3 =	sld [smem:$0x3F9E]  }
0x31: {  	[smem:$0x3FA7] =	sst s10  }
0x32: {  	s10 =	sld [smem:$0x3FA5];
	_ =	sdelay $0x3  }
0x33: {  	p0 =	seq.s32 s10, $0x1;
	s10 =	sld [smem:$0x3FA7];
	_ =	sdelay $0x3  }
0x34: {  	[smem:$0x3FA7] =	sst s10  }
0x35: {  	s10 =	sld [smem:$0x3FA6];
	_ =	sdelay $0x3  }
0x36: {  	p1 =	seq.s32 s10, $0x1;
	s10 =	sld [smem:$0x3FA7];
	_ =	sdelay $0x3  }
0x37: {  	[smem:$0x3FA7] =	sst s10  }
0x38: {  	s10 =	sld [smem:$0x3FA8]  }
0x39: {  	_ = 	snop;
	(pc) =	sbr.ind lr, $3  }
0x3a: {  	_ = 	snop  }
0x3b: {  	_ = 	snop  }
0x3c: {  	p2 =	seq.s32 s10, $0x1;
	s10 =	sld [smem:$0x3FA7]  }
0x3d: {  	_ =	shalt  }
0x3e: {  	_ =	shalt  }
0x3f: {  	_ =	shalt  }
0x40: {  	_ =	shalt  }
0x41: {  	_ =	shalt  }
0x42: {  	_ =	shalt  }
0x43: {  	_ =	shalt  }
0x44: {  	_ =	shalt  }
0x45: {  	_ =	shalt  }
0x46: {  	_ =	shalt  }
0x47: {  	_ =	shalt  }
0x48: {  	_ =	shalt  }
0x49: {  	_ =	shalt  }
0x4a: {  	_ =	shalt  }
0x4b: {  	_ =	shalt  }
0x4c: {  	_ =	shalt  }
0x4d: {  	_ =	shalt  }
0x4e: {  	_ =	shalt  }
0x4f: {  	_ =	shalt  }
0x50: {  	_ =	shalt  }
0x51: {  	_ =	shalt  }
0x52: {  	_ =	shalt  }
0x53: {  	_ =	shalt  }
0x54: {  	_ =	shalt  }
0x55: {  	_ =	shalt  }
0x56: {  	_ =	shalt  }
0x57: {  	_ =	shalt  }
0x58: {  	_ =	shalt  }
0x59: {  	_ =	shalt  }
0x5a: {  	_ =	shalt  }
0x5b: {  	_ =	shalt  }
0x5c: {  	_ =	shalt  }
0x5d: {  	_ =	shalt  }
0x5e: {  	_ =	shalt  }
0x5f: {  	_ =	shalt  }
0x60: {  	_ =	shalt  }
0x61: {  	_ =	shalt  }
0x62: {  	_ =	shalt  }
0x63: {  	_ =	shalt  }
0x64: {  	_ =	shalt  }
0x65: {  	_ =	shalt  }
0x66: {  	_ =	shalt  }
0x67: {  	_ =	shalt  }
0x68: {  	_ =	shalt  }
0x69: {  	_ =	shalt  }
0x6a: {  	_ =	shalt  }
0x6b: {  	_ =	shalt  }
0x6c: {  	_ =	shalt  }
0x6d: {  	_ =	shalt  }
0x6e: {  	_ =	shalt  }
0x6f: {  	_ =	shalt  }
0x70: {  	_ =	shalt  }
0x71: {  	_ =	shalt  }
0x72: {  	_ =	shalt  }
0x73: {  	_ =	shalt  }
0x74: {  	_ =	shalt  }
0x75: {  	_ =	shalt  }
0x76: {  	_ =	shalt  }
0x77: {  	_ =	shalt  }
0x78: {  	_ =	shalt  }
0x79: {  	_ =	shalt  }
0x7a: {  	_ =	shalt  }
0x7b: {  	_ =	shalt  }
0x7c: {  	_ =	shalt  }
0x7d: {  	_ =	shalt  }
0x7e: {  	_ =	shalt  }
0x7f: {  	_ =	shalt  }
0x80: {  	_ =	shalt  }
0x81: {  	_ =	shalt  }
0x82: {  	_ =	shalt  }
0x83: {  	_ =	shalt  }
0x84: {  	_ =	shalt  }
0x85: {  	_ =	shalt  }
0x86: {  	_ =	shalt  }
0x87: {  	_ =	shalt  }
.Lfunc_end0:
.L_simem_size_0:
called_computation_lowered:
.L_overlay_start_0:
0x88: {  	s0 =	sld [smem:$0x3FD9]  }
0x89: {  	s1 =	sld [smem:$0x3FFE];
	_ =	sdelay $0x3  }
0x8a: {  	s0 =	sadd.s32 s1, s0  }
0x8b: {  	[smem:$0x3FB3] =	sst s0  }
0x8c: {  	_ = 	snop  }
0x8d: {  	s0 =	sld [smem:$0x3FD0];
	_ =	sdelay $0x2  }
0x8e: {  	s13 =	simm.s32 $0xB;
	s2 =	simm.s32 $0x10  }
0x8f: {  	[smem:s2], [sflag:s13] =	dma.local [hbm:s0], $0x1  }
0x90: {  	_ =	swait.eq [sflag:s13], $0x1  }
0x91: {  	[sflag:s13] =	ssyncset.done $0x0  }
0x92: {  	[sflag:s13] =	ssyncadd.s32 $0xFFFFFFFF  }
0x93: {  	s14 =	sld [smem:$0x11];
	(tm) =	ssettm $0x1  }
0x94: {  	s15 =	sld [smem:$0x3FFB];
	_ =	sdelay $0x3  }
0x95: {  	_ =	strace s15  }
0x96: {  	s1 =	sld [smem:$0x3FFC];
	_ =	sdelay $0x3  }
0x97: {  	_ =	strace s1  }
0x98: {  	s1 =	sld [smem:$0x3FFD];
	_ =	sdelay $0x3  }
0x99: {  	_ =	strace s1  }
0x9a: {  	_ =	strace $0x8FFFFFFF  }
0x9b: {  	s16 =	sld [smem:$0x3FDB];
	_ =	sdelay $0x1  }
0x9c: {  	s17 =	simm.s32 $_scs_section_size  }
0x9d: {  	s3 =	simm.s32 $_size__tile_overlayer_lowered;
	s4 =	simm.s32 $_tile_overlayer_lowered  }
0x9e: {  	s20 =	simm.s32 $0x1BFF;
	s19 =	sshll.u32 s4, $0x1;
	s1 =	sadd.s32 s17, s16  }
0x9f: {  	s5 =	simm.s32 $0x0;
	s18 =	sshll.u32 s3, $0x1;
	s3 =	sadd.s32 s19, s1  }
0xa0: {  	[timem:s5], [sflag:s20] =	dma.local [hbm:s3], s18  }
0xa1: {  	_ =	swait.ge [sflag:s20], s18  }
0xa2: {  	s2 =	ssub.s32 $0x0, s18;
	[sflag:s20] =	ssyncset.done $0x0  }
0xa3: {  	[sflag:s20] =	ssyncadd.s32 s2;
	_ =	sdelay $0x1  }
0xa4: {  	s21 =	simm.s32 $0x1B8B  }
0xa5: {  	_ =	swait.ge [sflag:s21], $0x1  }
0xa6: {  	[sflag:s21] =	ssyncset.done $0x0  }
0xa7: {  	s23 =	simm.s32 $0x1B8E;
	s22 =	sld [smem:$0x3FFE];
	[sflag:s21] =	ssyncadd.s32 $0xFFFFFFFF  }
0xa8: {  	s24 =	simm.s32 $execute0_lowered;
	[smem:$0x3FD2] =	sst s23  }
0xa9: {  	s3 =	sshll.u32 s24, $0x1;
	_ =	strace $0x8000004F;
	[dreg:$0x1] =	wrdreg $0xFFFFFFFF  }
0xaa: {  	s25 =	simm.s32 $_size_execute0_lowered;
	s1 =	sadd.s32 s1, s3;
	[dreg:$0x0] =	wrdreg $0x0  }
0xab: {  	s3 =	sshll.u32 s25, $0x1;
	[dreg:$0x2] =	wrdreg s1  }
0xac: {  	[dreg:$0x3] =	wrdreg s3  }
0xad: {  	[dreg:$0x4] =	wrdreg $0xC0  }
0xae: {  	_ =	task [dreg:s5], $0x5FFFF  }
0xaf: {  	[dreg:$0x1] =	wrdreg $0xFFFFFFFF  }
0xb0: {  	[dreg:$0x0] =	wrdreg $0x60  }
0xb1: {  	[dreg:$0x2] =	wrdreg s14  }
0xb2: {  	[dreg:$0x3] =	wrdreg s22  }
0xb3: {  	[dreg:$0x4] =	wrdreg $0x9  }
0xb4: {  	_ =	task.clear_ibuf [dreg:s5], $0x5FFFF;
	_ =	strace $0x9000004F  }
0xb5: {  	s26 =	simm.s32 $0x9;
	_ =	strace $0x80000051  }
0xb6: {  	_ =	swait.ge [sflag:s26], $0x1  }
0xb7: {  	[sflag:s26] =	ssyncadd.s32 $0xFFFFFFFF  }
0xb8: {  	_ =	strace $0x90000051  }
0xb9: {  	_ =	sfence  }
0xba: {  	s28 =	sld [smem:$0x0];
	_ =	sdelay $0x1  }
0xbb: {  	s29 =	srdreg.scid  }
0xbc: {  	s30 =	sshll.u32 s29, $0xD;
	s31 =	sshrl.u32 s29, $0x2  }
0xbd: {  	s2 =	sand.u32 $0x4000, s30;
	s1 =	sand.u32 $0x1, s29;
	s0 =	sadd.s32 s31, s28  }
0xbe: {  	s1 =	sor.u32 s2, s1;
	s0 =	sshll.u32 s0, $0x11  }
0xbf: {  	s0 =	sor.u32 s0, s1  }
0xc0: {  	s0 =	sadd.s32 $0x8F2B, s0  }
0xc1: {  	[sflag:s0] =	ssyncadd.remote.s32 $0x1  }
0xc2: {  	_ =	sfence.sel $0xFFFF  }
0xc3: {  	[dreg:$0x0] =	wrdreg $0xFFFFFFFF;
	(pc) =	sbr.abs _section_cstart, $3  }
0xc4: {  	[dreg:$0x1] =	wrdreg $0xFFFFFFFF  }
0xc5: {  	_ =	task.clear_ibuf [dreg:s5], $0x2FFFF;
	_ =	strace $0x9FFFFFFF  }
0xc6: {  	(tm) =	ssettm $0x7FFFFFFF  }
0xc7: {  	_ =	shalt  }
tec
execute0_lowered:
.L_overlay_start_1:
0x0: {  	(tag) =	ssettag $0x1  }
0x1: {  	s1 =	rddreg [dreg:$0x0];
	s6 =	stileid.u32  }
0x2: {  	s0 =	rddreg [dreg:$0x1];
	_ =	strace $0x80000050;
	s2 =	smin.u32 s6, $0x9  }
0x3: {  	s9 =	simm.s32 $0x1;
	p0 =	slt.u32 s6, $0x9;
	s2 =	sadd.s32 s6, s2  }
0x4: {  	v1 =	vimm.s32 $0xFFFFFFFF;
	[sflag:s9] =	ssyncpa.u1 $0x0;
	s3 =	smul.u32 $0x190, s2;
	s2 =	simm.s32 $0x320  }
0x5: {  	[tilespmem:$0x10] =	vst v1;
	s2 =	simm.s32 @!p0 $0x190  }
0x6: {  	v0 =	vimm.f32 $0.0e+00;
	[tilespmem:$0x20] =	vst v1;
	s2 =	sadd.s32 s2, s3  }
0x7: {  	[tilespmem:$0x30] =	vst v0;
	s4 =	smin.u32 s2, $0x2710  }
0x8: {  	[tilespmem:$0x40] =	vst v0;
	s2 =	ssub.s32 s4, s3  }
0x9: {  	[tilespmem:$0x50] =	vst v0;
	p0 =	sgt.s32 s2, $0x0  }
0xa: {  	[tilespmem:$0x60] =	vst v1;
	s2 =	simm.s32 @!p0 $0x0  }
0xb: {  	s7 =	simm.s32 $0x2;
	s8 =	simm.s32 $0x8;
	[tilespmem:$0x70] =	vst v1;
	s5 =	sand.u32 $0xFFF0, s2  }
0xc: {  	s31 =	simm.s32 $0x9;
	s16 =	simm.s32 $0x0;
	[tilespmem:$0x80] =	vst v1;
	s5 =	sshrl.u32 s5, $0x4  }
0xd: {  	s17 =	simm.s32 $0xF0;
	s18 =	simm.s32 $0xFFFFFFFF;
	v1 =	vimm.s32 $0x0;
	[tilespmem:$0xB0] =	vst v0;
	s5 =	smul.u32 $0xA3E, s5  }
0xe: {  	s19 =	simm.s32 $0xFFFFFDE0;
	s20 =	simm.s32 $0xFFFFFFFE;
	s21 =	simm.s32 $0xF;
	[tilespmem:$0x90] =	vst v1  }
0xf: {  	[tilespmem:$0xA0] =	vst v1;
	[sflag:s7] =	ssyncpa.u1 $0x0;
	s7 =	simm.s32 $0x7;
	s10 =	sshrl.u32 s5, $0x10  }
0x10: {  	s25 =	simm.s32 $0x0;
	[sflag:s7] =	ssyncpa.u1 $0x0;
	s11 =	smul.u32 $0x190, s10  }
0x11: {  	s24 =	simm.s32 $0x0;
	s14 =	sshllo.u32 s6, $0x1;
	[sflag:s8] =	ssyncpa.u1 $0x0  }
.Ltmp0:
0x12: {  	s23 =	smov.u32 s3;
	p0 =	sne.s32 s2, s11;
	(pc) =	sbr.rel .LBB2_1-.Ltmp0, $4  }
0x13: {  	s5 =	sadd.s32 $0x4800, s0;
	s0 =	sadd.s32 $0x4E00, s0;
	s9 =	simm.s32 @!p0 $0x0  }
0x14: {  	[sflag:s31] =	ssyncpa.u1 $0x0;
	[dreg:$0x3] =	wrdreg s0;
	s9 =	sadd.s32 s10, s9  }
0x15: {  	vm0 =	vmmov $0xffff;
	v2 =	vlaneseq.u32;
	p0 =	por $0x0, $0x0;
	s10 =	sshll.u32 s6, $0x1;
	s11 =	sadd.s32 $0x1, s9  }
0x16: {  	vm1 =	vmxor vm1, vm1;
	vm2 =	vmmov $0x1;
	vm3 =	vcmask $0x3F3C;
	s12 =	sadd.s32 $0x2, s9;
	s13 =	sor.u32 $0x81, s10;
	s15 =	sor.u32 $0x80, s10  }
.LBB2_9:
0x17: {  	p1 =	slt.u32 s24, $0x3  }
0x18: {  	s0 =	simm.s32 @!p1 $0x2  }
0x19: {  	_ =	swait.ge @!p1 [sflag:s0], $0x190  }
0x1a: {  	[sflag:s0] =	ssyncset.done @!p1 $0x0  }
0x1b: {  	[sflag:s0] =	ssyncadd.s32 @!p1 $0xFFFFFE70;
	s0 =	simm.s32 @!p1 $0x9  }
0x1c: {  	_ =	swait.ge @!p1 [sflag:s0], $0x10  }
0x1d: {  	[sflag:s0] =	ssyncset.done @!p1 $0x0  }
0x1e: {  	[sflag:s0] =	ssyncadd.s32 @!p1 $0xFFFFFFF0;
	p1 =	sne.s32 s24, s12  }
.Ltmp1:
0x1f: {  	s2 =	sadd.s32 $0x190, s23;
	(pc) =	sbr.rel @!p1 .LBB2_10-.Ltmp1, $4  }
0x20: {  	s6 =	smov.u32 s3;
	s31 =	sadd.s32 $0x1, s24;
	s17 =	sadd.s32 $0x190, s17  }
0x21: {  	s18 =	sadd.s32 $0x1, s18;
	s25 =	smov.u32 s23;
	p2 =	slt.s32 s2, s4  }
0x22: {  	p0 =	por !p0, !p0;
	s19 =	sadd.s32 $0x190, s19;
	s6 =	smov.u32 @p2 s2  }
0x23: {  	s20 =	sadd.s32 $0x1, s20;
	s23 =	smov.u32 s6;
	s24 =	smov.u32 s31  }
.LBB2_1:
0x24: {  	p1 =	sge.u32 s24, s9  }
0x25: {  	s0 =	smulhi.u32 @!p1 $0xAAAAAAAB, s24;
	_ =	sdelay $0x1  }
0x26: {  	s0 =	sshrl.u32 @!p1 s0, $0x1  }
0x27: {  	s0 =	smul.u32 @!p1 $0x3, s0;
	_ =	sdelay $0x1  }
0x28: {  	s0 =	ssub.s32 @!p1 s24, s0  }
0x29: {  	s0 =	smul.u32 @!p1 $0x640, s0;
	_ =	sdelay $0x1  }
0x2a: {  	s2 =	sshrl.u32 @!p1 s23, $0x3;
	s0 =	sshrl.u32 @!p1 s0, $0x2  }
0x2b: {  	s22 =	sand.u32 @!p1 $0x7, s23;
	s2 =	sadd.s32 @!p1 s5, s2;
	s0 =	sadd.s32 @!p1 $0x100, s0  }
0x2c: {  	[tilespmem:s0], [sflag:$0x7] =	stream.linear.gather @!p1 [hbm4b:s2+s22], $0x190, $0x38;
	[tilespmem:$0xF30] =	vst v63  }
0x2d: {  	s0 =	sadd.s32 $0xFFFFFFFF, s24  }
0x2e: {  	p1 =	sge.u32 s0, s9  }
.Ltmp2:
0x2f: {  	_ = 	snop;
	(pc) =	sbr.rel @p1 .LBB2_5-.Ltmp2, $1  }
0x30: {  	_ =	sdelay $0x3  }
0x31: {  	s2 =	smulhi.u32 $0xAAAAAAAB, s0;
	_ =	sdelay $0x1  }
0x32: {  	s2 =	sshrl.u32 s2, $0x1  }
0x33: {  	s2 =	smul.u32 $0x3, s2;
	_ =	sdelay $0x1  }
0x34: {  	s2 =	ssub.s32 s0, s2  }
0x35: {  	s2 =	smul.u32 $0x640, s2  }
0x36: {  	_ =	swait.ge [sflag:s7], $0x190  }
0x37: {  	[sflag:s7] =	ssyncset.done $0x0;
	s2 =	sshrl.u32 s2, $0x2  }
0x38: {  	[sflag:s7] =	ssyncadd.s32 $0xFFFFFE70;
	(ifvalue) =	ssetifvalue $0xFFFFFFFF;
	v3 =	vld.msk [tilespmem:s2+$0x100 ss:$0x1], $0xffff;
	_ =	sdelay $0x2  }
0x39: {  	s30 =	smulhi.u32 $0xAAAAAAAB, s18;
	p1 =	sne.s32 s24, $0x1  }
0x3a: {  	v4 =	vimm.s32 @!p1 $0x0  }
0x3b: {  	s2 =	sshrl.u32 s30, $0x1;
	v4 =	vperm.xlane @!p1 v3, v4  }
0x3c: {  	s22 =	sshll.u32 s24, $0x4;
	s2 =	smul.u32 $0xFFFFED40, s2;
	vm4 =	vlt.u32 v3, $0x80  }
0x3d: {  	s22 =	sand.u32 $0x10, s22;
	v3 =	vnsel vm4, $0xFFFFFFFE, v3;
	vm4 =	vlt.u32 @!p1 v4, $0x80  }
0x3e: {  	s2 =	sshra.s32 s2, $0x2;
	[tilespmem:s22+$0x60] =	vst v3;
	v3 =	vnsel @!p1 vm4, $0xFFFFFFFE, v4  }
0x3f: {  	s28 =	sadd.s32 s2, s17;
	[tilespmem:$0x80] =	vst @!p1 v3  }
0x40: {  	v3 =	vld.msk [tilespmem:s28+$0x0 ss:$0x1], $0xffff;
	_ =	sdelay $0x4  }
0x41: {  	(xrf1) =	vunique.msk.u32 $0xffff, v3;
	_ =	sdelay $0xd  }
0x42: {  	v4 =	vimm.s32 $0xFFFFFFFF;
	v5, _, _ =	vpop (xrf1)  }
0x43: {  	vm5 =	vne.s32 v3, v4;
	vm4 =	veq.s32 v5, v2  }
0x44: {  	vm6 =	vlt.u32 v3, $0x80;
	vm4 =	vmand vm5, vm4  }
0x45: {  	vm4 =	vmand vm6, vm4  }
0x46: {  	v4 =	vnsel vm4, $0xFFFFFFFF, v3  }
0x47: {  	s31 =	sand.u32 $0x1, s0  }
0x48: {  	s0 =	simm.s32 $0x190;
	p1 =	seq.s32 s31, $0x1  }
0x49: {  	s0 =	simm.s32 @!p1 $0x0  }
0x4a: {  	s26 =	sadd.s32 $0x730, s0;
	(ifvalue) =	ssetifvalue $0xFFFFFFFF  }
0x4b: {  	v3 =	vperm.xlane v3, v1;
	[tilespmem:s26], [sflag:$0x8] =	stream.indirect_vreg.gather [hbm4b:s1+s16], $0x1, v4, vm0, $0x4038;
	v4 =	vnsel vm6, $0xFFFFFFFE, v4;
	[tilespmem:$0xF30] =	vst v63  }
0x4c: {  	s2 =	simm.s32 $0x0;
	s22 =	sadd.s32 $0xFFFFFFF0, s28;
	[tilespmem:s28+$0x0] =	vst v4  }
.LBB2_3:
0x4d: {  	v4 =	vld.msk [tilespmem:s22+$0x0 ss:$0x1], $0xffff;
	s2 =	sadd.s32 $0x10, s2;
	v5 =	vmov v3;
	s28 =	smov.u32 s22  }
0x4e: {  	p1 =	slt.u32 s2, $0x180;
	_ =	sdelay $0x4  }
0x4f: {  	v3 =	vperm.xlane v4, v1;
	(xrf1) =	vunique.msk.u32 $0xffff, v4;
	_ =	sdelay $0xd  }
0x50: {  	v6, _, _ =	vpop (xrf1)  }
0x51: {  	vm5 =	vne.s32 v4, v5;
	vm4 =	veq.s32 v6, v2  }
0x52: {  	vm6 =	vlt.u32 v4, $0x80;
	vm4 =	vmand vm5, vm4  }
0x53: {  	vm4 =	vmand vm6, vm4  }
0x54: {  	v4 =	vnsel vm4, $0xFFFFFFFF, v4  }
.Ltmp3:
0x55: {  	v5 =	vnsel vm6, $0xFFFFFFFE, v4;
	(pc) =	sbr.rel @p1 .LBB2_3-.Ltmp3, $3  }
0x56: {  	_ =	sdelay $0x1  }
0x57: {  	s22 =	sadd.s32 $0xFFFFFFF0, s22;
	s26 =	sadd.s32 $0xFFFFFFF0, s26;
	(ifvalue) =	ssetifvalue $0xFFFFFFFF  }
0x58: {  	[tilespmem:s26], [sflag:$0x8] =	stream.indirect_vreg.gather [hbm4b:s1+s16], $0x1, v4, vm0, $0x4038;
	[tilespmem:s28+$0x0] =	vst v5  }
0x59: {  	s2 =	sshrl.u32 s25, $0x3;
	s6 =	rddreg [dreg:$0x3]  }
0x5a: {  	s0 =	sadd.s32 $0x8D0, s0;
	s2 =	sadd.s32 s6, s2  }
0x5b: {  	[tilespmem:s0], [sflag:$0x8] =	stream.linear.gather [hbm:s2], $0x190, $0x38;
	[tilespmem:$0xF30] =	vst v63  }
.LBB2_5:
0x5c: {  	p1 =	slt.u32 s24, $0x2  }
0x5d: {  	p2 =	sge.u32 @!p1 s24, s12  }
0x5e: {  	p1 =	por p1, p2  }
.Ltmp4:
0x5f: {  	_ = 	snop;
	(pc) =	sbr.rel @p1 .LBB2_9-.Ltmp4, $1  }
0x60: {  	_ =	sdelay $0x3  }
0x61: {  	s0 =	sadd.s32 $0xFFFFFFFE, s24  }
0x62: {  	s2 =	smulhi.u32 $0xAAAAAAAB, s0;
	_ =	sdelay $0x1  }
0x63: {  	s2 =	sshrl.u32 s2, $0x1  }
0x64: {  	s2 =	smul.u32 $0x3, s2;
	_ =	sdelay $0x1  }
0x65: {  	s0 =	ssub.s32 s0, s2  }
0x66: {  	_ =	swait.ge [sflag:s8], $0x320;
	s0 =	smul.u32 $0x190, s0  }
0x67: {  	p1 =	sne.s32 s24, s11;
	[sflag:s8] =	ssyncset.done $0x0  }
0x68: {  	[sflag:s8] =	ssyncadd.s32 $0xFFFFFCE0;
	s2 =	sadd.s32 @!p1 $0x28F, s0  }
0x69: {  	[spmem:s13] =	stream.linear.scatter @!p1 [tilespmem:s2], [sflag:$0x1], $0x1, $0x38;
	[tilespmem:$0xF30] =	vst v63  }
0x6a: {  	s2 =	simm.s32 @!p1 $0x1  }
0x6b: {  	_ =	swait.ge @!p1 [sflag:s2], $0x1  }
0x6c: {  	s22 =	sshll.u32 s24, $0x4;
	[sflag:s2] =	ssyncset.done @!p1 $0x0  }
0x6d: {  	s25 =	sand.u32 $0x10, s22;
	[sflag:s2] =	ssyncadd.s32 @!p1 $0xFFFFFFFF  }
0x6e: {  	s2 =	sxor.u32 $0x10, s25;
	v4 =	vld [tilespmem:s25+$0x10]  }
0x6f: {  	v5 =	vld [tilespmem:s2+$0x60]  }
0x70: {  	v3 =	vld [tilespmem:$0x80];
	_ =	sdelay $0x2  }
0x71: {  	(v2sf) =	vpush v4, $0x0  }
0x72: {  	(v2sf) =	vpush v5, $0x0  }
0x73: {  	(v2sf) =	vpush v3, $0x0;
	_ =	sdelay $0xc  }
0x74: {  	s6 =	spop (v2sf)  }
0x75: {  	s28 =	spop (v2sf)  }
0x76: {  	s26 =	spop (v2sf)  }
0x77: {  	p2 =	seq.s32 s6, s28;
	p3 =	seq.s32 s26, s6  }
0x78: {  	p3 =	por p2, p3  }
0x79: {  	s6 =	sand.u32 $0x1, s24;
	v4 =	vpsel p3, $0xFFFFFFFF, v4  }
0x7a: {  	s28 =	smul.u32 $0x190, s6;
	[tilespmem:s25+$0x10] =	vst.msk $0x1, v4  }
0x7b: {  	v4 =	vld [tilespmem:$0x30]  }
0x7c: {  	v5 =	vld [tilespmem:s28+$0x8D0]  }
0x7d: {  	v6 =	vld [tilespmem:s25+$0x40];
	_ =	sdelay $0x3  }
0x7e: {  	vm4 =	vmmov vm1;
	v5 =	vadd.f32 v5, v4  }
0x7f: {  	vm5 =	vmmov vm2;
	vm4 =	vmmov @p2 vm2;
	v4 =	vadd.f32 v6, v4  }
0x80: {  	s22 =	sshll.u32 s6, $0x4;
	vm5 =	vmmov @p3 vm1;
	[tilespmem:s28+$0x8D0] =	vst.msk vm4, v5  }
0x81: {  	[tilespmem:s22+$0xF10] =	vst.msk vm5, v4  }
0x82: {  	v4 =	vld [tilespmem:s28+$0x730];
	_ =	sdelay $0x3  }
0x83: {  	v5 =	vimm.f32 $0.0e+00  }
0x84: {  	v4 =	vshift.insert v4, v5, s21  }
0x85: {  	s29 =	sor.u32 $0x40, s2  }
0x86: {  	[tilespmem:s29+$0x0] =	vst.msk $0x1, v4  }
0x87: {  	[tilespmem:s28+$0x73F] =	vst.msk $0x1, v5  }
0x88: {  	v4 =	vld [tilespmem:s0+$0x280];
	_ =	sdelay $0x1  }
0x89: {  	s29 =	smulhi.u32 $0xAAAAAAAB, s20;
	s0 =	simm.s32 $0x1  }
0x8a: {  	s0 =	simm.s32 @!p0 $0x0  }
0x8b: {  	s29 =	sshrl.u32 s29, $0x1;
	s0 =	smul.u32 $0x640, s0  }
0x8c: {  	s29 =	smul.u32 $0xFFFFED40, s29;
	v4 =	vshift.insert v4, v1, s21  }
0x8d: {  	s0 =	sshrl.u32 s0, $0x2  }
0x8e: {  	s29 =	sshra.s32 s29, $0x2;
	s30 =	sadd.s32 $0x8D0, s0;
	[tilespmem:s2+$0x10] =	vst.msk $0x1, v4  }
0x8f: {  	s6 =	sadd.s32 s29, s19;
	v6 =	vld [tilespmem:s30+$0x0]  }
0x90: {  	v7 =	vld [tilespmem:s6+$0x0];
	_ =	sdelay $0x3  }
0x91: {  	v5 =	vadd.f32 v6, v5  }
0x92: {  	vm4 =	vne.s32 v7, $0xFFFFFFFF  }
0x93: {  	(xrf2) =	vadd.seg.scan.f32 vm4, v5;
	_ =	sdelay $0x3  }
0x94: {  	s31 =	sadd.s32 $0x5B0, s0;
	v5 =	vperm.xlane v4, v1  }
0x95: {  	v6 =	vld [tilespmem:s31+$0x0]  }
0x96: {  	vm5 =	veq.s32 v7, v3;
	vm6 =	veq.s32 v7, v5  }
0x97: {  	vm7 =	vgt.u32 v7, $0xFFFFFFFD;
	vm6 =	vmor vm6, vm5  }
0x98: {  	vm6 =	vmor vm6, vm7  }
0x99: {  	v9 =	vld [tilespmem:$0xA0];
	v7 =	vsel vm6, $0xFFFFFFFF, v7  }
0x9a: {  	v10 =	vld [tilespmem:$0x90];
	v6 =	vsel vm5, $0x0, v6;
	v8, _, _ =	vpop (xrf2)  }
0x9b: {  	v6 =	vadd.f32 v8, v6  }
0x9c: {  	s0 =	sadd.s32 $0xBF0, s0  }
0x9d: {  	vm4 =	vmand vm4, vm3;
	[tilespmem:s0+$0x0] =	vst v6;
	(ifvalue) =	ssetifvalue $0xFFFFFFFF  }
0x9e: {  	vm6 =	veq.s32 v9, $0x1;
	[hbm4b:s1+s16] =	stream.indirect_vreg.scatter [tilespmem:s0], [sflag:$0x2], $0x1, v7, vm0, $0x4038;
	v7 =	vsel vm4, $0x0, v8;
	[tilespmem:$0xF30] =	vst v63  }
0x9f: {  	s29 =	sadd.s32 $0xF10, s22;
	s22 =	sadd.s32 $0x10, s6;
	s2 =	simm.s32 $0x0;
	vm4 =	vmor vm6, vm5;
	v6 =	vsel vm5, v8, v10;
	v7 =	vshift.insert v7, v0, s21  }
.LBB2_7:
0xa0: {  	v8 =	vld [tilespmem:s22+$0x0];
	s30 =	sadd.s32 $0x10, s30  }
0xa1: {  	s31 =	sadd.s32 $0x10, s31;
	v9 =	vld [tilespmem:s30+$0x0]  }
0xa2: {  	s2 =	sadd.s32 $0x10, s2;
	v10 =	vld [tilespmem:s31+$0x0]  }
0xa3: {  	p2 =	slt.u32 s2, $0x180;
	_ =	sdelay $0x2  }
0xa4: {  	v7 =	vadd.f32 v9, v7  }
0xa5: {  	vm5 =	vne.s32 v8, $0xFFFFFFFF  }
0xa6: {  	vm6 =	vmand vm5, vm3;
	(xrf2) =	vadd.seg.scan.f32 vm5, v7;
	_ =	sdelay $0x5  }
0xa7: {  	vm7 =	veq.s32 v8, v5;
	vm5 =	veq.s32 v8, v3  }
0xa8: {  	vm8 =	vgt.u32 v8, $0xFFFFFFFD;
	vm4 =	vmor vm4, vm5;
	vm7 =	vmor vm7, vm5  }
0xa9: {  	vm7 =	vmor vm7, vm8  }
0xaa: {  	v8 =	vsel vm7, $0xFFFFFFFF, v8  }
.Ltmp5:
0xab: {  	v7 =	vsel vm5, $0x0, v10;
	v9, _, _ =	vpop (xrf2);
	(pc) =	sbr.rel @p2 .LBB2_7-.Ltmp5, $4  }
0xac: {  	v6 =	vsel vm5, v9, v6;
	v10 =	vadd.f32 v9, v7;
	v7 =	vsel vm6, $0x0, v9  }
0xad: {  	s0 =	sadd.s32 $0x10, s0;
	v7 =	vshift.insert v7, v0, s21  }
0xae: {  	s22 =	sadd.s32 $0x10, s22;
	[tilespmem:s0+$0x0] =	vst v10;
	(ifvalue) =	ssetifvalue $0xFFFFFFFF  }
0xaf: {  	[hbm4b:s1+s16] =	stream.indirect_vreg.scatter [tilespmem:s0], [sflag:$0x2], $0x1, v8, vm0, $0x4038;
	[tilespmem:$0xF30] =	vst v63  }
0xb0: {  	v3 =	vld [tilespmem:s28+$0xD70];
	_ =	sdelay $0x4  }
0xb1: {  	v3 =	vshift.insert v3, v0, s21  }
0xb2: {  	s0 =	simm.s32 $0x30  }
0xb3: {  	[tilespmem:s0+$0x0] =	vst.msk $0x1, v3  }
0xb4: {  	v3 =	vsel vm4, $0x1, v1;
	[tilespmem:$0x90] =	vst v6  }
0xb5: {  	s0 =	sadd.s32 @!p1 $0xD7F, s28;
	[tilespmem:$0xA0] =	vst v3  }
0xb6: {  	[spmem:s14] =	stream.linear.scatter @!p1 [tilespmem:s0], [sflag:$0x1], $0x1, $0x38;
	[tilespmem:$0xF30] =	vst v63  }
0xb7: {  	s0 =	simm.s32 @!p1 $0x1  }
0xb8: {  	v3 =	vmctz.xlane @!p1 vm4;
	_ =	swait.ge @!p1 [sflag:s0], $0x1  }
0xb9: {  	(v2sf) =	vpush @!p1 v4, $0x0  }
0xba: {  	(v2sf) =	vpush @!p1 v3, $0x0;
	_ =	sdelay $0xd  }
0xbb: {  	s2 =	spop @!p1 (v2sf)  }
0xbc: {  	s6 =	spop @!p1 (v2sf)  }
0xbd: {  	p2 =	sne.s32 @!p1 s26, s2;
	p3 =	slt.s32 @!p1 s6, $0xF  }
0xbe: {  	[sflag:s0] =	ssyncset.done @!p1 $0x0;
	p2 =	por p2, p1;
	p3 =	por !p3, p1  }
0xbf: {  	[sflag:s0] =	ssyncadd.s32 @!p1 $0xFFFFFFFF;
	v3 =	vimm.s32 @!p2 $0xFFFFFFFF;
	s6 =	simm.s32 @p3 $0xF  }
0xc0: {  	[tilespmem:$0x80] =	vst @!p2 v3;
	s2 =	sadd.s32 @!p1 $0x90, s6  }
0xc1: {  	[spmem:s10] =	stream.linear.scatter @!p1 [tilespmem:s2], [sflag:$0x1], $0x1, $0x38;
	[tilespmem:$0xF30] =	vst v63  }
0xc2: {  	_ =	swait.ge @!p1 [sflag:s0], $0x1  }
0xc3: {  	[sflag:s0] =	ssyncset.done @!p1 $0x0  }
0xc4: {  	s2 =	simm.s32 @!p1 $0x80;
	[sflag:s0] =	ssyncadd.s32 @!p1 $0xFFFFFFFF  }
0xc5: {  	[spmem:s15] =	stream.linear.scatter @!p1 [tilespmem:s2], [sflag:$0x1], $0x1, $0x38;
	[tilespmem:$0xF30] =	vst v63  }
0xc6: {  	_ =	swait.ge @!p1 [sflag:s0], $0x1  }
0xc7: {  	[sflag:s0] =	ssyncset.done @!p1 $0x0  }
0xc8: {  	[sflag:s0] =	ssyncadd.s32 @!p1 $0xFFFFFFFF;
	(ifvalue) =	ssetifvalue $0xFFFFFFFF;
	v3 =	vld [tilespmem:s25+$0x10];
	_ =	sdelay $0x3  }
.Ltmp6:
0xc9: {  	_ = 	snop;
	(pc) =	sbr.rel .LBB2_9-.Ltmp6, $3  }
0xca: {  	_ =	sdelay $0x1  }
0xcb: {  	(ifvalue) =	ssetifvalue $0xFFFFFFFF  }
0xcc: {  	[hbm4b:s1+s16] =	stream.indirect_vreg.scatter [tilespmem:s29], [sflag:$0x9], $0x1, v3, vm0, $0x4038;
	[tilespmem:$0xF30] =	vst v63  }
.LBB2_10:
0xcd: {  	_ =	sfence.sel $0x180000  }
0xce: {  	s0 =	simm.s32 $0x7;
	[bflag:$0x0] =	sbarrier.arrive $0xFFFF  }
0xcf: {  	s26 =	simm.s32 $0x8;
	[sflag:s0] =	ssyncpa.u1 $0x1  }
0xd0: {  	s28 =	simm.s32 $0x9;
	[sflag:s26] =	ssyncpa.u1 $0x1  }
0xd1: {  	[sflag:s28] =	ssyncpa.u1 $0x1  }
0xd2: {  	_ =	sfence.stream.spmem  }
0xd3: {  	s29 =	simm.s32 $0x3;
	[bflag:$0x0] =	sbarrier.arrive $0xFFFF  }
0xd4: {  	s30 =	simm.s32 $0x4;
	[sflag:s29] =	ssyncpa.u1 $0x1  }
0xd5: {  	s31 =	simm.s32 $0x3C;
	s2 =	stileid.u32;
	[sflag:s30] =	ssyncpa.u1 $0x1  }
0xd6: {  	p0 =	sne.s32 s2, $0x0;
	[sflag:s31] =	ssyncpa.u1 $0x1  }
0xd7: {  	s0 =	simm.s32 @p0 $0x1;
	_ =	sfence @p0  }
0xd8: {  	[sflag:s0] =	ssyncpa.u1 @p0 $0x1;
	s0 =	simm.s32 @p0 $0x2  }
0xd9: {  	[sflag:s0] =	ssyncpa.u1 @p0 $0x1  }
0xda: {  	_ =	strace @p0 $0x90000050  }
0xdb: {  	[bflag:$0x2] =	sbarrier.arrive @p0 $0xFFFF  }
0xdc: {  	_ =	shalt @p0  }
.LBB2_11:
0xdd: {  	_ =	sfence.stream.spmem;
	s0 =	simm.s32 $0x5  }
0xde: {  	s2 =	simm.s32 $0x80;
	s3 =	simm.s32 $0xC0;
	[sflag:s0] =	ssyncpa.u1 $0x0  }
0xdf: {  	[tilespmem:s3], [sflag:$0x5] =	stream.linear.gather [spmem:s2], $0x20, $0x38;
	[tilespmem:$0xF30] =	vst v63  }
0xe0: {  	s2 =	simm.s32 $0x0;
	s3 =	simm.s32 $0xE0  }
0xe1: {  	[tilespmem:s3], [sflag:$0x5] =	stream.linear.gather [spmem:s2], $0x20, $0x38;
	[tilespmem:$0xF30] =	vst v63  }
.Ltmp7:
0xe2: {  	_ = 	snop;
	(pc) =	sbr.rel .LBB2_12-.Ltmp7, $4  }
0xe3: {  	_ =	swait.ge [sflag:s0], $0x40  }
0xe4: {  	[sflag:s0] =	ssyncset.done $0x0  }
0xe5: {  	s31 =	simm.s32 $0x6;
	[sflag:s0] =	ssyncadd.s32 $0xFFFFFFC0  }
0xe6: {  	s4 =	simm.s32 $0x0;
	[sflag:s31] =	ssyncpa.u1 $0x0  }
.LBB2_17:
0xe7: {  	p0 =	sgt.u32 s5, $0x7F  }
0xe8: {  	s0 =	sshrl.u32 @!p0 s5, $0x3  }
0xe9: {  	s5 =	sand.u32 @!p0 $0x7, s5;
	s6 =	simm.s32 @!p0 $0xB0;
	s0 =	sadd.s32 @!p0 s1, s0  }
0xea: {  	[tilespmem:s6], [sflag:$0x6] =	stream.linear.gather @!p0 [hbm4b:s0+s5], $0x1, $0x38;
	[tilespmem:$0xF30] =	vst v63  }
0xeb: {  	s0 =	simm.s32 @!p0 $0x6  }
0xec: {  	_ =	swait.ge @!p0 [sflag:s0], $0x1  }
0xed: {  	[sflag:s0] =	ssyncset.done @!p0 $0x0  }
0xee: {  	[sflag:s0] =	ssyncadd.s32 @!p0 $0xFFFFFFFF  }
0xef: {  	v2 =	vmov @!p0 s4;
	v1 =	vld.msk @!p0 [tilespmem:$0xB0], $0x1;
	_ =	sdelay $0x3  }
0xf0: {  	s0 =	simm.s32 @!p0 $0xE0  }
0xf1: {  	[tilespmem:v2+s0+$0x0], v1 =	vst.idx.ret.add.f32.msk @!p0 $0x1, v1  }
0xf2: {  	[tilespmem:s2+$0xC0] =	vst.msk $0x1, v0  }
0xf3: {  	v0 =	vld.msk [tilespmem:s4+$0xE0], $0x1;
	_ =	sdelay $0x4  }
0xf4: {  	[tilespmem:s2+$0xE0] =	vst.msk $0x1, v0;
	s2 =	sadd.s32 $0x1, s2  }
.LBB2_19:
0xf5: {  	s4 =	sadd.s32 $0x1, s4  }
0xf6: {  	p0 =	sne.s32 s4, $0x20  }
.Ltmp8:
0xf7: {  	_ = 	snop;
	(pc) =	sbr.rel @!p0 .LBB2_20-.Ltmp8, $1  }
0xf8: {  	_ =	sdelay $0x3  }
.LBB2_12:
0xf9: {  	v0 =	vld.msk [tilespmem:s4+$0xC0], $0x1;
	_ =	sdelay $0x4  }
0xfa: {  	(v2sf) =	vpush v0, $0x0;
	_ =	sdelay $0xe  }
0xfb: {  	s5 =	spop (v2sf)  }
0xfc: {  	p0 =	seq.s32 s5, $0xFFFFFFFF  }
.Ltmp9:
0xfd: {  	_ = 	snop;
	(pc) =	sbr.rel @p0 .LBB2_19-.Ltmp9, $1  }
0xfe: {  	_ =	sdelay $0x3  }
0xff: {  	p0 =	slt.s32 s2, $0x1  }
.Ltmp10:
0x100: {  	_ = 	snop;
	(pc) =	sbr.rel @p0 .LBB2_17-.Ltmp10, $1  }
0x101: {  	_ =	sdelay $0x3  }
0x102: {  	s0 =	simm.s32 $0xC0;
	p0 =	por $0x0, $0x0  }
0x103: {  	v1 =	vld.msk @!p0 [tilespmem:s0+$0x0], $0x1;
	_ =	sdelay $0x4  }
0x104: {  	(v2sf) =	vpush @!p0 v1, $0x0;
	_ =	sdelay $0xd  }
0x105: {  	p2 =	sne.s32 s2, $0x1  }
.Ltmp11:
0x106: {  	s6 =	spop @!p0 (v2sf);
	(pc) =	sbr.rel @!p2 .LBB2_16-.Ltmp11, $4  }
0x107: {  	p1 =	seq.s32 @!p0 s5, s6  }
0x108: {  	s6 =	simm.s32 $0x0;
	p1 =	por !p1, p0  }
0x109: {  	s8 =	simm.s32 $0xFFFFFFFF;
	s6 =	simm.s32 @p1 $0xFFFFFFFF  }
0x10a: {  	s7 =	simm.s32 $0x1;
	s6 =	smov.u32 @p0 s8  }
.LBB2_15:
0x10b: {  	s8 =	smov.u32 s6;
	p0 =	sne.s32 s6, $0xFFFFFFFF  }
0x10c: {  	s0 =	sadd.s32 $0x1, s0;
	s6 =	smov.u32 s7;
	s7 =	sadd.s32 $0x1, s7  }
0x10d: {  	p1 =	sne.s32 s2, s7;
	v1 =	vld.msk @!p0 [tilespmem:s0+$0x0], $0x1;
	_ =	sdelay $0x4  }
0x10e: {  	(v2sf) =	vpush @!p0 v1, $0x0;
	_ =	sdelay $0xe  }
.Ltmp12:
0x10f: {  	s9 =	spop @!p0 (v2sf);
	(pc) =	sbr.rel @p1 .LBB2_15-.Ltmp12, $4  }
0x110: {  	p2 =	seq.s32 @!p0 s5, s9  }
0x111: {  	p2 =	por !p2, p0  }
0x112: {  	s6 =	simm.s32 @p2 $0xFFFFFFFF  }
0x113: {  	s6 =	smov.u32 @p0 s8  }
.LBB2_16:
0x114: {  	p0 =	sne.s32 s6, $0xFFFFFFFF  }
.Ltmp13:
0x115: {  	_ = 	snop;
	(pc) =	sbr.rel @!p0 .LBB2_17-.Ltmp13, $1  }
0x116: {  	_ =	sdelay $0x3  }
0x117: {  	v0 =	vld.msk [tilespmem:s4+$0xE0], $0x1;
	v1 =	vmov s6  }
.Ltmp14:
0x118: {  	_ = 	snop;
	(pc) =	sbr.rel .LBB2_19-.Ltmp14, $2  }
0x119: {  	_ =	sdelay $0x2  }
0x11a: {  	[tilespmem:v1+s3+$0x0], v0 =	vst.idx.ret.add.f32.msk $0x1, v0  }
.LBB2_20:
0x11b: {  	p0 =	slt.s32 s2, $0x1  }
.Ltmp15:
0x11c: {  	_ = 	snop;
	(pc) =	sbr.rel @p0 .LBB2_24-.Ltmp15, $3  }
0x11d: {  	_ =	sdelay $0x1  }
0x11e: {  	s0 =	simm.s32 $0x6  }
0x11f: {  	s3 =	simm.s32 $0x0;
	[sflag:s0] =	ssyncpa.u1 $0x1  }
0x120: {  	s0 =	simm.s32 $0xC0  }
0x121: {  	v0 =	vld.msk [tilespmem:s0+$0x0], $0x1;
	_ =	sdelay $0x4  }
0x122: {  	(v2sf) =	vpush v0, $0x0;
	_ =	sdelay $0xe  }
0x123: {  	s2 =	sadd.s32 $0xFFFFFFFF, s2;
	s4 =	spop (v2sf)  }
0x124: {  	p1 =	sne.s32 s2, $0x0;
	p0 =	sgt.u32 s4, $0x7F  }
.Ltmp16:
0x125: {  	s5 =	sshrl.u32 @!p0 s4, $0x3;
	(pc) =	sbr.rel @!p1 .LBB2_23-.Ltmp16, $4  }
0x126: {  	s0 =	simm.s32 $0xE0;
	s4 =	sand.u32 @!p0 $0x7, s4;
	s5 =	sadd.s32 @!p0 s1, s5  }
0x127: {  	[hbm4b:s5+s4] =	stream.linear.scatter @!p0 [tilespmem:s0], [sflag:$0x5], $0x1, $0x38;
	[tilespmem:$0xF30] =	vst v63  }
0x128: {  	s5 =	simm.s32 $0x0  }
0x129: {  	s4 =	simm.s32 $0xC1;
	s5 =	simm.s32 @!p0 $0x4  }
.LBB2_22:
0x12a: {  	v0 =	vld.msk [tilespmem:s4+$0x0], $0x1;
	s2 =	sadd.s32 $0xFFFFFFFF, s2;
	s3 =	sadd.s32 s3, s5  }
0x12b: {  	p0 =	sne.s32 s2, $0x0;
	_ =	sdelay $0x3  }
0x12c: {  	(v2sf) =	vpush v0, $0x0;
	_ =	sdelay $0xe  }
.Ltmp17:
0x12d: {  	s6 =	spop (v2sf);
	(pc) =	sbr.rel @p0 .LBB2_22-.Ltmp17, $4  }
0x12e: {  	s5 =	simm.s32 $0x0;
	p1 =	sgt.u32 s6, $0x7F  }
0x12f: {  	s0 =	sadd.s32 $0x1, s0;
	s5 =	simm.s32 @!p1 $0x4;
	s7 =	sshrl.u32 @!p1 s6, $0x3  }
0x130: {  	s4 =	sadd.s32 $0x1, s4;
	s6 =	sand.u32 @!p1 $0x7, s6;
	s7 =	sadd.s32 @!p1 s1, s7  }
0x131: {  	[hbm4b:s7+s6] =	stream.linear.scatter @!p1 [tilespmem:s0], [sflag:$0x5], $0x1, $0x38;
	[tilespmem:$0xF30] =	vst v63  }
.LBB2_23:
0x132: {  	s0 =	sadd.s32 s3, s5  }
0x133: {  	s3 =	sshrl.u32 s0, $0x2  }
.LBB2_24:
0x134: {  	s0 =	simm.s32 $0x5  }
0x135: {  	_ =	swait.ge [sflag:s0], s3  }
0x136: {  	s1 =	ssub.s32 $0x0, s3;
	[sflag:s0] =	ssyncset.done $0x0  }
0x137: {  	[sflag:s0] =	ssyncadd.s32 s1  }
0x138: {  	[sflag:s0] =	ssyncpa.u1 $0x1  }
0x139: {  	s29 =	simm.s32 $0x1;
	_ =	sfence  }
0x13a: {  	s30 =	simm.s32 $0x2;
	[sflag:s29] =	ssyncpa.u1 $0x1  }
0x13b: {  	[sflag:s30] =	ssyncpa.u1 $0x1  }
0x13c: {  	_ =	strace $0x90000050  }
0x13d: {  	[bflag:$0x2] =	sbarrier.arrive $0xFFFF  }
0x13e: {  	s31 =	rddreg [dreg:$0x2]  }
0x13f: {  	s0 =	sadd.s32 $0x100000, s31  }
0x140: {  	[sflag:s0] =	ssyncadd.tile.s32 $0x1;
	_ =	shalt  }
.Lfunc_end2:
_tile_overlayer_lowered:
.L_overlay_start_2:
0x141: {  	(tag) =	ssettag $0x2  }
0x142: {  	s0 =	rddreg [dreg:$0x0];
	s2 =	stileid.u32  }
0x143: {  	s1 =	rddreg [dreg:$0x1];
	p0 =	sne.s32 s2, $0x0  }
0x144: {  	s3 =	rddreg [dreg:$0x2];
	[bflag:$0x3] =	sbarrier.arrive $0xFFFF;
	s2 =	simm.s32 @!p0 $0x1C01  }
0x145: {  	[timem:s3], [sflag:s2] =	dma.local @!p0 [hbm:s0], s1  }
0x146: {  	s0 =	simm.s32 @!p0 $0x1  }
0x147: {  	_ =	swait.ge @!p0 [sflag:s0], s1  }
0x148: {  	s1 =	ssub.s32 @!p0 $0x0, s1;
	[sflag:s0] =	ssyncset.done @!p0 $0x0  }
0x149: {  	[sflag:s0] =	ssyncadd.s32 @!p0 s1  }
0x14a: {  	[bflag:$0x3] =	sbarrier.arrive $0xFFFF  }
0x14b: {  	_ =	shalt  }

</sc_bundles>
